<compile_context>
chip_gen: v7x
topology: tpu7x:2x2x1
jax: 0.10.2.dev20260603
libtpu: 0.0.44.dev20260713+nightly
codegen_flags: <defaults>
</compile_context>

<pallas_src>
import jax
import jax.numpy as jnp
from jax import lax
from jax.experimental import pallas as pl
from jax.experimental.pallas import tpu as pltpu
from jax.experimental.pallas import tpu_sc as plsc

_BINS = 10
_ROWS, _COLS = 16384, 1000

_SC_ROWS = 3072
_TC_ROWS = _ROWS - _SC_ROWS

_NSC = _SC_ROWS * _COLS
_NC, _NS, _L = 2, 16, 16
_NW = _NC * _NS
_PER_W = _NSC // _NW
_CH = 16000
_NCH = _PER_W // _CH
_VECS = _CH // _L
_K = 8

_BM = 512
_G = _TC_ROWS // _BM
_EDGES = [(i + 1) / 10.0 for i in range(_BINS - 1)] + [1.0 + 1e-6]

_P = (6.9445741e-05, 9.9626195e-01, -4.6644244e-01, 2.1866548e-01,
      -5.5459313e-02)


def _log1p_poly(z):
    c0, c1, c2, c3, c4 = (jnp.float32(c) for c in _P)
    z2 = z * z
    return (c0 + c1 * z) + z2 * ((c2 + c3 * z) + c4 * z2)



def _sc_body(pred_hbm, targ_hbm, cnt_out, sum_out,
             pbuf0, pbuf1, tbuf0, tbuf1, cnt_acc, sum_acc, sem0, sem1):
    wid = lax.axis_index("s") * _NC + lax.axis_index("c")
    base = (_ROWS - _SC_ROWS) * _COLS + wid * _PER_W
    sems = (sem0, sem1)
    lane = lax.iota(jnp.int32, _L)
    zeros16 = jnp.zeros((_L,), jnp.float32)

    for v in range(_BINS):
        cnt_acc[pl.ds(v * _L, _L)] = zeros16
        sum_acc[pl.ds(v * _L, _L)] = zeros16

    pbufs = (pbuf0, pbuf1)
    tbufs = (tbuf0, tbuf1)

    def start(c, b):
        src = pl.ds(base + c * _CH, _CH)
        pltpu.make_async_copy(pred_hbm.at[src], pbufs[b], sems[b]).start()
        pltpu.make_async_copy(targ_hbm.at[src], tbufs[b], sems[b]).start()

    def wait(b):
        dummy = pl.ds(0, _CH)
        pltpu.make_async_copy(pred_hbm.at[dummy], pbufs[b], sems[b]).wait()
        pltpu.make_async_copy(targ_hbm.at[dummy], tbufs[b], sems[b]).wait()

    ones16 = jnp.ones((_L,), jnp.float32)

    def compute(b):
        pb = pbufs[b]
        tb = tbufs[b]

        def inner(j, carry):
            base_j = j * (_K * _L)
            ps = [pb[pl.ds(base_j + k * _L, _L)] for k in range(_K)]
            ts = [tb[pl.ds(base_j + k * _L, _L)] for k in range(_K)]
            zs = [jnp.exp(-jnp.abs(p)) for p in ps]
            l1s = [_log1p_poly(z) for z in zs]
            bces = [jnp.maximum(p, 0.0) - p * t + l1
                    for p, t, l1 in zip(ps, ts, l1s)]
            gs = [jnp.abs(p - t) for p, t in zip(ps, ts)]
            bis = [(jnp.minimum(g, 0.95) * 10.0).astype(jnp.int32)
                   for g in gs]
            idxs = [bi * _L + lane for bi in bis]
            valids = [g < jnp.float32(1.0 + 1e-6) for g in gs]
            for k in range(_K):
                plsc.addupdate_scatter(cnt_acc, [idxs[k]], ones16,
                                       mask=valids[k])
                plsc.addupdate_scatter(sum_acc, [idxs[k]], bces[k],
                                       mask=valids[k])
            return carry

        lax.fori_loop(0, _VECS // _K, inner, 0)

    start(0, 0)
    start(1, 1)

    def outer(i, carry):
        c = i * 2
        for b in range(2):
            wait(b)
            compute(b)
            nxt = c + b + 2

            @pl.when(nxt < _NCH)
            def _():
                start(nxt, b)
        return carry

    lax.fori_loop(0, _NCH // 2, outer, 0)

    cvec = zeros16
    svec = zeros16
    for v in range(_BINS):
        cs = jnp.sum(cnt_acc[pl.ds(v * _L, _L)])
        ss = jnp.sum(sum_acc[pl.ds(v * _L, _L)])
        sel = lane == v
        cvec = jnp.where(sel, cs, cvec)
        svec = jnp.where(sel, ss, svec)
    cnt_acc[pl.ds(0, _L)] = cvec
    sum_acc[pl.ds(0, _L)] = svec
    dst = pl.ds(wid * _L, _L)
    pltpu.sync_copy(cnt_acc.at[pl.ds(0, _L)], cnt_out.at[dst])
    pltpu.sync_copy(sum_acc.at[pl.ds(0, _L)], sum_out.at[dst])



def _tc_body(pred_ref, targ_ref, out_ref, acc_ref):
    step = pl.program_id(0)

    @pl.when(step == 0)
    def _init():
        for i in range(_BINS):
            acc_ref[0, i] = jnp.float32(0.0)
            acc_ref[1, i] = jnp.float32(0.0)

    p = pred_ref[...]
    t = targ_ref[...]
    a = jnp.abs(p)
    bce = jnp.maximum(p, 0.0) - p * t + jnp.log1p(jnp.exp(-a))
    g = jnp.abs(p - t)

    for i, e in enumerate(_EDGES):
        m = g < jnp.float32(e)
        acc_ref[0, i] += jnp.sum(m.astype(jnp.float32))
        acc_ref[1, i] += jnp.sum(jnp.where(m, bce, 0.0))

    @pl.when(step == _G - 1)
    def _fini():
        for i in range(_BINS):
            out_ref[0, i] = acc_ref[0, i]
            out_ref[1, i] = acc_ref[1, i]



def _fin_body(cnt_ref, sum_ref, tc_ref, out_ref):
    loss = jnp.float32(0.0)
    n = jnp.float32(0.0)
    prev_c = jnp.float32(0.0)
    prev_s = jnp.float32(0.0)
    for i in range(_BINS):
        cb = jnp.float32(0.0)
        sb = jnp.float32(0.0)
        for w in range(_NW):
            cb += cnt_ref[w, i]
            sb += sum_ref[w, i]
        cc = tc_ref[0, i]
        sc = tc_ref[1, i]
        cb += cc - prev_c
        sb += sc - prev_s
        prev_c, prev_s = cc, sc
        has = cb > 0.0
        loss += jnp.where(has, sb / jnp.maximum(cb, 1.0), 0.0)
        n += jnp.where(has, 1.0, 0.0)
    out_ref[0, 0] = jnp.where(n > 0.0, loss / jnp.maximum(n, 1.0), 0.0)


def kernel(pred, target, label_weight):
    del label_weight

    pf = pred.reshape(_ROWS * _COLS)
    tf = target.reshape(_ROWS * _COLS)

    sc_call = pl.kernel(
        _sc_body,
        out_type=[
            jax.ShapeDtypeStruct((_NW * _L,), jnp.float32),
            jax.ShapeDtypeStruct((_NW * _L,), jnp.float32),
        ],
        mesh=plsc.VectorSubcoreMesh(core_axis_name="c", subcore_axis_name="s"),
        scratch_types=[
            pltpu.VMEM((_CH,), jnp.float32),
            pltpu.VMEM((_CH,), jnp.float32),
            pltpu.VMEM((_CH,), jnp.float32),
            pltpu.VMEM((_CH,), jnp.float32),
            pltpu.VMEM((_BINS * _L,), jnp.float32),
            pltpu.VMEM((_BINS * _L,), jnp.float32),
            pltpu.SemaphoreType.DMA,
            pltpu.SemaphoreType.DMA,
        ],
        compiler_params=pltpu.CompilerParams(needs_layout_passes=False),
    )
    cnt, s = sc_call(pf, tf)

    tc_parts = pl.pallas_call(
        _tc_body,
        grid=(_G,),
        in_specs=[
            pl.BlockSpec((_BM, _COLS), lambda i: (i, 0)),
            pl.BlockSpec((_BM, _COLS), lambda i: (i, 0)),
        ],
        out_specs=pl.BlockSpec(memory_space=pltpu.SMEM),
        out_shape=jax.ShapeDtypeStruct((2, _BINS), jnp.float32),
        scratch_shapes=[pltpu.SMEM((2, _BINS), jnp.float32)],
    )(pred, target)

    out = pl.pallas_call(
        _fin_body,
        in_specs=[
            pl.BlockSpec(memory_space=pltpu.SMEM),
            pl.BlockSpec(memory_space=pltpu.SMEM),
            pl.BlockSpec(memory_space=pltpu.SMEM),
        ],
        out_specs=pl.BlockSpec(memory_space=pltpu.SMEM),
        out_shape=jax.ShapeDtypeStruct((1, 1), jnp.float32),
    )(cnt.reshape(_NW, _L), s.reshape(_NW, _L), tc_parts)
    return out[0, 0]

# --- scband reference (transcript-rebuilt; emitter-appended) ---
"""Pipeline reference for scband-ghmc-57123065037106 (READ-ONLY COPY).

The authoritative reference and input builder live on the scoring server;
editing this copy changes nothing except your own understanding.
"""

import jax, jax.numpy as jnp
import numpy as np

BINS = 10
MOMENTUM = 0
B, C = 16384, 1000


def setup_inputs(seed: int = 0) -> dict:
    key = jax.random.key(seed)
    k1, k2 = jax.random.split(key)
    pred = jax.random.normal(k1, (B, C), dtype=jnp.float32)
    # binary classification targets (module treats target as float binary labels)
    target = jnp.round(jax.random.uniform(k2, (B, C), dtype=jnp.float32))
    label_weight = jnp.ones((B, C), dtype=jnp.float32)
    return {"pred": pred, "target": target, "label_weight": label_weight}


def _bce_with_logits(pred, target, weights):
    # elementwise weighted BCE-with-logits, reduction='sum'
    per_elem = jnp.maximum(pred, 0.0) - pred * target + jnp.log1p(jnp.exp(-jnp.abs(pred)))
    return jnp.sum(weights * per_elem)


def reference(pred, target, label_weight):
    bins = BINS
    edges = jnp.arange(bins + 1, dtype=jnp.float32) / bins
    edges = edges.at[-1].add(1e-06)
    # module unconditionally overwrites label_weight with ones
    label_weight = jnp.ones((target.shape[0], target.shape[1]), dtype=jnp.float32)
    target = target.astype(jnp.float32)

    weights = jnp.zeros_like(pred)
    g = jnp.abs(jax.lax.stop_gradient(pred) - target)
    valid = label_weight > 0
    tot = jnp.maximum(jnp.sum(valid.astype(jnp.float32)), 1.0)

    n = jnp.asarray(0.0, dtype=jnp.float32)
    for i in range(bins):
        inds = (g >= edges[i]) & (g < edges[i + 1]) & valid
        num_in_bin = jnp.sum(inds.astype(jnp.float32))
        has = num_in_bin > 0
        # momentum == 0 path: weights[inds] = tot / num_in_bin
        w_val = tot / jnp.maximum(num_in_bin, 1.0)
        weights = jnp.where(inds & has, w_val, weights)
        n = n + jnp.where(has, 1.0, 0.0)

    weights = jnp.where(n > 0, weights / jnp.maximum(n, 1.0), weights)
    loss = _bce_with_logits(pred, target, weights) / tot
    return loss

if __name__ == "__main__":
    import jax
    _d = setup_inputs()
    print(jax.jit(kernel)(*tuple(_d.values())))

</pallas_src>

<mosaic_0001>
#map = affine_map<(d0, d1) -> (0)>
module attributes {stable_mosaic.version = 14 : i64} {
  func.func @_sc_body(%arg0: i32, %arg1: i32, %arg2: memref<16384000xf32, #tpu.memory_space<hbm>>, %arg3: memref<16384000xf32, #tpu.memory_space<hbm>>, %arg4: memref<512xf32, #tpu.memory_space<hbm>>, %arg5: memref<512xf32, #tpu.memory_space<hbm>>, %arg6: memref<16000xf32, #tpu.memory_space<vmem>>, %arg7: memref<16000xf32, #tpu.memory_space<vmem>>, %arg8: memref<16000xf32, #tpu.memory_space<vmem>>, %arg9: memref<16000xf32, #tpu.memory_space<vmem>>, %arg10: memref<160xf32, #tpu.memory_space<vmem>>, %arg11: memref<160xf32, #tpu.memory_space<vmem>>, %arg12: memref<!tpu.dma_semaphore, #tpu.memory_space<semaphore_mem>>, %arg13: memref<!tpu.dma_semaphore, #tpu.memory_space<semaphore_mem>>) attributes {dimension_semantics = [#tpu.dimension_semantics<core_parallel>, #tpu.dimension_semantics<subcore_parallel>], iteration_bounds = array<i64: 2, 16>, scalar_prefetch = 0 : i64, scratch_operands = 8 : i64, tpu.core_type = #tpu.core_type<sc_vector_subcore>, window_params = [{transform_indices = #map}, {transform_indices = #map}, {transform_indices = #map}, {transform_indices = #map}]} {
    %mul3A = arith.constant 2 : i32
    %mul3A_0 = arith.muli %arg1, %mul3A : i32
    %add3A = arith.addi %mul3A_0, %arg0 : i32
    %mul3A_1 = arith.constant 96000 : i32
    %mul3A_2 = arith.muli %add3A, %mul3A_1 : i32
    %add3A_3 = arith.constant 13312000 : i32
    %add3A_4 = arith.addi %add3A_3, %mul3A_2 : i32
    %iota3A = tpu.iota {dimensions = array<i32: 0>} : vector<16xi32>
    %broadcast_in_dim3A = arith.constant 0.000000e+00 : f32
    %broadcast_in_dim3A_5 = vector.broadcast %broadcast_in_dim3A : f32 to vector<16xf32>
    %swap3A = arith.constant 0 : index
    %swap3A_6 = tpu.vector_load %arg10[%swap3A] {strides = array<i32>} : memref<160xf32, #tpu.memory_space<vmem>>, vector<16xf32>,
    tpu.vector_store %arg10[%swap3A], %broadcast_in_dim3A_5 {strides = array<i32>} : memref<160xf32, #tpu.memory_space<vmem>>, vector<16xf32>,
    %swap3A_7 = arith.constant 0 : index
    %swap3A_8 = tpu.vector_load %arg11[%swap3A_7] {strides = array<i32>} : memref<160xf32, #tpu.memory_space<vmem>>, vector<16xf32>,
    tpu.vector_store %arg11[%swap3A_7], %broadcast_in_dim3A_5 {strides = array<i32>} : memref<160xf32, #tpu.memory_space<vmem>>, vector<16xf32>,
    %swap3A_9 = arith.constant 16 : index
    %swap3A_10 = tpu.vector_load %arg10[%swap3A_9] {strides = array<i32>} : memref<160xf32, #tpu.memory_space<vmem>>, vector<16xf32>,
    tpu.vector_store %arg10[%swap3A_9], %broadcast_in_dim3A_5 {strides = array<i32>} : memref<160xf32, #tpu.memory_space<vmem>>, vector<16xf32>,
    %swap3A_11 = arith.constant 16 : index
    %swap3A_12 = tpu.vector_load %arg11[%swap3A_11] {strides = array<i32>} : memref<160xf32, #tpu.memory_space<vmem>>, vector<16xf32>,
    tpu.vector_store %arg11[%swap3A_11], %broadcast_in_dim3A_5 {strides = array<i32>} : memref<160xf32, #tpu.memory_space<vmem>>, vector<16xf32>,
    %swap3A_13 = arith.constant 32 : index
    %swap3A_14 = tpu.vector_load %arg10[%swap3A_13] {strides = array<i32>} : memref<160xf32, #tpu.memory_space<vmem>>, vector<16xf32>,
    tpu.vector_store %arg10[%swap3A_13], %broadcast_in_dim3A_5 {strides = array<i32>} : memref<160xf32, #tpu.memory_space<vmem>>, vector<16xf32>,
    %swap3A_15 = arith.constant 32 : index
    %swap3A_16 = tpu.vector_load %arg11[%swap3A_15] {strides = array<i32>} : memref<160xf32, #tpu.memory_space<vmem>>, vector<16xf32>,
    tpu.vector_store %arg11[%swap3A_15], %broadcast_in_dim3A_5 {strides = array<i32>} : memref<160xf32, #tpu.memory_space<vmem>>, vector<16xf32>,
    %swap3A_17 = arith.constant 48 : index
    %swap3A_18 = tpu.vector_load %arg10[%swap3A_17] {strides = array<i32>} : memref<160xf32, #tpu.memory_space<vmem>>, vector<16xf32>,
    tpu.vector_store %arg10[%swap3A_17], %broadcast_in_dim3A_5 {strides = array<i32>} : memref<160xf32, #tpu.memory_space<vmem>>, vector<16xf32>,
    %swap3A_19 = arith.constant 48 : index
    %swap3A_20 = tpu.vector_load %arg11[%swap3A_19] {strides = array<i32>} : memref<160xf32, #tpu.memory_space<vmem>>, vector<16xf32>,
    tpu.vector_store %arg11[%swap3A_19], %broadcast_in_dim3A_5 {strides = array<i32>} : memref<160xf32, #tpu.memory_space<vmem>>, vector<16xf32>,
    %swap3A_21 = arith.constant 64 : index
    %swap3A_22 = tpu.vector_load %arg10[%swap3A_21] {strides = array<i32>} : memref<160xf32, #tpu.memory_space<vmem>>, vector<16xf32>,
    tpu.vector_store %arg10[%swap3A_21], %broadcast_in_dim3A_5 {strides = array<i32>} : memref<160xf32, #tpu.memory_space<vmem>>, vector<16xf32>,
    %swap3A_23 = arith.constant 64 : index
    %swap3A_24 = tpu.vector_load %arg11[%swap3A_23] {strides = array<i32>} : memref<160xf32, #tpu.memory_space<vmem>>, vector<16xf32>,
    tpu.vector_store %arg11[%swap3A_23], %broadcast_in_dim3A_5 {strides = array<i32>} : memref<160xf32, #tpu.memory_space<vmem>>, vector<16xf32>,
    %swap3A_25 = arith.constant 80 : index
    %swap3A_26 = tpu.vector_load %arg10[%swap3A_25] {strides = array<i32>} : memref<160xf32, #tpu.memory_space<vmem>>, vector<16xf32>,
    tpu.vector_store %arg10[%swap3A_25], %broadcast_in_dim3A_5 {strides = array<i32>} : memref<160xf32, #tpu.memory_space<vmem>>, vector<16xf32>,
    %swap3A_27 = arith.constant 80 : index
    %swap3A_28 = tpu.vector_load %arg11[%swap3A_27] {strides = array<i32>} : memref<160xf32, #tpu.memory_space<vmem>>, vector<16xf32>,
    tpu.vector_store %arg11[%swap3A_27], %broadcast_in_dim3A_5 {strides = array<i32>} : memref<160xf32, #tpu.memory_space<vmem>>, vector<16xf32>,
    %swap3A_29 = arith.constant 96 : index
    %swap3A_30 = tpu.vector_load %arg10[%swap3A_29] {strides = array<i32>} : memref<160xf32, #tpu.memory_space<vmem>>, vector<16xf32>,
    tpu.vector_store %arg10[%swap3A_29], %broadcast_in_dim3A_5 {strides = array<i32>} : memref<160xf32, #tpu.memory_space<vmem>>, vector<16xf32>,
    %swap3A_31 = arith.constant 96 : index
    %swap3A_32 = tpu.vector_load %arg11[%swap3A_31] {strides = array<i32>} : memref<160xf32, #tpu.memory_space<vmem>>, vector<16xf32>,
    tpu.vector_store %arg11[%swap3A_31], %broadcast_in_dim3A_5 {strides = array<i32>} : memref<160xf32, #tpu.memory_space<vmem>>, vector<16xf32>,
    %swap3A_33 = arith.constant 112 : index
    %swap3A_34 = tpu.vector_load %arg10[%swap3A_33] {strides = array<i32>} : memref<160xf32, #tpu.memory_space<vmem>>, vector<16xf32>,
    tpu.vector_store %arg10[%swap3A_33], %broadcast_in_dim3A_5 {strides = array<i32>} : memref<160xf32, #tpu.memory_space<vmem>>, vector<16xf32>,
    %swap3A_35 = arith.constant 112 : index
    %swap3A_36 = tpu.vector_load %arg11[%swap3A_35] {strides = array<i32>} : memref<160xf32, #tpu.memory_space<vmem>>, vector<16xf32>,
    tpu.vector_store %arg11[%swap3A_35], %broadcast_in_dim3A_5 {strides = array<i32>} : memref<160xf32, #tpu.memory_space<vmem>>, vector<16xf32>,
    %swap3A_37 = arith.constant 128 : index
    %swap3A_38 = tpu.vector_load %arg10[%swap3A_37] {strides = array<i32>} : memref<160xf32, #tpu.memory_space<vmem>>, vector<16xf32>,
    tpu.vector_store %arg10[%swap3A_37], %broadcast_in_dim3A_5 {strides = array<i32>} : memref<160xf32, #tpu.memory_space<vmem>>, vector<16xf32>,
    %swap3A_39 = arith.constant 128 : index
    %swap3A_40 = tpu.vector_load %arg11[%swap3A_39] {strides = array<i32>} : memref<160xf32, #tpu.memory_space<vmem>>, vector<16xf32>,
    tpu.vector_store %arg11[%swap3A_39], %broadcast_in_dim3A_5 {strides = array<i32>} : memref<160xf32, #tpu.memory_space<vmem>>, vector<16xf32>,
    %swap3A_41 = arith.constant 144 : index
    %swap3A_42 = tpu.vector_load %arg10[%swap3A_41] {strides = array<i32>} : memref<160xf32, #tpu.memory_space<vmem>>, vector<16xf32>,
    tpu.vector_store %arg10[%swap3A_41], %broadcast_in_dim3A_5 {strides = array<i32>} : memref<160xf32, #tpu.memory_space<vmem>>, vector<16xf32>,
    %swap3A_43 = arith.constant 144 : index
    %swap3A_44 = tpu.vector_load %arg11[%swap3A_43] {strides = array<i32>} : memref<160xf32, #tpu.memory_space<vmem>>, vector<16xf32>,
    tpu.vector_store %arg11[%swap3A_43], %broadcast_in_dim3A_5 {strides = array<i32>} : memref<160xf32, #tpu.memory_space<vmem>>, vector<16xf32>,
    %broadcast_in_dim3A_45 = arith.constant 1.000000e+00 : f32
    %broadcast_in_dim3A_46 = vector.broadcast %broadcast_in_dim3A_45 : f32 to vector<16xf32>
    %add3A_47 = arith.constant 0 : i32
    %add3A_48 = arith.addi %add3A_4, %add3A_47 : i32
    %dma_start3A = tpu.memref_slice %arg2[%add3A_48] : memref<16384000xf32, #tpu.memory_space<hbm>> -> memref<16000xf32, #tpu.memory_space<hbm>>
    %dma_start3A_49 = tpu.memref_slice %arg2[%add3A_48] : memref<16384000xf32, #tpu.memory_space<hbm>> -> memref<16000xf32, #tpu.memory_space<hbm>>
    tpu.enqueue_dma source(%dma_start3A_49 : memref<16000xf32, #tpu.memory_space<hbm>>) target(%arg6 : memref<16000xf32, #tpu.memory_space<vmem>>) target_semaphore(%arg12 : memref<!tpu.dma_semaphore, #tpu.memory_space<semaphore_mem>>)
    %dma_start3A_50 = tpu.memref_slice %arg3[%add3A_48] : memref<16384000xf32, #tpu.memory_space<hbm>> -> memref<16000xf32, #tpu.memory_space<hbm>>
    %dma_start3A_51 = tpu.memref_slice %arg3[%add3A_48] : memref<16384000xf32, #tpu.memory_space<hbm>> -> memref<16000xf32, #tpu.memory_space<hbm>>
    tpu.enqueue_dma source(%dma_start3A_51 : memref<16000xf32, #tpu.memory_space<hbm>>) target(%arg8 : memref<16000xf32, #tpu.memory_space<vmem>>) target_semaphore(%arg12 : memref<!tpu.dma_semaphore, #tpu.memory_space<semaphore_mem>>)
    %add3A_52 = arith.constant 16000 : i32
    %add3A_53 = arith.addi %add3A_4, %add3A_52 : i32
    %dma_start3A_54 = tpu.memref_slice %arg2[%add3A_53] : memref<16384000xf32, #tpu.memory_space<hbm>> -> memref<16000xf32, #tpu.memory_space<hbm>>
    %dma_start3A_55 = tpu.memref_slice %arg2[%add3A_53] : memref<16384000xf32, #tpu.memory_space<hbm>> -> memref<16000xf32, #tpu.memory_space<hbm>>
    tpu.enqueue_dma source(%dma_start3A_55 : memref<16000xf32, #tpu.memory_space<hbm>>) target(%arg7 : memref<16000xf32, #tpu.memory_space<vmem>>) target_semaphore(%arg13 : memref<!tpu.dma_semaphore, #tpu.memory_space<semaphore_mem>>)
    %dma_start3A_56 = tpu.memref_slice %arg3[%add3A_53] : memref<16384000xf32, #tpu.memory_space<hbm>> -> memref<16000xf32, #tpu.memory_space<hbm>>
    %dma_start3A_57 = tpu.memref_slice %arg3[%add3A_53] : memref<16384000xf32, #tpu.memory_space<hbm>> -> memref<16000xf32, #tpu.memory_space<hbm>>
    tpu.enqueue_dma source(%dma_start3A_57 : memref<16000xf32, #tpu.memory_space<hbm>>) target(%arg9 : memref<16000xf32, #tpu.memory_space<vmem>>) target_semaphore(%arg13 : memref<!tpu.dma_semaphore, #tpu.memory_space<semaphore_mem>>)
    %scan3A = arith.constant 0 : i32
    %scan3A_58 = arith.constant 0 : i32
    %scan3A_59 = arith.constant 3 : i32
    %scan3A_60 = arith.addi %scan3A_58, %scan3A_59 : i32
    %scan3A_61 = arith.constant 1 : i32
    scf.for %scan3A_255 = %scan3A_58 to %scan3A_60 step %scan3A_61  : i32 {
      %mul3A_256 = arith.constant 2 : i32
      %mul3A_257 = arith.muli %scan3A_255, %mul3A_256 : i32
      %dma_wait3A = arith.constant 0 : i32
      %dma_wait3A_258 = tpu.memref_slice %arg2[%dma_wait3A] : memref<16384000xf32, #tpu.memory_space<hbm>> -> memref<16000xf32, #tpu.memory_space<hbm>>
      %dma_wait3A_259 = arith.constant 0 : i32
      %dma_wait3A_260 = tpu.memref_slice %arg2[%dma_wait3A_259] : memref<16384000xf32, #tpu.memory_space<hbm>> -> memref<16000xf32, #tpu.memory_space<hbm>>
      tpu.wait_dma2 semaphore(%arg12 : memref<!tpu.dma_semaphore, #tpu.memory_space<semaphore_mem>>) src(%dma_wait3A_260 : memref<16000xf32, #tpu.memory_space<hbm>>) dst(%arg6 : memref<16000xf32, #tpu.memory_space<vmem>>)
      %dma_wait3A_261 = arith.constant 0 : i32
      %dma_wait3A_262 = tpu.memref_slice %arg3[%dma_wait3A_261] : memref<16384000xf32, #tpu.memory_space<hbm>> -> memref<16000xf32, #tpu.memory_space<hbm>>
      %dma_wait3A_263 = arith.constant 0 : i32
      %dma_wait3A_264 = tpu.memref_slice %arg3[%dma_wait3A_263] : memref<16384000xf32, #tpu.memory_space<hbm>> -> memref<16000xf32, #tpu.memory_space<hbm>>
      tpu.wait_dma2 semaphore(%arg12 : memref<!tpu.dma_semaphore, #tpu.memory_space<semaphore_mem>>) src(%dma_wait3A_264 : memref<16000xf32, #tpu.memory_space<hbm>>) dst(%arg8 : memref<16000xf32, #tpu.memory_space<vmem>>)
      %scan3A_265 = arith.constant 0 : i32
      %scan3A_266 = arith.constant 0 : i32
      %scan3A_267 = arith.constant 125 : i32
      %scan3A_268 = arith.addi %scan3A_266, %scan3A_267 : i32
      %scan3A_269 = arith.constant 1 : i32
      scf.for %scan3A_300 = %scan3A_266 to %scan3A_268 step %scan3A_269  : i32 {
        %mul3A_301 = arith.constant 128 : i32
        %mul3A_302 = arith.muli %scan3A_300, %mul3A_301 : i32
        %add3A_303 = arith.constant 0 : i32
        %add3A_304 = arith.addi %mul3A_302, %add3A_303 : i32
        %get3A_305 = arith.index_cast %add3A_304 : i32 to index
        %get3A_306 = tpu.vector_load %arg6[%get3A_305] {strides = array<i32>} : memref<16000xf32, #tpu.memory_space<vmem>>, vector<16xf32>,
        %add3A_307 = arith.constant 16 : i32
        %add3A_308 = arith.addi %mul3A_302, %add3A_307 : i32
        %get3A_309 = arith.index_cast %add3A_308 : i32 to index
        %get3A_310 = tpu.vector_load %arg6[%get3A_309] {strides = array<i32>} : memref<16000xf32, #tpu.memory_space<vmem>>, vector<16xf32>,
        %add3A_311 = arith.constant 32 : i32
        %add3A_312 = arith.addi %mul3A_302, %add3A_311 : i32
        %get3A_313 = arith.index_cast %add3A_312 : i32 to index
        %get3A_314 = tpu.vector_load %arg6[%get3A_313] {strides = array<i32>} : memref<16000xf32, #tpu.memory_space<vmem>>, vector<16xf32>,
        %add3A_315 = arith.constant 48 : i32
        %add3A_316 = arith.addi %mul3A_302, %add3A_315 : i32
        %get3A_317 = arith.index_cast %add3A_316 : i32 to index
        %get3A_318 = tpu.vector_load %arg6[%get3A_317] {strides = array<i32>} : memref<16000xf32, #tpu.memory_space<vmem>>, vector<16xf32>,
        %add3A_319 = arith.constant 64 : i32
        %add3A_320 = arith.addi %mul3A_302, %add3A_319 : i32
        %get3A_321 = arith.index_cast %add3A_320 : i32 to index
        %get3A_322 = tpu.vector_load %arg6[%get3A_321] {strides = array<i32>} : memref<16000xf32, #tpu.memory_space<vmem>>, vector<16xf32>,
        %add3A_323 = arith.constant 80 : i32
        %add3A_324 = arith.addi %mul3A_302, %add3A_323 : i32
        %get3A_325 = arith.index_cast %add3A_324 : i32 to index
        %get3A_326 = tpu.vector_load %arg6[%get3A_325] {strides = array<i32>} : memref<16000xf32, #tpu.memory_space<vmem>>, vector<16xf32>,
        %add3A_327 = arith.constant 96 : i32
        %add3A_328 = arith.addi %mul3A_302, %add3A_327 : i32
        %get3A_329 = arith.index_cast %add3A_328 : i32 to index
        %get3A_330 = tpu.vector_load %arg6[%get3A_329] {strides = array<i32>} : memref<16000xf32, #tpu.memory_space<vmem>>, vector<16xf32>,
        %add3A_331 = arith.constant 112 : i32
        %add3A_332 = arith.addi %mul3A_302, %add3A_331 : i32
        %get3A_333 = arith.index_cast %add3A_332 : i32 to index
        %get3A_334 = tpu.vector_load %arg6[%get3A_333] {strides = array<i32>} : memref<16000xf32, #tpu.memory_space<vmem>>, vector<16xf32>,
        %add3A_335 = arith.constant 0 : i32
        %add3A_336 = arith.addi %mul3A_302, %add3A_335 : i32
        %get3A_337 = arith.index_cast %add3A_336 : i32 to index
        %get3A_338 = tpu.vector_load %arg8[%get3A_337] {strides = array<i32>} : memref<16000xf32, #tpu.memory_space<vmem>>, vector<16xf32>,
        %add3A_339 = arith.constant 16 : i32
        %add3A_340 = arith.addi %mul3A_302, %add3A_339 : i32
        %get3A_341 = arith.index_cast %add3A_340 : i32 to index
        %get3A_342 = tpu.vector_load %arg8[%get3A_341] {strides = array<i32>} : memref<16000xf32, #tpu.memory_space<vmem>>, vector<16xf32>,
        %add3A_343 = arith.constant 32 : i32
        %add3A_344 = arith.addi %mul3A_302, %add3A_343 : i32
        %get3A_345 = arith.index_cast %add3A_344 : i32 to index
        %get3A_346 = tpu.vector_load %arg8[%get3A_345] {strides = array<i32>} : memref<16000xf32, #tpu.memory_space<vmem>>, vector<16xf32>,
        %add3A_347 = arith.constant 48 : i32
        %add3A_348 = arith.addi %mul3A_302, %add3A_347 : i32
        %get3A_349 = arith.index_cast %add3A_348 : i32 to index
        %get3A_350 = tpu.vector_load %arg8[%get3A_349] {strides = array<i32>} : memref<16000xf32, #tpu.memory_space<vmem>>, vector<16xf32>,
        %add3A_351 = arith.constant 64 : i32
        %add3A_352 = arith.addi %mul3A_302, %add3A_351 : i32
        %get3A_353 = arith.index_cast %add3A_352 : i32 to index
        %get3A_354 = tpu.vector_load %arg8[%get3A_353] {strides = array<i32>} : memref<16000xf32, #tpu.memory_space<vmem>>, vector<16xf32>,
        %add3A_355 = arith.constant 80 : i32
        %add3A_356 = arith.addi %mul3A_302, %add3A_355 : i32
        %get3A_357 = arith.index_cast %add3A_356 : i32 to index
        %get3A_358 = tpu.vector_load %arg8[%get3A_357] {strides = array<i32>} : memref<16000xf32, #tpu.memory_space<vmem>>, vector<16xf32>,
        %add3A_359 = arith.constant 96 : i32
        %add3A_360 = arith.addi %mul3A_302, %add3A_359 : i32
        %get3A_361 = arith.index_cast %add3A_360 : i32 to index
        %get3A_362 = tpu.vector_load %arg8[%get3A_361] {strides = array<i32>} : memref<16000xf32, #tpu.memory_space<vmem>>, vector<16xf32>,
        %add3A_363 = arith.constant 112 : i32
        %add3A_364 = arith.addi %mul3A_302, %add3A_363 : i32
        %get3A_365 = arith.index_cast %add3A_364 : i32 to index
        %get3A_366 = tpu.vector_load %arg8[%get3A_365] {strides = array<i32>} : memref<16000xf32, #tpu.memory_space<vmem>>, vector<16xf32>,
        %abs3A = math.absf %get3A_306 : vector<16xf32>
        %neg3A = arith.constant 0.000000e+00 : f32
        %neg3A_367 = vector.broadcast %neg3A : f32 to vector<16xf32>
        %neg3A_368 = arith.subf %neg3A_367, %abs3A : vector<16xf32>
        %exp3A = math.exp %neg3A_368 : vector<16xf32>
        %abs3A_369 = math.absf %get3A_310 : vector<16xf32>
        %neg3A_370 = arith.constant 0.000000e+00 : f32
        %neg3A_371 = vector.broadcast %neg3A_370 : f32 to vector<16xf32>
        %neg3A_372 = arith.subf %neg3A_371, %abs3A_369 : vector<16xf32>
        %exp3A_373 = math.exp %neg3A_372 : vector<16xf32>
        %abs3A_374 = math.absf %get3A_314 : vector<16xf32>
        %neg3A_375 = arith.constant 0.000000e+00 : f32
        %neg3A_376 = vector.broadcast %neg3A_375 : f32 to vector<16xf32>
        %neg3A_377 = arith.subf %neg3A_376, %abs3A_374 : vector<16xf32>
        %exp3A_378 = math.exp %neg3A_377 : vector<16xf32>
        %abs3A_379 = math.absf %get3A_318 : vector<16xf32>
        %neg3A_380 = arith.constant 0.000000e+00 : f32
        %neg3A_381 = vector.broadcast %neg3A_380 : f32 to vector<16xf32>
        %neg3A_382 = arith.subf %neg3A_381, %abs3A_379 : vector<16xf32>
        %exp3A_383 = math.exp %neg3A_382 : vector<16xf32>
        %abs3A_384 = math.absf %get3A_322 : vector<16xf32>
        %neg3A_385 = arith.constant 0.000000e+00 : f32
        %neg3A_386 = vector.broadcast %neg3A_385 : f32 to vector<16xf32>
        %neg3A_387 = arith.subf %neg3A_386, %abs3A_384 : vector<16xf32>
        %exp3A_388 = math.exp %neg3A_387 : vector<16xf32>
        %abs3A_389 = math.absf %get3A_326 : vector<16xf32>
        %neg3A_390 = arith.constant 0.000000e+00 : f32
        %neg3A_391 = vector.broadcast %neg3A_390 : f32 to vector<16xf32>
        %neg3A_392 = arith.subf %neg3A_391, %abs3A_389 : vector<16xf32>
        %exp3A_393 = math.exp %neg3A_392 : vector<16xf32>
        %abs3A_394 = math.absf %get3A_330 : vector<16xf32>
        %neg3A_395 = arith.constant 0.000000e+00 : f32
        %neg3A_396 = vector.broadcast %neg3A_395 : f32 to vector<16xf32>
        %neg3A_397 = arith.subf %neg3A_396, %abs3A_394 : vector<16xf32>
        %exp3A_398 = math.exp %neg3A_397 : vector<16xf32>
        %abs3A_399 = math.absf %get3A_334 : vector<16xf32>
        %neg3A_400 = arith.constant 0.000000e+00 : f32
        %neg3A_401 = vector.broadcast %neg3A_400 : f32 to vector<16xf32>
        %neg3A_402 = arith.subf %neg3A_401, %abs3A_399 : vector<16xf32>
        %exp3A_403 = math.exp %neg3A_402 : vector<16xf32>
        %mul3A_404 = arith.mulf %exp3A, %exp3A : vector<16xf32>
        %mul3A_405 = arith.constant 0.996261954 : f32
        %mul3A_406 = vector.broadcast %mul3A_405 : f32 to vector<16xf32>
        %mul3A_407 = arith.mulf %mul3A_406, %exp3A : vector<16xf32>
        %add3A_408 = arith.constant 6.94457412E-5 : f32
        %add3A_409 = vector.broadcast %add3A_408 : f32 to vector<16xf32>
        %add3A_410 = arith.addf %add3A_409, %mul3A_407 : vector<16xf32>
        %mul3A_411 = arith.constant 0.218665481 : f32
        %mul3A_412 = vector.broadcast %mul3A_411 : f32 to vector<16xf32>
        %mul3A_413 = arith.mulf %mul3A_412, %exp3A : vector<16xf32>
        %add3A_414 = arith.constant -0.466442436 : f32
        %add3A_415 = vector.broadcast %add3A_414 : f32 to vector<16xf32>
        %add3A_416 = arith.addf %add3A_415, %mul3A_413 : vector<16xf32>
        %mul3A_417 = arith.constant -0.0554593131 : f32
        %mul3A_418 = vector.broadcast %mul3A_417 : f32 to vector<16xf32>
        %mul3A_419 = arith.mulf %mul3A_418, %mul3A_404 : vector<16xf32>
        %add3A_420 = arith.addf %add3A_416, %mul3A_419 : vector<16xf32>
        %mul3A_421 = arith.mulf %mul3A_404, %add3A_420 : vector<16xf32>
        %add3A_422 = arith.addf %add3A_410, %mul3A_421 : vector<16xf32>
        %mul3A_423 = arith.mulf %exp3A_373, %exp3A_373 : vector<16xf32>
        %mul3A_424 = arith.constant 0.996261954 : f32
        %mul3A_425 = vector.broadcast %mul3A_424 : f32 to vector<16xf32>
        %mul3A_426 = arith.mulf %mul3A_425, %exp3A_373 : vector<16xf32>
        %add3A_427 = arith.constant 6.94457412E-5 : f32
        %add3A_428 = vector.broadcast %add3A_427 : f32 to vector<16xf32>
        %add3A_429 = arith.addf %add3A_428, %mul3A_426 : vector<16xf32>
        %mul3A_430 = arith.constant 0.218665481 : f32
        %mul3A_431 = vector.broadcast %mul3A_430 : f32 to vector<16xf32>
        %mul3A_432 = arith.mulf %mul3A_431, %exp3A_373 : vector<16xf32>
        %add3A_433 = arith.constant -0.466442436 : f32
        %add3A_434 = vector.broadcast %add3A_433 : f32 to vector<16xf32>
        %add3A_435 = arith.addf %add3A_434, %mul3A_432 : vector<16xf32>
        %mul3A_436 = arith.constant -0.0554593131 : f32
        %mul3A_437 = vector.broadcast %mul3A_436 : f32 to vector<16xf32>
        %mul3A_438 = arith.mulf %mul3A_437, %mul3A_423 : vector<16xf32>
        %add3A_439 = arith.addf %add3A_435, %mul3A_438 : vector<16xf32>
        %mul3A_440 = arith.mulf %mul3A_423, %add3A_439 : vector<16xf32>
        %add3A_441 = arith.addf %add3A_429, %mul3A_440 : vector<16xf32>
        %mul3A_442 = arith.mulf %exp3A_378, %exp3A_378 : vector<16xf32>
        %mul3A_443 = arith.constant 0.996261954 : f32
        %mul3A_444 = vector.broadcast %mul3A_443 : f32 to vector<16xf32>
        %mul3A_445 = arith.mulf %mul3A_444, %exp3A_378 : vector<16xf32>
        %add3A_446 = arith.constant 6.94457412E-5 : f32
        %add3A_447 = vector.broadcast %add3A_446 : f32 to vector<16xf32>
        %add3A_448 = arith.addf %add3A_447, %mul3A_445 : vector<16xf32>
        %mul3A_449 = arith.constant 0.218665481 : f32
        %mul3A_450 = vector.broadcast %mul3A_449 : f32 to vector<16xf32>
        %mul3A_451 = arith.mulf %mul3A_450, %exp3A_378 : vector<16xf32>
        %add3A_452 = arith.constant -0.466442436 : f32
        %add3A_453 = vector.broadcast %add3A_452 : f32 to vector<16xf32>
        %add3A_454 = arith.addf %add3A_453, %mul3A_451 : vector<16xf32>
        %mul3A_455 = arith.constant -0.0554593131 : f32
        %mul3A_456 = vector.broadcast %mul3A_455 : f32 to vector<16xf32>
        %mul3A_457 = arith.mulf %mul3A_456, %mul3A_442 : vector<16xf32>
        %add3A_458 = arith.addf %add3A_454, %mul3A_457 : vector<16xf32>
        %mul3A_459 = arith.mulf %mul3A_442, %add3A_458 : vector<16xf32>
        %add3A_460 = arith.addf %add3A_448, %mul3A_459 : vector<16xf32>
        %mul3A_461 = arith.mulf %exp3A_383, %exp3A_383 : vector<16xf32>
        %mul3A_462 = arith.constant 0.996261954 : f32
        %mul3A_463 = vector.broadcast %mul3A_462 : f32 to vector<16xf32>
        %mul3A_464 = arith.mulf %mul3A_463, %exp3A_383 : vector<16xf32>
        %add3A_465 = arith.constant 6.94457412E-5 : f32
        %add3A_466 = vector.broadcast %add3A_465 : f32 to vector<16xf32>
        %add3A_467 = arith.addf %add3A_466, %mul3A_464 : vector<16xf32>
        %mul3A_468 = arith.constant 0.218665481 : f32
        %mul3A_469 = vector.broadcast %mul3A_468 : f32 to vector<16xf32>
        %mul3A_470 = arith.mulf %mul3A_469, %exp3A_383 : vector<16xf32>
        %add3A_471 = arith.constant -0.466442436 : f32
        %add3A_472 = vector.broadcast %add3A_471 : f32 to vector<16xf32>
        %add3A_473 = arith.addf %add3A_472, %mul3A_470 : vector<16xf32>
        %mul3A_474 = arith.constant -0.0554593131 : f32
        %mul3A_475 = vector.broadcast %mul3A_474 : f32 to vector<16xf32>
        %mul3A_476 = arith.mulf %mul3A_475, %mul3A_461 : vector<16xf32>
        %add3A_477 = arith.addf %add3A_473, %mul3A_476 : vector<16xf32>
        %mul3A_478 = arith.mulf %mul3A_461, %add3A_477 : vector<16xf32>
        %add3A_479 = arith.addf %add3A_467, %mul3A_478 : vector<16xf32>
        %mul3A_480 = arith.mulf %exp3A_388, %exp3A_388 : vector<16xf32>
        %mul3A_481 = arith.constant 0.996261954 : f32
        %mul3A_482 = vector.broadcast %mul3A_481 : f32 to vector<16xf32>
        %mul3A_483 = arith.mulf %mul3A_482, %exp3A_388 : vector<16xf32>
        %add3A_484 = arith.constant 6.94457412E-5 : f32
        %add3A_485 = vector.broadcast %add3A_484 : f32 to vector<16xf32>
        %add3A_486 = arith.addf %add3A_485, %mul3A_483 : vector<16xf32>
        %mul3A_487 = arith.constant 0.218665481 : f32
        %mul3A_488 = vector.broadcast %mul3A_487 : f32 to vector<16xf32>
        %mul3A_489 = arith.mulf %mul3A_488, %exp3A_388 : vector<16xf32>
        %add3A_490 = arith.constant -0.466442436 : f32
        %add3A_491 = vector.broadcast %add3A_490 : f32 to vector<16xf32>
        %add3A_492 = arith.addf %add3A_491, %mul3A_489 : vector<16xf32>
        %mul3A_493 = arith.constant -0.0554593131 : f32
        %mul3A_494 = vector.broadcast %mul3A_493 : f32 to vector<16xf32>
        %mul3A_495 = arith.mulf %mul3A_494, %mul3A_480 : vector<16xf32>
        %add3A_496 = arith.addf %add3A_492, %mul3A_495 : vector<16xf32>
        %mul3A_497 = arith.mulf %mul3A_480, %add3A_496 : vector<16xf32>
        %add3A_498 = arith.addf %add3A_486, %mul3A_497 : vector<16xf32>
        %mul3A_499 = arith.mulf %exp3A_393, %exp3A_393 : vector<16xf32>
        %mul3A_500 = arith.constant 0.996261954 : f32
        %mul3A_501 = vector.broadcast %mul3A_500 : f32 to vector<16xf32>
        %mul3A_502 = arith.mulf %mul3A_501, %exp3A_393 : vector<16xf32>
        %add3A_503 = arith.constant 6.94457412E-5 : f32
        %add3A_504 = vector.broadcast %add3A_503 : f32 to vector<16xf32>
        %add3A_505 = arith.addf %add3A_504, %mul3A_502 : vector<16xf32>
        %mul3A_506 = arith.constant 0.218665481 : f32
        %mul3A_507 = vector.broadcast %mul3A_506 : f32 to vector<16xf32>
        %mul3A_508 = arith.mulf %mul3A_507, %exp3A_393 : vector<16xf32>
        %add3A_509 = arith.constant -0.466442436 : f32
        %add3A_510 = vector.broadcast %add3A_509 : f32 to vector<16xf32>
        %add3A_511 = arith.addf %add3A_510, %mul3A_508 : vector<16xf32>
        %mul3A_512 = arith.constant -0.0554593131 : f32
        %mul3A_513 = vector.broadcast %mul3A_512 : f32 to vector<16xf32>
        %mul3A_514 = arith.mulf %mul3A_513, %mul3A_499 : vector<16xf32>
        %add3A_515 = arith.addf %add3A_511, %mul3A_514 : vector<16xf32>
        %mul3A_516 = arith.mulf %mul3A_499, %add3A_515 : vector<16xf32>
        %add3A_517 = arith.addf %add3A_505, %mul3A_516 : vector<16xf32>
        %mul3A_518 = arith.mulf %exp3A_398, %exp3A_398 : vector<16xf32>
        %mul3A_519 = arith.constant 0.996261954 : f32
        %mul3A_520 = vector.broadcast %mul3A_519 : f32 to vector<16xf32>
        %mul3A_521 = arith.mulf %mul3A_520, %exp3A_398 : vector<16xf32>
        %add3A_522 = arith.constant 6.94457412E-5 : f32
        %add3A_523 = vector.broadcast %add3A_522 : f32 to vector<16xf32>
        %add3A_524 = arith.addf %add3A_523, %mul3A_521 : vector<16xf32>
        %mul3A_525 = arith.constant 0.218665481 : f32
        %mul3A_526 = vector.broadcast %mul3A_525 : f32 to vector<16xf32>
        %mul3A_527 = arith.mulf %mul3A_526, %exp3A_398 : vector<16xf32>
        %add3A_528 = arith.constant -0.466442436 : f32
        %add3A_529 = vector.broadcast %add3A_528 : f32 to vector<16xf32>
        %add3A_530 = arith.addf %add3A_529, %mul3A_527 : vector<16xf32>
        %mul3A_531 = arith.constant -0.0554593131 : f32
        %mul3A_532 = vector.broadcast %mul3A_531 : f32 to vector<16xf32>
        %mul3A_533 = arith.mulf %mul3A_532, %mul3A_518 : vector<16xf32>
        %add3A_534 = arith.addf %add3A_530, %mul3A_533 : vector<16xf32>
        %mul3A_535 = arith.mulf %mul3A_518, %add3A_534 : vector<16xf32>
        %add3A_536 = arith.addf %add3A_524, %mul3A_535 : vector<16xf32>
        %mul3A_537 = arith.mulf %exp3A_403, %exp3A_403 : vector<16xf32>
        %mul3A_538 = arith.constant 0.996261954 : f32
        %mul3A_539 = vector.broadcast %mul3A_538 : f32 to vector<16xf32>
        %mul3A_540 = arith.mulf %mul3A_539, %exp3A_403 : vector<16xf32>
        %add3A_541 = arith.constant 6.94457412E-5 : f32
        %add3A_542 = vector.broadcast %add3A_541 : f32 to vector<16xf32>
        %add3A_543 = arith.addf %add3A_542, %mul3A_540 : vector<16xf32>
        %mul3A_544 = arith.constant 0.218665481 : f32
        %mul3A_545 = vector.broadcast %mul3A_544 : f32 to vector<16xf32>
        %mul3A_546 = arith.mulf %mul3A_545, %exp3A_403 : vector<16xf32>
        %add3A_547 = arith.constant -0.466442436 : f32
        %add3A_548 = vector.broadcast %add3A_547 : f32 to vector<16xf32>
        %add3A_549 = arith.addf %add3A_548, %mul3A_546 : vector<16xf32>
        %mul3A_550 = arith.constant -0.0554593131 : f32
        %mul3A_551 = vector.broadcast %mul3A_550 : f32 to vector<16xf32>
        %mul3A_552 = arith.mulf %mul3A_551, %mul3A_537 : vector<16xf32>
        %add3A_553 = arith.addf %add3A_549, %mul3A_552 : vector<16xf32>
        %mul3A_554 = arith.mulf %mul3A_537, %add3A_553 : vector<16xf32>
        %add3A_555 = arith.addf %add3A_543, %mul3A_554 : vector<16xf32>
        %max3A = arith.constant 0.000000e+00 : f32
        %max3A_556 = vector.broadcast %max3A : f32 to vector<16xf32>
        %max3A_557 = arith.maximumf %get3A_306, %max3A_556 : vector<16xf32>
        %mul3A_558 = arith.mulf %get3A_306, %get3A_338 : vector<16xf32>
        %sub3A = arith.subf %max3A_557, %mul3A_558 : vector<16xf32>
        %add3A_559 = arith.addf %sub3A, %add3A_422 : vector<16xf32>
        %max3A_560 = arith.constant 0.000000e+00 : f32
        %max3A_561 = vector.broadcast %max3A_560 : f32 to vector<16xf32>
        %max3A_562 = arith.maximumf %get3A_310, %max3A_561 : vector<16xf32>
        %mul3A_563 = arith.mulf %get3A_310, %get3A_342 : vector<16xf32>
        %sub3A_564 = arith.subf %max3A_562, %mul3A_563 : vector<16xf32>
        %add3A_565 = arith.addf %sub3A_564, %add3A_441 : vector<16xf32>
        %max3A_566 = arith.constant 0.000000e+00 : f32
        %max3A_567 = vector.broadcast %max3A_566 : f32 to vector<16xf32>
        %max3A_568 = arith.maximumf %get3A_314, %max3A_567 : vector<16xf32>
        %mul3A_569 = arith.mulf %get3A_314, %get3A_346 : vector<16xf32>
        %sub3A_570 = arith.subf %max3A_568, %mul3A_569 : vector<16xf32>
        %add3A_571 = arith.addf %sub3A_570, %add3A_460 : vector<16xf32>
        %max3A_572 = arith.constant 0.000000e+00 : f32
        %max3A_573 = vector.broadcast %max3A_572 : f32 to vector<16xf32>
        %max3A_574 = arith.maximumf %get3A_318, %max3A_573 : vector<16xf32>
        %mul3A_575 = arith.mulf %get3A_318, %get3A_350 : vector<16xf32>
        %sub3A_576 = arith.subf %max3A_574, %mul3A_575 : vector<16xf32>
        %add3A_577 = arith.addf %sub3A_576, %add3A_479 : vector<16xf32>
        %max3A_578 = arith.constant 0.000000e+00 : f32
        %max3A_579 = vector.broadcast %max3A_578 : f32 to vector<16xf32>
        %max3A_580 = arith.maximumf %get3A_322, %max3A_579 : vector<16xf32>
        %mul3A_581 = arith.mulf %get3A_322, %get3A_354 : vector<16xf32>
        %sub3A_582 = arith.subf %max3A_580, %mul3A_581 : vector<16xf32>
        %add3A_583 = arith.addf %sub3A_582, %add3A_498 : vector<16xf32>
        %max3A_584 = arith.constant 0.000000e+00 : f32
        %max3A_585 = vector.broadcast %max3A_584 : f32 to vector<16xf32>
        %max3A_586 = arith.maximumf %get3A_326, %max3A_585 : vector<16xf32>
        %mul3A_587 = arith.mulf %get3A_326, %get3A_358 : vector<16xf32>
        %sub3A_588 = arith.subf %max3A_586, %mul3A_587 : vector<16xf32>
        %add3A_589 = arith.addf %sub3A_588, %add3A_517 : vector<16xf32>
        %max3A_590 = arith.constant 0.000000e+00 : f32
        %max3A_591 = vector.broadcast %max3A_590 : f32 to vector<16xf32>
        %max3A_592 = arith.maximumf %get3A_330, %max3A_591 : vector<16xf32>
        %mul3A_593 = arith.mulf %get3A_330, %get3A_362 : vector<16xf32>
        %sub3A_594 = arith.subf %max3A_592, %mul3A_593 : vector<16xf32>
        %add3A_595 = arith.addf %sub3A_594, %add3A_536 : vector<16xf32>
        %max3A_596 = arith.constant 0.000000e+00 : f32
        %max3A_597 = vector.broadcast %max3A_596 : f32 to vector<16xf32>
        %max3A_598 = arith.maximumf %get3A_334, %max3A_597 : vector<16xf32>
        %mul3A_599 = arith.mulf %get3A_334, %get3A_366 : vector<16xf32>
        %sub3A_600 = arith.subf %max3A_598, %mul3A_599 : vector<16xf32>
        %add3A_601 = arith.addf %sub3A_600, %add3A_555 : vector<16xf32>
        %sub3A_602 = arith.subf %get3A_306, %get3A_338 : vector<16xf32>
        %abs3A_603 = math.absf %sub3A_602 : vector<16xf32>
        %sub3A_604 = arith.subf %get3A_310, %get3A_342 : vector<16xf32>
        %abs3A_605 = math.absf %sub3A_604 : vector<16xf32>
        %sub3A_606 = arith.subf %get3A_314, %get3A_346 : vector<16xf32>
        %abs3A_607 = math.absf %sub3A_606 : vector<16xf32>
        %sub3A_608 = arith.subf %get3A_318, %get3A_350 : vector<16xf32>
        %abs3A_609 = math.absf %sub3A_608 : vector<16xf32>
        %sub3A_610 = arith.subf %get3A_322, %get3A_354 : vector<16xf32>
        %abs3A_611 = math.absf %sub3A_610 : vector<16xf32>
        %sub3A_612 = arith.subf %get3A_326, %get3A_358 : vector<16xf32>
        %abs3A_613 = math.absf %sub3A_612 : vector<16xf32>
        %sub3A_614 = arith.subf %get3A_330, %get3A_362 : vector<16xf32>
        %abs3A_615 = math.absf %sub3A_614 : vector<16xf32>
        %sub3A_616 = arith.subf %get3A_334, %get3A_366 : vector<16xf32>
        %abs3A_617 = math.absf %sub3A_616 : vector<16xf32>
        %min3A = arith.constant 0.949999988 : f32
        %min3A_618 = vector.broadcast %min3A : f32 to vector<16xf32>
        %min3A_619 = arith.minimumf %abs3A_603, %min3A_618 : vector<16xf32>
        %mul3A_620 = arith.constant 1.000000e+01 : f32
        %mul3A_621 = vector.broadcast %mul3A_620 : f32 to vector<16xf32>
        %mul3A_622 = arith.mulf %min3A_619, %mul3A_621 : vector<16xf32>
        %convert_element_type3A_623 = arith.fptosi %mul3A_622 : vector<16xf32> to vector<16xi32>
        %min3A_624 = arith.constant 0.949999988 : f32
        %min3A_625 = vector.broadcast %min3A_624 : f32 to vector<16xf32>
        %min3A_626 = arith.minimumf %abs3A_605, %min3A_625 : vector<16xf32>
        %mul3A_627 = arith.constant 1.000000e+01 : f32
        %mul3A_628 = vector.broadcast %mul3A_627 : f32 to vector<16xf32>
        %mul3A_629 = arith.mulf %min3A_626, %mul3A_628 : vector<16xf32>
        %convert_element_type3A_630 = arith.fptosi %mul3A_629 : vector<16xf32> to vector<16xi32>
        %min3A_631 = arith.constant 0.949999988 : f32
        %min3A_632 = vector.broadcast %min3A_631 : f32 to vector<16xf32>
        %min3A_633 = arith.minimumf %abs3A_607, %min3A_632 : vector<16xf32>
        %mul3A_634 = arith.constant 1.000000e+01 : f32
        %mul3A_635 = vector.broadcast %mul3A_634 : f32 to vector<16xf32>
        %mul3A_636 = arith.mulf %min3A_633, %mul3A_635 : vector<16xf32>
        %convert_element_type3A_637 = arith.fptosi %mul3A_636 : vector<16xf32> to vector<16xi32>
        %min3A_638 = arith.constant 0.949999988 : f32
        %min3A_639 = vector.broadcast %min3A_638 : f32 to vector<16xf32>
        %min3A_640 = arith.minimumf %abs3A_609, %min3A_639 : vector<16xf32>
        %mul3A_641 = arith.constant 1.000000e+01 : f32
        %mul3A_642 = vector.broadcast %mul3A_641 : f32 to vector<16xf32>
        %mul3A_643 = arith.mulf %min3A_640, %mul3A_642 : vector<16xf32>
        %convert_element_type3A_644 = arith.fptosi %mul3A_643 : vector<16xf32> to vector<16xi32>
        %min3A_645 = arith.constant 0.949999988 : f32
        %min3A_646 = vector.broadcast %min3A_645 : f32 to vector<16xf32>
        %min3A_647 = arith.minimumf %abs3A_611, %min3A_646 : vector<16xf32>
        %mul3A_648 = arith.constant 1.000000e+01 : f32
        %mul3A_649 = vector.broadcast %mul3A_648 : f32 to vector<16xf32>
        %mul3A_650 = arith.mulf %min3A_647, %mul3A_649 : vector<16xf32>
        %convert_element_type3A_651 = arith.fptosi %mul3A_650 : vector<16xf32> to vector<16xi32>
        %min3A_652 = arith.constant 0.949999988 : f32
        %min3A_653 = vector.broadcast %min3A_652 : f32 to vector<16xf32>
        %min3A_654 = arith.minimumf %abs3A_613, %min3A_653 : vector<16xf32>
        %mul3A_655 = arith.constant 1.000000e+01 : f32
        %mul3A_656 = vector.broadcast %mul3A_655 : f32 to vector<16xf32>
        %mul3A_657 = arith.mulf %min3A_654, %mul3A_656 : vector<16xf32>
        %convert_element_type3A_658 = arith.fptosi %mul3A_657 : vector<16xf32> to vector<16xi32>
        %min3A_659 = arith.constant 0.949999988 : f32
        %min3A_660 = vector.broadcast %min3A_659 : f32 to vector<16xf32>
        %min3A_661 = arith.minimumf %abs3A_615, %min3A_660 : vector<16xf32>
        %mul3A_662 = arith.constant 1.000000e+01 : f32
        %mul3A_663 = vector.broadcast %mul3A_662 : f32 to vector<16xf32>
        %mul3A_664 = arith.mulf %min3A_661, %mul3A_663 : vector<16xf32>
        %convert_element_type3A_665 = arith.fptosi %mul3A_664 : vector<16xf32> to vector<16xi32>
        %min3A_666 = arith.constant 0.949999988 : f32
        %min3A_667 = vector.broadcast %min3A_666 : f32 to vector<16xf32>
        %min3A_668 = arith.minimumf %abs3A_617, %min3A_667 : vector<16xf32>
        %mul3A_669 = arith.constant 1.000000e+01 : f32
        %mul3A_670 = vector.broadcast %mul3A_669 : f32 to vector<16xf32>
        %mul3A_671 = arith.mulf %min3A_668, %mul3A_670 : vector<16xf32>
        %convert_element_type3A_672 = arith.fptosi %mul3A_671 : vector<16xf32> to vector<16xi32>
        %mul3A_673 = arith.constant 16 : i32
        %mul3A_674 = vector.broadcast %mul3A_673 : i32 to vector<16xi32>
        %mul3A_675 = arith.muli %convert_element_type3A_623, %mul3A_674 : vector<16xi32>
        %add3A_676 = arith.addi %mul3A_675, %iota3A : vector<16xi32>
        %mul3A_677 = arith.constant 16 : i32
        %mul3A_678 = vector.broadcast %mul3A_677 : i32 to vector<16xi32>
        %mul3A_679 = arith.muli %convert_element_type3A_630, %mul3A_678 : vector<16xi32>
        %add3A_680 = arith.addi %mul3A_679, %iota3A : vector<16xi32>
        %mul3A_681 = arith.constant 16 : i32
        %mul3A_682 = vector.broadcast %mul3A_681 : i32 to vector<16xi32>
        %mul3A_683 = arith.muli %convert_element_type3A_637, %mul3A_682 : vector<16xi32>
        %add3A_684 = arith.addi %mul3A_683, %iota3A : vector<16xi32>
        %mul3A_685 = arith.constant 16 : i32
        %mul3A_686 = vector.broadcast %mul3A_685 : i32 to vector<16xi32>
        %mul3A_687 = arith.muli %convert_element_type3A_644, %mul3A_686 : vector<16xi32>
        %add3A_688 = arith.addi %mul3A_687, %iota3A : vector<16xi32>
        %mul3A_689 = arith.constant 16 : i32
        %mul3A_690 = vector.broadcast %mul3A_689 : i32 to vector<16xi32>
        %mul3A_691 = arith.muli %convert_element_type3A_651, %mul3A_690 : vector<16xi32>
        %add3A_692 = arith.addi %mul3A_691, %iota3A : vector<16xi32>
        %mul3A_693 = arith.constant 16 : i32
        %mul3A_694 = vector.broadcast %mul3A_693 : i32 to vector<16xi32>
        %mul3A_695 = arith.muli %convert_element_type3A_658, %mul3A_694 : vector<16xi32>
        %add3A_696 = arith.addi %mul3A_695, %iota3A : vector<16xi32>
        %mul3A_697 = arith.constant 16 : i32
        %mul3A_698 = vector.broadcast %mul3A_697 : i32 to vector<16xi32>
        %mul3A_699 = arith.muli %convert_element_type3A_665, %mul3A_698 : vector<16xi32>
        %add3A_700 = arith.addi %mul3A_699, %iota3A : vector<16xi32>
        %mul3A_701 = arith.constant 16 : i32
        %mul3A_702 = vector.broadcast %mul3A_701 : i32 to vector<16xi32>
        %mul3A_703 = arith.muli %convert_element_type3A_672, %mul3A_702 : vector<16xi32>
        %add3A_704 = arith.addi %mul3A_703, %iota3A : vector<16xi32>
        %lt3A_705 = arith.constant 1.00000095 : f32
        %lt3A_706 = vector.broadcast %lt3A_705 : f32 to vector<16xf32>
        %lt3A_707 = arith.cmpf olt, %abs3A_603, %lt3A_706 : vector<16xf32>
        %lt3A_708 = arith.constant 1.00000095 : f32
        %lt3A_709 = vector.broadcast %lt3A_708 : f32 to vector<16xf32>
        %lt3A_710 = arith.cmpf olt, %abs3A_605, %lt3A_709 : vector<16xf32>
        %lt3A_711 = arith.constant 1.00000095 : f32
        %lt3A_712 = vector.broadcast %lt3A_711 : f32 to vector<16xf32>
        %lt3A_713 = arith.cmpf olt, %abs3A_607, %lt3A_712 : vector<16xf32>
        %lt3A_714 = arith.constant 1.00000095 : f32
        %lt3A_715 = vector.broadcast %lt3A_714 : f32 to vector<16xf32>
        %lt3A_716 = arith.cmpf olt, %abs3A_609, %lt3A_715 : vector<16xf32>
        %lt3A_717 = arith.constant 1.00000095 : f32
        %lt3A_718 = vector.broadcast %lt3A_717 : f32 to vector<16xf32>
        %lt3A_719 = arith.cmpf olt, %abs3A_611, %lt3A_718 : vector<16xf32>
        %lt3A_720 = arith.constant 1.00000095 : f32
        %lt3A_721 = vector.broadcast %lt3A_720 : f32 to vector<16xf32>
        %lt3A_722 = arith.cmpf olt, %abs3A_613, %lt3A_721 : vector<16xf32>
        %lt3A_723 = arith.constant 1.00000095 : f32
        %lt3A_724 = vector.broadcast %lt3A_723 : f32 to vector<16xf32>
        %lt3A_725 = arith.cmpf olt, %abs3A_615, %lt3A_724 : vector<16xf32>
        %lt3A_726 = arith.constant 1.00000095 : f32
        %lt3A_727 = vector.broadcast %lt3A_726 : f32 to vector<16xf32>
        %lt3A_728 = arith.cmpf olt, %abs3A_617, %lt3A_727 : vector<16xf32>
        tpu.vector_store_idx %arg10[%add3A_676], %broadcast_in_dim3A_46 masked %lt3A_707 {add = true} : memref<160xf32, #tpu.memory_space<vmem>>[vector<16xi32>], vector<16xf32>, vector<16xi1>
        tpu.vector_store_idx %arg11[%add3A_676], %add3A_559 masked %lt3A_707 {add = true} : memref<160xf32, #tpu.memory_space<vmem>>[vector<16xi32>], vector<16xf32>, vector<16xi1>
        tpu.vector_store_idx %arg10[%add3A_680], %broadcast_in_dim3A_46 masked %lt3A_710 {add = true} : memref<160xf32, #tpu.memory_space<vmem>>[vector<16xi32>], vector<16xf32>, vector<16xi1>
        tpu.vector_store_idx %arg11[%add3A_680], %add3A_565 masked %lt3A_710 {add = true} : memref<160xf32, #tpu.memory_space<vmem>>[vector<16xi32>], vector<16xf32>, vector<16xi1>
        tpu.vector_store_idx %arg10[%add3A_684], %broadcast_in_dim3A_46 masked %lt3A_713 {add = true} : memref<160xf32, #tpu.memory_space<vmem>>[vector<16xi32>], vector<16xf32>, vector<16xi1>
        tpu.vector_store_idx %arg11[%add3A_684], %add3A_571 masked %lt3A_713 {add = true} : memref<160xf32, #tpu.memory_space<vmem>>[vector<16xi32>], vector<16xf32>, vector<16xi1>
        tpu.vector_store_idx %arg10[%add3A_688], %broadcast_in_dim3A_46 masked %lt3A_716 {add = true} : memref<160xf32, #tpu.memory_space<vmem>>[vector<16xi32>], vector<16xf32>, vector<16xi1>
        tpu.vector_store_idx %arg11[%add3A_688], %add3A_577 masked %lt3A_716 {add = true} : memref<160xf32, #tpu.memory_space<vmem>>[vector<16xi32>], vector<16xf32>, vector<16xi1>
        tpu.vector_store_idx %arg10[%add3A_692], %broadcast_in_dim3A_46 masked %lt3A_719 {add = true} : memref<160xf32, #tpu.memory_space<vmem>>[vector<16xi32>], vector<16xf32>, vector<16xi1>
        tpu.vector_store_idx %arg11[%add3A_692], %add3A_583 masked %lt3A_719 {add = true} : memref<160xf32, #tpu.memory_space<vmem>>[vector<16xi32>], vector<16xf32>, vector<16xi1>
        tpu.vector_store_idx %arg10[%add3A_696], %broadcast_in_dim3A_46 masked %lt3A_722 {add = true} : memref<160xf32, #tpu.memory_space<vmem>>[vector<16xi32>], vector<16xf32>, vector<16xi1>
        tpu.vector_store_idx %arg11[%add3A_696], %add3A_589 masked %lt3A_722 {add = true} : memref<160xf32, #tpu.memory_space<vmem>>[vector<16xi32>], vector<16xf32>, vector<16xi1>
        tpu.vector_store_idx %arg10[%add3A_700], %broadcast_in_dim3A_46 masked %lt3A_725 {add = true} : memref<160xf32, #tpu.memory_space<vmem>>[vector<16xi32>], vector<16xf32>, vector<16xi1>
        tpu.vector_store_idx %arg11[%add3A_700], %add3A_595 masked %lt3A_725 {add = true} : memref<160xf32, #tpu.memory_space<vmem>>[vector<16xi32>], vector<16xf32>, vector<16xi1>
        tpu.vector_store_idx %arg10[%add3A_704], %broadcast_in_dim3A_46 masked %lt3A_728 {add = true} : memref<160xf32, #tpu.memory_space<vmem>>[vector<16xi32>], vector<16xf32>, vector<16xi1>
        tpu.vector_store_idx %arg11[%add3A_704], %add3A_601 masked %lt3A_728 {add = true} : memref<160xf32, #tpu.memory_space<vmem>>[vector<16xi32>], vector<16xf32>, vector<16xi1>
      }
      %scan3A_270 = arith.constant 125 : i32
      %add3A_271 = arith.constant 0 : i32
      %add3A_272 = arith.addi %mul3A_257, %add3A_271 : i32
      %add3A_273 = arith.constant 2 : i32
      %add3A_274 = arith.addi %add3A_272, %add3A_273 : i32
      %lt3A = arith.constant 6 : i32
      %lt3A_275 = arith.cmpi slt, %add3A_274, %lt3A : i32
      %convert_element_type3A = arith.extui %lt3A_275 : i1 to i32
      %cond3A = arith.constant 0 : i32
      %cond3A_276 = arith.cmpi ne, %convert_element_type3A, %cond3A : i32
      scf.if %cond3A_276 {
        %mul3A_300 = arith.constant 16000 : i32
        %mul3A_301 = arith.muli %add3A_274, %mul3A_300 : i32
        %add3A_302 = arith.addi %add3A_4, %mul3A_301 : i32
        %dma_start3A_303 = tpu.memref_slice %arg2[%add3A_302] : memref<16384000xf32, #tpu.memory_space<hbm>> -> memref<16000xf32, #tpu.memory_space<hbm>>
        %dma_start3A_304 = tpu.memref_slice %arg2[%add3A_302] : memref<16384000xf32, #tpu.memory_space<hbm>> -> memref<16000xf32, #tpu.memory_space<hbm>>
        tpu.enqueue_dma source(%dma_start3A_304 : memref<16000xf32, #tpu.memory_space<hbm>>) target(%arg6 : memref<16000xf32, #tpu.memory_space<vmem>>) target_semaphore(%arg12 : memref<!tpu.dma_semaphore, #tpu.memory_space<semaphore_mem>>)
        %dma_start3A_305 = tpu.memref_slice %arg3[%add3A_302] : memref<16384000xf32, #tpu.memory_space<hbm>> -> memref<16000xf32, #tpu.memory_space<hbm>>
        %dma_start3A_306 = tpu.memref_slice %arg3[%add3A_302] : memref<16384000xf32, #tpu.memory_space<hbm>> -> memref<16000xf32, #tpu.memory_space<hbm>>
        tpu.enqueue_dma source(%dma_start3A_306 : memref<16000xf32, #tpu.memory_space<hbm>>) target(%arg8 : memref<16000xf32, #tpu.memory_space<vmem>>) target_semaphore(%arg12 : memref<!tpu.dma_semaphore, #tpu.memory_space<semaphore_mem>>)
      } else {
      }
      %dma_wait3A_277 = arith.constant 0 : i32
      %dma_wait3A_278 = tpu.memref_slice %arg2[%dma_wait3A_277] : memref<16384000xf32, #tpu.memory_space<hbm>> -> memref<16000xf32, #tpu.memory_space<hbm>>
      %dma_wait3A_279 = arith.constant 0 : i32
      %dma_wait3A_280 = tpu.memref_slice %arg2[%dma_wait3A_279] : memref<16384000xf32, #tpu.memory_space<hbm>> -> memref<16000xf32, #tpu.memory_space<hbm>>
      tpu.wait_dma2 semaphore(%arg13 : memref<!tpu.dma_semaphore, #tpu.memory_space<semaphore_mem>>) src(%dma_wait3A_280 : memref<16000xf32, #tpu.memory_space<hbm>>) dst(%arg7 : memref<16000xf32, #tpu.memory_space<vmem>>)
      %dma_wait3A_281 = arith.constant 0 : i32
      %dma_wait3A_282 = tpu.memref_slice %arg3[%dma_wait3A_281] : memref<16384000xf32, #tpu.memory_space<hbm>> -> memref<16000xf32, #tpu.memory_space<hbm>>
      %dma_wait3A_283 = arith.constant 0 : i32
      %dma_wait3A_284 = tpu.memref_slice %arg3[%dma_wait3A_283] : memref<16384000xf32, #tpu.memory_space<hbm>> -> memref<16000xf32, #tpu.memory_space<hbm>>
      tpu.wait_dma2 semaphore(%arg13 : memref<!tpu.dma_semaphore, #tpu.memory_space<semaphore_mem>>) src(%dma_wait3A_284 : memref<16000xf32, #tpu.memory_space<hbm>>) dst(%arg9 : memref<16000xf32, #tpu.memory_space<vmem>>)
      %scan3A_285 = arith.constant 0 : i32
      %scan3A_286 = arith.constant 0 : i32
      %scan3A_287 = arith.constant 125 : i32
      %scan3A_288 = arith.addi %scan3A_286, %scan3A_287 : i32
      %scan3A_289 = arith.constant 1 : i32
      scf.for %scan3A_300 = %scan3A_286 to %scan3A_288 step %scan3A_289  : i32 {
        %mul3A_301 = arith.constant 128 : i32
        %mul3A_302 = arith.muli %scan3A_300, %mul3A_301 : i32
        %add3A_303 = arith.constant 0 : i32
        %add3A_304 = arith.addi %mul3A_302, %add3A_303 : i32
        %get3A_305 = arith.index_cast %add3A_304 : i32 to index
        %get3A_306 = tpu.vector_load %arg7[%get3A_305] {strides = array<i32>} : memref<16000xf32, #tpu.memory_space<vmem>>, vector<16xf32>,
        %add3A_307 = arith.constant 16 : i32
        %add3A_308 = arith.addi %mul3A_302, %add3A_307 : i32
        %get3A_309 = arith.index_cast %add3A_308 : i32 to index
        %get3A_310 = tpu.vector_load %arg7[%get3A_309] {strides = array<i32>} : memref<16000xf32, #tpu.memory_space<vmem>>, vector<16xf32>,
        %add3A_311 = arith.constant 32 : i32
        %add3A_312 = arith.addi %mul3A_302, %add3A_311 : i32
        %get3A_313 = arith.index_cast %add3A_312 : i32 to index
        %get3A_314 = tpu.vector_load %arg7[%get3A_313] {strides = array<i32>} : memref<16000xf32, #tpu.memory_space<vmem>>, vector<16xf32>,
        %add3A_315 = arith.constant 48 : i32
        %add3A_316 = arith.addi %mul3A_302, %add3A_315 : i32
        %get3A_317 = arith.index_cast %add3A_316 : i32 to index
        %get3A_318 = tpu.vector_load %arg7[%get3A_317] {strides = array<i32>} : memref<16000xf32, #tpu.memory_space<vmem>>, vector<16xf32>,
        %add3A_319 = arith.constant 64 : i32
        %add3A_320 = arith.addi %mul3A_302, %add3A_319 : i32
        %get3A_321 = arith.index_cast %add3A_320 : i32 to index
        %get3A_322 = tpu.vector_load %arg7[%get3A_321] {strides = array<i32>} : memref<16000xf32, #tpu.memory_space<vmem>>, vector<16xf32>,
        %add3A_323 = arith.constant 80 : i32
        %add3A_324 = arith.addi %mul3A_302, %add3A_323 : i32
        %get3A_325 = arith.index_cast %add3A_324 : i32 to index
        %get3A_326 = tpu.vector_load %arg7[%get3A_325] {strides = array<i32>} : memref<16000xf32, #tpu.memory_space<vmem>>, vector<16xf32>,
        %add3A_327 = arith.constant 96 : i32
        %add3A_328 = arith.addi %mul3A_302, %add3A_327 : i32
        %get3A_329 = arith.index_cast %add3A_328 : i32 to index
        %get3A_330 = tpu.vector_load %arg7[%get3A_329] {strides = array<i32>} : memref<16000xf32, #tpu.memory_space<vmem>>, vector<16xf32>,
        %add3A_331 = arith.constant 112 : i32
        %add3A_332 = arith.addi %mul3A_302, %add3A_331 : i32
        %get3A_333 = arith.index_cast %add3A_332 : i32 to index
        %get3A_334 = tpu.vector_load %arg7[%get3A_333] {strides = array<i32>} : memref<16000xf32, #tpu.memory_space<vmem>>, vector<16xf32>,
        %add3A_335 = arith.constant 0 : i32
        %add3A_336 = arith.addi %mul3A_302, %add3A_335 : i32
        %get3A_337 = arith.index_cast %add3A_336 : i32 to index
        %get3A_338 = tpu.vector_load %arg9[%get3A_337] {strides = array<i32>} : memref<16000xf32, #tpu.memory_space<vmem>>, vector<16xf32>,
        %add3A_339 = arith.constant 16 : i32
        %add3A_340 = arith.addi %mul3A_302, %add3A_339 : i32
        %get3A_341 = arith.index_cast %add3A_340 : i32 to index
        %get3A_342 = tpu.vector_load %arg9[%get3A_341] {strides = array<i32>} : memref<16000xf32, #tpu.memory_space<vmem>>, vector<16xf32>,
        %add3A_343 = arith.constant 32 : i32
        %add3A_344 = arith.addi %mul3A_302, %add3A_343 : i32
        %get3A_345 = arith.index_cast %add3A_344 : i32 to index
        %get3A_346 = tpu.vector_load %arg9[%get3A_345] {strides = array<i32>} : memref<16000xf32, #tpu.memory_space<vmem>>, vector<16xf32>,
        %add3A_347 = arith.constant 48 : i32
        %add3A_348 = arith.addi %mul3A_302, %add3A_347 : i32
        %get3A_349 = arith.index_cast %add3A_348 : i32 to index
        %get3A_350 = tpu.vector_load %arg9[%get3A_349] {strides = array<i32>} : memref<16000xf32, #tpu.memory_space<vmem>>, vector<16xf32>,
        %add3A_351 = arith.constant 64 : i32
        %add3A_352 = arith.addi %mul3A_302, %add3A_351 : i32
        %get3A_353 = arith.index_cast %add3A_352 : i32 to index
        %get3A_354 = tpu.vector_load %arg9[%get3A_353] {strides = array<i32>} : memref<16000xf32, #tpu.memory_space<vmem>>, vector<16xf32>,
        %add3A_355 = arith.constant 80 : i32
        %add3A_356 = arith.addi %mul3A_302, %add3A_355 : i32
        %get3A_357 = arith.index_cast %add3A_356 : i32 to index
        %get3A_358 = tpu.vector_load %arg9[%get3A_357] {strides = array<i32>} : memref<16000xf32, #tpu.memory_space<vmem>>, vector<16xf32>,
        %add3A_359 = arith.constant 96 : i32
        %add3A_360 = arith.addi %mul3A_302, %add3A_359 : i32
        %get3A_361 = arith.index_cast %add3A_360 : i32 to index
        %get3A_362 = tpu.vector_load %arg9[%get3A_361] {strides = array<i32>} : memref<16000xf32, #tpu.memory_space<vmem>>, vector<16xf32>,
        %add3A_363 = arith.constant 112 : i32
        %add3A_364 = arith.addi %mul3A_302, %add3A_363 : i32
        %get3A_365 = arith.index_cast %add3A_364 : i32 to index
        %get3A_366 = tpu.vector_load %arg9[%get3A_365] {strides = array<i32>} : memref<16000xf32, #tpu.memory_space<vmem>>, vector<16xf32>,
        %abs3A = math.absf %get3A_306 : vector<16xf32>
        %neg3A = arith.constant 0.000000e+00 : f32
        %neg3A_367 = vector.broadcast %neg3A : f32 to vector<16xf32>
        %neg3A_368 = arith.subf %neg3A_367, %abs3A : vector<16xf32>
        %exp3A = math.exp %neg3A_368 : vector<16xf32>
        %abs3A_369 = math.absf %get3A_310 : vector<16xf32>
        %neg3A_370 = arith.constant 0.000000e+00 : f32
        %neg3A_371 = vector.broadcast %neg3A_370 : f32 to vector<16xf32>
        %neg3A_372 = arith.subf %neg3A_371, %abs3A_369 : vector<16xf32>
        %exp3A_373 = math.exp %neg3A_372 : vector<16xf32>
        %abs3A_374 = math.absf %get3A_314 : vector<16xf32>
        %neg3A_375 = arith.constant 0.000000e+00 : f32
        %neg3A_376 = vector.broadcast %neg3A_375 : f32 to vector<16xf32>
        %neg3A_377 = arith.subf %neg3A_376, %abs3A_374 : vector<16xf32>
        %exp3A_378 = math.exp %neg3A_377 : vector<16xf32>
        %abs3A_379 = math.absf %get3A_318 : vector<16xf32>
        %neg3A_380 = arith.constant 0.000000e+00 : f32
        %neg3A_381 = vector.broadcast %neg3A_380 : f32 to vector<16xf32>
        %neg3A_382 = arith.subf %neg3A_381, %abs3A_379 : vector<16xf32>
        %exp3A_383 = math.exp %neg3A_382 : vector<16xf32>
        %abs3A_384 = math.absf %get3A_322 : vector<16xf32>
        %neg3A_385 = arith.constant 0.000000e+00 : f32
        %neg3A_386 = vector.broadcast %neg3A_385 : f32 to vector<16xf32>
        %neg3A_387 = arith.subf %neg3A_386, %abs3A_384 : vector<16xf32>
        %exp3A_388 = math.exp %neg3A_387 : vector<16xf32>
        %abs3A_389 = math.absf %get3A_326 : vector<16xf32>
        %neg3A_390 = arith.constant 0.000000e+00 : f32
        %neg3A_391 = vector.broadcast %neg3A_390 : f32 to vector<16xf32>
        %neg3A_392 = arith.subf %neg3A_391, %abs3A_389 : vector<16xf32>
        %exp3A_393 = math.exp %neg3A_392 : vector<16xf32>
        %abs3A_394 = math.absf %get3A_330 : vector<16xf32>
        %neg3A_395 = arith.constant 0.000000e+00 : f32
        %neg3A_396 = vector.broadcast %neg3A_395 : f32 to vector<16xf32>
        %neg3A_397 = arith.subf %neg3A_396, %abs3A_394 : vector<16xf32>
        %exp3A_398 = math.exp %neg3A_397 : vector<16xf32>
        %abs3A_399 = math.absf %get3A_334 : vector<16xf32>
        %neg3A_400 = arith.constant 0.000000e+00 : f32
        %neg3A_401 = vector.broadcast %neg3A_400 : f32 to vector<16xf32>
        %neg3A_402 = arith.subf %neg3A_401, %abs3A_399 : vector<16xf32>
        %exp3A_403 = math.exp %neg3A_402 : vector<16xf32>
        %mul3A_404 = arith.mulf %exp3A, %exp3A : vector<16xf32>
        %mul3A_405 = arith.constant 0.996261954 : f32
        %mul3A_406 = vector.broadcast %mul3A_405 : f32 to vector<16xf32>
        %mul3A_407 = arith.mulf %mul3A_406, %exp3A : vector<16xf32>
        %add3A_408 = arith.constant 6.94457412E-5 : f32
        %add3A_409 = vector.broadcast %add3A_408 : f32 to vector<16xf32>
        %add3A_410 = arith.addf %add3A_409, %mul3A_407 : vector<16xf32>
        %mul3A_411 = arith.constant 0.218665481 : f32
        %mul3A_412 = vector.broadcast %mul3A_411 : f32 to vector<16xf32>
        %mul3A_413 = arith.mulf %mul3A_412, %exp3A : vector<16xf32>
        %add3A_414 = arith.constant -0.466442436 : f32
        %add3A_415 = vector.broadcast %add3A_414 : f32 to vector<16xf32>
        %add3A_416 = arith.addf %add3A_415, %mul3A_413 : vector<16xf32>
        %mul3A_417 = arith.constant -0.0554593131 : f32
        %mul3A_418 = vector.broadcast %mul3A_417 : f32 to vector<16xf32>
        %mul3A_419 = arith.mulf %mul3A_418, %mul3A_404 : vector<16xf32>
        %add3A_420 = arith.addf %add3A_416, %mul3A_419 : vector<16xf32>
        %mul3A_421 = arith.mulf %mul3A_404, %add3A_420 : vector<16xf32>
        %add3A_422 = arith.addf %add3A_410, %mul3A_421 : vector<16xf32>
        %mul3A_423 = arith.mulf %exp3A_373, %exp3A_373 : vector<16xf32>
        %mul3A_424 = arith.constant 0.996261954 : f32
        %mul3A_425 = vector.broadcast %mul3A_424 : f32 to vector<16xf32>
        %mul3A_426 = arith.mulf %mul3A_425, %exp3A_373 : vector<16xf32>
        %add3A_427 = arith.constant 6.94457412E-5 : f32
        %add3A_428 = vector.broadcast %add3A_427 : f32 to vector<16xf32>
        %add3A_429 = arith.addf %add3A_428, %mul3A_426 : vector<16xf32>
        %mul3A_430 = arith.constant 0.218665481 : f32
        %mul3A_431 = vector.broadcast %mul3A_430 : f32 to vector<16xf32>
        %mul3A_432 = arith.mulf %mul3A_431, %exp3A_373 : vector<16xf32>
        %add3A_433 = arith.constant -0.466442436 : f32
        %add3A_434 = vector.broadcast %add3A_433 : f32 to vector<16xf32>
        %add3A_435 = arith.addf %add3A_434, %mul3A_432 : vector<16xf32>
        %mul3A_436 = arith.constant -0.0554593131 : f32
        %mul3A_437 = vector.broadcast %mul3A_436 : f32 to vector<16xf32>
        %mul3A_438 = arith.mulf %mul3A_437, %mul3A_423 : vector<16xf32>
        %add3A_439 = arith.addf %add3A_435, %mul3A_438 : vector<16xf32>
        %mul3A_440 = arith.mulf %mul3A_423, %add3A_439 : vector<16xf32>
        %add3A_441 = arith.addf %add3A_429, %mul3A_440 : vector<16xf32>
        %mul3A_442 = arith.mulf %exp3A_378, %exp3A_378 : vector<16xf32>
        %mul3A_443 = arith.constant 0.996261954 : f32
        %mul3A_444 = vector.broadcast %mul3A_443 : f32 to vector<16xf32>
        %mul3A_445 = arith.mulf %mul3A_444, %exp3A_378 : vector<16xf32>
        %add3A_446 = arith.constant 6.94457412E-5 : f32
        %add3A_447 = vector.broadcast %add3A_446 : f32 to vector<16xf32>
        %add3A_448 = arith.addf %add3A_447, %mul3A_445 : vector<16xf32>
        %mul3A_449 = arith.constant 0.218665481 : f32
        %mul3A_450 = vector.broadcast %mul3A_449 : f32 to vector<16xf32>
        %mul3A_451 = arith.mulf %mul3A_450, %exp3A_378 : vector<16xf32>
        %add3A_452 = arith.constant -0.466442436 : f32
        %add3A_453 = vector.broadcast %add3A_452 : f32 to vector<16xf32>
        %add3A_454 = arith.addf %add3A_453, %mul3A_451 : vector<16xf32>
        %mul3A_455 = arith.constant -0.0554593131 : f32
        %mul3A_456 = vector.broadcast %mul3A_455 : f32 to vector<16xf32>
        %mul3A_457 = arith.mulf %mul3A_456, %mul3A_442 : vector<16xf32>
        %add3A_458 = arith.addf %add3A_454, %mul3A_457 : vector<16xf32>
        %mul3A_459 = arith.mulf %mul3A_442, %add3A_458 : vector<16xf32>
        %add3A_460 = arith.addf %add3A_448, %mul3A_459 : vector<16xf32>
        %mul3A_461 = arith.mulf %exp3A_383, %exp3A_383 : vector<16xf32>
        %mul3A_462 = arith.constant 0.996261954 : f32
        %mul3A_463 = vector.broadcast %mul3A_462 : f32 to vector<16xf32>
        %mul3A_464 = arith.mulf %mul3A_463, %exp3A_383 : vector<16xf32>
        %add3A_465 = arith.constant 6.94457412E-5 : f32
        %add3A_466 = vector.broadcast %add3A_465 : f32 to vector<16xf32>
        %add3A_467 = arith.addf %add3A_466, %mul3A_464 : vector<16xf32>
        %mul3A_468 = arith.constant 0.218665481 : f32
        %mul3A_469 = vector.broadcast %mul3A_468 : f32 to vector<16xf32>
        %mul3A_470 = arith.mulf %mul3A_469, %exp3A_383 : vector<16xf32>
        %add3A_471 = arith.constant -0.466442436 : f32
        %add3A_472 = vector.broadcast %add3A_471 : f32 to vector<16xf32>
        %add3A_473 = arith.addf %add3A_472, %mul3A_470 : vector<16xf32>
        %mul3A_474 = arith.constant -0.0554593131 : f32
        %mul3A_475 = vector.broadcast %mul3A_474 : f32 to vector<16xf32>
        %mul3A_476 = arith.mulf %mul3A_475, %mul3A_461 : vector<16xf32>
        %add3A_477 = arith.addf %add3A_473, %mul3A_476 : vector<16xf32>
        %mul3A_478 = arith.mulf %mul3A_461, %add3A_477 : vector<16xf32>
        %add3A_479 = arith.addf %add3A_467, %mul3A_478 : vector<16xf32>
        %mul3A_480 = arith.mulf %exp3A_388, %exp3A_388 : vector<16xf32>
        %mul3A_481 = arith.constant 0.996261954 : f32
        %mul3A_482 = vector.broadcast %mul3A_481 : f32 to vector<16xf32>
        %mul3A_483 = arith.mulf %mul3A_482, %exp3A_388 : vector<16xf32>
        %add3A_484 = arith.constant 6.94457412E-5 : f32
        %add3A_485 = vector.broadcast %add3A_484 : f32 to vector<16xf32>
        %add3A_486 = arith.addf %add3A_485, %mul3A_483 : vector<16xf32>
        %mul3A_487 = arith.constant 0.218665481 : f32
        %mul3A_488 = vector.broadcast %mul3A_487 : f32 to vector<16xf32>
        %mul3A_489 = arith.mulf %mul3A_488, %exp3A_388 : vector<16xf32>
        %add3A_490 = arith.constant -0.466442436 : f32
        %add3A_491 = vector.broadcast %add3A_490 : f32 to vector<16xf32>
        %add3A_492 = arith.addf %add3A_491, %mul3A_489 : vector<16xf32>
        %mul3A_493 = arith.constant -0.0554593131 : f32
        %mul3A_494 = vector.broadcast %mul3A_493 : f32 to vector<16xf32>
        %mul3A_495 = arith.mulf %mul3A_494, %mul3A_480 : vector<16xf32>
        %add3A_496 = arith.addf %add3A_492, %mul3A_495 : vector<16xf32>
        %mul3A_497 = arith.mulf %mul3A_480, %add3A_496 : vector<16xf32>
        %add3A_498 = arith.addf %add3A_486, %mul3A_497 : vector<16xf32>
        %mul3A_499 = arith.mulf %exp3A_393, %exp3A_393 : vector<16xf32>
        %mul3A_500 = arith.constant 0.996261954 : f32
        %mul3A_501 = vector.broadcast %mul3A_500 : f32 to vector<16xf32>
        %mul3A_502 = arith.mulf %mul3A_501, %exp3A_393 : vector<16xf32>
        %add3A_503 = arith.constant 6.94457412E-5 : f32
        %add3A_504 = vector.broadcast %add3A_503 : f32 to vector<16xf32>
        %add3A_505 = arith.addf %add3A_504, %mul3A_502 : vector<16xf32>
        %mul3A_506 = arith.constant 0.218665481 : f32
        %mul3A_507 = vector.broadcast %mul3A_506 : f32 to vector<16xf32>
        %mul3A_508 = arith.mulf %mul3A_507, %exp3A_393 : vector<16xf32>
        %add3A_509 = arith.constant -0.466442436 : f32
        %add3A_510 = vector.broadcast %add3A_509 : f32 to vector<16xf32>
        %add3A_511 = arith.addf %add3A_510, %mul3A_508 : vector<16xf32>
        %mul3A_512 = arith.constant -0.0554593131 : f32
        %mul3A_513 = vector.broadcast %mul3A_512 : f32 to vector<16xf32>
        %mul3A_514 = arith.mulf %mul3A_513, %mul3A_499 : vector<16xf32>
        %add3A_515 = arith.addf %add3A_511, %mul3A_514 : vector<16xf32>
        %mul3A_516 = arith.mulf %mul3A_499, %add3A_515 : vector<16xf32>
        %add3A_517 = arith.addf %add3A_505, %mul3A_516 : vector<16xf32>
        %mul3A_518 = arith.mulf %exp3A_398, %exp3A_398 : vector<16xf32>
        %mul3A_519 = arith.constant 0.996261954 : f32
        %mul3A_520 = vector.broadcast %mul3A_519 : f32 to vector<16xf32>
        %mul3A_521 = arith.mulf %mul3A_520, %exp3A_398 : vector<16xf32>
        %add3A_522 = arith.constant 6.94457412E-5 : f32
        %add3A_523 = vector.broadcast %add3A_522 : f32 to vector<16xf32>
        %add3A_524 = arith.addf %add3A_523, %mul3A_521 : vector<16xf32>
        %mul3A_525 = arith.constant 0.218665481 : f32
        %mul3A_526 = vector.broadcast %mul3A_525 : f32 to vector<16xf32>
        %mul3A_527 = arith.mulf %mul3A_526, %exp3A_398 : vector<16xf32>
        %add3A_528 = arith.constant -0.466442436 : f32
        %add3A_529 = vector.broadcast %add3A_528 : f32 to vector<16xf32>
        %add3A_530 = arith.addf %add3A_529, %mul3A_527 : vector<16xf32>
        %mul3A_531 = arith.constant -0.0554593131 : f32
        %mul3A_532 = vector.broadcast %mul3A_531 : f32 to vector<16xf32>
        %mul3A_533 = arith.mulf %mul3A_532, %mul3A_518 : vector<16xf32>
        %add3A_534 = arith.addf %add3A_530, %mul3A_533 : vector<16xf32>
        %mul3A_535 = arith.mulf %mul3A_518, %add3A_534 : vector<16xf32>
        %add3A_536 = arith.addf %add3A_524, %mul3A_535 : vector<16xf32>
        %mul3A_537 = arith.mulf %exp3A_403, %exp3A_403 : vector<16xf32>
        %mul3A_538 = arith.constant 0.996261954 : f32
        %mul3A_539 = vector.broadcast %mul3A_538 : f32 to vector<16xf32>
        %mul3A_540 = arith.mulf %mul3A_539, %exp3A_403 : vector<16xf32>
        %add3A_541 = arith.constant 6.94457412E-5 : f32
        %add3A_542 = vector.broadcast %add3A_541 : f32 to vector<16xf32>
        %add3A_543 = arith.addf %add3A_542, %mul3A_540 : vector<16xf32>
        %mul3A_544 = arith.constant 0.218665481 : f32
        %mul3A_545 = vector.broadcast %mul3A_544 : f32 to vector<16xf32>
        %mul3A_546 = arith.mulf %mul3A_545, %exp3A_403 : vector<16xf32>
        %add3A_547 = arith.constant -0.466442436 : f32
        %add3A_548 = vector.broadcast %add3A_547 : f32 to vector<16xf32>
        %add3A_549 = arith.addf %add3A_548, %mul3A_546 : vector<16xf32>
        %mul3A_550 = arith.constant -0.0554593131 : f32
        %mul3A_551 = vector.broadcast %mul3A_550 : f32 to vector<16xf32>
        %mul3A_552 = arith.mulf %mul3A_551, %mul3A_537 : vector<16xf32>
        %add3A_553 = arith.addf %add3A_549, %mul3A_552 : vector<16xf32>
        %mul3A_554 = arith.mulf %mul3A_537, %add3A_553 : vector<16xf32>
        %add3A_555 = arith.addf %add3A_543, %mul3A_554 : vector<16xf32>
        %max3A = arith.constant 0.000000e+00 : f32
        %max3A_556 = vector.broadcast %max3A : f32 to vector<16xf32>
        %max3A_557 = arith.maximumf %get3A_306, %max3A_556 : vector<16xf32>
        %mul3A_558 = arith.mulf %get3A_306, %get3A_338 : vector<16xf32>
        %sub3A = arith.subf %max3A_557, %mul3A_558 : vector<16xf32>
        %add3A_559 = arith.addf %sub3A, %add3A_422 : vector<16xf32>
        %max3A_560 = arith.constant 0.000000e+00 : f32
        %max3A_561 = vector.broadcast %max3A_560 : f32 to vector<16xf32>
        %max3A_562 = arith.maximumf %get3A_310, %max3A_561 : vector<16xf32>
        %mul3A_563 = arith.mulf %get3A_310, %get3A_342 : vector<16xf32>
        %sub3A_564 = arith.subf %max3A_562, %mul3A_563 : vector<16xf32>
        %add3A_565 = arith.addf %sub3A_564, %add3A_441 : vector<16xf32>
        %max3A_566 = arith.constant 0.000000e+00 : f32
        %max3A_567 = vector.broadcast %max3A_566 : f32 to vector<16xf32>
        %max3A_568 = arith.maximumf %get3A_314, %max3A_567 : vector<16xf32>
        %mul3A_569 = arith.mulf %get3A_314, %get3A_346 : vector<16xf32>
        %sub3A_570 = arith.subf %max3A_568, %mul3A_569 : vector<16xf32>
        %add3A_571 = arith.addf %sub3A_570, %add3A_460 : vector<16xf32>
        %max3A_572 = arith.constant 0.000000e+00 : f32
        %max3A_573 = vector.broadcast %max3A_572 : f32 to vector<16xf32>
        %max3A_574 = arith.maximumf %get3A_318, %max3A_573 : vector<16xf32>
        %mul3A_575 = arith.mulf %get3A_318, %get3A_350 : vector<16xf32>
        %sub3A_576 = arith.subf %max3A_574, %mul3A_575 : vector<16xf32>
        %add3A_577 = arith.addf %sub3A_576, %add3A_479 : vector<16xf32>
        %max3A_578 = arith.constant 0.000000e+00 : f32
        %max3A_579 = vector.broadcast %max3A_578 : f32 to vector<16xf32>
        %max3A_580 = arith.maximumf %get3A_322, %max3A_579 : vector<16xf32>
        %mul3A_581 = arith.mulf %get3A_322, %get3A_354 : vector<16xf32>
        %sub3A_582 = arith.subf %max3A_580, %mul3A_581 : vector<16xf32>
        %add3A_583 = arith.addf %sub3A_582, %add3A_498 : vector<16xf32>
        %max3A_584 = arith.constant 0.000000e+00 : f32
        %max3A_585 = vector.broadcast %max3A_584 : f32 to vector<16xf32>
        %max3A_586 = arith.maximumf %get3A_326, %max3A_585 : vector<16xf32>
        %mul3A_587 = arith.mulf %get3A_326, %get3A_358 : vector<16xf32>
        %sub3A_588 = arith.subf %max3A_586, %mul3A_587 : vector<16xf32>
        %add3A_589 = arith.addf %sub3A_588, %add3A_517 : vector<16xf32>
        %max3A_590 = arith.constant 0.000000e+00 : f32
        %max3A_591 = vector.broadcast %max3A_590 : f32 to vector<16xf32>
        %max3A_592 = arith.maximumf %get3A_330, %max3A_591 : vector<16xf32>
        %mul3A_593 = arith.mulf %get3A_330, %get3A_362 : vector<16xf32>
        %sub3A_594 = arith.subf %max3A_592, %mul3A_593 : vector<16xf32>
        %add3A_595 = arith.addf %sub3A_594, %add3A_536 : vector<16xf32>
        %max3A_596 = arith.constant 0.000000e+00 : f32
        %max3A_597 = vector.broadcast %max3A_596 : f32 to vector<16xf32>
        %max3A_598 = arith.maximumf %get3A_334, %max3A_597 : vector<16xf32>
        %mul3A_599 = arith.mulf %get3A_334, %get3A_366 : vector<16xf32>
        %sub3A_600 = arith.subf %max3A_598, %mul3A_599 : vector<16xf32>
        %add3A_601 = arith.addf %sub3A_600, %add3A_555 : vector<16xf32>
        %sub3A_602 = arith.subf %get3A_306, %get3A_338 : vector<16xf32>
        %abs3A_603 = math.absf %sub3A_602 : vector<16xf32>
        %sub3A_604 = arith.subf %get3A_310, %get3A_342 : vector<16xf32>
        %abs3A_605 = math.absf %sub3A_604 : vector<16xf32>
        %sub3A_606 = arith.subf %get3A_314, %get3A_346 : vector<16xf32>
        %abs3A_607 = math.absf %sub3A_606 : vector<16xf32>
        %sub3A_608 = arith.subf %get3A_318, %get3A_350 : vector<16xf32>
        %abs3A_609 = math.absf %sub3A_608 : vector<16xf32>
        %sub3A_610 = arith.subf %get3A_322, %get3A_354 : vector<16xf32>
        %abs3A_611 = math.absf %sub3A_610 : vector<16xf32>
        %sub3A_612 = arith.subf %get3A_326, %get3A_358 : vector<16xf32>
        %abs3A_613 = math.absf %sub3A_612 : vector<16xf32>
        %sub3A_614 = arith.subf %get3A_330, %get3A_362 : vector<16xf32>
        %abs3A_615 = math.absf %sub3A_614 : vector<16xf32>
        %sub3A_616 = arith.subf %get3A_334, %get3A_366 : vector<16xf32>
        %abs3A_617 = math.absf %sub3A_616 : vector<16xf32>
        %min3A = arith.constant 0.949999988 : f32
        %min3A_618 = vector.broadcast %min3A : f32 to vector<16xf32>
        %min3A_619 = arith.minimumf %abs3A_603, %min3A_618 : vector<16xf32>
        %mul3A_620 = arith.constant 1.000000e+01 : f32
        %mul3A_621 = vector.broadcast %mul3A_620 : f32 to vector<16xf32>
        %mul3A_622 = arith.mulf %min3A_619, %mul3A_621 : vector<16xf32>
        %convert_element_type3A_623 = arith.fptosi %mul3A_622 : vector<16xf32> to vector<16xi32>
        %min3A_624 = arith.constant 0.949999988 : f32
        %min3A_625 = vector.broadcast %min3A_624 : f32 to vector<16xf32>
        %min3A_626 = arith.minimumf %abs3A_605, %min3A_625 : vector<16xf32>
        %mul3A_627 = arith.constant 1.000000e+01 : f32
        %mul3A_628 = vector.broadcast %mul3A_627 : f32 to vector<16xf32>
        %mul3A_629 = arith.mulf %min3A_626, %mul3A_628 : vector<16xf32>
        %convert_element_type3A_630 = arith.fptosi %mul3A_629 : vector<16xf32> to vector<16xi32>
        %min3A_631 = arith.constant 0.949999988 : f32
        %min3A_632 = vector.broadcast %min3A_631 : f32 to vector<16xf32>
        %min3A_633 = arith.minimumf %abs3A_607, %min3A_632 : vector<16xf32>
        %mul3A_634 = arith.constant 1.000000e+01 : f32
        %mul3A_635 = vector.broadcast %mul3A_634 : f32 to vector<16xf32>
        %mul3A_636 = arith.mulf %min3A_633, %mul3A_635 : vector<16xf32>
        %convert_element_type3A_637 = arith.fptosi %mul3A_636 : vector<16xf32> to vector<16xi32>
        %min3A_638 = arith.constant 0.949999988 : f32
        %min3A_639 = vector.broadcast %min3A_638 : f32 to vector<16xf32>
        %min3A_640 = arith.minimumf %abs3A_609, %min3A_639 : vector<16xf32>
        %mul3A_641 = arith.constant 1.000000e+01 : f32
        %mul3A_642 = vector.broadcast %mul3A_641 : f32 to vector<16xf32>
        %mul3A_643 = arith.mulf %min3A_640, %mul3A_642 : vector<16xf32>
        %convert_element_type3A_644 = arith.fptosi %mul3A_643 : vector<16xf32> to vector<16xi32>
        %min3A_645 = arith.constant 0.949999988 : f32
        %min3A_646 = vector.broadcast %min3A_645 : f32 to vector<16xf32>
        %min3A_647 = arith.minimumf %abs3A_611, %min3A_646 : vector<16xf32>
        %mul3A_648 = arith.constant 1.000000e+01 : f32
        %mul3A_649 = vector.broadcast %mul3A_648 : f32 to vector<16xf32>
        %mul3A_650 = arith.mulf %min3A_647, %mul3A_649 : vector<16xf32>
        %convert_element_type3A_651 = arith.fptosi %mul3A_650 : vector<16xf32> to vector<16xi32>
        %min3A_652 = arith.constant 0.949999988 : f32
        %min3A_653 = vector.broadcast %min3A_652 : f32 to vector<16xf32>
        %min3A_654 = arith.minimumf %abs3A_613, %min3A_653 : vector<16xf32>
        %mul3A_655 = arith.constant 1.000000e+01 : f32
        %mul3A_656 = vector.broadcast %mul3A_655 : f32 to vector<16xf32>
        %mul3A_657 = arith.mulf %min3A_654, %mul3A_656 : vector<16xf32>
        %convert_element_type3A_658 = arith.fptosi %mul3A_657 : vector<16xf32> to vector<16xi32>
        %min3A_659 = arith.constant 0.949999988 : f32
        %min3A_660 = vector.broadcast %min3A_659 : f32 to vector<16xf32>
        %min3A_661 = arith.minimumf %abs3A_615, %min3A_660 : vector<16xf32>
        %mul3A_662 = arith.constant 1.000000e+01 : f32
        %mul3A_663 = vector.broadcast %mul3A_662 : f32 to vector<16xf32>
        %mul3A_664 = arith.mulf %min3A_661, %mul3A_663 : vector<16xf32>
        %convert_element_type3A_665 = arith.fptosi %mul3A_664 : vector<16xf32> to vector<16xi32>
        %min3A_666 = arith.constant 0.949999988 : f32
        %min3A_667 = vector.broadcast %min3A_666 : f32 to vector<16xf32>
        %min3A_668 = arith.minimumf %abs3A_617, %min3A_667 : vector<16xf32>
        %mul3A_669 = arith.constant 1.000000e+01 : f32
        %mul3A_670 = vector.broadcast %mul3A_669 : f32 to vector<16xf32>
        %mul3A_671 = arith.mulf %min3A_668, %mul3A_670 : vector<16xf32>
        %convert_element_type3A_672 = arith.fptosi %mul3A_671 : vector<16xf32> to vector<16xi32>
        %mul3A_673 = arith.constant 16 : i32
        %mul3A_674 = vector.broadcast %mul3A_673 : i32 to vector<16xi32>
        %mul3A_675 = arith.muli %convert_element_type3A_623, %mul3A_674 : vector<16xi32>
        %add3A_676 = arith.addi %mul3A_675, %iota3A : vector<16xi32>
        %mul3A_677 = arith.constant 16 : i32
        %mul3A_678 = vector.broadcast %mul3A_677 : i32 to vector<16xi32>
        %mul3A_679 = arith.muli %convert_element_type3A_630, %mul3A_678 : vector<16xi32>
        %add3A_680 = arith.addi %mul3A_679, %iota3A : vector<16xi32>
        %mul3A_681 = arith.constant 16 : i32
        %mul3A_682 = vector.broadcast %mul3A_681 : i32 to vector<16xi32>
        %mul3A_683 = arith.muli %convert_element_type3A_637, %mul3A_682 : vector<16xi32>
        %add3A_684 = arith.addi %mul3A_683, %iota3A : vector<16xi32>
        %mul3A_685 = arith.constant 16 : i32
        %mul3A_686 = vector.broadcast %mul3A_685 : i32 to vector<16xi32>
        %mul3A_687 = arith.muli %convert_element_type3A_644, %mul3A_686 : vector<16xi32>
        %add3A_688 = arith.addi %mul3A_687, %iota3A : vector<16xi32>
        %mul3A_689 = arith.constant 16 : i32
        %mul3A_690 = vector.broadcast %mul3A_689 : i32 to vector<16xi32>
        %mul3A_691 = arith.muli %convert_element_type3A_651, %mul3A_690 : vector<16xi32>
        %add3A_692 = arith.addi %mul3A_691, %iota3A : vector<16xi32>
        %mul3A_693 = arith.constant 16 : i32
        %mul3A_694 = vector.broadcast %mul3A_693 : i32 to vector<16xi32>
        %mul3A_695 = arith.muli %convert_element_type3A_658, %mul3A_694 : vector<16xi32>
        %add3A_696 = arith.addi %mul3A_695, %iota3A : vector<16xi32>
        %mul3A_697 = arith.constant 16 : i32
        %mul3A_698 = vector.broadcast %mul3A_697 : i32 to vector<16xi32>
        %mul3A_699 = arith.muli %convert_element_type3A_665, %mul3A_698 : vector<16xi32>
        %add3A_700 = arith.addi %mul3A_699, %iota3A : vector<16xi32>
        %mul3A_701 = arith.constant 16 : i32
        %mul3A_702 = vector.broadcast %mul3A_701 : i32 to vector<16xi32>
        %mul3A_703 = arith.muli %convert_element_type3A_672, %mul3A_702 : vector<16xi32>
        %add3A_704 = arith.addi %mul3A_703, %iota3A : vector<16xi32>
        %lt3A_705 = arith.constant 1.00000095 : f32
        %lt3A_706 = vector.broadcast %lt3A_705 : f32 to vector<16xf32>
        %lt3A_707 = arith.cmpf olt, %abs3A_603, %lt3A_706 : vector<16xf32>
        %lt3A_708 = arith.constant 1.00000095 : f32
        %lt3A_709 = vector.broadcast %lt3A_708 : f32 to vector<16xf32>
        %lt3A_710 = arith.cmpf olt, %abs3A_605, %lt3A_709 : vector<16xf32>
        %lt3A_711 = arith.constant 1.00000095 : f32
        %lt3A_712 = vector.broadcast %lt3A_711 : f32 to vector<16xf32>
        %lt3A_713 = arith.cmpf olt, %abs3A_607, %lt3A_712 : vector<16xf32>
        %lt3A_714 = arith.constant 1.00000095 : f32
        %lt3A_715 = vector.broadcast %lt3A_714 : f32 to vector<16xf32>
        %lt3A_716 = arith.cmpf olt, %abs3A_609, %lt3A_715 : vector<16xf32>
        %lt3A_717 = arith.constant 1.00000095 : f32
        %lt3A_718 = vector.broadcast %lt3A_717 : f32 to vector<16xf32>
        %lt3A_719 = arith.cmpf olt, %abs3A_611, %lt3A_718 : vector<16xf32>
        %lt3A_720 = arith.constant 1.00000095 : f32
        %lt3A_721 = vector.broadcast %lt3A_720 : f32 to vector<16xf32>
        %lt3A_722 = arith.cmpf olt, %abs3A_613, %lt3A_721 : vector<16xf32>
        %lt3A_723 = arith.constant 1.00000095 : f32
        %lt3A_724 = vector.broadcast %lt3A_723 : f32 to vector<16xf32>
        %lt3A_725 = arith.cmpf olt, %abs3A_615, %lt3A_724 : vector<16xf32>
        %lt3A_726 = arith.constant 1.00000095 : f32
        %lt3A_727 = vector.broadcast %lt3A_726 : f32 to vector<16xf32>
        %lt3A_728 = arith.cmpf olt, %abs3A_617, %lt3A_727 : vector<16xf32>
        tpu.vector_store_idx %arg10[%add3A_676], %broadcast_in_dim3A_46 masked %lt3A_707 {add = true} : memref<160xf32, #tpu.memory_space<vmem>>[vector<16xi32>], vector<16xf32>, vector<16xi1>
        tpu.vector_store_idx %arg11[%add3A_676], %add3A_559 masked %lt3A_707 {add = true} : memref<160xf32, #tpu.memory_space<vmem>>[vector<16xi32>], vector<16xf32>, vector<16xi1>
        tpu.vector_store_idx %arg10[%add3A_680], %broadcast_in_dim3A_46 masked %lt3A_710 {add = true} : memref<160xf32, #tpu.memory_space<vmem>>[vector<16xi32>], vector<16xf32>, vector<16xi1>
        tpu.vector_store_idx %arg11[%add3A_680], %add3A_565 masked %lt3A_710 {add = true} : memref<160xf32, #tpu.memory_space<vmem>>[vector<16xi32>], vector<16xf32>, vector<16xi1>
        tpu.vector_store_idx %arg10[%add3A_684], %broadcast_in_dim3A_46 masked %lt3A_713 {add = true} : memref<160xf32, #tpu.memory_space<vmem>>[vector<16xi32>], vector<16xf32>, vector<16xi1>
        tpu.vector_store_idx %arg11[%add3A_684], %add3A_571 masked %lt3A_713 {add = true} : memref<160xf32, #tpu.memory_space<vmem>>[vector<16xi32>], vector<16xf32>, vector<16xi1>
        tpu.vector_store_idx %arg10[%add3A_688], %broadcast_in_dim3A_46 masked %lt3A_716 {add = true} : memref<160xf32, #tpu.memory_space<vmem>>[vector<16xi32>], vector<16xf32>, vector<16xi1>
        tpu.vector_store_idx %arg11[%add3A_688], %add3A_577 masked %lt3A_716 {add = true} : memref<160xf32, #tpu.memory_space<vmem>>[vector<16xi32>], vector<16xf32>, vector<16xi1>
        tpu.vector_store_idx %arg10[%add3A_692], %broadcast_in_dim3A_46 masked %lt3A_719 {add = true} : memref<160xf32, #tpu.memory_space<vmem>>[vector<16xi32>], vector<16xf32>, vector<16xi1>
        tpu.vector_store_idx %arg11[%add3A_692], %add3A_583 masked %lt3A_719 {add = true} : memref<160xf32, #tpu.memory_space<vmem>>[vector<16xi32>], vector<16xf32>, vector<16xi1>
        tpu.vector_store_idx %arg10[%add3A_696], %broadcast_in_dim3A_46 masked %lt3A_722 {add = true} : memref<160xf32, #tpu.memory_space<vmem>>[vector<16xi32>], vector<16xf32>, vector<16xi1>
        tpu.vector_store_idx %arg11[%add3A_696], %add3A_589 masked %lt3A_722 {add = true} : memref<160xf32, #tpu.memory_space<vmem>>[vector<16xi32>], vector<16xf32>, vector<16xi1>
        tpu.vector_store_idx %arg10[%add3A_700], %broadcast_in_dim3A_46 masked %lt3A_725 {add = true} : memref<160xf32, #tpu.memory_space<vmem>>[vector<16xi32>], vector<16xf32>, vector<16xi1>
        tpu.vector_store_idx %arg11[%add3A_700], %add3A_595 masked %lt3A_725 {add = true} : memref<160xf32, #tpu.memory_space<vmem>>[vector<16xi32>], vector<16xf32>, vector<16xi1>
        tpu.vector_store_idx %arg10[%add3A_704], %broadcast_in_dim3A_46 masked %lt3A_728 {add = true} : memref<160xf32, #tpu.memory_space<vmem>>[vector<16xi32>], vector<16xf32>, vector<16xi1>
        tpu.vector_store_idx %arg11[%add3A_704], %add3A_601 masked %lt3A_728 {add = true} : memref<160xf32, #tpu.memory_space<vmem>>[vector<16xi32>], vector<16xf32>, vector<16xi1>
      }
      %scan3A_290 = arith.constant 125 : i32
      %add3A_291 = arith.constant 1 : i32
      %add3A_292 = arith.addi %mul3A_257, %add3A_291 : i32
      %add3A_293 = arith.constant 2 : i32
      %add3A_294 = arith.addi %add3A_292, %add3A_293 : i32
      %lt3A_295 = arith.constant 6 : i32
      %lt3A_296 = arith.cmpi slt, %add3A_294, %lt3A_295 : i32
      %convert_element_type3A_297 = arith.extui %lt3A_296 : i1 to i32
      %cond3A_298 = arith.constant 0 : i32
      %cond3A_299 = arith.cmpi ne, %convert_element_type3A_297, %cond3A_298 : i32
      scf.if %cond3A_299 {
        %mul3A_300 = arith.constant 16000 : i32
        %mul3A_301 = arith.muli %add3A_294, %mul3A_300 : i32
        %add3A_302 = arith.addi %add3A_4, %mul3A_301 : i32
        %dma_start3A_303 = tpu.memref_slice %arg2[%add3A_302] : memref<16384000xf32, #tpu.memory_space<hbm>> -> memref<16000xf32, #tpu.memory_space<hbm>>
        %dma_start3A_304 = tpu.memref_slice %arg2[%add3A_302] : memref<16384000xf32, #tpu.memory_space<hbm>> -> memref<16000xf32, #tpu.memory_space<hbm>>
        tpu.enqueue_dma source(%dma_start3A_304 : memref<16000xf32, #tpu.memory_space<hbm>>) target(%arg7 : memref<16000xf32, #tpu.memory_space<vmem>>) target_semaphore(%arg13 : memref<!tpu.dma_semaphore, #tpu.memory_space<semaphore_mem>>)
        %dma_start3A_305 = tpu.memref_slice %arg3[%add3A_302] : memref<16384000xf32, #tpu.memory_space<hbm>> -> memref<16000xf32, #tpu.memory_space<hbm>>
        %dma_start3A_306 = tpu.memref_slice %arg3[%add3A_302] : memref<16384000xf32, #tpu.memory_space<hbm>> -> memref<16000xf32, #tpu.memory_space<hbm>>
        tpu.enqueue_dma source(%dma_start3A_306 : memref<16000xf32, #tpu.memory_space<hbm>>) target(%arg9 : memref<16000xf32, #tpu.memory_space<vmem>>) target_semaphore(%arg13 : memref<!tpu.dma_semaphore, #tpu.memory_space<semaphore_mem>>)
      } else {
      }
    }
    %scan3A_62 = arith.constant 3 : i32
    %get3A = arith.constant 0 : index
    %get3A_63 = tpu.vector_load %arg10[%get3A] {strides = array<i32>} : memref<160xf32, #tpu.memory_space<vmem>>, vector<16xf32>,
    %reduce_sum3A = arith.constant true
    %reduce_sum3A_64 = vector.broadcast %reduce_sum3A : i1 to vector<16xi1>
    %reduce_sum3A_65 = tpu.scan <sum>, %get3A_63 masked %reduce_sum3A_64 : vector<16xf32>, vector<16xi1> -> vector<16xf32>
    %reduce_sum3A_66 = vector.extract %reduce_sum3A_65[15] : f32 from vector<16xf32>
    %get3A_67 = arith.constant 0 : index
    %get3A_68 = tpu.vector_load %arg11[%get3A_67] {strides = array<i32>} : memref<160xf32, #tpu.memory_space<vmem>>, vector<16xf32>,
    %reduce_sum3A_69 = arith.constant true
    %reduce_sum3A_70 = vector.broadcast %reduce_sum3A_69 : i1 to vector<16xi1>
    %reduce_sum3A_71 = tpu.scan <sum>, %get3A_68 masked %reduce_sum3A_70 : vector<16xf32>, vector<16xi1> -> vector<16xf32>
    %reduce_sum3A_72 = vector.extract %reduce_sum3A_71[15] : f32 from vector<16xf32>
    %eq3A = arith.constant 0 : i32
    %eq3A_73 = vector.broadcast %eq3A : i32 to vector<16xi32>
    %eq3A_74 = arith.cmpi eq, %iota3A, %eq3A_73 : vector<16xi32>
    %broadcast_in_dim3A_75 = vector.broadcast %reduce_sum3A_66 : f32 to vector<16xf32>
    %select_n3A = arith.select %eq3A_74, %broadcast_in_dim3A_75, %broadcast_in_dim3A_5 : vector<16xi1>, vector<16xf32>
    %broadcast_in_dim3A_76 = vector.broadcast %reduce_sum3A_72 : f32 to vector<16xf32>
    %select_n3A_77 = arith.select %eq3A_74, %broadcast_in_dim3A_76, %broadcast_in_dim3A_5 : vector<16xi1>, vector<16xf32>
    %get3A_78 = arith.constant 16 : index
    %get3A_79 = tpu.vector_load %arg10[%get3A_78] {strides = array<i32>} : memref<160xf32, #tpu.memory_space<vmem>>, vector<16xf32>,
    %reduce_sum3A_80 = arith.constant true
    %reduce_sum3A_81 = vector.broadcast %reduce_sum3A_80 : i1 to vector<16xi1>
    %reduce_sum3A_82 = tpu.scan <sum>, %get3A_79 masked %reduce_sum3A_81 : vector<16xf32>, vector<16xi1> -> vector<16xf32>
    %reduce_sum3A_83 = vector.extract %reduce_sum3A_82[15] : f32 from vector<16xf32>
    %get3A_84 = arith.constant 16 : index
    %get3A_85 = tpu.vector_load %arg11[%get3A_84] {strides = array<i32>} : memref<160xf32, #tpu.memory_space<vmem>>, vector<16xf32>,
    %reduce_sum3A_86 = arith.constant true
    %reduce_sum3A_87 = vector.broadcast %reduce_sum3A_86 : i1 to vector<16xi1>
    %reduce_sum3A_88 = tpu.scan <sum>, %get3A_85 masked %reduce_sum3A_87 : vector<16xf32>, vector<16xi1> -> vector<16xf32>
    %reduce_sum3A_89 = vector.extract %reduce_sum3A_88[15] : f32 from vector<16xf32>
    %eq3A_90 = arith.constant 1 : i32
    %eq3A_91 = vector.broadcast %eq3A_90 : i32 to vector<16xi32>
    %eq3A_92 = arith.cmpi eq, %iota3A, %eq3A_91 : vector<16xi32>
    %broadcast_in_dim3A_93 = vector.broadcast %reduce_sum3A_83 : f32 to vector<16xf32>
    %select_n3A_94 = arith.select %eq3A_92, %broadcast_in_dim3A_93, %select_n3A : vector<16xi1>, vector<16xf32>
    %broadcast_in_dim3A_95 = vector.broadcast %reduce_sum3A_89 : f32 to vector<16xf32>
    %select_n3A_96 = arith.select %eq3A_92, %broadcast_in_dim3A_95, %select_n3A_77 : vector<16xi1>, vector<16xf32>
    %get3A_97 = arith.constant 32 : index
    %get3A_98 = tpu.vector_load %arg10[%get3A_97] {strides = array<i32>} : memref<160xf32, #tpu.memory_space<vmem>>, vector<16xf32>,
    %reduce_sum3A_99 = arith.constant true
    %reduce_sum3A_100 = vector.broadcast %reduce_sum3A_99 : i1 to vector<16xi1>
    %reduce_sum3A_101 = tpu.scan <sum>, %get3A_98 masked %reduce_sum3A_100 : vector<16xf32>, vector<16xi1> -> vector<16xf32>
    %reduce_sum3A_102 = vector.extract %reduce_sum3A_101[15] : f32 from vector<16xf32>
    %get3A_103 = arith.constant 32 : index
    %get3A_104 = tpu.vector_load %arg11[%get3A_103] {strides = array<i32>} : memref<160xf32, #tpu.memory_space<vmem>>, vector<16xf32>,
    %reduce_sum3A_105 = arith.constant true
    %reduce_sum3A_106 = vector.broadcast %reduce_sum3A_105 : i1 to vector<16xi1>
    %reduce_sum3A_107 = tpu.scan <sum>, %get3A_104 masked %reduce_sum3A_106 : vector<16xf32>, vector<16xi1> -> vector<16xf32>
    %reduce_sum3A_108 = vector.extract %reduce_sum3A_107[15] : f32 from vector<16xf32>
    %eq3A_109 = arith.constant 2 : i32
    %eq3A_110 = vector.broadcast %eq3A_109 : i32 to vector<16xi32>
    %eq3A_111 = arith.cmpi eq, %iota3A, %eq3A_110 : vector<16xi32>
    %broadcast_in_dim3A_112 = vector.broadcast %reduce_sum3A_102 : f32 to vector<16xf32>
    %select_n3A_113 = arith.select %eq3A_111, %broadcast_in_dim3A_112, %select_n3A_94 : vector<16xi1>, vector<16xf32>
    %broadcast_in_dim3A_114 = vector.broadcast %reduce_sum3A_108 : f32 to vector<16xf32>
    %select_n3A_115 = arith.select %eq3A_111, %broadcast_in_dim3A_114, %select_n3A_96 : vector<16xi1>, vector<16xf32>
    %get3A_116 = arith.constant 48 : index
    %get3A_117 = tpu.vector_load %arg10[%get3A_116] {strides = array<i32>} : memref<160xf32, #tpu.memory_space<vmem>>, vector<16xf32>,
    %reduce_sum3A_118 = arith.constant true
    %reduce_sum3A_119 = vector.broadcast %reduce_sum3A_118 : i1 to vector<16xi1>
    %reduce_sum3A_120 = tpu.scan <sum>, %get3A_117 masked %reduce_sum3A_119 : vector<16xf32>, vector<16xi1> -> vector<16xf32>
    %reduce_sum3A_121 = vector.extract %reduce_sum3A_120[15] : f32 from vector<16xf32>
    %get3A_122 = arith.constant 48 : index
    %get3A_123 = tpu.vector_load %arg11[%get3A_122] {strides = array<i32>} : memref<160xf32, #tpu.memory_space<vmem>>, vector<16xf32>,
    %reduce_sum3A_124 = arith.constant true
    %reduce_sum3A_125 = vector.broadcast %reduce_sum3A_124 : i1 to vector<16xi1>
    %reduce_sum3A_126 = tpu.scan <sum>, %get3A_123 masked %reduce_sum3A_125 : vector<16xf32>, vector<16xi1> -> vector<16xf32>
    %reduce_sum3A_127 = vector.extract %reduce_sum3A_126[15] : f32 from vector<16xf32>
    %eq3A_128 = arith.constant 3 : i32
    %eq3A_129 = vector.broadcast %eq3A_128 : i32 to vector<16xi32>
    %eq3A_130 = arith.cmpi eq, %iota3A, %eq3A_129 : vector<16xi32>
    %broadcast_in_dim3A_131 = vector.broadcast %reduce_sum3A_121 : f32 to vector<16xf32>
    %select_n3A_132 = arith.select %eq3A_130, %broadcast_in_dim3A_131, %select_n3A_113 : vector<16xi1>, vector<16xf32>
    %broadcast_in_dim3A_133 = vector.broadcast %reduce_sum3A_127 : f32 to vector<16xf32>
    %select_n3A_134 = arith.select %eq3A_130, %broadcast_in_dim3A_133, %select_n3A_115 : vector<16xi1>, vector<16xf32>
    %get3A_135 = arith.constant 64 : index
    %get3A_136 = tpu.vector_load %arg10[%get3A_135] {strides = array<i32>} : memref<160xf32, #tpu.memory_space<vmem>>, vector<16xf32>,
    %reduce_sum3A_137 = arith.constant true
    %reduce_sum3A_138 = vector.broadcast %reduce_sum3A_137 : i1 to vector<16xi1>
    %reduce_sum3A_139 = tpu.scan <sum>, %get3A_136 masked %reduce_sum3A_138 : vector<16xf32>, vector<16xi1> -> vector<16xf32>
    %reduce_sum3A_140 = vector.extract %reduce_sum3A_139[15] : f32 from vector<16xf32>
    %get3A_141 = arith.constant 64 : index
    %get3A_142 = tpu.vector_load %arg11[%get3A_141] {strides = array<i32>} : memref<160xf32, #tpu.memory_space<vmem>>, vector<16xf32>,
    %reduce_sum3A_143 = arith.constant true
    %reduce_sum3A_144 = vector.broadcast %reduce_sum3A_143 : i1 to vector<16xi1>
    %reduce_sum3A_145 = tpu.scan <sum>, %get3A_142 masked %reduce_sum3A_144 : vector<16xf32>, vector<16xi1> -> vector<16xf32>
    %reduce_sum3A_146 = vector.extract %reduce_sum3A_145[15] : f32 from vector<16xf32>
    %eq3A_147 = arith.constant 4 : i32
    %eq3A_148 = vector.broadcast %eq3A_147 : i32 to vector<16xi32>
    %eq3A_149 = arith.cmpi eq, %iota3A, %eq3A_148 : vector<16xi32>
    %broadcast_in_dim3A_150 = vector.broadcast %reduce_sum3A_140 : f32 to vector<16xf32>
    %select_n3A_151 = arith.select %eq3A_149, %broadcast_in_dim3A_150, %select_n3A_132 : vector<16xi1>, vector<16xf32>
    %broadcast_in_dim3A_152 = vector.broadcast %reduce_sum3A_146 : f32 to vector<16xf32>
    %select_n3A_153 = arith.select %eq3A_149, %broadcast_in_dim3A_152, %select_n3A_134 : vector<16xi1>, vector<16xf32>
    %get3A_154 = arith.constant 80 : index
    %get3A_155 = tpu.vector_load %arg10[%get3A_154] {strides = array<i32>} : memref<160xf32, #tpu.memory_space<vmem>>, vector<16xf32>,
    %reduce_sum3A_156 = arith.constant true
    %reduce_sum3A_157 = vector.broadcast %reduce_sum3A_156 : i1 to vector<16xi1>
    %reduce_sum3A_158 = tpu.scan <sum>, %get3A_155 masked %reduce_sum3A_157 : vector<16xf32>, vector<16xi1> -> vector<16xf32>
    %reduce_sum3A_159 = vector.extract %reduce_sum3A_158[15] : f32 from vector<16xf32>
    %get3A_160 = arith.constant 80 : index
    %get3A_161 = tpu.vector_load %arg11[%get3A_160] {strides = array<i32>} : memref<160xf32, #tpu.memory_space<vmem>>, vector<16xf32>,
    %reduce_sum3A_162 = arith.constant true
    %reduce_sum3A_163 = vector.broadcast %reduce_sum3A_162 : i1 to vector<16xi1>
    %reduce_sum3A_164 = tpu.scan <sum>, %get3A_161 masked %reduce_sum3A_163 : vector<16xf32>, vector<16xi1> -> vector<16xf32>
    %reduce_sum3A_165 = vector.extract %reduce_sum3A_164[15] : f32 from vector<16xf32>
    %eq3A_166 = arith.constant 5 : i32
    %eq3A_167 = vector.broadcast %eq3A_166 : i32 to vector<16xi32>
    %eq3A_168 = arith.cmpi eq, %iota3A, %eq3A_167 : vector<16xi32>
    %broadcast_in_dim3A_169 = vector.broadcast %reduce_sum3A_159 : f32 to vector<16xf32>
    %select_n3A_170 = arith.select %eq3A_168, %broadcast_in_dim3A_169, %select_n3A_151 : vector<16xi1>, vector<16xf32>
    %broadcast_in_dim3A_171 = vector.broadcast %reduce_sum3A_165 : f32 to vector<16xf32>
    %select_n3A_172 = arith.select %eq3A_168, %broadcast_in_dim3A_171, %select_n3A_153 : vector<16xi1>, vector<16xf32>
    %get3A_173 = arith.constant 96 : index
    %get3A_174 = tpu.vector_load %arg10[%get3A_173] {strides = array<i32>} : memref<160xf32, #tpu.memory_space<vmem>>, vector<16xf32>,
    %reduce_sum3A_175 = arith.constant true
    %reduce_sum3A_176 = vector.broadcast %reduce_sum3A_175 : i1 to vector<16xi1>
    %reduce_sum3A_177 = tpu.scan <sum>, %get3A_174 masked %reduce_sum3A_176 : vector<16xf32>, vector<16xi1> -> vector<16xf32>
    %reduce_sum3A_178 = vector.extract %reduce_sum3A_177[15] : f32 from vector<16xf32>
    %get3A_179 = arith.constant 96 : index
    %get3A_180 = tpu.vector_load %arg11[%get3A_179] {strides = array<i32>} : memref<160xf32, #tpu.memory_space<vmem>>, vector<16xf32>,
    %reduce_sum3A_181 = arith.constant true
    %reduce_sum3A_182 = vector.broadcast %reduce_sum3A_181 : i1 to vector<16xi1>
    %reduce_sum3A_183 = tpu.scan <sum>, %get3A_180 masked %reduce_sum3A_182 : vector<16xf32>, vector<16xi1> -> vector<16xf32>
    %reduce_sum3A_184 = vector.extract %reduce_sum3A_183[15] : f32 from vector<16xf32>
    %eq3A_185 = arith.constant 6 : i32
    %eq3A_186 = vector.broadcast %eq3A_185 : i32 to vector<16xi32>
    %eq3A_187 = arith.cmpi eq, %iota3A, %eq3A_186 : vector<16xi32>
    %broadcast_in_dim3A_188 = vector.broadcast %reduce_sum3A_178 : f32 to vector<16xf32>
    %select_n3A_189 = arith.select %eq3A_187, %broadcast_in_dim3A_188, %select_n3A_170 : vector<16xi1>, vector<16xf32>
    %broadcast_in_dim3A_190 = vector.broadcast %reduce_sum3A_184 : f32 to vector<16xf32>
    %select_n3A_191 = arith.select %eq3A_187, %broadcast_in_dim3A_190, %select_n3A_172 : vector<16xi1>, vector<16xf32>
    %get3A_192 = arith.constant 112 : index
    %get3A_193 = tpu.vector_load %arg10[%get3A_192] {strides = array<i32>} : memref<160xf32, #tpu.memory_space<vmem>>, vector<16xf32>,
    %reduce_sum3A_194 = arith.constant true
    %reduce_sum3A_195 = vector.broadcast %reduce_sum3A_194 : i1 to vector<16xi1>
    %reduce_sum3A_196 = tpu.scan <sum>, %get3A_193 masked %reduce_sum3A_195 : vector<16xf32>, vector<16xi1> -> vector<16xf32>
    %reduce_sum3A_197 = vector.extract %reduce_sum3A_196[15] : f32 from vector<16xf32>
    %get3A_198 = arith.constant 112 : index
    %get3A_199 = tpu.vector_load %arg11[%get3A_198] {strides = array<i32>} : memref<160xf32, #tpu.memory_space<vmem>>, vector<16xf32>,
    %reduce_sum3A_200 = arith.constant true
    %reduce_sum3A_201 = vector.broadcast %reduce_sum3A_200 : i1 to vector<16xi1>
    %reduce_sum3A_202 = tpu.scan <sum>, %get3A_199 masked %reduce_sum3A_201 : vector<16xf32>, vector<16xi1> -> vector<16xf32>
    %reduce_sum3A_203 = vector.extract %reduce_sum3A_202[15] : f32 from vector<16xf32>
    %eq3A_204 = arith.constant 7 : i32
    %eq3A_205 = vector.broadcast %eq3A_204 : i32 to vector<16xi32>
    %eq3A_206 = arith.cmpi eq, %iota3A, %eq3A_205 : vector<16xi32>
    %broadcast_in_dim3A_207 = vector.broadcast %reduce_sum3A_197 : f32 to vector<16xf32>
    %select_n3A_208 = arith.select %eq3A_206, %broadcast_in_dim3A_207, %select_n3A_189 : vector<16xi1>, vector<16xf32>
    %broadcast_in_dim3A_209 = vector.broadcast %reduce_sum3A_203 : f32 to vector<16xf32>
    %select_n3A_210 = arith.select %eq3A_206, %broadcast_in_dim3A_209, %select_n3A_191 : vector<16xi1>, vector<16xf32>
    %get3A_211 = arith.constant 128 : index
    %get3A_212 = tpu.vector_load %arg10[%get3A_211] {strides = array<i32>} : memref<160xf32, #tpu.memory_space<vmem>>, vector<16xf32>,
    %reduce_sum3A_213 = arith.constant true
    %reduce_sum3A_214 = vector.broadcast %reduce_sum3A_213 : i1 to vector<16xi1>
    %reduce_sum3A_215 = tpu.scan <sum>, %get3A_212 masked %reduce_sum3A_214 : vector<16xf32>, vector<16xi1> -> vector<16xf32>
    %reduce_sum3A_216 = vector.extract %reduce_sum3A_215[15] : f32 from vector<16xf32>
    %get3A_217 = arith.constant 128 : index
    %get3A_218 = tpu.vector_load %arg11[%get3A_217] {strides = array<i32>} : memref<160xf32, #tpu.memory_space<vmem>>, vector<16xf32>,
    %reduce_sum3A_219 = arith.constant true
    %reduce_sum3A_220 = vector.broadcast %reduce_sum3A_219 : i1 to vector<16xi1>
    %reduce_sum3A_221 = tpu.scan <sum>, %get3A_218 masked %reduce_sum3A_220 : vector<16xf32>, vector<16xi1> -> vector<16xf32>
    %reduce_sum3A_222 = vector.extract %reduce_sum3A_221[15] : f32 from vector<16xf32>
    %eq3A_223 = arith.constant 8 : i32
    %eq3A_224 = vector.broadcast %eq3A_223 : i32 to vector<16xi32>
    %eq3A_225 = arith.cmpi eq, %iota3A, %eq3A_224 : vector<16xi32>
    %broadcast_in_dim3A_226 = vector.broadcast %reduce_sum3A_216 : f32 to vector<16xf32>
    %select_n3A_227 = arith.select %eq3A_225, %broadcast_in_dim3A_226, %select_n3A_208 : vector<16xi1>, vector<16xf32>
    %broadcast_in_dim3A_228 = vector.broadcast %reduce_sum3A_222 : f32 to vector<16xf32>
    %select_n3A_229 = arith.select %eq3A_225, %broadcast_in_dim3A_228, %select_n3A_210 : vector<16xi1>, vector<16xf32>
    %get3A_230 = arith.constant 144 : index
    %get3A_231 = tpu.vector_load %arg10[%get3A_230] {strides = array<i32>} : memref<160xf32, #tpu.memory_space<vmem>>, vector<16xf32>,
    %reduce_sum3A_232 = arith.constant true
    %reduce_sum3A_233 = vector.broadcast %reduce_sum3A_232 : i1 to vector<16xi1>
    %reduce_sum3A_234 = tpu.scan <sum>, %get3A_231 masked %reduce_sum3A_233 : vector<16xf32>, vector<16xi1> -> vector<16xf32>
    %reduce_sum3A_235 = vector.extract %reduce_sum3A_234[15] : f32 from vector<16xf32>
    %get3A_236 = arith.constant 144 : index
    %get3A_237 = tpu.vector_load %arg11[%get3A_236] {strides = array<i32>} : memref<160xf32, #tpu.memory_space<vmem>>, vector<16xf32>,
    %reduce_sum3A_238 = arith.constant true
    %reduce_sum3A_239 = vector.broadcast %reduce_sum3A_238 : i1 to vector<16xi1>
    %reduce_sum3A_240 = tpu.scan <sum>, %get3A_237 masked %reduce_sum3A_239 : vector<16xf32>, vector<16xi1> -> vector<16xf32>
    %reduce_sum3A_241 = vector.extract %reduce_sum3A_240[15] : f32 from vector<16xf32>
    %eq3A_242 = arith.constant 9 : i32
    %eq3A_243 = vector.broadcast %eq3A_242 : i32 to vector<16xi32>
    %eq3A_244 = arith.cmpi eq, %iota3A, %eq3A_243 : vector<16xi32>
    %broadcast_in_dim3A_245 = vector.broadcast %reduce_sum3A_235 : f32 to vector<16xf32>
    %select_n3A_246 = arith.select %eq3A_244, %broadcast_in_dim3A_245, %select_n3A_227 : vector<16xi1>, vector<16xf32>
    %broadcast_in_dim3A_247 = vector.broadcast %reduce_sum3A_241 : f32 to vector<16xf32>
    %select_n3A_248 = arith.select %eq3A_244, %broadcast_in_dim3A_247, %select_n3A_229 : vector<16xi1>, vector<16xf32>
    %swap3A_249 = arith.constant 0 : index
    %swap3A_250 = tpu.vector_load %arg10[%swap3A_249] {strides = array<i32>} : memref<160xf32, #tpu.memory_space<vmem>>, vector<16xf32>,
    tpu.vector_store %arg10[%swap3A_249], %select_n3A_246 {strides = array<i32>} : memref<160xf32, #tpu.memory_space<vmem>>, vector<16xf32>,
    %swap3A_251 = arith.constant 0 : index
    %swap3A_252 = tpu.vector_load %arg11[%swap3A_251] {strides = array<i32>} : memref<160xf32, #tpu.memory_space<vmem>>, vector<16xf32>,
    tpu.vector_store %arg11[%swap3A_251], %select_n3A_248 {strides = array<i32>} : memref<160xf32, #tpu.memory_space<vmem>>, vector<16xf32>,
    %mul3A_253 = arith.constant 16 : i32
    %mul3A_254 = arith.muli %add3A, %mul3A_253 : i32
    "tpu.region"() ({
      %run_scoped3A = tpu.sem_alloc : memref<!tpu.dma_semaphore, #tpu.memory_space<semaphore_mem>>
      %dma_start3A_255 = arith.constant 0 : i32
      %dma_start3A_256 = tpu.memref_slice %arg10[%dma_start3A_255] : memref<160xf32, #tpu.memory_space<vmem>> -> memref<16xf32, #tpu.memory_space<vmem>>
      %dma_start3A_257 = tpu.memref_slice %arg4[%mul3A_254] : memref<512xf32, #tpu.memory_space<hbm>> -> memref<16xf32, #tpu.memory_space<hbm>>
      %dma_start3A_258 = tpu.memref_slice %arg4[%mul3A_254] : memref<512xf32, #tpu.memory_space<hbm>> -> memref<16xf32, #tpu.memory_space<hbm>>
      %dma_start3A_259 = arith.constant 0 : i32
      %dma_start3A_260 = tpu.memref_slice %arg10[%dma_start3A_259] : memref<160xf32, #tpu.memory_space<vmem>> -> memref<16xf32, #tpu.memory_space<vmem>>
      tpu.enqueue_dma source(%dma_start3A_260 : memref<16xf32, #tpu.memory_space<vmem>>) target(%dma_start3A_258 : memref<16xf32, #tpu.memory_space<hbm>>) target_semaphore(%run_scoped3A : memref<!tpu.dma_semaphore, #tpu.memory_space<semaphore_mem>>)
      %dma_wait3A = arith.constant 0 : i32
      %dma_wait3A_261 = tpu.memref_slice %arg10[%dma_wait3A] : memref<160xf32, #tpu.memory_space<vmem>> -> memref<16xf32, #tpu.memory_space<vmem>>
      %dma_wait3A_262 = tpu.memref_slice %arg4[%mul3A_254] : memref<512xf32, #tpu.memory_space<hbm>> -> memref<16xf32, #tpu.memory_space<hbm>>
      %dma_wait3A_263 = tpu.memref_slice %arg4[%mul3A_254] : memref<512xf32, #tpu.memory_space<hbm>> -> memref<16xf32, #tpu.memory_space<hbm>>
      %dma_wait3A_264 = arith.constant 0 : i32
      %dma_wait3A_265 = tpu.memref_slice %arg10[%dma_wait3A_264] : memref<160xf32, #tpu.memory_space<vmem>> -> memref<16xf32, #tpu.memory_space<vmem>>
      tpu.wait_dma2 semaphore(%run_scoped3A : memref<!tpu.dma_semaphore, #tpu.memory_space<semaphore_mem>>) src(%dma_wait3A_265 : memref<16xf32, #tpu.memory_space<vmem>>) dst(%dma_wait3A_263 : memref<16xf32, #tpu.memory_space<hbm>>)
      tpu.yield
    }) : () -> ()
    "tpu.region"() ({
      %run_scoped3A = tpu.sem_alloc : memref<!tpu.dma_semaphore, #tpu.memory_space<semaphore_mem>>
      %dma_start3A_255 = arith.constant 0 : i32
      %dma_start3A_256 = tpu.memref_slice %arg11[%dma_start3A_255] : memref<160xf32, #tpu.memory_space<vmem>> -> memref<16xf32, #tpu.memory_space<vmem>>
      %dma_start3A_257 = tpu.memref_slice %arg5[%mul3A_254] : memref<512xf32, #tpu.memory_space<hbm>> -> memref<16xf32, #tpu.memory_space<hbm>>
      %dma_start3A_258 = tpu.memref_slice %arg5[%mul3A_254] : memref<512xf32, #tpu.memory_space<hbm>> -> memref<16xf32, #tpu.memory_space<hbm>>
      %dma_start3A_259 = arith.constant 0 : i32
      %dma_start3A_260 = tpu.memref_slice %arg11[%dma_start3A_259] : memref<160xf32, #tpu.memory_space<vmem>> -> memref<16xf32, #tpu.memory_space<vmem>>
      tpu.enqueue_dma source(%dma_start3A_260 : memref<16xf32, #tpu.memory_space<vmem>>) target(%dma_start3A_258 : memref<16xf32, #tpu.memory_space<hbm>>) target_semaphore(%run_scoped3A : memref<!tpu.dma_semaphore, #tpu.memory_space<semaphore_mem>>)
      %dma_wait3A = arith.constant 0 : i32
      %dma_wait3A_261 = tpu.memref_slice %arg11[%dma_wait3A] : memref<160xf32, #tpu.memory_space<vmem>> -> memref<16xf32, #tpu.memory_space<vmem>>
      %dma_wait3A_262 = tpu.memref_slice %arg5[%mul3A_254] : memref<512xf32, #tpu.memory_space<hbm>> -> memref<16xf32, #tpu.memory_space<hbm>>
      %dma_wait3A_263 = tpu.memref_slice %arg5[%mul3A_254] : memref<512xf32, #tpu.memory_space<hbm>> -> memref<16xf32, #tpu.memory_space<hbm>>
      %dma_wait3A_264 = arith.constant 0 : i32
      %dma_wait3A_265 = tpu.memref_slice %arg11[%dma_wait3A_264] : memref<160xf32, #tpu.memory_space<vmem>> -> memref<16xf32, #tpu.memory_space<vmem>>
      tpu.wait_dma2 semaphore(%run_scoped3A : memref<!tpu.dma_semaphore, #tpu.memory_space<semaphore_mem>>) src(%dma_wait3A_265 : memref<16xf32, #tpu.memory_space<vmem>>) dst(%dma_wait3A_263 : memref<16xf32, #tpu.memory_space<hbm>>)
      tpu.yield
    }) : () -> ()
    return
  }
}

module attributes {stable_mosaic.version = 14 : i64} {
  func.func @_tc_body(%arg0: i32, %arg1: memref<512x1000xf32, #tpu.memory_space<vmem>>, %arg2: memref<512x1000xf32, #tpu.memory_space<vmem>>, %arg3: memref<2x10xf32, #tpu.memory_space<smem>>, %arg4: memref<2x10xf32, #tpu.memory_space<smem>>) attributes {dimension_semantics = [#tpu.dimension_semantics<arbitrary>], iteration_bounds = array<i64: 26>, scalar_prefetch = 0 : i64, scratch_operands = 1 : i64, tpu.core_type = #tpu.core_type<tc>, window_params = [{transform_indices = @transform_0, window_bounds = array<i64: 512, 1000>}, {transform_indices = @transform_1, window_bounds = array<i64: 512, 1000>}, {transform_indices = @transform_2, window_bounds = array<i64: 2, 10>}]} {
    %eq3A = arith.constant 0 : i32
    %eq3A_0 = arith.cmpi eq, %arg0, %eq3A : i32
    %convert_element_type3A = arith.extui %eq3A_0 : i1 to i32
    %cond3A = arith.constant 0 : i32
    %cond3A_1 = arith.cmpi ne, %convert_element_type3A, %cond3A : i32
    scf.if %cond3A_1 {
      %swap3A_332 = arith.constant 0.000000e+00 : f32
      %swap3A_333 = arith.constant 0 : index
      %swap3A_334 = arith.constant 0 : index
      %swap3A_335 = memref.load %arg4[%swap3A_333, %swap3A_334] : memref<2x10xf32, #tpu.memory_space<smem>>
      memref.store %swap3A_332, %arg4[%swap3A_333, %swap3A_334] : memref<2x10xf32, #tpu.memory_space<smem>>
      %swap3A_336 = arith.constant 0.000000e+00 : f32
      %swap3A_337 = arith.constant 1 : index
      %swap3A_338 = arith.constant 0 : index
      %swap3A_339 = memref.load %arg4[%swap3A_337, %swap3A_338] : memref<2x10xf32, #tpu.memory_space<smem>>
      memref.store %swap3A_336, %arg4[%swap3A_337, %swap3A_338] : memref<2x10xf32, #tpu.memory_space<smem>>
      %swap3A_340 = arith.constant 0.000000e+00 : f32
      %swap3A_341 = arith.constant 0 : index
      %swap3A_342 = arith.constant 1 : index
      %swap3A_343 = memref.load %arg4[%swap3A_341, %swap3A_342] : memref<2x10xf32, #tpu.memory_space<smem>>
      memref.store %swap3A_340, %arg4[%swap3A_341, %swap3A_342] : memref<2x10xf32, #tpu.memory_space<smem>>
      %swap3A_344 = arith.constant 0.000000e+00 : f32
      %swap3A_345 = arith.constant 1 : index
      %swap3A_346 = arith.constant 1 : index
      %swap3A_347 = memref.load %arg4[%swap3A_345, %swap3A_346] : memref<2x10xf32, #tpu.memory_space<smem>>
      memref.store %swap3A_344, %arg4[%swap3A_345, %swap3A_346] : memref<2x10xf32, #tpu.memory_space<smem>>
      %swap3A_348 = arith.constant 0.000000e+00 : f32
      %swap3A_349 = arith.constant 0 : index
      %swap3A_350 = arith.constant 2 : index
      %swap3A_351 = memref.load %arg4[%swap3A_349, %swap3A_350] : memref<2x10xf32, #tpu.memory_space<smem>>
      memref.store %swap3A_348, %arg4[%swap3A_349, %swap3A_350] : memref<2x10xf32, #tpu.memory_space<smem>>
      %swap3A_352 = arith.constant 0.000000e+00 : f32
      %swap3A_353 = arith.constant 1 : index
      %swap3A_354 = arith.constant 2 : index
      %swap3A_355 = memref.load %arg4[%swap3A_353, %swap3A_354] : memref<2x10xf32, #tpu.memory_space<smem>>
      memref.store %swap3A_352, %arg4[%swap3A_353, %swap3A_354] : memref<2x10xf32, #tpu.memory_space<smem>>
      %swap3A_356 = arith.constant 0.000000e+00 : f32
      %swap3A_357 = arith.constant 0 : index
      %swap3A_358 = arith.constant 3 : index
      %swap3A_359 = memref.load %arg4[%swap3A_357, %swap3A_358] : memref<2x10xf32, #tpu.memory_space<smem>>
      memref.store %swap3A_356, %arg4[%swap3A_357, %swap3A_358] : memref<2x10xf32, #tpu.memory_space<smem>>
      %swap3A_360 = arith.constant 0.000000e+00 : f32
      %swap3A_361 = arith.constant 1 : index
      %swap3A_362 = arith.constant 3 : index
      %swap3A_363 = memref.load %arg4[%swap3A_361, %swap3A_362] : memref<2x10xf32, #tpu.memory_space<smem>>
      memref.store %swap3A_360, %arg4[%swap3A_361, %swap3A_362] : memref<2x10xf32, #tpu.memory_space<smem>>
      %swap3A_364 = arith.constant 0.000000e+00 : f32
      %swap3A_365 = arith.constant 0 : index
      %swap3A_366 = arith.constant 4 : index
      %swap3A_367 = memref.load %arg4[%swap3A_365, %swap3A_366] : memref<2x10xf32, #tpu.memory_space<smem>>
      memref.store %swap3A_364, %arg4[%swap3A_365, %swap3A_366] : memref<2x10xf32, #tpu.memory_space<smem>>
      %swap3A_368 = arith.constant 0.000000e+00 : f32
      %swap3A_369 = arith.constant 1 : index
      %swap3A_370 = arith.constant 4 : index
      %swap3A_371 = memref.load %arg4[%swap3A_369, %swap3A_370] : memref<2x10xf32, #tpu.memory_space<smem>>
      memref.store %swap3A_368, %arg4[%swap3A_369, %swap3A_370] : memref<2x10xf32, #tpu.memory_space<smem>>
      %swap3A_372 = arith.constant 0.000000e+00 : f32
      %swap3A_373 = arith.constant 0 : index
      %swap3A_374 = arith.constant 5 : index
      %swap3A_375 = memref.load %arg4[%swap3A_373, %swap3A_374] : memref<2x10xf32, #tpu.memory_space<smem>>
      memref.store %swap3A_372, %arg4[%swap3A_373, %swap3A_374] : memref<2x10xf32, #tpu.memory_space<smem>>
      %swap3A_376 = arith.constant 0.000000e+00 : f32
      %swap3A_377 = arith.constant 1 : index
      %swap3A_378 = arith.constant 5 : index
      %swap3A_379 = memref.load %arg4[%swap3A_377, %swap3A_378] : memref<2x10xf32, #tpu.memory_space<smem>>
      memref.store %swap3A_376, %arg4[%swap3A_377, %swap3A_378] : memref<2x10xf32, #tpu.memory_space<smem>>
      %swap3A_380 = arith.constant 0.000000e+00 : f32
      %swap3A_381 = arith.constant 0 : index
      %swap3A_382 = arith.constant 6 : index
      %swap3A_383 = memref.load %arg4[%swap3A_381, %swap3A_382] : memref<2x10xf32, #tpu.memory_space<smem>>
      memref.store %swap3A_380, %arg4[%swap3A_381, %swap3A_382] : memref<2x10xf32, #tpu.memory_space<smem>>
      %swap3A_384 = arith.constant 0.000000e+00 : f32
      %swap3A_385 = arith.constant 1 : index
      %swap3A_386 = arith.constant 6 : index
      %swap3A_387 = memref.load %arg4[%swap3A_385, %swap3A_386] : memref<2x10xf32, #tpu.memory_space<smem>>
      memref.store %swap3A_384, %arg4[%swap3A_385, %swap3A_386] : memref<2x10xf32, #tpu.memory_space<smem>>
      %swap3A_388 = arith.constant 0.000000e+00 : f32
      %swap3A_389 = arith.constant 0 : index
      %swap3A_390 = arith.constant 7 : index
      %swap3A_391 = memref.load %arg4[%swap3A_389, %swap3A_390] : memref<2x10xf32, #tpu.memory_space<smem>>
      memref.store %swap3A_388, %arg4[%swap3A_389, %swap3A_390] : memref<2x10xf32, #tpu.memory_space<smem>>
      %swap3A_392 = arith.constant 0.000000e+00 : f32
      %swap3A_393 = arith.constant 1 : index
      %swap3A_394 = arith.constant 7 : index
      %swap3A_395 = memref.load %arg4[%swap3A_393, %swap3A_394] : memref<2x10xf32, #tpu.memory_space<smem>>
      memref.store %swap3A_392, %arg4[%swap3A_393, %swap3A_394] : memref<2x10xf32, #tpu.memory_space<smem>>
      %swap3A_396 = arith.constant 0.000000e+00 : f32
      %swap3A_397 = arith.constant 0 : index
      %swap3A_398 = arith.constant 8 : index
      %swap3A_399 = memref.load %arg4[%swap3A_397, %swap3A_398] : memref<2x10xf32, #tpu.memory_space<smem>>
      memref.store %swap3A_396, %arg4[%swap3A_397, %swap3A_398] : memref<2x10xf32, #tpu.memory_space<smem>>
      %swap3A_400 = arith.constant 0.000000e+00 : f32
      %swap3A_401 = arith.constant 1 : index
      %swap3A_402 = arith.constant 8 : index
      %swap3A_403 = memref.load %arg4[%swap3A_401, %swap3A_402] : memref<2x10xf32, #tpu.memory_space<smem>>
      memref.store %swap3A_400, %arg4[%swap3A_401, %swap3A_402] : memref<2x10xf32, #tpu.memory_space<smem>>
      %swap3A_404 = arith.constant 0.000000e+00 : f32
      %swap3A_405 = arith.constant 0 : index
      %swap3A_406 = arith.constant 9 : index
      %swap3A_407 = memref.load %arg4[%swap3A_405, %swap3A_406] : memref<2x10xf32, #tpu.memory_space<smem>>
      memref.store %swap3A_404, %arg4[%swap3A_405, %swap3A_406] : memref<2x10xf32, #tpu.memory_space<smem>>
      %swap3A_408 = arith.constant 0.000000e+00 : f32
      %swap3A_409 = arith.constant 1 : index
      %swap3A_410 = arith.constant 9 : index
      %swap3A_411 = memref.load %arg4[%swap3A_409, %swap3A_410] : memref<2x10xf32, #tpu.memory_space<smem>>
      memref.store %swap3A_408, %arg4[%swap3A_409, %swap3A_410] : memref<2x10xf32, #tpu.memory_space<smem>>
    } else {
    }
    %get3A = arith.constant 0 : index
    %get3A_2 = arith.constant 0 : index
    %get3A_3 = vector.load %arg1[%get3A, %get3A_2] : memref<512x1000xf32, #tpu.memory_space<vmem>>, vector<512x1000xf32>
    %get3A_4 = arith.constant 0 : index
    %get3A_5 = arith.constant 0 : index
    %get3A_6 = vector.load %arg2[%get3A_4, %get3A_5] : memref<512x1000xf32, #tpu.memory_space<vmem>>, vector<512x1000xf32>
    %abs3A = math.absf %get3A_3 : vector<512x1000xf32>
    %max3A = arith.constant 0.000000e+00 : f32
    %max3A_7 = vector.broadcast %max3A : f32 to vector<512x1000xf32>
    %max3A_8 = arith.maximumf %get3A_3, %max3A_7 : vector<512x1000xf32>
    %mul3A = arith.mulf %get3A_3, %get3A_6 : vector<512x1000xf32>
    %sub3A = arith.subf %max3A_8, %mul3A : vector<512x1000xf32>
    %neg3A = arith.constant 0.000000e+00 : f32
    %neg3A_9 = vector.broadcast %neg3A : f32 to vector<512x1000xf32>
    %neg3A_10 = arith.subf %neg3A_9, %abs3A : vector<512x1000xf32>
    %exp3A = math.exp %neg3A_10 : vector<512x1000xf32>
    %log1p3A = math.log1p %exp3A : vector<512x1000xf32>
    %add3A = arith.addf %sub3A, %log1p3A : vector<512x1000xf32>
    %sub3A_11 = arith.subf %get3A_3, %get3A_6 : vector<512x1000xf32>
    %abs3A_12 = math.absf %sub3A_11 : vector<512x1000xf32>
    %lt3A = arith.constant 1.000000e-01 : f32
    %lt3A_13 = vector.broadcast %lt3A : f32 to vector<512x1000xf32>
    %lt3A_14 = arith.cmpf olt, %abs3A_12, %lt3A_13 : vector<512x1000xf32>
    %get3A_15 = arith.constant 0 : index
    %get3A_16 = arith.constant 0 : index
    %get3A_17 = memref.load %arg4[%get3A_15, %get3A_16] : memref<2x10xf32, #tpu.memory_space<smem>>
    %convert_element_type3A_18 = arith.extui %lt3A_14 : vector<512x1000xi1> to vector<512x1000xi32>
    %convert_element_type3A_19 = arith.sitofp %convert_element_type3A_18 : vector<512x1000xi32> to vector<512x1000xf32>
    %reduce_sum3A = vector.shape_cast %convert_element_type3A_19 : vector<512x1000xf32> to vector<1x512x1000xf32>
    %reduce_sum3A_20 = arith.constant dense<0.000000e+00> : vector<1xf32>
    %reduce_sum3A_21 = vector.multi_reduction <add>, %reduce_sum3A, %reduce_sum3A_20 [1, 2] : vector<1x512x1000xf32> to vector<1xf32>
    %reduce_sum3A_22 = vector.shape_cast %reduce_sum3A_21 : vector<1xf32> to vector<1x1x1xf32>
    %reduce_sum3A_23 = vector.extract %reduce_sum3A_22[0, 0, 0] : f32 from vector<1x1x1xf32>
    %add3A_24 = arith.addf %get3A_17, %reduce_sum3A_23 : f32
    %swap3A = arith.constant 0 : index
    %swap3A_25 = arith.constant 0 : index
    %swap3A_26 = memref.load %arg4[%swap3A, %swap3A_25] : memref<2x10xf32, #tpu.memory_space<smem>>
    memref.store %add3A_24, %arg4[%swap3A, %swap3A_25] : memref<2x10xf32, #tpu.memory_space<smem>>
    %get3A_27 = arith.constant 1 : index
    %get3A_28 = arith.constant 0 : index
    %get3A_29 = memref.load %arg4[%get3A_27, %get3A_28] : memref<2x10xf32, #tpu.memory_space<smem>>
    %jit3A = arith.constant 0.000000e+00 : f32
    %broadcast_in_dim3A = vector.broadcast %jit3A : f32 to vector<512x1000xf32>
    %select_n3A = arith.select %lt3A_14, %add3A, %broadcast_in_dim3A : vector<512x1000xi1>, vector<512x1000xf32>
    %reduce_sum3A_30 = vector.shape_cast %select_n3A : vector<512x1000xf32> to vector<1x512x1000xf32>
    %reduce_sum3A_31 = arith.constant dense<0.000000e+00> : vector<1xf32>
    %reduce_sum3A_32 = vector.multi_reduction <add>, %reduce_sum3A_30, %reduce_sum3A_31 [1, 2] : vector<1x512x1000xf32> to vector<1xf32>
    %reduce_sum3A_33 = vector.shape_cast %reduce_sum3A_32 : vector<1xf32> to vector<1x1x1xf32>
    %reduce_sum3A_34 = vector.extract %reduce_sum3A_33[0, 0, 0] : f32 from vector<1x1x1xf32>
    %add3A_35 = arith.addf %get3A_29, %reduce_sum3A_34 : f32
    %swap3A_36 = arith.constant 1 : index
    %swap3A_37 = arith.constant 0 : index
    %swap3A_38 = memref.load %arg4[%swap3A_36, %swap3A_37] : memref<2x10xf32, #tpu.memory_space<smem>>
    memref.store %add3A_35, %arg4[%swap3A_36, %swap3A_37] : memref<2x10xf32, #tpu.memory_space<smem>>
    %lt3A_39 = arith.constant 2.000000e-01 : f32
    %lt3A_40 = vector.broadcast %lt3A_39 : f32 to vector<512x1000xf32>
    %lt3A_41 = arith.cmpf olt, %abs3A_12, %lt3A_40 : vector<512x1000xf32>
    %get3A_42 = arith.constant 0 : index
    %get3A_43 = arith.constant 1 : index
    %get3A_44 = memref.load %arg4[%get3A_42, %get3A_43] : memref<2x10xf32, #tpu.memory_space<smem>>
    %convert_element_type3A_45 = arith.extui %lt3A_41 : vector<512x1000xi1> to vector<512x1000xi32>
    %convert_element_type3A_46 = arith.sitofp %convert_element_type3A_45 : vector<512x1000xi32> to vector<512x1000xf32>
    %reduce_sum3A_47 = vector.shape_cast %convert_element_type3A_46 : vector<512x1000xf32> to vector<1x512x1000xf32>
    %reduce_sum3A_48 = arith.constant dense<0.000000e+00> : vector<1xf32>
    %reduce_sum3A_49 = vector.multi_reduction <add>, %reduce_sum3A_47, %reduce_sum3A_48 [1, 2] : vector<1x512x1000xf32> to vector<1xf32>
    %reduce_sum3A_50 = vector.shape_cast %reduce_sum3A_49 : vector<1xf32> to vector<1x1x1xf32>
    %reduce_sum3A_51 = vector.extract %reduce_sum3A_50[0, 0, 0] : f32 from vector<1x1x1xf32>
    %add3A_52 = arith.addf %get3A_44, %reduce_sum3A_51 : f32
    %swap3A_53 = arith.constant 0 : index
    %swap3A_54 = arith.constant 1 : index
    %swap3A_55 = memref.load %arg4[%swap3A_53, %swap3A_54] : memref<2x10xf32, #tpu.memory_space<smem>>
    memref.store %add3A_52, %arg4[%swap3A_53, %swap3A_54] : memref<2x10xf32, #tpu.memory_space<smem>>
    %get3A_56 = arith.constant 1 : index
    %get3A_57 = arith.constant 1 : index
    %get3A_58 = memref.load %arg4[%get3A_56, %get3A_57] : memref<2x10xf32, #tpu.memory_space<smem>>
    %jit3A_59 = arith.constant 0.000000e+00 : f32
    %broadcast_in_dim3A_60 = vector.broadcast %jit3A_59 : f32 to vector<512x1000xf32>
    %select_n3A_61 = arith.select %lt3A_41, %add3A, %broadcast_in_dim3A_60 : vector<512x1000xi1>, vector<512x1000xf32>
    %reduce_sum3A_62 = vector.shape_cast %select_n3A_61 : vector<512x1000xf32> to vector<1x512x1000xf32>
    %reduce_sum3A_63 = arith.constant dense<0.000000e+00> : vector<1xf32>
    %reduce_sum3A_64 = vector.multi_reduction <add>, %reduce_sum3A_62, %reduce_sum3A_63 [1, 2] : vector<1x512x1000xf32> to vector<1xf32>
    %reduce_sum3A_65 = vector.shape_cast %reduce_sum3A_64 : vector<1xf32> to vector<1x1x1xf32>
    %reduce_sum3A_66 = vector.extract %reduce_sum3A_65[0, 0, 0] : f32 from vector<1x1x1xf32>
    %add3A_67 = arith.addf %get3A_58, %reduce_sum3A_66 : f32
    %swap3A_68 = arith.constant 1 : index
    %swap3A_69 = arith.constant 1 : index
    %swap3A_70 = memref.load %arg4[%swap3A_68, %swap3A_69] : memref<2x10xf32, #tpu.memory_space<smem>>
    memref.store %add3A_67, %arg4[%swap3A_68, %swap3A_69] : memref<2x10xf32, #tpu.memory_space<smem>>
    %lt3A_71 = arith.constant 3.000000e-01 : f32
    %lt3A_72 = vector.broadcast %lt3A_71 : f32 to vector<512x1000xf32>
    %lt3A_73 = arith.cmpf olt, %abs3A_12, %lt3A_72 : vector<512x1000xf32>
    %get3A_74 = arith.constant 0 : index
    %get3A_75 = arith.constant 2 : index
    %get3A_76 = memref.load %arg4[%get3A_74, %get3A_75] : memref<2x10xf32, #tpu.memory_space<smem>>
    %convert_element_type3A_77 = arith.extui %lt3A_73 : vector<512x1000xi1> to vector<512x1000xi32>
    %convert_element_type3A_78 = arith.sitofp %convert_element_type3A_77 : vector<512x1000xi32> to vector<512x1000xf32>
    %reduce_sum3A_79 = vector.shape_cast %convert_element_type3A_78 : vector<512x1000xf32> to vector<1x512x1000xf32>
    %reduce_sum3A_80 = arith.constant dense<0.000000e+00> : vector<1xf32>
    %reduce_sum3A_81 = vector.multi_reduction <add>, %reduce_sum3A_79, %reduce_sum3A_80 [1, 2] : vector<1x512x1000xf32> to vector<1xf32>
    %reduce_sum3A_82 = vector.shape_cast %reduce_sum3A_81 : vector<1xf32> to vector<1x1x1xf32>
    %reduce_sum3A_83 = vector.extract %reduce_sum3A_82[0, 0, 0] : f32 from vector<1x1x1xf32>
    %add3A_84 = arith.addf %get3A_76, %reduce_sum3A_83 : f32
    %swap3A_85 = arith.constant 0 : index
    %swap3A_86 = arith.constant 2 : index
    %swap3A_87 = memref.load %arg4[%swap3A_85, %swap3A_86] : memref<2x10xf32, #tpu.memory_space<smem>>
    memref.store %add3A_84, %arg4[%swap3A_85, %swap3A_86] : memref<2x10xf32, #tpu.memory_space<smem>>
    %get3A_88 = arith.constant 1 : index
    %get3A_89 = arith.constant 2 : index
    %get3A_90 = memref.load %arg4[%get3A_88, %get3A_89] : memref<2x10xf32, #tpu.memory_space<smem>>
    %jit3A_91 = arith.constant 0.000000e+00 : f32
    %broadcast_in_dim3A_92 = vector.broadcast %jit3A_91 : f32 to vector<512x1000xf32>
    %select_n3A_93 = arith.select %lt3A_73, %add3A, %broadcast_in_dim3A_92 : vector<512x1000xi1>, vector<512x1000xf32>
    %reduce_sum3A_94 = vector.shape_cast %select_n3A_93 : vector<512x1000xf32> to vector<1x512x1000xf32>
    %reduce_sum3A_95 = arith.constant dense<0.000000e+00> : vector<1xf32>
    %reduce_sum3A_96 = vector.multi_reduction <add>, %reduce_sum3A_94, %reduce_sum3A_95 [1, 2] : vector<1x512x1000xf32> to vector<1xf32>
    %reduce_sum3A_97 = vector.shape_cast %reduce_sum3A_96 : vector<1xf32> to vector<1x1x1xf32>
    %reduce_sum3A_98 = vector.extract %reduce_sum3A_97[0, 0, 0] : f32 from vector<1x1x1xf32>
    %add3A_99 = arith.addf %get3A_90, %reduce_sum3A_98 : f32
    %swap3A_100 = arith.constant 1 : index
    %swap3A_101 = arith.constant 2 : index
    %swap3A_102 = memref.load %arg4[%swap3A_100, %swap3A_101] : memref<2x10xf32, #tpu.memory_space<smem>>
    memref.store %add3A_99, %arg4[%swap3A_100, %swap3A_101] : memref<2x10xf32, #tpu.memory_space<smem>>
    %lt3A_103 = arith.constant 4.000000e-01 : f32
    %lt3A_104 = vector.broadcast %lt3A_103 : f32 to vector<512x1000xf32>
    %lt3A_105 = arith.cmpf olt, %abs3A_12, %lt3A_104 : vector<512x1000xf32>
    %get3A_106 = arith.constant 0 : index
    %get3A_107 = arith.constant 3 : index
    %get3A_108 = memref.load %arg4[%get3A_106, %get3A_107] : memref<2x10xf32, #tpu.memory_space<smem>>
    %convert_element_type3A_109 = arith.extui %lt3A_105 : vector<512x1000xi1> to vector<512x1000xi32>
    %convert_element_type3A_110 = arith.sitofp %convert_element_type3A_109 : vector<512x1000xi32> to vector<512x1000xf32>
    %reduce_sum3A_111 = vector.shape_cast %convert_element_type3A_110 : vector<512x1000xf32> to vector<1x512x1000xf32>
    %reduce_sum3A_112 = arith.constant dense<0.000000e+00> : vector<1xf32>
    %reduce_sum3A_113 = vector.multi_reduction <add>, %reduce_sum3A_111, %reduce_sum3A_112 [1, 2] : vector<1x512x1000xf32> to vector<1xf32>
    %reduce_sum3A_114 = vector.shape_cast %reduce_sum3A_113 : vector<1xf32> to vector<1x1x1xf32>
    %reduce_sum3A_115 = vector.extract %reduce_sum3A_114[0, 0, 0] : f32 from vector<1x1x1xf32>
    %add3A_116 = arith.addf %get3A_108, %reduce_sum3A_115 : f32
    %swap3A_117 = arith.constant 0 : index
    %swap3A_118 = arith.constant 3 : index
    %swap3A_119 = memref.load %arg4[%swap3A_117, %swap3A_118] : memref<2x10xf32, #tpu.memory_space<smem>>
    memref.store %add3A_116, %arg4[%swap3A_117, %swap3A_118] : memref<2x10xf32, #tpu.memory_space<smem>>
    %get3A_120 = arith.constant 1 : index
    %get3A_121 = arith.constant 3 : index
    %get3A_122 = memref.load %arg4[%get3A_120, %get3A_121] : memref<2x10xf32, #tpu.memory_space<smem>>
    %jit3A_123 = arith.constant 0.000000e+00 : f32
    %broadcast_in_dim3A_124 = vector.broadcast %jit3A_123 : f32 to vector<512x1000xf32>
    %select_n3A_125 = arith.select %lt3A_105, %add3A, %broadcast_in_dim3A_124 : vector<512x1000xi1>, vector<512x1000xf32>
    %reduce_sum3A_126 = vector.shape_cast %select_n3A_125 : vector<512x1000xf32> to vector<1x512x1000xf32>
    %reduce_sum3A_127 = arith.constant dense<0.000000e+00> : vector<1xf32>
    %reduce_sum3A_128 = vector.multi_reduction <add>, %reduce_sum3A_126, %reduce_sum3A_127 [1, 2] : vector<1x512x1000xf32> to vector<1xf32>
    %reduce_sum3A_129 = vector.shape_cast %reduce_sum3A_128 : vector<1xf32> to vector<1x1x1xf32>
    %reduce_sum3A_130 = vector.extract %reduce_sum3A_129[0, 0, 0] : f32 from vector<1x1x1xf32>
    %add3A_131 = arith.addf %get3A_122, %reduce_sum3A_130 : f32
    %swap3A_132 = arith.constant 1 : index
    %swap3A_133 = arith.constant 3 : index
    %swap3A_134 = memref.load %arg4[%swap3A_132, %swap3A_133] : memref<2x10xf32, #tpu.memory_space<smem>>
    memref.store %add3A_131, %arg4[%swap3A_132, %swap3A_133] : memref<2x10xf32, #tpu.memory_space<smem>>
    %lt3A_135 = arith.constant 5.000000e-01 : f32
    %lt3A_136 = vector.broadcast %lt3A_135 : f32 to vector<512x1000xf32>
    %lt3A_137 = arith.cmpf olt, %abs3A_12, %lt3A_136 : vector<512x1000xf32>
    %get3A_138 = arith.constant 0 : index
    %get3A_139 = arith.constant 4 : index
    %get3A_140 = memref.load %arg4[%get3A_138, %get3A_139] : memref<2x10xf32, #tpu.memory_space<smem>>
    %convert_element_type3A_141 = arith.extui %lt3A_137 : vector<512x1000xi1> to vector<512x1000xi32>
    %convert_element_type3A_142 = arith.sitofp %convert_element_type3A_141 : vector<512x1000xi32> to vector<512x1000xf32>
    %reduce_sum3A_143 = vector.shape_cast %convert_element_type3A_142 : vector<512x1000xf32> to vector<1x512x1000xf32>
    %reduce_sum3A_144 = arith.constant dense<0.000000e+00> : vector<1xf32>
    %reduce_sum3A_145 = vector.multi_reduction <add>, %reduce_sum3A_143, %reduce_sum3A_144 [1, 2] : vector<1x512x1000xf32> to vector<1xf32>
    %reduce_sum3A_146 = vector.shape_cast %reduce_sum3A_145 : vector<1xf32> to vector<1x1x1xf32>
    %reduce_sum3A_147 = vector.extract %reduce_sum3A_146[0, 0, 0] : f32 from vector<1x1x1xf32>
    %add3A_148 = arith.addf %get3A_140, %reduce_sum3A_147 : f32
    %swap3A_149 = arith.constant 0 : index
    %swap3A_150 = arith.constant 4 : index
    %swap3A_151 = memref.load %arg4[%swap3A_149, %swap3A_150] : memref<2x10xf32, #tpu.memory_space<smem>>
    memref.store %add3A_148, %arg4[%swap3A_149, %swap3A_150] : memref<2x10xf32, #tpu.memory_space<smem>>
    %get3A_152 = arith.constant 1 : index
    %get3A_153 = arith.constant 4 : index
    %get3A_154 = memref.load %arg4[%get3A_152, %get3A_153] : memref<2x10xf32, #tpu.memory_space<smem>>
    %jit3A_155 = arith.constant 0.000000e+00 : f32
    %broadcast_in_dim3A_156 = vector.broadcast %jit3A_155 : f32 to vector<512x1000xf32>
    %select_n3A_157 = arith.select %lt3A_137, %add3A, %broadcast_in_dim3A_156 : vector<512x1000xi1>, vector<512x1000xf32>
    %reduce_sum3A_158 = vector.shape_cast %select_n3A_157 : vector<512x1000xf32> to vector<1x512x1000xf32>
    %reduce_sum3A_159 = arith.constant dense<0.000000e+00> : vector<1xf32>
    %reduce_sum3A_160 = vector.multi_reduction <add>, %reduce_sum3A_158, %reduce_sum3A_159 [1, 2] : vector<1x512x1000xf32> to vector<1xf32>
    %reduce_sum3A_161 = vector.shape_cast %reduce_sum3A_160 : vector<1xf32> to vector<1x1x1xf32>
    %reduce_sum3A_162 = vector.extract %reduce_sum3A_161[0, 0, 0] : f32 from vector<1x1x1xf32>
    %add3A_163 = arith.addf %get3A_154, %reduce_sum3A_162 : f32
    %swap3A_164 = arith.constant 1 : index
    %swap3A_165 = arith.constant 4 : index
    %swap3A_166 = memref.load %arg4[%swap3A_164, %swap3A_165] : memref<2x10xf32, #tpu.memory_space<smem>>
    memref.store %add3A_163, %arg4[%swap3A_164, %swap3A_165] : memref<2x10xf32, #tpu.memory_space<smem>>
    %lt3A_167 = arith.constant 6.000000e-01 : f32
    %lt3A_168 = vector.broadcast %lt3A_167 : f32 to vector<512x1000xf32>
    %lt3A_169 = arith.cmpf olt, %abs3A_12, %lt3A_168 : vector<512x1000xf32>
    %get3A_170 = arith.constant 0 : index
    %get3A_171 = arith.constant 5 : index
    %get3A_172 = memref.load %arg4[%get3A_170, %get3A_171] : memref<2x10xf32, #tpu.memory_space<smem>>
    %convert_element_type3A_173 = arith.extui %lt3A_169 : vector<512x1000xi1> to vector<512x1000xi32>
    %convert_element_type3A_174 = arith.sitofp %convert_element_type3A_173 : vector<512x1000xi32> to vector<512x1000xf32>
    %reduce_sum3A_175 = vector.shape_cast %convert_element_type3A_174 : vector<512x1000xf32> to vector<1x512x1000xf32>
    %reduce_sum3A_176 = arith.constant dense<0.000000e+00> : vector<1xf32>
    %reduce_sum3A_177 = vector.multi_reduction <add>, %reduce_sum3A_175, %reduce_sum3A_176 [1, 2] : vector<1x512x1000xf32> to vector<1xf32>
    %reduce_sum3A_178 = vector.shape_cast %reduce_sum3A_177 : vector<1xf32> to vector<1x1x1xf32>
    %reduce_sum3A_179 = vector.extract %reduce_sum3A_178[0, 0, 0] : f32 from vector<1x1x1xf32>
    %add3A_180 = arith.addf %get3A_172, %reduce_sum3A_179 : f32
    %swap3A_181 = arith.constant 0 : index
    %swap3A_182 = arith.constant 5 : index
    %swap3A_183 = memref.load %arg4[%swap3A_181, %swap3A_182] : memref<2x10xf32, #tpu.memory_space<smem>>
    memref.store %add3A_180, %arg4[%swap3A_181, %swap3A_182] : memref<2x10xf32, #tpu.memory_space<smem>>
    %get3A_184 = arith.constant 1 : index
    %get3A_185 = arith.constant 5 : index
    %get3A_186 = memref.load %arg4[%get3A_184, %get3A_185] : memref<2x10xf32, #tpu.memory_space<smem>>
    %jit3A_187 = arith.constant 0.000000e+00 : f32
    %broadcast_in_dim3A_188 = vector.broadcast %jit3A_187 : f32 to vector<512x1000xf32>
    %select_n3A_189 = arith.select %lt3A_169, %add3A, %broadcast_in_dim3A_188 : vector<512x1000xi1>, vector<512x1000xf32>
    %reduce_sum3A_190 = vector.shape_cast %select_n3A_189 : vector<512x1000xf32> to vector<1x512x1000xf32>
    %reduce_sum3A_191 = arith.constant dense<0.000000e+00> : vector<1xf32>
    %reduce_sum3A_192 = vector.multi_reduction <add>, %reduce_sum3A_190, %reduce_sum3A_191 [1, 2] : vector<1x512x1000xf32> to vector<1xf32>
    %reduce_sum3A_193 = vector.shape_cast %reduce_sum3A_192 : vector<1xf32> to vector<1x1x1xf32>
    %reduce_sum3A_194 = vector.extract %reduce_sum3A_193[0, 0, 0] : f32 from vector<1x1x1xf32>
    %add3A_195 = arith.addf %get3A_186, %reduce_sum3A_194 : f32
    %swap3A_196 = arith.constant 1 : index
    %swap3A_197 = arith.constant 5 : index
    %swap3A_198 = memref.load %arg4[%swap3A_196, %swap3A_197] : memref<2x10xf32, #tpu.memory_space<smem>>
    memref.store %add3A_195, %arg4[%swap3A_196, %swap3A_197] : memref<2x10xf32, #tpu.memory_space<smem>>
    %lt3A_199 = arith.constant 0.699999988 : f32
    %lt3A_200 = vector.broadcast %lt3A_199 : f32 to vector<512x1000xf32>
    %lt3A_201 = arith.cmpf olt, %abs3A_12, %lt3A_200 : vector<512x1000xf32>
    %get3A_202 = arith.constant 0 : index
    %get3A_203 = arith.constant 6 : index
    %get3A_204 = memref.load %arg4[%get3A_202, %get3A_203] : memref<2x10xf32, #tpu.memory_space<smem>>
    %convert_element_type3A_205 = arith.extui %lt3A_201 : vector<512x1000xi1> to vector<512x1000xi32>
    %convert_element_type3A_206 = arith.sitofp %convert_element_type3A_205 : vector<512x1000xi32> to vector<512x1000xf32>
    %reduce_sum3A_207 = vector.shape_cast %convert_element_type3A_206 : vector<512x1000xf32> to vector<1x512x1000xf32>
    %reduce_sum3A_208 = arith.constant dense<0.000000e+00> : vector<1xf32>
    %reduce_sum3A_209 = vector.multi_reduction <add>, %reduce_sum3A_207, %reduce_sum3A_208 [1, 2] : vector<1x512x1000xf32> to vector<1xf32>
    %reduce_sum3A_210 = vector.shape_cast %reduce_sum3A_209 : vector<1xf32> to vector<1x1x1xf32>
    %reduce_sum3A_211 = vector.extract %reduce_sum3A_210[0, 0, 0] : f32 from vector<1x1x1xf32>
    %add3A_212 = arith.addf %get3A_204, %reduce_sum3A_211 : f32
    %swap3A_213 = arith.constant 0 : index
    %swap3A_214 = arith.constant 6 : index
    %swap3A_215 = memref.load %arg4[%swap3A_213, %swap3A_214] : memref<2x10xf32, #tpu.memory_space<smem>>
    memref.store %add3A_212, %arg4[%swap3A_213, %swap3A_214] : memref<2x10xf32, #tpu.memory_space<smem>>
    %get3A_216 = arith.constant 1 : index
    %get3A_217 = arith.constant 6 : index
    %get3A_218 = memref.load %arg4[%get3A_216, %get3A_217] : memref<2x10xf32, #tpu.memory_space<smem>>
    %jit3A_219 = arith.constant 0.000000e+00 : f32
    %broadcast_in_dim3A_220 = vector.broadcast %jit3A_219 : f32 to vector<512x1000xf32>
    %select_n3A_221 = arith.select %lt3A_201, %add3A, %broadcast_in_dim3A_220 : vector<512x1000xi1>, vector<512x1000xf32>
    %reduce_sum3A_222 = vector.shape_cast %select_n3A_221 : vector<512x1000xf32> to vector<1x512x1000xf32>
    %reduce_sum3A_223 = arith.constant dense<0.000000e+00> : vector<1xf32>
    %reduce_sum3A_224 = vector.multi_reduction <add>, %reduce_sum3A_222, %reduce_sum3A_223 [1, 2] : vector<1x512x1000xf32> to vector<1xf32>
    %reduce_sum3A_225 = vector.shape_cast %reduce_sum3A_224 : vector<1xf32> to vector<1x1x1xf32>
    %reduce_sum3A_226 = vector.extract %reduce_sum3A_225[0, 0, 0] : f32 from vector<1x1x1xf32>
    %add3A_227 = arith.addf %get3A_218, %reduce_sum3A_226 : f32
    %swap3A_228 = arith.constant 1 : index
    %swap3A_229 = arith.constant 6 : index
    %swap3A_230 = memref.load %arg4[%swap3A_228, %swap3A_229] : memref<2x10xf32, #tpu.memory_space<smem>>
    memref.store %add3A_227, %arg4[%swap3A_228, %swap3A_229] : memref<2x10xf32, #tpu.memory_space<smem>>
    %lt3A_231 = arith.constant 8.000000e-01 : f32
    %lt3A_232 = vector.broadcast %lt3A_231 : f32 to vector<512x1000xf32>
    %lt3A_233 = arith.cmpf olt, %abs3A_12, %lt3A_232 : vector<512x1000xf32>
    %get3A_234 = arith.constant 0 : index
    %get3A_235 = arith.constant 7 : index
    %get3A_236 = memref.load %arg4[%get3A_234, %get3A_235] : memref<2x10xf32, #tpu.memory_space<smem>>
    %convert_element_type3A_237 = arith.extui %lt3A_233 : vector<512x1000xi1> to vector<512x1000xi32>
    %convert_element_type3A_238 = arith.sitofp %convert_element_type3A_237 : vector<512x1000xi32> to vector<512x1000xf32>
    %reduce_sum3A_239 = vector.shape_cast %convert_element_type3A_238 : vector<512x1000xf32> to vector<1x512x1000xf32>
    %reduce_sum3A_240 = arith.constant dense<0.000000e+00> : vector<1xf32>
    %reduce_sum3A_241 = vector.multi_reduction <add>, %reduce_sum3A_239, %reduce_sum3A_240 [1, 2] : vector<1x512x1000xf32> to vector<1xf32>
    %reduce_sum3A_242 = vector.shape_cast %reduce_sum3A_241 : vector<1xf32> to vector<1x1x1xf32>
    %reduce_sum3A_243 = vector.extract %reduce_sum3A_242[0, 0, 0] : f32 from vector<1x1x1xf32>
    %add3A_244 = arith.addf %get3A_236, %reduce_sum3A_243 : f32
    %swap3A_245 = arith.constant 0 : index
    %swap3A_246 = arith.constant 7 : index
    %swap3A_247 = memref.load %arg4[%swap3A_245, %swap3A_246] : memref<2x10xf32, #tpu.memory_space<smem>>
    memref.store %add3A_244, %arg4[%swap3A_245, %swap3A_246] : memref<2x10xf32, #tpu.memory_space<smem>>
    %get3A_248 = arith.constant 1 : index
    %get3A_249 = arith.constant 7 : index
    %get3A_250 = memref.load %arg4[%get3A_248, %get3A_249] : memref<2x10xf32, #tpu.memory_space<smem>>
    %jit3A_251 = arith.constant 0.000000e+00 : f32
    %broadcast_in_dim3A_252 = vector.broadcast %jit3A_251 : f32 to vector<512x1000xf32>
    %select_n3A_253 = arith.select %lt3A_233, %add3A, %broadcast_in_dim3A_252 : vector<512x1000xi1>, vector<512x1000xf32>
    %reduce_sum3A_254 = vector.shape_cast %select_n3A_253 : vector<512x1000xf32> to vector<1x512x1000xf32>
    %reduce_sum3A_255 = arith.constant dense<0.000000e+00> : vector<1xf32>
    %reduce_sum3A_256 = vector.multi_reduction <add>, %reduce_sum3A_254, %reduce_sum3A_255 [1, 2] : vector<1x512x1000xf32> to vector<1xf32>
    %reduce_sum3A_257 = vector.shape_cast %reduce_sum3A_256 : vector<1xf32> to vector<1x1x1xf32>
    %reduce_sum3A_258 = vector.extract %reduce_sum3A_257[0, 0, 0] : f32 from vector<1x1x1xf32>
    %add3A_259 = arith.addf %get3A_250, %reduce_sum3A_258 : f32
    %swap3A_260 = arith.constant 1 : index
    %swap3A_261 = arith.constant 7 : index
    %swap3A_262 = memref.load %arg4[%swap3A_260, %swap3A_261] : memref<2x10xf32, #tpu.memory_space<smem>>
    memref.store %add3A_259, %arg4[%swap3A_260, %swap3A_261] : memref<2x10xf32, #tpu.memory_space<smem>>
    %lt3A_263 = arith.constant 0.899999976 : f32
    %lt3A_264 = vector.broadcast %lt3A_263 : f32 to vector<512x1000xf32>
    %lt3A_265 = arith.cmpf olt, %abs3A_12, %lt3A_264 : vector<512x1000xf32>
    %get3A_266 = arith.constant 0 : index
    %get3A_267 = arith.constant 8 : index
    %get3A_268 = memref.load %arg4[%get3A_266, %get3A_267] : memref<2x10xf32, #tpu.memory_space<smem>>
    %convert_element_type3A_269 = arith.extui %lt3A_265 : vector<512x1000xi1> to vector<512x1000xi32>
    %convert_element_type3A_270 = arith.sitofp %convert_element_type3A_269 : vector<512x1000xi32> to vector<512x1000xf32>
    %reduce_sum3A_271 = vector.shape_cast %convert_element_type3A_270 : vector<512x1000xf32> to vector<1x512x1000xf32>
    %reduce_sum3A_272 = arith.constant dense<0.000000e+00> : vector<1xf32>
    %reduce_sum3A_273 = vector.multi_reduction <add>, %reduce_sum3A_271, %reduce_sum3A_272 [1, 2] : vector<1x512x1000xf32> to vector<1xf32>
    %reduce_sum3A_274 = vector.shape_cast %reduce_sum3A_273 : vector<1xf32> to vector<1x1x1xf32>
    %reduce_sum3A_275 = vector.extract %reduce_sum3A_274[0, 0, 0] : f32 from vector<1x1x1xf32>
    %add3A_276 = arith.addf %get3A_268, %reduce_sum3A_275 : f32
    %swap3A_277 = arith.constant 0 : index
    %swap3A_278 = arith.constant 8 : index
    %swap3A_279 = memref.load %arg4[%swap3A_277, %swap3A_278] : memref<2x10xf32, #tpu.memory_space<smem>>
    memref.store %add3A_276, %arg4[%swap3A_277, %swap3A_278] : memref<2x10xf32, #tpu.memory_space<smem>>
    %get3A_280 = arith.constant 1 : index
    %get3A_281 = arith.constant 8 : index
    %get3A_282 = memref.load %arg4[%get3A_280, %get3A_281] : memref<2x10xf32, #tpu.memory_space<smem>>
    %jit3A_283 = arith.constant 0.000000e+00 : f32
    %broadcast_in_dim3A_284 = vector.broadcast %jit3A_283 : f32 to vector<512x1000xf32>
    %select_n3A_285 = arith.select %lt3A_265, %add3A, %broadcast_in_dim3A_284 : vector<512x1000xi1>, vector<512x1000xf32>
    %reduce_sum3A_286 = vector.shape_cast %select_n3A_285 : vector<512x1000xf32> to vector<1x512x1000xf32>
    %reduce_sum3A_287 = arith.constant dense<0.000000e+00> : vector<1xf32>
    %reduce_sum3A_288 = vector.multi_reduction <add>, %reduce_sum3A_286, %reduce_sum3A_287 [1, 2] : vector<1x512x1000xf32> to vector<1xf32>
    %reduce_sum3A_289 = vector.shape_cast %reduce_sum3A_288 : vector<1xf32> to vector<1x1x1xf32>
    %reduce_sum3A_290 = vector.extract %reduce_sum3A_289[0, 0, 0] : f32 from vector<1x1x1xf32>
    %add3A_291 = arith.addf %get3A_282, %reduce_sum3A_290 : f32
    %swap3A_292 = arith.constant 1 : index
    %swap3A_293 = arith.constant 8 : index
    %swap3A_294 = memref.load %arg4[%swap3A_292, %swap3A_293] : memref<2x10xf32, #tpu.memory_space<smem>>
    memref.store %add3A_291, %arg4[%swap3A_292, %swap3A_293] : memref<2x10xf32, #tpu.memory_space<smem>>
    %lt3A_295 = arith.constant 1.00000095 : f32
    %lt3A_296 = vector.broadcast %lt3A_295 : f32 to vector<512x1000xf32>
    %lt3A_297 = arith.cmpf olt, %abs3A_12, %lt3A_296 : vector<512x1000xf32>
    %get3A_298 = arith.constant 0 : index
    %get3A_299 = arith.constant 9 : index
    %get3A_300 = memref.load %arg4[%get3A_298, %get3A_299] : memref<2x10xf32, #tpu.memory_space<smem>>
    %convert_element_type3A_301 = arith.extui %lt3A_297 : vector<512x1000xi1> to vector<512x1000xi32>
    %convert_element_type3A_302 = arith.sitofp %convert_element_type3A_301 : vector<512x1000xi32> to vector<512x1000xf32>
    %reduce_sum3A_303 = vector.shape_cast %convert_element_type3A_302 : vector<512x1000xf32> to vector<1x512x1000xf32>
    %reduce_sum3A_304 = arith.constant dense<0.000000e+00> : vector<1xf32>
    %reduce_sum3A_305 = vector.multi_reduction <add>, %reduce_sum3A_303, %reduce_sum3A_304 [1, 2] : vector<1x512x1000xf32> to vector<1xf32>
    %reduce_sum3A_306 = vector.shape_cast %reduce_sum3A_305 : vector<1xf32> to vector<1x1x1xf32>
    %reduce_sum3A_307 = vector.extract %reduce_sum3A_306[0, 0, 0] : f32 from vector<1x1x1xf32>
    %add3A_308 = arith.addf %get3A_300, %reduce_sum3A_307 : f32
    %swap3A_309 = arith.constant 0 : index
    %swap3A_310 = arith.constant 9 : index
    %swap3A_311 = memref.load %arg4[%swap3A_309, %swap3A_310] : memref<2x10xf32, #tpu.memory_space<smem>>
    memref.store %add3A_308, %arg4[%swap3A_309, %swap3A_310] : memref<2x10xf32, #tpu.memory_space<smem>>
    %get3A_312 = arith.constant 1 : index
    %get3A_313 = arith.constant 9 : index
    %get3A_314 = memref.load %arg4[%get3A_312, %get3A_313] : memref<2x10xf32, #tpu.memory_space<smem>>
    %jit3A_315 = arith.constant 0.000000e+00 : f32
    %broadcast_in_dim3A_316 = vector.broadcast %jit3A_315 : f32 to vector<512x1000xf32>
    %select_n3A_317 = arith.select %lt3A_297, %add3A, %broadcast_in_dim3A_316 : vector<512x1000xi1>, vector<512x1000xf32>
    %reduce_sum3A_318 = vector.shape_cast %select_n3A_317 : vector<512x1000xf32> to vector<1x512x1000xf32>
    %reduce_sum3A_319 = arith.constant dense<0.000000e+00> : vector<1xf32>
    %reduce_sum3A_320 = vector.multi_reduction <add>, %reduce_sum3A_318, %reduce_sum3A_319 [1, 2] : vector<1x512x1000xf32> to vector<1xf32>
    %reduce_sum3A_321 = vector.shape_cast %reduce_sum3A_320 : vector<1xf32> to vector<1x1x1xf32>
    %reduce_sum3A_322 = vector.extract %reduce_sum3A_321[0, 0, 0] : f32 from vector<1x1x1xf32>
    %add3A_323 = arith.addf %get3A_314, %reduce_sum3A_322 : f32
    %swap3A_324 = arith.constant 1 : index
    %swap3A_325 = arith.constant 9 : index
    %swap3A_326 = memref.load %arg4[%swap3A_324, %swap3A_325] : memref<2x10xf32, #tpu.memory_space<smem>>
    memref.store %add3A_323, %arg4[%swap3A_324, %swap3A_325] : memref<2x10xf32, #tpu.memory_space<smem>>
    %eq3A_327 = arith.constant 25 : i32
    %eq3A_328 = arith.cmpi eq, %arg0, %eq3A_327 : i32
    %convert_element_type3A_329 = arith.extui %eq3A_328 : i1 to i32
    %cond3A_330 = arith.constant 0 : i32
    %cond3A_331 = arith.cmpi ne, %convert_element_type3A_329, %cond3A_330 : i32
    scf.if %cond3A_331 {
      %get3A_332 = arith.constant 0 : index
      %get3A_333 = arith.constant 0 : index
      %get3A_334 = memref.load %arg4[%get3A_332, %get3A_333] : memref<2x10xf32, #tpu.memory_space<smem>>
      %swap3A_335 = arith.constant 0 : index
      %swap3A_336 = arith.constant 0 : index
      %swap3A_337 = memref.load %arg3[%swap3A_335, %swap3A_336] : memref<2x10xf32, #tpu.memory_space<smem>>
      memref.store %get3A_334, %arg3[%swap3A_335, %swap3A_336] : memref<2x10xf32, #tpu.memory_space<smem>>
      %get3A_338 = arith.constant 1 : index
      %get3A_339 = arith.constant 0 : index
      %get3A_340 = memref.load %arg4[%get3A_338, %get3A_339] : memref<2x10xf32, #tpu.memory_space<smem>>
      %swap3A_341 = arith.constant 1 : index
      %swap3A_342 = arith.constant 0 : index
      %swap3A_343 = memref.load %arg3[%swap3A_341, %swap3A_342] : memref<2x10xf32, #tpu.memory_space<smem>>
      memref.store %get3A_340, %arg3[%swap3A_341, %swap3A_342] : memref<2x10xf32, #tpu.memory_space<smem>>
      %get3A_344 = arith.constant 0 : index
      %get3A_345 = arith.constant 1 : index
      %get3A_346 = memref.load %arg4[%get3A_344, %get3A_345] : memref<2x10xf32, #tpu.memory_space<smem>>
      %swap3A_347 = arith.constant 0 : index
      %swap3A_348 = arith.constant 1 : index
      %swap3A_349 = memref.load %arg3[%swap3A_347, %swap3A_348] : memref<2x10xf32, #tpu.memory_space<smem>>
      memref.store %get3A_346, %arg3[%swap3A_347, %swap3A_348] : memref<2x10xf32, #tpu.memory_space<smem>>
      %get3A_350 = arith.constant 1 : index
      %get3A_351 = arith.constant 1 : index
      %get3A_352 = memref.load %arg4[%get3A_350, %get3A_351] : memref<2x10xf32, #tpu.memory_space<smem>>
      %swap3A_353 = arith.constant 1 : index
      %swap3A_354 = arith.constant 1 : index
      %swap3A_355 = memref.load %arg3[%swap3A_353, %swap3A_354] : memref<2x10xf32, #tpu.memory_space<smem>>
      memref.store %get3A_352, %arg3[%swap3A_353, %swap3A_354] : memref<2x10xf32, #tpu.memory_space<smem>>
      %get3A_356 = arith.constant 0 : index
      %get3A_357 = arith.constant 2 : index
      %get3A_358 = memref.load %arg4[%get3A_356, %get3A_357] : memref<2x10xf32, #tpu.memory_space<smem>>
      %swap3A_359 = arith.constant 0 : index
      %swap3A_360 = arith.constant 2 : index
      %swap3A_361 = memref.load %arg3[%swap3A_359, %swap3A_360] : memref<2x10xf32, #tpu.memory_space<smem>>
      memref.store %get3A_358, %arg3[%swap3A_359, %swap3A_360] : memref<2x10xf32, #tpu.memory_space<smem>>
      %get3A_362 = arith.constant 1 : index
      %get3A_363 = arith.constant 2 : index
      %get3A_364 = memref.load %arg4[%get3A_362, %get3A_363] : memref<2x10xf32, #tpu.memory_space<smem>>
      %swap3A_365 = arith.constant 1 : index
      %swap3A_366 = arith.constant 2 : index
      %swap3A_367 = memref.load %arg3[%swap3A_365, %swap3A_366] : memref<2x10xf32, #tpu.memory_space<smem>>
      memref.store %get3A_364, %arg3[%swap3A_365, %swap3A_366] : memref<2x10xf32, #tpu.memory_space<smem>>
      %get3A_368 = arith.constant 0 : index
      %get3A_369 = arith.constant 3 : index
      %get3A_370 = memref.load %arg4[%get3A_368, %get3A_369] : memref<2x10xf32, #tpu.memory_space<smem>>
      %swap3A_371 = arith.constant 0 : index
      %swap3A_372 = arith.constant 3 : index
      %swap3A_373 = memref.load %arg3[%swap3A_371, %swap3A_372] : memref<2x10xf32, #tpu.memory_space<smem>>
      memref.store %get3A_370, %arg3[%swap3A_371, %swap3A_372] : memref<2x10xf32, #tpu.memory_space<smem>>
      %get3A_374 = arith.constant 1 : index
      %get3A_375 = arith.constant 3 : index
      %get3A_376 = memref.load %arg4[%get3A_374, %get3A_375] : memref<2x10xf32, #tpu.memory_space<smem>>
      %swap3A_377 = arith.constant 1 : index
      %swap3A_378 = arith.constant 3 : index
      %swap3A_379 = memref.load %arg3[%swap3A_377, %swap3A_378] : memref<2x10xf32, #tpu.memory_space<smem>>
      memref.store %get3A_376, %arg3[%swap3A_377, %swap3A_378] : memref<2x10xf32, #tpu.memory_space<smem>>
      %get3A_380 = arith.constant 0 : index
      %get3A_381 = arith.constant 4 : index
      %get3A_382 = memref.load %arg4[%get3A_380, %get3A_381] : memref<2x10xf32, #tpu.memory_space<smem>>
      %swap3A_383 = arith.constant 0 : index
      %swap3A_384 = arith.constant 4 : index
      %swap3A_385 = memref.load %arg3[%swap3A_383, %swap3A_384] : memref<2x10xf32, #tpu.memory_space<smem>>
      memref.store %get3A_382, %arg3[%swap3A_383, %swap3A_384] : memref<2x10xf32, #tpu.memory_space<smem>>
      %get3A_386 = arith.constant 1 : index
      %get3A_387 = arith.constant 4 : index
      %get3A_388 = memref.load %arg4[%get3A_386, %get3A_387] : memref<2x10xf32, #tpu.memory_space<smem>>
      %swap3A_389 = arith.constant 1 : index
      %swap3A_390 = arith.constant 4 : index
      %swap3A_391 = memref.load %arg3[%swap3A_389, %swap3A_390] : memref<2x10xf32, #tpu.memory_space<smem>>
      memref.store %get3A_388, %arg3[%swap3A_389, %swap3A_390] : memref<2x10xf32, #tpu.memory_space<smem>>
      %get3A_392 = arith.constant 0 : index
      %get3A_393 = arith.constant 5 : index
      %get3A_394 = memref.load %arg4[%get3A_392, %get3A_393] : memref<2x10xf32, #tpu.memory_space<smem>>
      %swap3A_395 = arith.constant 0 : index
      %swap3A_396 = arith.constant 5 : index
      %swap3A_397 = memref.load %arg3[%swap3A_395, %swap3A_396] : memref<2x10xf32, #tpu.memory_space<smem>>
      memref.store %get3A_394, %arg3[%swap3A_395, %swap3A_396] : memref<2x10xf32, #tpu.memory_space<smem>>
      %get3A_398 = arith.constant 1 : index
      %get3A_399 = arith.constant 5 : index
      %get3A_400 = memref.load %arg4[%get3A_398, %get3A_399] : memref<2x10xf32, #tpu.memory_space<smem>>
      %swap3A_401 = arith.constant 1 : index
      %swap3A_402 = arith.constant 5 : index
      %swap3A_403 = memref.load %arg3[%swap3A_401, %swap3A_402] : memref<2x10xf32, #tpu.memory_space<smem>>
      memref.store %get3A_400, %arg3[%swap3A_401, %swap3A_402] : memref<2x10xf32, #tpu.memory_space<smem>>
      %get3A_404 = arith.constant 0 : index
      %get3A_405 = arith.constant 6 : index
      %get3A_406 = memref.load %arg4[%get3A_404, %get3A_405] : memref<2x10xf32, #tpu.memory_space<smem>>
      %swap3A_407 = arith.constant 0 : index
      %swap3A_408 = arith.constant 6 : index
      %swap3A_409 = memref.load %arg3[%swap3A_407, %swap3A_408] : memref<2x10xf32, #tpu.memory_space<smem>>
      memref.store %get3A_406, %arg3[%swap3A_407, %swap3A_408] : memref<2x10xf32, #tpu.memory_space<smem>>
      %get3A_410 = arith.constant 1 : index
      %get3A_411 = arith.constant 6 : index
      %get3A_412 = memref.load %arg4[%get3A_410, %get3A_411] : memref<2x10xf32, #tpu.memory_space<smem>>
      %swap3A_413 = arith.constant 1 : index
      %swap3A_414 = arith.constant 6 : index
      %swap3A_415 = memref.load %arg3[%swap3A_413, %swap3A_414] : memref<2x10xf32, #tpu.memory_space<smem>>
      memref.store %get3A_412, %arg3[%swap3A_413, %swap3A_414] : memref<2x10xf32, #tpu.memory_space<smem>>
      %get3A_416 = arith.constant 0 : index
      %get3A_417 = arith.constant 7 : index
      %get3A_418 = memref.load %arg4[%get3A_416, %get3A_417] : memref<2x10xf32, #tpu.memory_space<smem>>
      %swap3A_419 = arith.constant 0 : index
      %swap3A_420 = arith.constant 7 : index
      %swap3A_421 = memref.load %arg3[%swap3A_419, %swap3A_420] : memref<2x10xf32, #tpu.memory_space<smem>>
      memref.store %get3A_418, %arg3[%swap3A_419, %swap3A_420] : memref<2x10xf32, #tpu.memory_space<smem>>
      %get3A_422 = arith.constant 1 : index
      %get3A_423 = arith.constant 7 : index
      %get3A_424 = memref.load %arg4[%get3A_422, %get3A_423] : memref<2x10xf32, #tpu.memory_space<smem>>
      %swap3A_425 = arith.constant 1 : index
      %swap3A_426 = arith.constant 7 : index
      %swap3A_427 = memref.load %arg3[%swap3A_425, %swap3A_426] : memref<2x10xf32, #tpu.memory_space<smem>>
      memref.store %get3A_424, %arg3[%swap3A_425, %swap3A_426] : memref<2x10xf32, #tpu.memory_space<smem>>
      %get3A_428 = arith.constant 0 : index
      %get3A_429 = arith.constant 8 : index
      %get3A_430 = memref.load %arg4[%get3A_428, %get3A_429] : memref<2x10xf32, #tpu.memory_space<smem>>
      %swap3A_431 = arith.constant 0 : index
      %swap3A_432 = arith.constant 8 : index
      %swap3A_433 = memref.load %arg3[%swap3A_431, %swap3A_432] : memref<2x10xf32, #tpu.memory_space<smem>>
      memref.store %get3A_430, %arg3[%swap3A_431, %swap3A_432] : memref<2x10xf32, #tpu.memory_space<smem>>
      %get3A_434 = arith.constant 1 : index
      %get3A_435 = arith.constant 8 : index
      %get3A_436 = memref.load %arg4[%get3A_434, %get3A_435] : memref<2x10xf32, #tpu.memory_space<smem>>
      %swap3A_437 = arith.constant 1 : index
      %swap3A_438 = arith.constant 8 : index
      %swap3A_439 = memref.load %arg3[%swap3A_437, %swap3A_438] : memref<2x10xf32, #tpu.memory_space<smem>>
      memref.store %get3A_436, %arg3[%swap3A_437, %swap3A_438] : memref<2x10xf32, #tpu.memory_space<smem>>
      %get3A_440 = arith.constant 0 : index
      %get3A_441 = arith.constant 9 : index
      %get3A_442 = memref.load %arg4[%get3A_440, %get3A_441] : memref<2x10xf32, #tpu.memory_space<smem>>
      %swap3A_443 = arith.constant 0 : index
      %swap3A_444 = arith.constant 9 : index
      %swap3A_445 = memref.load %arg3[%swap3A_443, %swap3A_444] : memref<2x10xf32, #tpu.memory_space<smem>>
      memref.store %get3A_442, %arg3[%swap3A_443, %swap3A_444] : memref<2x10xf32, #tpu.memory_space<smem>>
      %get3A_446 = arith.constant 1 : index
      %get3A_447 = arith.constant 9 : index
      %get3A_448 = memref.load %arg4[%get3A_446, %get3A_447] : memref<2x10xf32, #tpu.memory_space<smem>>
      %swap3A_449 = arith.constant 1 : index
      %swap3A_450 = arith.constant 9 : index
      %swap3A_451 = memref.load %arg3[%swap3A_449, %swap3A_450] : memref<2x10xf32, #tpu.memory_space<smem>>
      memref.store %get3A_448, %arg3[%swap3A_449, %swap3A_450] : memref<2x10xf32, #tpu.memory_space<smem>>
    } else {
    }
    return
  }
  func.func @transform_0(%arg0: i32) -> (i32, i32) {
    %c0_i32 = arith.constant 0 : i32
    %c0_i32_0 = arith.constant 0 : i32
    return %arg0, %c0_i32 : i32, i32
  }
  func.func @transform_1(%arg0: i32) -> (i32, i32) {
    %c0_i32 = arith.constant 0 : i32
    %c0_i32_0 = arith.constant 0 : i32
    return %arg0, %c0_i32 : i32, i32
  }
  func.func @transform_2(%arg0: i32) -> (i32, i32) {
    %c0_i32 = arith.constant 0 : i32
    %c0_i32_0 = arith.constant 0 : i32
    %c0_i32_1 = arith.constant 0 : i32
    return %c0_i32, %c0_i32_0 : i32, i32
  }
}

module attributes {stable_mosaic.version = 14 : i64} {
  func.func @_fin_body(%arg0: memref<32x16xf32, #tpu.memory_space<smem>>, %arg1: memref<32x16xf32, #tpu.memory_space<smem>>, %arg2: memref<2x10xf32, #tpu.memory_space<smem>>, %arg3: memref<1x1xf32, #tpu.memory_space<smem>>) attributes {dimension_semantics = [], scalar_prefetch = 0 : i64, scratch_operands = 0 : i64, tpu.core_type = #tpu.core_type<tc>} {
    %get3A = arith.constant 0 : index
    %get3A_0 = arith.constant 0 : index
    %get3A_1 = memref.load %arg0[%get3A, %get3A_0] : memref<32x16xf32, #tpu.memory_space<smem>>
    %add3A = arith.constant 0.000000e+00 : f32
    %add3A_2 = arith.addf %add3A, %get3A_1 : f32
    %get3A_3 = arith.constant 0 : index
    %get3A_4 = arith.constant 0 : index
    %get3A_5 = memref.load %arg1[%get3A_3, %get3A_4] : memref<32x16xf32, #tpu.memory_space<smem>>
    %add3A_6 = arith.constant 0.000000e+00 : f32
    %add3A_7 = arith.addf %add3A_6, %get3A_5 : f32
    %get3A_8 = arith.constant 1 : index
    %get3A_9 = arith.constant 0 : index
    %get3A_10 = memref.load %arg0[%get3A_8, %get3A_9] : memref<32x16xf32, #tpu.memory_space<smem>>
    %add3A_11 = arith.addf %add3A_2, %get3A_10 : f32
    %get3A_12 = arith.constant 1 : index
    %get3A_13 = arith.constant 0 : index
    %get3A_14 = memref.load %arg1[%get3A_12, %get3A_13] : memref<32x16xf32, #tpu.memory_space<smem>>
    %add3A_15 = arith.addf %add3A_7, %get3A_14 : f32
    %get3A_16 = arith.constant 2 : index
    %get3A_17 = arith.constant 0 : index
    %get3A_18 = memref.load %arg0[%get3A_16, %get3A_17] : memref<32x16xf32, #tpu.memory_space<smem>>
    %add3A_19 = arith.addf %add3A_11, %get3A_18 : f32
    %get3A_20 = arith.constant 2 : index
    %get3A_21 = arith.constant 0 : index
    %get3A_22 = memref.load %arg1[%get3A_20, %get3A_21] : memref<32x16xf32, #tpu.memory_space<smem>>
    %add3A_23 = arith.addf %add3A_15, %get3A_22 : f32
    %get3A_24 = arith.constant 3 : index
    %get3A_25 = arith.constant 0 : index
    %get3A_26 = memref.load %arg0[%get3A_24, %get3A_25] : memref<32x16xf32, #tpu.memory_space<smem>>
    %add3A_27 = arith.addf %add3A_19, %get3A_26 : f32
    %get3A_28 = arith.constant 3 : index
    %get3A_29 = arith.constant 0 : index
    %get3A_30 = memref.load %arg1[%get3A_28, %get3A_29] : memref<32x16xf32, #tpu.memory_space<smem>>
    %add3A_31 = arith.addf %add3A_23, %get3A_30 : f32
    %get3A_32 = arith.constant 4 : index
    %get3A_33 = arith.constant 0 : index
    %get3A_34 = memref.load %arg0[%get3A_32, %get3A_33] : memref<32x16xf32, #tpu.memory_space<smem>>
    %add3A_35 = arith.addf %add3A_27, %get3A_34 : f32
    %get3A_36 = arith.constant 4 : index
    %get3A_37 = arith.constant 0 : index
    %get3A_38 = memref.load %arg1[%get3A_36, %get3A_37] : memref<32x16xf32, #tpu.memory_space<smem>>
    %add3A_39 = arith.addf %add3A_31, %get3A_38 : f32
    %get3A_40 = arith.constant 5 : index
    %get3A_41 = arith.constant 0 : index
    %get3A_42 = memref.load %arg0[%get3A_40, %get3A_41] : memref<32x16xf32, #tpu.memory_space<smem>>
    %add3A_43 = arith.addf %add3A_35, %get3A_42 : f32
    %get3A_44 = arith.constant 5 : index
    %get3A_45 = arith.constant 0 : index
    %get3A_46 = memref.load %arg1[%get3A_44, %get3A_45] : memref<32x16xf32, #tpu.memory_space<smem>>
    %add3A_47 = arith.addf %add3A_39, %get3A_46 : f32
    %get3A_48 = arith.constant 6 : index
    %get3A_49 = arith.constant 0 : index
    %get3A_50 = memref.load %arg0[%get3A_48, %get3A_49] : memref<32x16xf32, #tpu.memory_space<smem>>
    %add3A_51 = arith.addf %add3A_43, %get3A_50 : f32
    %get3A_52 = arith.constant 6 : index
    %get3A_53 = arith.constant 0 : index
    %get3A_54 = memref.load %arg1[%get3A_52, %get3A_53] : memref<32x16xf32, #tpu.memory_space<smem>>
    %add3A_55 = arith.addf %add3A_47, %get3A_54 : f32
    %get3A_56 = arith.constant 7 : index
    %get3A_57 = arith.constant 0 : index
    %get3A_58 = memref.load %arg0[%get3A_56, %get3A_57] : memref<32x16xf32, #tpu.memory_space<smem>>
    %add3A_59 = arith.addf %add3A_51, %get3A_58 : f32
    %get3A_60 = arith.constant 7 : index
    %get3A_61 = arith.constant 0 : index
    %get3A_62 = memref.load %arg1[%get3A_60, %get3A_61] : memref<32x16xf32, #tpu.memory_space<smem>>
    %add3A_63 = arith.addf %add3A_55, %get3A_62 : f32
    %get3A_64 = arith.constant 8 : index
    %get3A_65 = arith.constant 0 : index
    %get3A_66 = memref.load %arg0[%get3A_64, %get3A_65] : memref<32x16xf32, #tpu.memory_space<smem>>
    %add3A_67 = arith.addf %add3A_59, %get3A_66 : f32
    %get3A_68 = arith.constant 8 : index
    %get3A_69 = arith.constant 0 : index
    %get3A_70 = memref.load %arg1[%get3A_68, %get3A_69] : memref<32x16xf32, #tpu.memory_space<smem>>
    %add3A_71 = arith.addf %add3A_63, %get3A_70 : f32
    %get3A_72 = arith.constant 9 : index
    %get3A_73 = arith.constant 0 : index
    %get3A_74 = memref.load %arg0[%get3A_72, %get3A_73] : memref<32x16xf32, #tpu.memory_space<smem>>
    %add3A_75 = arith.addf %add3A_67, %get3A_74 : f32
    %get3A_76 = arith.constant 9 : index
    %get3A_77 = arith.constant 0 : index
    %get3A_78 = memref.load %arg1[%get3A_76, %get3A_77] : memref<32x16xf32, #tpu.memory_space<smem>>
    %add3A_79 = arith.addf %add3A_71, %get3A_78 : f32
    %get3A_80 = arith.constant 10 : index
    %get3A_81 = arith.constant 0 : index
    %get3A_82 = memref.load %arg0[%get3A_80, %get3A_81] : memref<32x16xf32, #tpu.memory_space<smem>>
    %add3A_83 = arith.addf %add3A_75, %get3A_82 : f32
    %get3A_84 = arith.constant 10 : index
    %get3A_85 = arith.constant 0 : index
    %get3A_86 = memref.load %arg1[%get3A_84, %get3A_85] : memref<32x16xf32, #tpu.memory_space<smem>>
    %add3A_87 = arith.addf %add3A_79, %get3A_86 : f32
    %get3A_88 = arith.constant 11 : index
    %get3A_89 = arith.constant 0 : index
    %get3A_90 = memref.load %arg0[%get3A_88, %get3A_89] : memref<32x16xf32, #tpu.memory_space<smem>>
    %add3A_91 = arith.addf %add3A_83, %get3A_90 : f32
    %get3A_92 = arith.constant 11 : index
    %get3A_93 = arith.constant 0 : index
    %get3A_94 = memref.load %arg1[%get3A_92, %get3A_93] : memref<32x16xf32, #tpu.memory_space<smem>>
    %add3A_95 = arith.addf %add3A_87, %get3A_94 : f32
    %get3A_96 = arith.constant 12 : index
    %get3A_97 = arith.constant 0 : index
    %get3A_98 = memref.load %arg0[%get3A_96, %get3A_97] : memref<32x16xf32, #tpu.memory_space<smem>>
    %add3A_99 = arith.addf %add3A_91, %get3A_98 : f32
    %get3A_100 = arith.constant 12 : index
    %get3A_101 = arith.constant 0 : index
    %get3A_102 = memref.load %arg1[%get3A_100, %get3A_101] : memref<32x16xf32, #tpu.memory_space<smem>>
    %add3A_103 = arith.addf %add3A_95, %get3A_102 : f32
    %get3A_104 = arith.constant 13 : index
    %get3A_105 = arith.constant 0 : index
    %get3A_106 = memref.load %arg0[%get3A_104, %get3A_105] : memref<32x16xf32, #tpu.memory_space<smem>>
    %add3A_107 = arith.addf %add3A_99, %get3A_106 : f32
    %get3A_108 = arith.constant 13 : index
    %get3A_109 = arith.constant 0 : index
    %get3A_110 = memref.load %arg1[%get3A_108, %get3A_109] : memref<32x16xf32, #tpu.memory_space<smem>>
    %add3A_111 = arith.addf %add3A_103, %get3A_110 : f32
    %get3A_112 = arith.constant 14 : index
    %get3A_113 = arith.constant 0 : index
    %get3A_114 = memref.load %arg0[%get3A_112, %get3A_113] : memref<32x16xf32, #tpu.memory_space<smem>>
    %add3A_115 = arith.addf %add3A_107, %get3A_114 : f32
    %get3A_116 = arith.constant 14 : index
    %get3A_117 = arith.constant 0 : index
    %get3A_118 = memref.load %arg1[%get3A_116, %get3A_117] : memref<32x16xf32, #tpu.memory_space<smem>>
    %add3A_119 = arith.addf %add3A_111, %get3A_118 : f32
    %get3A_120 = arith.constant 15 : index
    %get3A_121 = arith.constant 0 : index
    %get3A_122 = memref.load %arg0[%get3A_120, %get3A_121] : memref<32x16xf32, #tpu.memory_space<smem>>
    %add3A_123 = arith.addf %add3A_115, %get3A_122 : f32
    %get3A_124 = arith.constant 15 : index
    %get3A_125 = arith.constant 0 : index
    %get3A_126 = memref.load %arg1[%get3A_124, %get3A_125] : memref<32x16xf32, #tpu.memory_space<smem>>
    %add3A_127 = arith.addf %add3A_119, %get3A_126 : f32
    %get3A_128 = arith.constant 16 : index
    %get3A_129 = arith.constant 0 : index
    %get3A_130 = memref.load %arg0[%get3A_128, %get3A_129] : memref<32x16xf32, #tpu.memory_space<smem>>
    %add3A_131 = arith.addf %add3A_123, %get3A_130 : f32
    %get3A_132 = arith.constant 16 : index
    %get3A_133 = arith.constant 0 : index
    %get3A_134 = memref.load %arg1[%get3A_132, %get3A_133] : memref<32x16xf32, #tpu.memory_space<smem>>
    %add3A_135 = arith.addf %add3A_127, %get3A_134 : f32
    %get3A_136 = arith.constant 17 : index
    %get3A_137 = arith.constant 0 : index
    %get3A_138 = memref.load %arg0[%get3A_136, %get3A_137] : memref<32x16xf32, #tpu.memory_space<smem>>
    %add3A_139 = arith.addf %add3A_131, %get3A_138 : f32
    %get3A_140 = arith.constant 17 : index
    %get3A_141 = arith.constant 0 : index
    %get3A_142 = memref.load %arg1[%get3A_140, %get3A_141] : memref<32x16xf32, #tpu.memory_space<smem>>
    %add3A_143 = arith.addf %add3A_135, %get3A_142 : f32
    %get3A_144 = arith.constant 18 : index
    %get3A_145 = arith.constant 0 : index
    %get3A_146 = memref.load %arg0[%get3A_144, %get3A_145] : memref<32x16xf32, #tpu.memory_space<smem>>
    %add3A_147 = arith.addf %add3A_139, %get3A_146 : f32
    %get3A_148 = arith.constant 18 : index
    %get3A_149 = arith.constant 0 : index
    %get3A_150 = memref.load %arg1[%get3A_148, %get3A_149] : memref<32x16xf32, #tpu.memory_space<smem>>
    %add3A_151 = arith.addf %add3A_143, %get3A_150 : f32
    %get3A_152 = arith.constant 19 : index
    %get3A_153 = arith.constant 0 : index
    %get3A_154 = memref.load %arg0[%get3A_152, %get3A_153] : memref<32x16xf32, #tpu.memory_space<smem>>
    %add3A_155 = arith.addf %add3A_147, %get3A_154 : f32
    %get3A_156 = arith.constant 19 : index
    %get3A_157 = arith.constant 0 : index
    %get3A_158 = memref.load %arg1[%get3A_156, %get3A_157] : memref<32x16xf32, #tpu.memory_space<smem>>
    %add3A_159 = arith.addf %add3A_151, %get3A_158 : f32
    %get3A_160 = arith.constant 20 : index
    %get3A_161 = arith.constant 0 : index
    %get3A_162 = memref.load %arg0[%get3A_160, %get3A_161] : memref<32x16xf32, #tpu.memory_space<smem>>
    %add3A_163 = arith.addf %add3A_155, %get3A_162 : f32
    %get3A_164 = arith.constant 20 : index
    %get3A_165 = arith.constant 0 : index
    %get3A_166 = memref.load %arg1[%get3A_164, %get3A_165] : memref<32x16xf32, #tpu.memory_space<smem>>
    %add3A_167 = arith.addf %add3A_159, %get3A_166 : f32
    %get3A_168 = arith.constant 21 : index
    %get3A_169 = arith.constant 0 : index
    %get3A_170 = memref.load %arg0[%get3A_168, %get3A_169] : memref<32x16xf32, #tpu.memory_space<smem>>
    %add3A_171 = arith.addf %add3A_163, %get3A_170 : f32
    %get3A_172 = arith.constant 21 : index
    %get3A_173 = arith.constant 0 : index
    %get3A_174 = memref.load %arg1[%get3A_172, %get3A_173] : memref<32x16xf32, #tpu.memory_space<smem>>
    %add3A_175 = arith.addf %add3A_167, %get3A_174 : f32
    %get3A_176 = arith.constant 22 : index
    %get3A_177 = arith.constant 0 : index
    %get3A_178 = memref.load %arg0[%get3A_176, %get3A_177] : memref<32x16xf32, #tpu.memory_space<smem>>
    %add3A_179 = arith.addf %add3A_171, %get3A_178 : f32
    %get3A_180 = arith.constant 22 : index
    %get3A_181 = arith.constant 0 : index
    %get3A_182 = memref.load %arg1[%get3A_180, %get3A_181] : memref<32x16xf32, #tpu.memory_space<smem>>
    %add3A_183 = arith.addf %add3A_175, %get3A_182 : f32
    %get3A_184 = arith.constant 23 : index
    %get3A_185 = arith.constant 0 : index
    %get3A_186 = memref.load %arg0[%get3A_184, %get3A_185] : memref<32x16xf32, #tpu.memory_space<smem>>
    %add3A_187 = arith.addf %add3A_179, %get3A_186 : f32
    %get3A_188 = arith.constant 23 : index
    %get3A_189 = arith.constant 0 : index
    %get3A_190 = memref.load %arg1[%get3A_188, %get3A_189] : memref<32x16xf32, #tpu.memory_space<smem>>
    %add3A_191 = arith.addf %add3A_183, %get3A_190 : f32
    %get3A_192 = arith.constant 24 : index
    %get3A_193 = arith.constant 0 : index
    %get3A_194 = memref.load %arg0[%get3A_192, %get3A_193] : memref<32x16xf32, #tpu.memory_space<smem>>
    %add3A_195 = arith.addf %add3A_187, %get3A_194 : f32
    %get3A_196 = arith.constant 24 : index
    %get3A_197 = arith.constant 0 : index
    %get3A_198 = memref.load %arg1[%get3A_196, %get3A_197] : memref<32x16xf32, #tpu.memory_space<smem>>
    %add3A_199 = arith.addf %add3A_191, %get3A_198 : f32
    %get3A_200 = arith.constant 25 : index
    %get3A_201 = arith.constant 0 : index
    %get3A_202 = memref.load %arg0[%get3A_200, %get3A_201] : memref<32x16xf32, #tpu.memory_space<smem>>
    %add3A_203 = arith.addf %add3A_195, %get3A_202 : f32
    %get3A_204 = arith.constant 25 : index
    %get3A_205 = arith.constant 0 : index
    %get3A_206 = memref.load %arg1[%get3A_204, %get3A_205] : memref<32x16xf32, #tpu.memory_space<smem>>
    %add3A_207 = arith.addf %add3A_199, %get3A_206 : f32
    %get3A_208 = arith.constant 26 : index
    %get3A_209 = arith.constant 0 : index
    %get3A_210 = memref.load %arg0[%get3A_208, %get3A_209] : memref<32x16xf32, #tpu.memory_space<smem>>
    %add3A_211 = arith.addf %add3A_203, %get3A_210 : f32
    %get3A_212 = arith.constant 26 : index
    %get3A_213 = arith.constant 0 : index
    %get3A_214 = memref.load %arg1[%get3A_212, %get3A_213] : memref<32x16xf32, #tpu.memory_space<smem>>
    %add3A_215 = arith.addf %add3A_207, %get3A_214 : f32
    %get3A_216 = arith.constant 27 : index
    %get3A_217 = arith.constant 0 : index
    %get3A_218 = memref.load %arg0[%get3A_216, %get3A_217] : memref<32x16xf32, #tpu.memory_space<smem>>
    %add3A_219 = arith.addf %add3A_211, %get3A_218 : f32
    %get3A_220 = arith.constant 27 : index
    %get3A_221 = arith.constant 0 : index
    %get3A_222 = memref.load %arg1[%get3A_220, %get3A_221] : memref<32x16xf32, #tpu.memory_space<smem>>
    %add3A_223 = arith.addf %add3A_215, %get3A_222 : f32
    %get3A_224 = arith.constant 28 : index
    %get3A_225 = arith.constant 0 : index
    %get3A_226 = memref.load %arg0[%get3A_224, %get3A_225] : memref<32x16xf32, #tpu.memory_space<smem>>
    %add3A_227 = arith.addf %add3A_219, %get3A_226 : f32
    %get3A_228 = arith.constant 28 : index
    %get3A_229 = arith.constant 0 : index
    %get3A_230 = memref.load %arg1[%get3A_228, %get3A_229] : memref<32x16xf32, #tpu.memory_space<smem>>
    %add3A_231 = arith.addf %add3A_223, %get3A_230 : f32
    %get3A_232 = arith.constant 29 : index
    %get3A_233 = arith.constant 0 : index
    %get3A_234 = memref.load %arg0[%get3A_232, %get3A_233] : memref<32x16xf32, #tpu.memory_space<smem>>
    %add3A_235 = arith.addf %add3A_227, %get3A_234 : f32
    %get3A_236 = arith.constant 29 : index
    %get3A_237 = arith.constant 0 : index
    %get3A_238 = memref.load %arg1[%get3A_236, %get3A_237] : memref<32x16xf32, #tpu.memory_space<smem>>
    %add3A_239 = arith.addf %add3A_231, %get3A_238 : f32
    %get3A_240 = arith.constant 30 : index
    %get3A_241 = arith.constant 0 : index
    %get3A_242 = memref.load %arg0[%get3A_240, %get3A_241] : memref<32x16xf32, #tpu.memory_space<smem>>
    %add3A_243 = arith.addf %add3A_235, %get3A_242 : f32
    %get3A_244 = arith.constant 30 : index
    %get3A_245 = arith.constant 0 : index
    %get3A_246 = memref.load %arg1[%get3A_244, %get3A_245] : memref<32x16xf32, #tpu.memory_space<smem>>
    %add3A_247 = arith.addf %add3A_239, %get3A_246 : f32
    %get3A_248 = arith.constant 31 : index
    %get3A_249 = arith.constant 0 : index
    %get3A_250 = memref.load %arg0[%get3A_248, %get3A_249] : memref<32x16xf32, #tpu.memory_space<smem>>
    %add3A_251 = arith.addf %add3A_243, %get3A_250 : f32
    %get3A_252 = arith.constant 31 : index
    %get3A_253 = arith.constant 0 : index
    %get3A_254 = memref.load %arg1[%get3A_252, %get3A_253] : memref<32x16xf32, #tpu.memory_space<smem>>
    %add3A_255 = arith.addf %add3A_247, %get3A_254 : f32
    %get3A_256 = arith.constant 0 : index
    %get3A_257 = arith.constant 0 : index
    %get3A_258 = memref.load %arg2[%get3A_256, %get3A_257] : memref<2x10xf32, #tpu.memory_space<smem>>
    %get3A_259 = arith.constant 1 : index
    %get3A_260 = arith.constant 0 : index
    %get3A_261 = memref.load %arg2[%get3A_259, %get3A_260] : memref<2x10xf32, #tpu.memory_space<smem>>
    %sub3A = arith.constant 0.000000e+00 : f32
    %sub3A_262 = arith.subf %get3A_258, %sub3A : f32
    %add3A_263 = arith.addf %add3A_251, %sub3A_262 : f32
    %sub3A_264 = arith.constant 0.000000e+00 : f32
    %sub3A_265 = arith.subf %get3A_261, %sub3A_264 : f32
    %add3A_266 = arith.addf %add3A_255, %sub3A_265 : f32
    %gt3A = arith.constant 0.000000e+00 : f32
    %gt3A_267 = arith.cmpf ogt, %add3A_263, %gt3A : f32
    %max3A = arith.constant 1.000000e+00 : f32
    %max3A_268 = arith.maximumf %add3A_263, %max3A : f32
    %div3A = arith.divf %add3A_266, %max3A_268 : f32
    %jit3A = arith.constant 0.000000e+00 : f32
    %select_n3A = arith.select %gt3A_267, %div3A, %jit3A : f32
    %add3A_269 = arith.constant 0.000000e+00 : f32
    %add3A_270 = arith.addf %add3A_269, %select_n3A : f32
    %jit3A_271 = arith.constant 1.000000e+00 : f32
    %jit3A_272 = arith.constant 0.000000e+00 : f32
    %select_n3A_273 = arith.select %gt3A_267, %jit3A_271, %jit3A_272 : f32
    %add3A_274 = arith.constant 0.000000e+00 : f32
    %add3A_275 = arith.addf %add3A_274, %select_n3A_273 : f32
    %get3A_276 = arith.constant 0 : index
    %get3A_277 = arith.constant 1 : index
    %get3A_278 = memref.load %arg0[%get3A_276, %get3A_277] : memref<32x16xf32, #tpu.memory_space<smem>>
    %add3A_279 = arith.constant 0.000000e+00 : f32
    %add3A_280 = arith.addf %add3A_279, %get3A_278 : f32
    %get3A_281 = arith.constant 0 : index
    %get3A_282 = arith.constant 1 : index
    %get3A_283 = memref.load %arg1[%get3A_281, %get3A_282] : memref<32x16xf32, #tpu.memory_space<smem>>
    %add3A_284 = arith.constant 0.000000e+00 : f32
    %add3A_285 = arith.addf %add3A_284, %get3A_283 : f32
    %get3A_286 = arith.constant 1 : index
    %get3A_287 = arith.constant 1 : index
    %get3A_288 = memref.load %arg0[%get3A_286, %get3A_287] : memref<32x16xf32, #tpu.memory_space<smem>>
    %add3A_289 = arith.addf %add3A_280, %get3A_288 : f32
    %get3A_290 = arith.constant 1 : index
    %get3A_291 = arith.constant 1 : index
    %get3A_292 = memref.load %arg1[%get3A_290, %get3A_291] : memref<32x16xf32, #tpu.memory_space<smem>>
    %add3A_293 = arith.addf %add3A_285, %get3A_292 : f32
    %get3A_294 = arith.constant 2 : index
    %get3A_295 = arith.constant 1 : index
    %get3A_296 = memref.load %arg0[%get3A_294, %get3A_295] : memref<32x16xf32, #tpu.memory_space<smem>>
    %add3A_297 = arith.addf %add3A_289, %get3A_296 : f32
    %get3A_298 = arith.constant 2 : index
    %get3A_299 = arith.constant 1 : index
    %get3A_300 = memref.load %arg1[%get3A_298, %get3A_299] : memref<32x16xf32, #tpu.memory_space<smem>>
    %add3A_301 = arith.addf %add3A_293, %get3A_300 : f32
    %get3A_302 = arith.constant 3 : index
    %get3A_303 = arith.constant 1 : index
    %get3A_304 = memref.load %arg0[%get3A_302, %get3A_303] : memref<32x16xf32, #tpu.memory_space<smem>>
    %add3A_305 = arith.addf %add3A_297, %get3A_304 : f32
    %get3A_306 = arith.constant 3 : index
    %get3A_307 = arith.constant 1 : index
    %get3A_308 = memref.load %arg1[%get3A_306, %get3A_307] : memref<32x16xf32, #tpu.memory_space<smem>>
    %add3A_309 = arith.addf %add3A_301, %get3A_308 : f32
    %get3A_310 = arith.constant 4 : index
    %get3A_311 = arith.constant 1 : index
    %get3A_312 = memref.load %arg0[%get3A_310, %get3A_311] : memref<32x16xf32, #tpu.memory_space<smem>>
    %add3A_313 = arith.addf %add3A_305, %get3A_312 : f32
    %get3A_314 = arith.constant 4 : index
    %get3A_315 = arith.constant 1 : index
    %get3A_316 = memref.load %arg1[%get3A_314, %get3A_315] : memref<32x16xf32, #tpu.memory_space<smem>>
    %add3A_317 = arith.addf %add3A_309, %get3A_316 : f32
    %get3A_318 = arith.constant 5 : index
    %get3A_319 = arith.constant 1 : index
    %get3A_320 = memref.load %arg0[%get3A_318, %get3A_319] : memref<32x16xf32, #tpu.memory_space<smem>>
    %add3A_321 = arith.addf %add3A_313, %get3A_320 : f32
    %get3A_322 = arith.constant 5 : index
    %get3A_323 = arith.constant 1 : index
    %get3A_324 = memref.load %arg1[%get3A_322, %get3A_323] : memref<32x16xf32, #tpu.memory_space<smem>>
    %add3A_325 = arith.addf %add3A_317, %get3A_324 : f32
    %get3A_326 = arith.constant 6 : index
    %get3A_327 = arith.constant 1 : index
    %get3A_328 = memref.load %arg0[%get3A_326, %get3A_327] : memref<32x16xf32, #tpu.memory_space<smem>>
    %add3A_329 = arith.addf %add3A_321, %get3A_328 : f32
    %get3A_330 = arith.constant 6 : index
    %get3A_331 = arith.constant 1 : index
    %get3A_332 = memref.load %arg1[%get3A_330, %get3A_331] : memref<32x16xf32, #tpu.memory_space<smem>>
    %add3A_333 = arith.addf %add3A_325, %get3A_332 : f32
    %get3A_334 = arith.constant 7 : index
    %get3A_335 = arith.constant 1 : index
    %get3A_336 = memref.load %arg0[%get3A_334, %get3A_335] : memref<32x16xf32, #tpu.memory_space<smem>>
    %add3A_337 = arith.addf %add3A_329, %get3A_336 : f32
    %get3A_338 = arith.constant 7 : index
    %get3A_339 = arith.constant 1 : index
    %get3A_340 = memref.load %arg1[%get3A_338, %get3A_339] : memref<32x16xf32, #tpu.memory_space<smem>>
    %add3A_341 = arith.addf %add3A_333, %get3A_340 : f32
    %get3A_342 = arith.constant 8 : index
    %get3A_343 = arith.constant 1 : index
    %get3A_344 = memref.load %arg0[%get3A_342, %get3A_343] : memref<32x16xf32, #tpu.memory_space<smem>>
    %add3A_345 = arith.addf %add3A_337, %get3A_344 : f32
    %get3A_346 = arith.constant 8 : index
    %get3A_347 = arith.constant 1 : index
    %get3A_348 = memref.load %arg1[%get3A_346, %get3A_347] : memref<32x16xf32, #tpu.memory_space<smem>>
    %add3A_349 = arith.addf %add3A_341, %get3A_348 : f32
    %get3A_350 = arith.constant 9 : index
    %get3A_351 = arith.constant 1 : index
    %get3A_352 = memref.load %arg0[%get3A_350, %get3A_351] : memref<32x16xf32, #tpu.memory_space<smem>>
    %add3A_353 = arith.addf %add3A_345, %get3A_352 : f32
    %get3A_354 = arith.constant 9 : index
    %get3A_355 = arith.constant 1 : index
    %get3A_356 = memref.load %arg1[%get3A_354, %get3A_355] : memref<32x16xf32, #tpu.memory_space<smem>>
    %add3A_357 = arith.addf %add3A_349, %get3A_356 : f32
    %get3A_358 = arith.constant 10 : index
    %get3A_359 = arith.constant 1 : index
    %get3A_360 = memref.load %arg0[%get3A_358, %get3A_359] : memref<32x16xf32, #tpu.memory_space<smem>>
    %add3A_361 = arith.addf %add3A_353, %get3A_360 : f32
    %get3A_362 = arith.constant 10 : index
    %get3A_363 = arith.constant 1 : index
    %get3A_364 = memref.load %arg1[%get3A_362, %get3A_363] : memref<32x16xf32, #tpu.memory_space<smem>>
    %add3A_365 = arith.addf %add3A_357, %get3A_364 : f32
    %get3A_366 = arith.constant 11 : index
    %get3A_367 = arith.constant 1 : index
    %get3A_368 = memref.load %arg0[%get3A_366, %get3A_367] : memref<32x16xf32, #tpu.memory_space<smem>>
    %add3A_369 = arith.addf %add3A_361, %get3A_368 : f32
    %get3A_370 = arith.constant 11 : index
    %get3A_371 = arith.constant 1 : index
    %get3A_372 = memref.load %arg1[%get3A_370, %get3A_371] : memref<32x16xf32, #tpu.memory_space<smem>>
    %add3A_373 = arith.addf %add3A_365, %get3A_372 : f32
    %get3A_374 = arith.constant 12 : index
    %get3A_375 = arith.constant 1 : index
    %get3A_376 = memref.load %arg0[%get3A_374, %get3A_375] : memref<32x16xf32, #tpu.memory_space<smem>>
    %add3A_377 = arith.addf %add3A_369, %get3A_376 : f32
    %get3A_378 = arith.constant 12 : index
    %get3A_379 = arith.constant 1 : index
    %get3A_380 = memref.load %arg1[%get3A_378, %get3A_379] : memref<32x16xf32, #tpu.memory_space<smem>>
    %add3A_381 = arith.addf %add3A_373, %get3A_380 : f32
    %get3A_382 = arith.constant 13 : index
    %get3A_383 = arith.constant 1 : index
    %get3A_384 = memref.load %arg0[%get3A_382, %get3A_383] : memref<32x16xf32, #tpu.memory_space<smem>>
    %add3A_385 = arith.addf %add3A_377, %get3A_384 : f32
    %get3A_386 = arith.constant 13 : index
    %get3A_387 = arith.constant 1 : index
    %get3A_388 = memref.load %arg1[%get3A_386, %get3A_387] : memref<32x16xf32, #tpu.memory_space<smem>>
    %add3A_389 = arith.addf %add3A_381, %get3A_388 : f32
    %get3A_390 = arith.constant 14 : index
    %get3A_391 = arith.constant 1 : index
    %get3A_392 = memref.load %arg0[%get3A_390, %get3A_391] : memref<32x16xf32, #tpu.memory_space<smem>>
    %add3A_393 = arith.addf %add3A_385, %get3A_392 : f32
    %get3A_394 = arith.constant 14 : index
    %get3A_395 = arith.constant 1 : index
    %get3A_396 = memref.load %arg1[%get3A_394, %get3A_395] : memref<32x16xf32, #tpu.memory_space<smem>>
    %add3A_397 = arith.addf %add3A_389, %get3A_396 : f32
    %get3A_398 = arith.constant 15 : index
    %get3A_399 = arith.constant 1 : index
    %get3A_400 = memref.load %arg0[%get3A_398, %get3A_399] : memref<32x16xf32, #tpu.memory_space<smem>>
    %add3A_401 = arith.addf %add3A_393, %get3A_400 : f32
    %get3A_402 = arith.constant 15 : index
    %get3A_403 = arith.constant 1 : index
    %get3A_404 = memref.load %arg1[%get3A_402, %get3A_403] : memref<32x16xf32, #tpu.memory_space<smem>>
    %add3A_405 = arith.addf %add3A_397, %get3A_404 : f32
    %get3A_406 = arith.constant 16 : index
    %get3A_407 = arith.constant 1 : index
    %get3A_408 = memref.load %arg0[%get3A_406, %get3A_407] : memref<32x16xf32, #tpu.memory_space<smem>>
    %add3A_409 = arith.addf %add3A_401, %get3A_408 : f32
    %get3A_410 = arith.constant 16 : index
    %get3A_411 = arith.constant 1 : index
    %get3A_412 = memref.load %arg1[%get3A_410, %get3A_411] : memref<32x16xf32, #tpu.memory_space<smem>>
    %add3A_413 = arith.addf %add3A_405, %get3A_412 : f32
    %get3A_414 = arith.constant 17 : index
    %get3A_415 = arith.constant 1 : index
    %get3A_416 = memref.load %arg0[%get3A_414, %get3A_415] : memref<32x16xf32, #tpu.memory_space<smem>>
    %add3A_417 = arith.addf %add3A_409, %get3A_416 : f32
    %get3A_418 = arith.constant 17 : index
    %get3A_419 = arith.constant 1 : index
    %get3A_420 = memref.load %arg1[%get3A_418, %get3A_419] : memref<32x16xf32, #tpu.memory_space<smem>>
    %add3A_421 = arith.addf %add3A_413, %get3A_420 : f32
    %get3A_422 = arith.constant 18 : index
    %get3A_423 = arith.constant 1 : index
    %get3A_424 = memref.load %arg0[%get3A_422, %get3A_423] : memref<32x16xf32, #tpu.memory_space<smem>>
    %add3A_425 = arith.addf %add3A_417, %get3A_424 : f32
    %get3A_426 = arith.constant 18 : index
    %get3A_427 = arith.constant 1 : index
    %get3A_428 = memref.load %arg1[%get3A_426, %get3A_427] : memref<32x16xf32, #tpu.memory_space<smem>>
    %add3A_429 = arith.addf %add3A_421, %get3A_428 : f32
    %get3A_430 = arith.constant 19 : index
    %get3A_431 = arith.constant 1 : index
    %get3A_432 = memref.load %arg0[%get3A_430, %get3A_431] : memref<32x16xf32, #tpu.memory_space<smem>>
    %add3A_433 = arith.addf %add3A_425, %get3A_432 : f32
    %get3A_434 = arith.constant 19 : index
    %get3A_435 = arith.constant 1 : index
    %get3A_436 = memref.load %arg1[%get3A_434, %get3A_435] : memref<32x16xf32, #tpu.memory_space<smem>>
    %add3A_437 = arith.addf %add3A_429, %get3A_436 : f32
    %get3A_438 = arith.constant 20 : index
    %get3A_439 = arith.constant 1 : index
    %get3A_440 = memref.load %arg0[%get3A_438, %get3A_439] : memref<32x16xf32, #tpu.memory_space<smem>>
    %add3A_441 = arith.addf %add3A_433, %get3A_440 : f32
    %get3A_442 = arith.constant 20 : index
    %get3A_443 = arith.constant 1 : index
    %get3A_444 = memref.load %arg1[%get3A_442, %get3A_443] : memref<32x16xf32, #tpu.memory_space<smem>>
    %add3A_445 = arith.addf %add3A_437, %get3A_444 : f32
    %get3A_446 = arith.constant 21 : index
    %get3A_447 = arith.constant 1 : index
    %get3A_448 = memref.load %arg0[%get3A_446, %get3A_447] : memref<32x16xf32, #tpu.memory_space<smem>>
    %add3A_449 = arith.addf %add3A_441, %get3A_448 : f32
    %get3A_450 = arith.constant 21 : index
    %get3A_451 = arith.constant 1 : index
    %get3A_452 = memref.load %arg1[%get3A_450, %get3A_451] : memref<32x16xf32, #tpu.memory_space<smem>>
    %add3A_453 = arith.addf %add3A_445, %get3A_452 : f32
    %get3A_454 = arith.constant 22 : index
    %get3A_455 = arith.constant 1 : index
    %get3A_456 = memref.load %arg0[%get3A_454, %get3A_455] : memref<32x16xf32, #tpu.memory_space<smem>>
    %add3A_457 = arith.addf %add3A_449, %get3A_456 : f32
    %get3A_458 = arith.constant 22 : index
    %get3A_459 = arith.constant 1 : index
    %get3A_460 = memref.load %arg1[%get3A_458, %get3A_459] : memref<32x16xf32, #tpu.memory_space<smem>>
    %add3A_461 = arith.addf %add3A_453, %get3A_460 : f32
    %get3A_462 = arith.constant 23 : index
    %get3A_463 = arith.constant 1 : index
    %get3A_464 = memref.load %arg0[%get3A_462, %get3A_463] : memref<32x16xf32, #tpu.memory_space<smem>>
    %add3A_465 = arith.addf %add3A_457, %get3A_464 : f32
    %get3A_466 = arith.constant 23 : index
    %get3A_467 = arith.constant 1 : index
    %get3A_468 = memref.load %arg1[%get3A_466, %get3A_467] : memref<32x16xf32, #tpu.memory_space<smem>>
    %add3A_469 = arith.addf %add3A_461, %get3A_468 : f32
    %get3A_470 = arith.constant 24 : index
    %get3A_471 = arith.constant 1 : index
    %get3A_472 = memref.load %arg0[%get3A_470, %get3A_471] : memref<32x16xf32, #tpu.memory_space<smem>>
    %add3A_473 = arith.addf %add3A_465, %get3A_472 : f32
    %get3A_474 = arith.constant 24 : index
    %get3A_475 = arith.constant 1 : index
    %get3A_476 = memref.load %arg1[%get3A_474, %get3A_475] : memref<32x16xf32, #tpu.memory_space<smem>>
    %add3A_477 = arith.addf %add3A_469, %get3A_476 : f32
    %get3A_478 = arith.constant 25 : index
    %get3A_479 = arith.constant 1 : index
    %get3A_480 = memref.load %arg0[%get3A_478, %get3A_479] : memref<32x16xf32, #tpu.memory_space<smem>>
    %add3A_481 = arith.addf %add3A_473, %get3A_480 : f32
    %get3A_482 = arith.constant 25 : index
    %get3A_483 = arith.constant 1 : index
    %get3A_484 = memref.load %arg1[%get3A_482, %get3A_483] : memref<32x16xf32, #tpu.memory_space<smem>>
    %add3A_485 = arith.addf %add3A_477, %get3A_484 : f32
    %get3A_486 = arith.constant 26 : index
    %get3A_487 = arith.constant 1 : index
    %get3A_488 = memref.load %arg0[%get3A_486, %get3A_487] : memref<32x16xf32, #tpu.memory_space<smem>>
    %add3A_489 = arith.addf %add3A_481, %get3A_488 : f32
    %get3A_490 = arith.constant 26 : index
    %get3A_491 = arith.constant 1 : index
    %get3A_492 = memref.load %arg1[%get3A_490, %get3A_491] : memref<32x16xf32, #tpu.memory_space<smem>>
    %add3A_493 = arith.addf %add3A_485, %get3A_492 : f32
    %get3A_494 = arith.constant 27 : index
    %get3A_495 = arith.constant 1 : index
    %get3A_496 = memref.load %arg0[%get3A_494, %get3A_495] : memref<32x16xf32, #tpu.memory_space<smem>>
    %add3A_497 = arith.addf %add3A_489, %get3A_496 : f32
    %get3A_498 = arith.constant 27 : index
    %get3A_499 = arith.constant 1 : index
    %get3A_500 = memref.load %arg1[%get3A_498, %get3A_499] : memref<32x16xf32, #tpu.memory_space<smem>>
    %add3A_501 = arith.addf %add3A_493, %get3A_500 : f32
    %get3A_502 = arith.constant 28 : index
    %get3A_503 = arith.constant 1 : index
    %get3A_504 = memref.load %arg0[%get3A_502, %get3A_503] : memref<32x16xf32, #tpu.memory_space<smem>>
    %add3A_505 = arith.addf %add3A_497, %get3A_504 : f32
    %get3A_506 = arith.constant 28 : index
    %get3A_507 = arith.constant 1 : index
    %get3A_508 = memref.load %arg1[%get3A_506, %get3A_507] : memref<32x16xf32, #tpu.memory_space<smem>>
    %add3A_509 = arith.addf %add3A_501, %get3A_508 : f32
    %get3A_510 = arith.constant 29 : index
    %get3A_511 = arith.constant 1 : index
    %get3A_512 = memref.load %arg0[%get3A_510, %get3A_511] : memref<32x16xf32, #tpu.memory_space<smem>>
    %add3A_513 = arith.addf %add3A_505, %get3A_512 : f32
    %get3A_514 = arith.constant 29 : index
    %get3A_515 = arith.constant 1 : index
    %get3A_516 = memref.load %arg1[%get3A_514, %get3A_515] : memref<32x16xf32, #tpu.memory_space<smem>>
    %add3A_517 = arith.addf %add3A_509, %get3A_516 : f32
    %get3A_518 = arith.constant 30 : index
    %get3A_519 = arith.constant 1 : index
    %get3A_520 = memref.load %arg0[%get3A_518, %get3A_519] : memref<32x16xf32, #tpu.memory_space<smem>>
    %add3A_521 = arith.addf %add3A_513, %get3A_520 : f32
    %get3A_522 = arith.constant 30 : index
    %get3A_523 = arith.constant 1 : index
    %get3A_524 = memref.load %arg1[%get3A_522, %get3A_523] : memref<32x16xf32, #tpu.memory_space<smem>>
    %add3A_525 = arith.addf %add3A_517, %get3A_524 : f32
    %get3A_526 = arith.constant 31 : index
    %get3A_527 = arith.constant 1 : index
    %get3A_528 = memref.load %arg0[%get3A_526, %get3A_527] : memref<32x16xf32, #tpu.memory_space<smem>>
    %add3A_529 = arith.addf %add3A_521, %get3A_528 : f32
    %get3A_530 = arith.constant 31 : index
    %get3A_531 = arith.constant 1 : index
    %get3A_532 = memref.load %arg1[%get3A_530, %get3A_531] : memref<32x16xf32, #tpu.memory_space<smem>>
    %add3A_533 = arith.addf %add3A_525, %get3A_532 : f32
    %get3A_534 = arith.constant 0 : index
    %get3A_535 = arith.constant 1 : index
    %get3A_536 = memref.load %arg2[%get3A_534, %get3A_535] : memref<2x10xf32, #tpu.memory_space<smem>>
    %get3A_537 = arith.constant 1 : index
    %get3A_538 = arith.constant 1 : index
    %get3A_539 = memref.load %arg2[%get3A_537, %get3A_538] : memref<2x10xf32, #tpu.memory_space<smem>>
    %sub3A_540 = arith.subf %get3A_536, %get3A_258 : f32
    %add3A_541 = arith.addf %add3A_529, %sub3A_540 : f32
    %sub3A_542 = arith.subf %get3A_539, %get3A_261 : f32
    %add3A_543 = arith.addf %add3A_533, %sub3A_542 : f32
    %gt3A_544 = arith.constant 0.000000e+00 : f32
    %gt3A_545 = arith.cmpf ogt, %add3A_541, %gt3A_544 : f32
    %max3A_546 = arith.constant 1.000000e+00 : f32
    %max3A_547 = arith.maximumf %add3A_541, %max3A_546 : f32
    %div3A_548 = arith.divf %add3A_543, %max3A_547 : f32
    %jit3A_549 = arith.constant 0.000000e+00 : f32
    %select_n3A_550 = arith.select %gt3A_545, %div3A_548, %jit3A_549 : f32
    %add3A_551 = arith.addf %add3A_270, %select_n3A_550 : f32
    %jit3A_552 = arith.constant 1.000000e+00 : f32
    %jit3A_553 = arith.constant 0.000000e+00 : f32
    %select_n3A_554 = arith.select %gt3A_545, %jit3A_552, %jit3A_553 : f32
    %add3A_555 = arith.addf %add3A_275, %select_n3A_554 : f32
    %get3A_556 = arith.constant 0 : index
    %get3A_557 = arith.constant 2 : index
    %get3A_558 = memref.load %arg0[%get3A_556, %get3A_557] : memref<32x16xf32, #tpu.memory_space<smem>>
    %add3A_559 = arith.constant 0.000000e+00 : f32
    %add3A_560 = arith.addf %add3A_559, %get3A_558 : f32
    %get3A_561 = arith.constant 0 : index
    %get3A_562 = arith.constant 2 : index
    %get3A_563 = memref.load %arg1[%get3A_561, %get3A_562] : memref<32x16xf32, #tpu.memory_space<smem>>
    %add3A_564 = arith.constant 0.000000e+00 : f32
    %add3A_565 = arith.addf %add3A_564, %get3A_563 : f32
    %get3A_566 = arith.constant 1 : index
    %get3A_567 = arith.constant 2 : index
    %get3A_568 = memref.load %arg0[%get3A_566, %get3A_567] : memref<32x16xf32, #tpu.memory_space<smem>>
    %add3A_569 = arith.addf %add3A_560, %get3A_568 : f32
    %get3A_570 = arith.constant 1 : index
    %get3A_571 = arith.constant 2 : index
    %get3A_572 = memref.load %arg1[%get3A_570, %get3A_571] : memref<32x16xf32, #tpu.memory_space<smem>>
    %add3A_573 = arith.addf %add3A_565, %get3A_572 : f32
    %get3A_574 = arith.constant 2 : index
    %get3A_575 = arith.constant 2 : index
    %get3A_576 = memref.load %arg0[%get3A_574, %get3A_575] : memref<32x16xf32, #tpu.memory_space<smem>>
    %add3A_577 = arith.addf %add3A_569, %get3A_576 : f32
    %get3A_578 = arith.constant 2 : index
    %get3A_579 = arith.constant 2 : index
    %get3A_580 = memref.load %arg1[%get3A_578, %get3A_579] : memref<32x16xf32, #tpu.memory_space<smem>>
    %add3A_581 = arith.addf %add3A_573, %get3A_580 : f32
    %get3A_582 = arith.constant 3 : index
    %get3A_583 = arith.constant 2 : index
    %get3A_584 = memref.load %arg0[%get3A_582, %get3A_583] : memref<32x16xf32, #tpu.memory_space<smem>>
    %add3A_585 = arith.addf %add3A_577, %get3A_584 : f32
    %get3A_586 = arith.constant 3 : index
    %get3A_587 = arith.constant 2 : index
    %get3A_588 = memref.load %arg1[%get3A_586, %get3A_587] : memref<32x16xf32, #tpu.memory_space<smem>>
    %add3A_589 = arith.addf %add3A_581, %get3A_588 : f32
    %get3A_590 = arith.constant 4 : index
    %get3A_591 = arith.constant 2 : index
    %get3A_592 = memref.load %arg0[%get3A_590, %get3A_591] : memref<32x16xf32, #tpu.memory_space<smem>>
    %add3A_593 = arith.addf %add3A_585, %get3A_592 : f32
    %get3A_594 = arith.constant 4 : index
    %get3A_595 = arith.constant 2 : index
    %get3A_596 = memref.load %arg1[%get3A_594, %get3A_595] : memref<32x16xf32, #tpu.memory_space<smem>>
    %add3A_597 = arith.addf %add3A_589, %get3A_596 : f32
    %get3A_598 = arith.constant 5 : index
    %get3A_599 = arith.constant 2 : index
    %get3A_600 = memref.load %arg0[%get3A_598, %get3A_599] : memref<32x16xf32, #tpu.memory_space<smem>>
    %add3A_601 = arith.addf %add3A_593, %get3A_600 : f32
    %get3A_602 = arith.constant 5 : index
    %get3A_603 = arith.constant 2 : index
    %get3A_604 = memref.load %arg1[%get3A_602, %get3A_603] : memref<32x16xf32, #tpu.memory_space<smem>>
    %add3A_605 = arith.addf %add3A_597, %get3A_604 : f32
    %get3A_606 = arith.constant 6 : index
    %get3A_607 = arith.constant 2 : index
    %get3A_608 = memref.load %arg0[%get3A_606, %get3A_607] : memref<32x16xf32, #tpu.memory_space<smem>>
    %add3A_609 = arith.addf %add3A_601, %get3A_608 : f32
    %get3A_610 = arith.constant 6 : index
    %get3A_611 = arith.constant 2 : index
    %get3A_612 = memref.load %arg1[%get3A_610, %get3A_611] : memref<32x16xf32, #tpu.memory_space<smem>>
    %add3A_613 = arith.addf %add3A_605, %get3A_612 : f32
    %get3A_614 = arith.constant 7 : index
    %get3A_615 = arith.constant 2 : index
    %get3A_616 = memref.load %arg0[%get3A_614, %get3A_615] : memref<32x16xf32, #tpu.memory_space<smem>>
    %add3A_617 = arith.addf %add3A_609, %get3A_616 : f32
    %get3A_618 = arith.constant 7 : index
    %get3A_619 = arith.constant 2 : index
    %get3A_620 = memref.load %arg1[%get3A_618, %get3A_619] : memref<32x16xf32, #tpu.memory_space<smem>>
    %add3A_621 = arith.addf %add3A_613, %get3A_620 : f32
    %get3A_622 = arith.constant 8 : index
    %get3A_623 = arith.constant 2 : index
    %get3A_624 = memref.load %arg0[%get3A_622, %get3A_623] : memref<32x16xf32, #tpu.memory_space<smem>>
    %add3A_625 = arith.addf %add3A_617, %get3A_624 : f32
    %get3A_626 = arith.constant 8 : index
    %get3A_627 = arith.constant 2 : index
    %get3A_628 = memref.load %arg1[%get3A_626, %get3A_627] : memref<32x16xf32, #tpu.memory_space<smem>>
    %add3A_629 = arith.addf %add3A_621, %get3A_628 : f32
    %get3A_630 = arith.constant 9 : index
    %get3A_631 = arith.constant 2 : index
    %get3A_632 = memref.load %arg0[%get3A_630, %get3A_631] : memref<32x16xf32, #tpu.memory_space<smem>>
    %add3A_633 = arith.addf %add3A_625, %get3A_632 : f32
    %get3A_634 = arith.constant 9 : index
    %get3A_635 = arith.constant 2 : index
    %get3A_636 = memref.load %arg1[%get3A_634, %get3A_635] : memref<32x16xf32, #tpu.memory_space<smem>>
    %add3A_637 = arith.addf %add3A_629, %get3A_636 : f32
    %get3A_638 = arith.constant 10 : index
    %get3A_639 = arith.constant 2 : index
    %get3A_640 = memref.load %arg0[%get3A_638, %get3A_639] : memref<32x16xf32, #tpu.memory_space<smem>>
    %add3A_641 = arith.addf %add3A_633, %get3A_640 : f32
    %get3A_642 = arith.constant 10 : index
    %get3A_643 = arith.constant 2 : index
    %get3A_644 = memref.load %arg1[%get3A_642, %get3A_643] : memref<32x16xf32, #tpu.memory_space<smem>>
    %add3A_645 = arith.addf %add3A_637, %get3A_644 : f32
    %get3A_646 = arith.constant 11 : index
    %get3A_647 = arith.constant 2 : index
    %get3A_648 = memref.load %arg0[%get3A_646, %get3A_647] : memref<32x16xf32, #tpu.memory_space<smem>>
    %add3A_649 = arith.addf %add3A_641, %get3A_648 : f32
    %get3A_650 = arith.constant 11 : index
    %get3A_651 = arith.constant 2 : index
    %get3A_652 = memref.load %arg1[%get3A_650, %get3A_651] : memref<32x16xf32, #tpu.memory_space<smem>>
    %add3A_653 = arith.addf %add3A_645, %get3A_652 : f32
    %get3A_654 = arith.constant 12 : index
    %get3A_655 = arith.constant 2 : index
    %get3A_656 = memref.load %arg0[%get3A_654, %get3A_655] : memref<32x16xf32, #tpu.memory_space<smem>>
    %add3A_657 = arith.addf %add3A_649, %get3A_656 : f32
    %get3A_658 = arith.constant 12 : index
    %get3A_659 = arith.constant 2 : index
    %get3A_660 = memref.load %arg1[%get3A_658, %get3A_659] : memref<32x16xf32, #tpu.memory_space<smem>>
    %add3A_661 = arith.addf %add3A_653, %get3A_660 : f32
    %get3A_662 = arith.constant 13 : index
    %get3A_663 = arith.constant 2 : index
    %get3A_664 = memref.load %arg0[%get3A_662, %get3A_663] : memref<32x16xf32, #tpu.memory_space<smem>>
    %add3A_665 = arith.addf %add3A_657, %get3A_664 : f32
    %get3A_666 = arith.constant 13 : index
    %get3A_667 = arith.constant 2 : index
    %get3A_668 = memref.load %arg1[%get3A_666, %get3A_667] : memref<32x16xf32, #tpu.memory_space<smem>>
    %add3A_669 = arith.addf %add3A_661, %get3A_668 : f32
    %get3A_670 = arith.constant 14 : index
    %get3A_671 = arith.constant 2 : index
    %get3A_672 = memref.load %arg0[%get3A_670, %get3A_671] : memref<32x16xf32, #tpu.memory_space<smem>>
    %add3A_673 = arith.addf %add3A_665, %get3A_672 : f32
    %get3A_674 = arith.constant 14 : index
    %get3A_675 = arith.constant 2 : index
    %get3A_676 = memref.load %arg1[%get3A_674, %get3A_675] : memref<32x16xf32, #tpu.memory_space<smem>>
    %add3A_677 = arith.addf %add3A_669, %get3A_676 : f32
    %get3A_678 = arith.constant 15 : index
    %get3A_679 = arith.constant 2 : index
    %get3A_680 = memref.load %arg0[%get3A_678, %get3A_679] : memref<32x16xf32, #tpu.memory_space<smem>>
    %add3A_681 = arith.addf %add3A_673, %get3A_680 : f32
    %get3A_682 = arith.constant 15 : index
    %get3A_683 = arith.constant 2 : index
    %get3A_684 = memref.load %arg1[%get3A_682, %get3A_683] : memref<32x16xf32, #tpu.memory_space<smem>>
    %add3A_685 = arith.addf %add3A_677, %get3A_684 : f32
    %get3A_686 = arith.constant 16 : index
    %get3A_687 = arith.constant 2 : index
    %get3A_688 = memref.load %arg0[%get3A_686, %get3A_687] : memref<32x16xf32, #tpu.memory_space<smem>>
    %add3A_689 = arith.addf %add3A_681, %get3A_688 : f32
    %get3A_690 = arith.constant 16 : index
    %get3A_691 = arith.constant 2 : index
    %get3A_692 = memref.load %arg1[%get3A_690, %get3A_691] : memref<32x16xf32, #tpu.memory_space<smem>>
    %add3A_693 = arith.addf %add3A_685, %get3A_692 : f32
    %get3A_694 = arith.constant 17 : index
    %get3A_695 = arith.constant 2 : index
    %get3A_696 = memref.load %arg0[%get3A_694, %get3A_695] : memref<32x16xf32, #tpu.memory_space<smem>>
    %add3A_697 = arith.addf %add3A_689, %get3A_696 : f32
    %get3A_698 = arith.constant 17 : index
    %get3A_699 = arith.constant 2 : index
    %get3A_700 = memref.load %arg1[%get3A_698, %get3A_699] : memref<32x16xf32, #tpu.memory_space<smem>>
    %add3A_701 = arith.addf %add3A_693, %get3A_700 : f32
    %get3A_702 = arith.constant 18 : index
    %get3A_703 = arith.constant 2 : index
    %get3A_704 = memref.load %arg0[%get3A_702, %get3A_703] : memref<32x16xf32, #tpu.memory_space<smem>>
    %add3A_705 = arith.addf %add3A_697, %get3A_704 : f32
    %get3A_706 = arith.constant 18 : index
    %get3A_707 = arith.constant 2 : index
    %get3A_708 = memref.load %arg1[%get3A_706, %get3A_707] : memref<32x16xf32, #tpu.memory_space<smem>>
    %add3A_709 = arith.addf %add3A_701, %get3A_708 : f32
    %get3A_710 = arith.constant 19 : index
    %get3A_711 = arith.constant 2 : index
    %get3A_712 = memref.load %arg0[%get3A_710, %get3A_711] : memref<32x16xf32, #tpu.memory_space<smem>>
    %add3A_713 = arith.addf %add3A_705, %get3A_712 : f32
    %get3A_714 = arith.constant 19 : index
    %get3A_715 = arith.constant 2 : index
    %get3A_716 = memref.load %arg1[%get3A_714, %get3A_715] : memref<32x16xf32, #tpu.memory_space<smem>>
    %add3A_717 = arith.addf %add3A_709, %get3A_716 : f32
    %get3A_718 = arith.constant 20 : index
    %get3A_719 = arith.constant 2 : index
    %get3A_720 = memref.load %arg0[%get3A_718, %get3A_719] : memref<32x16xf32, #tpu.memory_space<smem>>
    %add3A_721 = arith.addf %add3A_713, %get3A_720 : f32
    %get3A_722 = arith.constant 20 : index
    %get3A_723 = arith.constant 2 : index
    %get3A_724 = memref.load %arg1[%get3A_722, %get3A_723] : memref<32x16xf32, #tpu.memory_space<smem>>
    %add3A_725 = arith.addf %add3A_717, %get3A_724 : f32
    %get3A_726 = arith.constant 21 : index
    %get3A_727 = arith.constant 2 : index
    %get3A_728 = memref.load %arg0[%get3A_726, %get3A_727] : memref<32x16xf32, #tpu.memory_space<smem>>
    %add3A_729 = arith.addf %add3A_721, %get3A_728 : f32
    %get3A_730 = arith.constant 21 : index
    %get3A_731 = arith.constant 2 : index
    %get3A_732 = memref.load %arg1[%get3A_730, %get3A_731] : memref<32x16xf32, #tpu.memory_space<smem>>
    %add3A_733 = arith.addf %add3A_725, %get3A_732 : f32
    %get3A_734 = arith.constant 22 : index
    %get3A_735 = arith.constant 2 : index
    %get3A_736 = memref.load %arg0[%get3A_734, %get3A_735] : memref<32x16xf32, #tpu.memory_space<smem>>
    %add3A_737 = arith.addf %add3A_729, %get3A_736 : f32
    %get3A_738 = arith.constant 22 : index
    %get3A_739 = arith.constant 2 : index
    %get3A_740 = memref.load %arg1[%get3A_738, %get3A_739] : memref<32x16xf32, #tpu.memory_space<smem>>
    %add3A_741 = arith.addf %add3A_733, %get3A_740 : f32
    %get3A_742 = arith.constant 23 : index
    %get3A_743 = arith.constant 2 : index
    %get3A_744 = memref.load %arg0[%get3A_742, %get3A_743] : memref<32x16xf32, #tpu.memory_space<smem>>
    %add3A_745 = arith.addf %add3A_737, %get3A_744 : f32
    %get3A_746 = arith.constant 23 : index
    %get3A_747 = arith.constant 2 : index
    %get3A_748 = memref.load %arg1[%get3A_746, %get3A_747] : memref<32x16xf32, #tpu.memory_space<smem>>
    %add3A_749 = arith.addf %add3A_741, %get3A_748 : f32
    %get3A_750 = arith.constant 24 : index
    %get3A_751 = arith.constant 2 : index
    %get3A_752 = memref.load %arg0[%get3A_750, %get3A_751] : memref<32x16xf32, #tpu.memory_space<smem>>
    %add3A_753 = arith.addf %add3A_745, %get3A_752 : f32
    %get3A_754 = arith.constant 24 : index
    %get3A_755 = arith.constant 2 : index
    %get3A_756 = memref.load %arg1[%get3A_754, %get3A_755] : memref<32x16xf32, #tpu.memory_space<smem>>
    %add3A_757 = arith.addf %add3A_749, %get3A_756 : f32
    %get3A_758 = arith.constant 25 : index
    %get3A_759 = arith.constant 2 : index
    %get3A_760 = memref.load %arg0[%get3A_758, %get3A_759] : memref<32x16xf32, #tpu.memory_space<smem>>
    %add3A_761 = arith.addf %add3A_753, %get3A_760 : f32
    %get3A_762 = arith.constant 25 : index
    %get3A_763 = arith.constant 2 : index
    %get3A_764 = memref.load %arg1[%get3A_762, %get3A_763] : memref<32x16xf32, #tpu.memory_space<smem>>
    %add3A_765 = arith.addf %add3A_757, %get3A_764 : f32
    %get3A_766 = arith.constant 26 : index
    %get3A_767 = arith.constant 2 : index
    %get3A_768 = memref.load %arg0[%get3A_766, %get3A_767] : memref<32x16xf32, #tpu.memory_space<smem>>
    %add3A_769 = arith.addf %add3A_761, %get3A_768 : f32
    %get3A_770 = arith.constant 26 : index
    %get3A_771 = arith.constant 2 : index
    %get3A_772 = memref.load %arg1[%get3A_770, %get3A_771] : memref<32x16xf32, #tpu.memory_space<smem>>
    %add3A_773 = arith.addf %add3A_765, %get3A_772 : f32
    %get3A_774 = arith.constant 27 : index
    %get3A_775 = arith.constant 2 : index
    %get3A_776 = memref.load %arg0[%get3A_774, %get3A_775] : memref<32x16xf32, #tpu.memory_space<smem>>
    %add3A_777 = arith.addf %add3A_769, %get3A_776 : f32
    %get3A_778 = arith.constant 27 : index
    %get3A_779 = arith.constant 2 : index
    %get3A_780 = memref.load %arg1[%get3A_778, %get3A_779] : memref<32x16xf32, #tpu.memory_space<smem>>
    %add3A_781 = arith.addf %add3A_773, %get3A_780 : f32
    %get3A_782 = arith.constant 28 : index
    %get3A_783 = arith.constant 2 : index
    %get3A_784 = memref.load %arg0[%get3A_782, %get3A_783] : memref<32x16xf32, #tpu.memory_space<smem>>
    %add3A_785 = arith.addf %add3A_777, %get3A_784 : f32
    %get3A_786 = arith.constant 28 : index
    %get3A_787 = arith.constant 2 : index
    %get3A_788 = memref.load %arg1[%get3A_786, %get3A_787] : memref<32x16xf32, #tpu.memory_space<smem>>
    %add3A_789 = arith.addf %add3A_781, %get3A_788 : f32
    %get3A_790 = arith.constant 29 : index
    %get3A_791 = arith.constant 2 : index
    %get3A_792 = memref.load %arg0[%get3A_790, %get3A_791] : memref<32x16xf32, #tpu.memory_space<smem>>
    %add3A_793 = arith.addf %add3A_785, %get3A_792 : f32
    %get3A_794 = arith.constant 29 : index
    %get3A_795 = arith.constant 2 : index
    %get3A_796 = memref.load %arg1[%get3A_794, %get3A_795] : memref<32x16xf32, #tpu.memory_space<smem>>
    %add3A_797 = arith.addf %add3A_789, %get3A_796 : f32
    %get3A_798 = arith.constant 30 : index
    %get3A_799 = arith.constant 2 : index
    %get3A_800 = memref.load %arg0[%get3A_798, %get3A_799] : memref<32x16xf32, #tpu.memory_space<smem>>
    %add3A_801 = arith.addf %add3A_793, %get3A_800 : f32
    %get3A_802 = arith.constant 30 : index
    %get3A_803 = arith.constant 2 : index
    %get3A_804 = memref.load %arg1[%get3A_802, %get3A_803] : memref<32x16xf32, #tpu.memory_space<smem>>
    %add3A_805 = arith.addf %add3A_797, %get3A_804 : f32
    %get3A_806 = arith.constant 31 : index
    %get3A_807 = arith.constant 2 : index
    %get3A_808 = memref.load %arg0[%get3A_806, %get3A_807] : memref<32x16xf32, #tpu.memory_space<smem>>
    %add3A_809 = arith.addf %add3A_801, %get3A_808 : f32
    %get3A_810 = arith.constant 31 : index
    %get3A_811 = arith.constant 2 : index
    %get3A_812 = memref.load %arg1[%get3A_810, %get3A_811] : memref<32x16xf32, #tpu.memory_space<smem>>
    %add3A_813 = arith.addf %add3A_805, %get3A_812 : f32
    %get3A_814 = arith.constant 0 : index
    %get3A_815 = arith.constant 2 : index
    %get3A_816 = memref.load %arg2[%get3A_814, %get3A_815] : memref<2x10xf32, #tpu.memory_space<smem>>
    %get3A_817 = arith.constant 1 : index
    %get3A_818 = arith.constant 2 : index
    %get3A_819 = memref.load %arg2[%get3A_817, %get3A_818] : memref<2x10xf32, #tpu.memory_space<smem>>
    %sub3A_820 = arith.subf %get3A_816, %get3A_536 : f32
    %add3A_821 = arith.addf %add3A_809, %sub3A_820 : f32
    %sub3A_822 = arith.subf %get3A_819, %get3A_539 : f32
    %add3A_823 = arith.addf %add3A_813, %sub3A_822 : f32
    %gt3A_824 = arith.constant 0.000000e+00 : f32
    %gt3A_825 = arith.cmpf ogt, %add3A_821, %gt3A_824 : f32
    %max3A_826 = arith.constant 1.000000e+00 : f32
    %max3A_827 = arith.maximumf %add3A_821, %max3A_826 : f32
    %div3A_828 = arith.divf %add3A_823, %max3A_827 : f32
    %jit3A_829 = arith.constant 0.000000e+00 : f32
    %select_n3A_830 = arith.select %gt3A_825, %div3A_828, %jit3A_829 : f32
    %add3A_831 = arith.addf %add3A_551, %select_n3A_830 : f32
    %jit3A_832 = arith.constant 1.000000e+00 : f32
    %jit3A_833 = arith.constant 0.000000e+00 : f32
    %select_n3A_834 = arith.select %gt3A_825, %jit3A_832, %jit3A_833 : f32
    %add3A_835 = arith.addf %add3A_555, %select_n3A_834 : f32
    %get3A_836 = arith.constant 0 : index
    %get3A_837 = arith.constant 3 : index
    %get3A_838 = memref.load %arg0[%get3A_836, %get3A_837] : memref<32x16xf32, #tpu.memory_space<smem>>
    %add3A_839 = arith.constant 0.000000e+00 : f32
    %add3A_840 = arith.addf %add3A_839, %get3A_838 : f32
    %get3A_841 = arith.constant 0 : index
    %get3A_842 = arith.constant 3 : index
    %get3A_843 = memref.load %arg1[%get3A_841, %get3A_842] : memref<32x16xf32, #tpu.memory_space<smem>>
    %add3A_844 = arith.constant 0.000000e+00 : f32
    %add3A_845 = arith.addf %add3A_844, %get3A_843 : f32
    %get3A_846 = arith.constant 1 : index
    %get3A_847 = arith.constant 3 : index
    %get3A_848 = memref.load %arg0[%get3A_846, %get3A_847] : memref<32x16xf32, #tpu.memory_space<smem>>
    %add3A_849 = arith.addf %add3A_840, %get3A_848 : f32
    %get3A_850 = arith.constant 1 : index
    %get3A_851 = arith.constant 3 : index
    %get3A_852 = memref.load %arg1[%get3A_850, %get3A_851] : memref<32x16xf32, #tpu.memory_space<smem>>
    %add3A_853 = arith.addf %add3A_845, %get3A_852 : f32
    %get3A_854 = arith.constant 2 : index
    %get3A_855 = arith.constant 3 : index
    %get3A_856 = memref.load %arg0[%get3A_854, %get3A_855] : memref<32x16xf32, #tpu.memory_space<smem>>
    %add3A_857 = arith.addf %add3A_849, %get3A_856 : f32
    %get3A_858 = arith.constant 2 : index
    %get3A_859 = arith.constant 3 : index
    %get3A_860 = memref.load %arg1[%get3A_858, %get3A_859] : memref<32x16xf32, #tpu.memory_space<smem>>
    %add3A_861 = arith.addf %add3A_853, %get3A_860 : f32
    %get3A_862 = arith.constant 3 : index
    %get3A_863 = arith.constant 3 : index
    %get3A_864 = memref.load %arg0[%get3A_862, %get3A_863] : memref<32x16xf32, #tpu.memory_space<smem>>
    %add3A_865 = arith.addf %add3A_857, %get3A_864 : f32
    %get3A_866 = arith.constant 3 : index
    %get3A_867 = arith.constant 3 : index
    %get3A_868 = memref.load %arg1[%get3A_866, %get3A_867] : memref<32x16xf32, #tpu.memory_space<smem>>
    %add3A_869 = arith.addf %add3A_861, %get3A_868 : f32
    %get3A_870 = arith.constant 4 : index
    %get3A_871 = arith.constant 3 : index
    %get3A_872 = memref.load %arg0[%get3A_870, %get3A_871] : memref<32x16xf32, #tpu.memory_space<smem>>
    %add3A_873 = arith.addf %add3A_865, %get3A_872 : f32
    %get3A_874 = arith.constant 4 : index
    %get3A_875 = arith.constant 3 : index
    %get3A_876 = memref.load %arg1[%get3A_874, %get3A_875] : memref<32x16xf32, #tpu.memory_space<smem>>
    %add3A_877 = arith.addf %add3A_869, %get3A_876 : f32
    %get3A_878 = arith.constant 5 : index
    %get3A_879 = arith.constant 3 : index
    %get3A_880 = memref.load %arg0[%get3A_878, %get3A_879] : memref<32x16xf32, #tpu.memory_space<smem>>
    %add3A_881 = arith.addf %add3A_873, %get3A_880 : f32
    %get3A_882 = arith.constant 5 : index
    %get3A_883 = arith.constant 3 : index
    %get3A_884 = memref.load %arg1[%get3A_882, %get3A_883] : memref<32x16xf32, #tpu.memory_space<smem>>
    %add3A_885 = arith.addf %add3A_877, %get3A_884 : f32
    %get3A_886 = arith.constant 6 : index
    %get3A_887 = arith.constant 3 : index
    %get3A_888 = memref.load %arg0[%get3A_886, %get3A_887] : memref<32x16xf32, #tpu.memory_space<smem>>
    %add3A_889 = arith.addf %add3A_881, %get3A_888 : f32
    %get3A_890 = arith.constant 6 : index
    %get3A_891 = arith.constant 3 : index
    %get3A_892 = memref.load %arg1[%get3A_890, %get3A_891] : memref<32x16xf32, #tpu.memory_space<smem>>
    %add3A_893 = arith.addf %add3A_885, %get3A_892 : f32
    %get3A_894 = arith.constant 7 : index
    %get3A_895 = arith.constant 3 : index
    %get3A_896 = memref.load %arg0[%get3A_894, %get3A_895] : memref<32x16xf32, #tpu.memory_space<smem>>
    %add3A_897 = arith.addf %add3A_889, %get3A_896 : f32
    %get3A_898 = arith.constant 7 : index
    %get3A_899 = arith.constant 3 : index
    %get3A_900 = memref.load %arg1[%get3A_898, %get3A_899] : memref<32x16xf32, #tpu.memory_space<smem>>
    %add3A_901 = arith.addf %add3A_893, %get3A_900 : f32
    %get3A_902 = arith.constant 8 : index
    %get3A_903 = arith.constant 3 : index
    %get3A_904 = memref.load %arg0[%get3A_902, %get3A_903] : memref<32x16xf32, #tpu.memory_space<smem>>
    %add3A_905 = arith.addf %add3A_897, %get3A_904 : f32
    %get3A_906 = arith.constant 8 : index
    %get3A_907 = arith.constant 3 : index
    %get3A_908 = memref.load %arg1[%get3A_906, %get3A_907] : memref<32x16xf32, #tpu.memory_space<smem>>
    %add3A_909 = arith.addf %add3A_901, %get3A_908 : f32
    %get3A_910 = arith.constant 9 : index
    %get3A_911 = arith.constant 3 : index
    %get3A_912 = memref.load %arg0[%get3A_910, %get3A_911] : memref<32x16xf32, #tpu.memory_space<smem>>
    %add3A_913 = arith.addf %add3A_905, %get3A_912 : f32
    %get3A_914 = arith.constant 9 : index
    %get3A_915 = arith.constant 3 : index
    %get3A_916 = memref.load %arg1[%get3A_914, %get3A_915] : memref<32x16xf32, #tpu.memory_space<smem>>
    %add3A_917 = arith.addf %add3A_909, %get3A_916 : f32
    %get3A_918 = arith.constant 10 : index
    %get3A_919 = arith.constant 3 : index
    %get3A_920 = memref.load %arg0[%get3A_918, %get3A_919] : memref<32x16xf32, #tpu.memory_space<smem>>
    %add3A_921 = arith.addf %add3A_913, %get3A_920 : f32
    %get3A_922 = arith.constant 10 : index
    %get3A_923 = arith.constant 3 : index
    %get3A_924 = memref.load %arg1[%get3A_922, %get3A_923] : memref<32x16xf32, #tpu.memory_space<smem>>
    %add3A_925 = arith.addf %add3A_917, %get3A_924 : f32
    %get3A_926 = arith.constant 11 : index
    %get3A_927 = arith.constant 3 : index
    %get3A_928 = memref.load %arg0[%get3A_926, %get3A_927] : memref<32x16xf32, #tpu.memory_space<smem>>
    %add3A_929 = arith.addf %add3A_921, %get3A_928 : f32
    %get3A_930 = arith.constant 11 : index
    %get3A_931 = arith.constant 3 : index
    %get3A_932 = memref.load %arg1[%get3A_930, %get3A_931] : memref<32x16xf32, #tpu.memory_space<smem>>
    %add3A_933 = arith.addf %add3A_925, %get3A_932 : f32
    %get3A_934 = arith.constant 12 : index
    %get3A_935 = arith.constant 3 : index
    %get3A_936 = memref.load %arg0[%get3A_934, %get3A_935] : memref<32x16xf32, #tpu.memory_space<smem>>
    %add3A_937 = arith.addf %add3A_929, %get3A_936 : f32
    %get3A_938 = arith.constant 12 : index
    %get3A_939 = arith.constant 3 : index
    %get3A_940 = memref.load %arg1[%get3A_938, %get3A_939] : memref<32x16xf32, #tpu.memory_space<smem>>
    %add3A_941 = arith.addf %add3A_933, %get3A_940 : f32
    %get3A_942 = arith.constant 13 : index
    %get3A_943 = arith.constant 3 : index
    %get3A_944 = memref.load %arg0[%get3A_942, %get3A_943] : memref<32x16xf32, #tpu.memory_space<smem>>
    %add3A_945 = arith.addf %add3A_937, %get3A_944 : f32
    %get3A_946 = arith.constant 13 : index
    %get3A_947 = arith.constant 3 : index
    %get3A_948 = memref.load %arg1[%get3A_946, %get3A_947] : memref<32x16xf32, #tpu.memory_space<smem>>
    %add3A_949 = arith.addf %add3A_941, %get3A_948 : f32
    %get3A_950 = arith.constant 14 : index
    %get3A_951 = arith.constant 3 : index
    %get3A_952 = memref.load %arg0[%get3A_950, %get3A_951] : memref<32x16xf32, #tpu.memory_space<smem>>
    %add3A_953 = arith.addf %add3A_945, %get3A_952 : f32
    %get3A_954 = arith.constant 14 : index
    %get3A_955 = arith.constant 3 : index
    %get3A_956 = memref.load %arg1[%get3A_954, %get3A_955] : memref<32x16xf32, #tpu.memory_space<smem>>
    %add3A_957 = arith.addf %add3A_949, %get3A_956 : f32
    %get3A_958 = arith.constant 15 : index
    %get3A_959 = arith.constant 3 : index
    %get3A_960 = memref.load %arg0[%get3A_958, %get3A_959] : memref<32x16xf32, #tpu.memory_space<smem>>
    %add3A_961 = arith.addf %add3A_953, %get3A_960 : f32
    %get3A_962 = arith.constant 15 : index
    %get3A_963 = arith.constant 3 : index
    %get3A_964 = memref.load %arg1[%get3A_962, %get3A_963] : memref<32x16xf32, #tpu.memory_space<smem>>
    %add3A_965 = arith.addf %add3A_957, %get3A_964 : f32
    %get3A_966 = arith.constant 16 : index
    %get3A_967 = arith.constant 3 : index
    %get3A_968 = memref.load %arg0[%get3A_966, %get3A_967] : memref<32x16xf32, #tpu.memory_space<smem>>
    %add3A_969 = arith.addf %add3A_961, %get3A_968 : f32
    %get3A_970 = arith.constant 16 : index
    %get3A_971 = arith.constant 3 : index
    %get3A_972 = memref.load %arg1[%get3A_970, %get3A_971] : memref<32x16xf32, #tpu.memory_space<smem>>
    %add3A_973 = arith.addf %add3A_965, %get3A_972 : f32
    %get3A_974 = arith.constant 17 : index
    %get3A_975 = arith.constant 3 : index
    %get3A_976 = memref.load %arg0[%get3A_974, %get3A_975] : memref<32x16xf32, #tpu.memory_space<smem>>
    %add3A_977 = arith.addf %add3A_969, %get3A_976 : f32
    %get3A_978 = arith.constant 17 : index
    %get3A_979 = arith.constant 3 : index
    %get3A_980 = memref.load %arg1[%get3A_978, %get3A_979] : memref<32x16xf32, #tpu.memory_space<smem>>
    %add3A_981 = arith.addf %add3A_973, %get3A_980 : f32
    %get3A_982 = arith.constant 18 : index
    %get3A_983 = arith.constant 3 : index
    %get3A_984 = memref.load %arg0[%get3A_982, %get3A_983] : memref<32x16xf32, #tpu.memory_space<smem>>
    %add3A_985 = arith.addf %add3A_977, %get3A_984 : f32
    %get3A_986 = arith.constant 18 : index
    %get3A_987 = arith.constant 3 : index
    %get3A_988 = memref.load %arg1[%get3A_986, %get3A_987] : memref<32x16xf32, #tpu.memory_space<smem>>
    %add3A_989 = arith.addf %add3A_981, %get3A_988 : f32
    %get3A_990 = arith.constant 19 : index
    %get3A_991 = arith.constant 3 : index
    %get3A_992 = memref.load %arg0[%get3A_990, %get3A_991] : memref<32x16xf32, #tpu.memory_space<smem>>
    %add3A_993 = arith.addf %add3A_985, %get3A_992 : f32
    %get3A_994 = arith.constant 19 : index
    %get3A_995 = arith.constant 3 : index
    %get3A_996 = memref.load %arg1[%get3A_994, %get3A_995] : memref<32x16xf32, #tpu.memory_space<smem>>
    %add3A_997 = arith.addf %add3A_989, %get3A_996 : f32
    %get3A_998 = arith.constant 20 : index
    %get3A_999 = arith.constant 3 : index
    %get3A_1000 = memref.load %arg0[%get3A_998, %get3A_999] : memref<32x16xf32, #tpu.memory_space<smem>>
    %add3A_1001 = arith.addf %add3A_993, %get3A_1000 : f32
    %get3A_1002 = arith.constant 20 : index
    %get3A_1003 = arith.constant 3 : index
    %get3A_1004 = memref.load %arg1[%get3A_1002, %get3A_1003] : memref<32x16xf32, #tpu.memory_space<smem>>
    %add3A_1005 = arith.addf %add3A_997, %get3A_1004 : f32
    %get3A_1006 = arith.constant 21 : index
    %get3A_1007 = arith.constant 3 : index
    %get3A_1008 = memref.load %arg0[%get3A_1006, %get3A_1007] : memref<32x16xf32, #tpu.memory_space<smem>>
    %add3A_1009 = arith.addf %add3A_1001, %get3A_1008 : f32
    %get3A_1010 = arith.constant 21 : index
    %get3A_1011 = arith.constant 3 : index
    %get3A_1012 = memref.load %arg1[%get3A_1010, %get3A_1011] : memref<32x16xf32, #tpu.memory_space<smem>>
    %add3A_1013 = arith.addf %add3A_1005, %get3A_1012 : f32
    %get3A_1014 = arith.constant 22 : index
    %get3A_1015 = arith.constant 3 : index
    %get3A_1016 = memref.load %arg0[%get3A_1014, %get3A_1015] : memref<32x16xf32, #tpu.memory_space<smem>>
    %add3A_1017 = arith.addf %add3A_1009, %get3A_1016 : f32
    %get3A_1018 = arith.constant 22 : index
    %get3A_1019 = arith.constant 3 : index
    %get3A_1020 = memref.load %arg1[%get3A_1018, %get3A_1019] : memref<32x16xf32, #tpu.memory_space<smem>>
    %add3A_1021 = arith.addf %add3A_1013, %get3A_1020 : f32
    %get3A_1022 = arith.constant 23 : index
    %get3A_1023 = arith.constant 3 : index
    %get3A_1024 = memref.load %arg0[%get3A_1022, %get3A_1023] : memref<32x16xf32, #tpu.memory_space<smem>>
    %add3A_1025 = arith.addf %add3A_1017, %get3A_1024 : f32
    %get3A_1026 = arith.constant 23 : index
    %get3A_1027 = arith.constant 3 : index
    %get3A_1028 = memref.load %arg1[%get3A_1026, %get3A_1027] : memref<32x16xf32, #tpu.memory_space<smem>>
    %add3A_1029 = arith.addf %add3A_1021, %get3A_1028 : f32
    %get3A_1030 = arith.constant 24 : index
    %get3A_1031 = arith.constant 3 : index
    %get3A_1032 = memref.load %arg0[%get3A_1030, %get3A_1031] : memref<32x16xf32, #tpu.memory_space<smem>>
    %add3A_1033 = arith.addf %add3A_1025, %get3A_1032 : f32
    %get3A_1034 = arith.constant 24 : index
    %get3A_1035 = arith.constant 3 : index
    %get3A_1036 = memref.load %arg1[%get3A_1034, %get3A_1035] : memref<32x16xf32, #tpu.memory_space<smem>>
    %add3A_1037 = arith.addf %add3A_1029, %get3A_1036 : f32
    %get3A_1038 = arith.constant 25 : index
    %get3A_1039 = arith.constant 3 : index
    %get3A_1040 = memref.load %arg0[%get3A_1038, %get3A_1039] : memref<32x16xf32, #tpu.memory_space<smem>>
    %add3A_1041 = arith.addf %add3A_1033, %get3A_1040 : f32
    %get3A_1042 = arith.constant 25 : index
    %get3A_1043 = arith.constant 3 : index
    %get3A_1044 = memref.load %arg1[%get3A_1042, %get3A_1043] : memref<32x16xf32, #tpu.memory_space<smem>>
    %add3A_1045 = arith.addf %add3A_1037, %get3A_1044 : f32
    %get3A_1046 = arith.constant 26 : index
    %get3A_1047 = arith.constant 3 : index
    %get3A_1048 = memref.load %arg0[%get3A_1046, %get3A_1047] : memref<32x16xf32, #tpu.memory_space<smem>>
    %add3A_1049 = arith.addf %add3A_1041, %get3A_1048 : f32
    %get3A_1050 = arith.constant 26 : index
    %get3A_1051 = arith.constant 3 : index
    %get3A_1052 = memref.load %arg1[%get3A_1050, %get3A_1051] : memref<32x16xf32, #tpu.memory_space<smem>>
    %add3A_1053 = arith.addf %add3A_1045, %get3A_1052 : f32
    %get3A_1054 = arith.constant 27 : index
    %get3A_1055 = arith.constant 3 : index
    %get3A_1056 = memref.load %arg0[%get3A_1054, %get3A_1055] : memref<32x16xf32, #tpu.memory_space<smem>>
    %add3A_1057 = arith.addf %add3A_1049, %get3A_1056 : f32
    %get3A_1058 = arith.constant 27 : index
    %get3A_1059 = arith.constant 3 : index
    %get3A_1060 = memref.load %arg1[%get3A_1058, %get3A_1059] : memref<32x16xf32, #tpu.memory_space<smem>>
    %add3A_1061 = arith.addf %add3A_1053, %get3A_1060 : f32
    %get3A_1062 = arith.constant 28 : index
    %get3A_1063 = arith.constant 3 : index
    %get3A_1064 = memref.load %arg0[%get3A_1062, %get3A_1063] : memref<32x16xf32, #tpu.memory_space<smem>>
    %add3A_1065 = arith.addf %add3A_1057, %get3A_1064 : f32
    %get3A_1066 = arith.constant 28 : index
    %get3A_1067 = arith.constant 3 : index
    %get3A_1068 = memref.load %arg1[%get3A_1066, %get3A_1067] : memref<32x16xf32, #tpu.memory_space<smem>>
    %add3A_1069 = arith.addf %add3A_1061, %get3A_1068 : f32
    %get3A_1070 = arith.constant 29 : index
    %get3A_1071 = arith.constant 3 : index
    %get3A_1072 = memref.load %arg0[%get3A_1070, %get3A_1071] : memref<32x16xf32, #tpu.memory_space<smem>>
    %add3A_1073 = arith.addf %add3A_1065, %get3A_1072 : f32
    %get3A_1074 = arith.constant 29 : index
    %get3A_1075 = arith.constant 3 : index
    %get3A_1076 = memref.load %arg1[%get3A_1074, %get3A_1075] : memref<32x16xf32, #tpu.memory_space<smem>>
    %add3A_1077 = arith.addf %add3A_1069, %get3A_1076 : f32
    %get3A_1078 = arith.constant 30 : index
    %get3A_1079 = arith.constant 3 : index
    %get3A_1080 = memref.load %arg0[%get3A_1078, %get3A_1079] : memref<32x16xf32, #tpu.memory_space<smem>>
    %add3A_1081 = arith.addf %add3A_1073, %get3A_1080 : f32
    %get3A_1082 = arith.constant 30 : index
    %get3A_1083 = arith.constant 3 : index
    %get3A_1084 = memref.load %arg1[%get3A_1082, %get3A_1083] : memref<32x16xf32, #tpu.memory_space<smem>>
    %add3A_1085 = arith.addf %add3A_1077, %get3A_1084 : f32
    %get3A_1086 = arith.constant 31 : index
    %get3A_1087 = arith.constant 3 : index
    %get3A_1088 = memref.load %arg0[%get3A_1086, %get3A_1087] : memref<32x16xf32, #tpu.memory_space<smem>>
    %add3A_1089 = arith.addf %add3A_1081, %get3A_1088 : f32
    %get3A_1090 = arith.constant 31 : index
    %get3A_1091 = arith.constant 3 : index
    %get3A_1092 = memref.load %arg1[%get3A_1090, %get3A_1091] : memref<32x16xf32, #tpu.memory_space<smem>>
    %add3A_1093 = arith.addf %add3A_1085, %get3A_1092 : f32
    %get3A_1094 = arith.constant 0 : index
    %get3A_1095 = arith.constant 3 : index
    %get3A_1096 = memref.load %arg2[%get3A_1094, %get3A_1095] : memref<2x10xf32, #tpu.memory_space<smem>>
    %get3A_1097 = arith.constant 1 : index
    %get3A_1098 = arith.constant 3 : index
    %get3A_1099 = memref.load %arg2[%get3A_1097, %get3A_1098] : memref<2x10xf32, #tpu.memory_space<smem>>
    %sub3A_1100 = arith.subf %get3A_1096, %get3A_816 : f32
    %add3A_1101 = arith.addf %add3A_1089, %sub3A_1100 : f32
    %sub3A_1102 = arith.subf %get3A_1099, %get3A_819 : f32
    %add3A_1103 = arith.addf %add3A_1093, %sub3A_1102 : f32
    %gt3A_1104 = arith.constant 0.000000e+00 : f32
    %gt3A_1105 = arith.cmpf ogt, %add3A_1101, %gt3A_1104 : f32
    %max3A_1106 = arith.constant 1.000000e+00 : f32
    %max3A_1107 = arith.maximumf %add3A_1101, %max3A_1106 : f32
    %div3A_1108 = arith.divf %add3A_1103, %max3A_1107 : f32
    %jit3A_1109 = arith.constant 0.000000e+00 : f32
    %select_n3A_1110 = arith.select %gt3A_1105, %div3A_1108, %jit3A_1109 : f32
    %add3A_1111 = arith.addf %add3A_831, %select_n3A_1110 : f32
    %jit3A_1112 = arith.constant 1.000000e+00 : f32
    %jit3A_1113 = arith.constant 0.000000e+00 : f32
    %select_n3A_1114 = arith.select %gt3A_1105, %jit3A_1112, %jit3A_1113 : f32
    %add3A_1115 = arith.addf %add3A_835, %select_n3A_1114 : f32
    %get3A_1116 = arith.constant 0 : index
    %get3A_1117 = arith.constant 4 : index
    %get3A_1118 = memref.load %arg0[%get3A_1116, %get3A_1117] : memref<32x16xf32, #tpu.memory_space<smem>>
    %add3A_1119 = arith.constant 0.000000e+00 : f32
    %add3A_1120 = arith.addf %add3A_1119, %get3A_1118 : f32
    %get3A_1121 = arith.constant 0 : index
    %get3A_1122 = arith.constant 4 : index
    %get3A_1123 = memref.load %arg1[%get3A_1121, %get3A_1122] : memref<32x16xf32, #tpu.memory_space<smem>>
    %add3A_1124 = arith.constant 0.000000e+00 : f32
    %add3A_1125 = arith.addf %add3A_1124, %get3A_1123 : f32
    %get3A_1126 = arith.constant 1 : index
    %get3A_1127 = arith.constant 4 : index
    %get3A_1128 = memref.load %arg0[%get3A_1126, %get3A_1127] : memref<32x16xf32, #tpu.memory_space<smem>>
    %add3A_1129 = arith.addf %add3A_1120, %get3A_1128 : f32
    %get3A_1130 = arith.constant 1 : index
    %get3A_1131 = arith.constant 4 : index
    %get3A_1132 = memref.load %arg1[%get3A_1130, %get3A_1131] : memref<32x16xf32, #tpu.memory_space<smem>>
    %add3A_1133 = arith.addf %add3A_1125, %get3A_1132 : f32
    %get3A_1134 = arith.constant 2 : index
    %get3A_1135 = arith.constant 4 : index
    %get3A_1136 = memref.load %arg0[%get3A_1134, %get3A_1135] : memref<32x16xf32, #tpu.memory_space<smem>>
    %add3A_1137 = arith.addf %add3A_1129, %get3A_1136 : f32
    %get3A_1138 = arith.constant 2 : index
    %get3A_1139 = arith.constant 4 : index
    %get3A_1140 = memref.load %arg1[%get3A_1138, %get3A_1139] : memref<32x16xf32, #tpu.memory_space<smem>>
    %add3A_1141 = arith.addf %add3A_1133, %get3A_1140 : f32
    %get3A_1142 = arith.constant 3 : index
    %get3A_1143 = arith.constant 4 : index
    %get3A_1144 = memref.load %arg0[%get3A_1142, %get3A_1143] : memref<32x16xf32, #tpu.memory_space<smem>>
    %add3A_1145 = arith.addf %add3A_1137, %get3A_1144 : f32
    %get3A_1146 = arith.constant 3 : index
    %get3A_1147 = arith.constant 4 : index
    %get3A_1148 = memref.load %arg1[%get3A_1146, %get3A_1147] : memref<32x16xf32, #tpu.memory_space<smem>>
    %add3A_1149 = arith.addf %add3A_1141, %get3A_1148 : f32
    %get3A_1150 = arith.constant 4 : index
    %get3A_1151 = arith.constant 4 : index
    %get3A_1152 = memref.load %arg0[%get3A_1150, %get3A_1151] : memref<32x16xf32, #tpu.memory_space<smem>>
    %add3A_1153 = arith.addf %add3A_1145, %get3A_1152 : f32
    %get3A_1154 = arith.constant 4 : index
    %get3A_1155 = arith.constant 4 : index
    %get3A_1156 = memref.load %arg1[%get3A_1154, %get3A_1155] : memref<32x16xf32, #tpu.memory_space<smem>>
    %add3A_1157 = arith.addf %add3A_1149, %get3A_1156 : f32
    %get3A_1158 = arith.constant 5 : index
    %get3A_1159 = arith.constant 4 : index
    %get3A_1160 = memref.load %arg0[%get3A_1158, %get3A_1159] : memref<32x16xf32, #tpu.memory_space<smem>>
    %add3A_1161 = arith.addf %add3A_1153, %get3A_1160 : f32
    %get3A_1162 = arith.constant 5 : index
    %get3A_1163 = arith.constant 4 : index
    %get3A_1164 = memref.load %arg1[%get3A_1162, %get3A_1163] : memref<32x16xf32, #tpu.memory_space<smem>>
    %add3A_1165 = arith.addf %add3A_1157, %get3A_1164 : f32
    %get3A_1166 = arith.constant 6 : index
    %get3A_1167 = arith.constant 4 : index
    %get3A_1168 = memref.load %arg0[%get3A_1166, %get3A_1167] : memref<32x16xf32, #tpu.memory_space<smem>>
    %add3A_1169 = arith.addf %add3A_1161, %get3A_1168 : f32
    %get3A_1170 = arith.constant 6 : index
    %get3A_1171 = arith.constant 4 : index
    %get3A_1172 = memref.load %arg1[%get3A_1170, %get3A_1171] : memref<32x16xf32, #tpu.memory_space<smem>>
    %add3A_1173 = arith.addf %add3A_1165, %get3A_1172 : f32
    %get3A_1174 = arith.constant 7 : index
    %get3A_1175 = arith.constant 4 : index
    %get3A_1176 = memref.load %arg0[%get3A_1174, %get3A_1175] : memref<32x16xf32, #tpu.memory_space<smem>>
    %add3A_1177 = arith.addf %add3A_1169, %get3A_1176 : f32
    %get3A_1178 = arith.constant 7 : index
    %get3A_1179 = arith.constant 4 : index
    %get3A_1180 = memref.load %arg1[%get3A_1178, %get3A_1179] : memref<32x16xf32, #tpu.memory_space<smem>>
    %add3A_1181 = arith.addf %add3A_1173, %get3A_1180 : f32
    %get3A_1182 = arith.constant 8 : index
    %get3A_1183 = arith.constant 4 : index
    %get3A_1184 = memref.load %arg0[%get3A_1182, %get3A_1183] : memref<32x16xf32, #tpu.memory_space<smem>>
    %add3A_1185 = arith.addf %add3A_1177, %get3A_1184 : f32
    %get3A_1186 = arith.constant 8 : index
    %get3A_1187 = arith.constant 4 : index
    %get3A_1188 = memref.load %arg1[%get3A_1186, %get3A_1187] : memref<32x16xf32, #tpu.memory_space<smem>>
    %add3A_1189 = arith.addf %add3A_1181, %get3A_1188 : f32
    %get3A_1190 = arith.constant 9 : index
    %get3A_1191 = arith.constant 4 : index
    %get3A_1192 = memref.load %arg0[%get3A_1190, %get3A_1191] : memref<32x16xf32, #tpu.memory_space<smem>>
    %add3A_1193 = arith.addf %add3A_1185, %get3A_1192 : f32
    %get3A_1194 = arith.constant 9 : index
    %get3A_1195 = arith.constant 4 : index
    %get3A_1196 = memref.load %arg1[%get3A_1194, %get3A_1195] : memref<32x16xf32, #tpu.memory_space<smem>>
    %add3A_1197 = arith.addf %add3A_1189, %get3A_1196 : f32
    %get3A_1198 = arith.constant 10 : index
    %get3A_1199 = arith.constant 4 : index
    %get3A_1200 = memref.load %arg0[%get3A_1198, %get3A_1199] : memref<32x16xf32, #tpu.memory_space<smem>>
    %add3A_1201 = arith.addf %add3A_1193, %get3A_1200 : f32
    %get3A_1202 = arith.constant 10 : index
    %get3A_1203 = arith.constant 4 : index
    %get3A_1204 = memref.load %arg1[%get3A_1202, %get3A_1203] : memref<32x16xf32, #tpu.memory_space<smem>>
    %add3A_1205 = arith.addf %add3A_1197, %get3A_1204 : f32
    %get3A_1206 = arith.constant 11 : index
    %get3A_1207 = arith.constant 4 : index
    %get3A_1208 = memref.load %arg0[%get3A_1206, %get3A_1207] : memref<32x16xf32, #tpu.memory_space<smem>>
    %add3A_1209 = arith.addf %add3A_1201, %get3A_1208 : f32
    %get3A_1210 = arith.constant 11 : index
    %get3A_1211 = arith.constant 4 : index
    %get3A_1212 = memref.load %arg1[%get3A_1210, %get3A_1211] : memref<32x16xf32, #tpu.memory_space<smem>>
    %add3A_1213 = arith.addf %add3A_1205, %get3A_1212 : f32
    %get3A_1214 = arith.constant 12 : index
    %get3A_1215 = arith.constant 4 : index
    %get3A_1216 = memref.load %arg0[%get3A_1214, %get3A_1215] : memref<32x16xf32, #tpu.memory_space<smem>>
    %add3A_1217 = arith.addf %add3A_1209, %get3A_1216 : f32
    %get3A_1218 = arith.constant 12 : index
    %get3A_1219 = arith.constant 4 : index
    %get3A_1220 = memref.load %arg1[%get3A_1218, %get3A_1219] : memref<32x16xf32, #tpu.memory_space<smem>>
    %add3A_1221 = arith.addf %add3A_1213, %get3A_1220 : f32
    %get3A_1222 = arith.constant 13 : index
    %get3A_1223 = arith.constant 4 : index
    %get3A_1224 = memref.load %arg0[%get3A_1222, %get3A_1223] : memref<32x16xf32, #tpu.memory_space<smem>>
    %add3A_1225 = arith.addf %add3A_1217, %get3A_1224 : f32
    %get3A_1226 = arith.constant 13 : index
    %get3A_1227 = arith.constant 4 : index
    %get3A_1228 = memref.load %arg1[%get3A_1226, %get3A_1227] : memref<32x16xf32, #tpu.memory_space<smem>>
    %add3A_1229 = arith.addf %add3A_1221, %get3A_1228 : f32
    %get3A_1230 = arith.constant 14 : index
    %get3A_1231 = arith.constant 4 : index
    %get3A_1232 = memref.load %arg0[%get3A_1230, %get3A_1231] : memref<32x16xf32, #tpu.memory_space<smem>>
    %add3A_1233 = arith.addf %add3A_1225, %get3A_1232 : f32
    %get3A_1234 = arith.constant 14 : index
    %get3A_1235 = arith.constant 4 : index
    %get3A_1236 = memref.load %arg1[%get3A_1234, %get3A_1235] : memref<32x16xf32, #tpu.memory_space<smem>>
    %add3A_1237 = arith.addf %add3A_1229, %get3A_1236 : f32
    %get3A_1238 = arith.constant 15 : index
    %get3A_1239 = arith.constant 4 : index
    %get3A_1240 = memref.load %arg0[%get3A_1238, %get3A_1239] : memref<32x16xf32, #tpu.memory_space<smem>>
    %add3A_1241 = arith.addf %add3A_1233, %get3A_1240 : f32
    %get3A_1242 = arith.constant 15 : index
    %get3A_1243 = arith.constant 4 : index
    %get3A_1244 = memref.load %arg1[%get3A_1242, %get3A_1243] : memref<32x16xf32, #tpu.memory_space<smem>>
    %add3A_1245 = arith.addf %add3A_1237, %get3A_1244 : f32
    %get3A_1246 = arith.constant 16 : index
    %get3A_1247 = arith.constant 4 : index
    %get3A_1248 = memref.load %arg0[%get3A_1246, %get3A_1247] : memref<32x16xf32, #tpu.memory_space<smem>>
    %add3A_1249 = arith.addf %add3A_1241, %get3A_1248 : f32
    %get3A_1250 = arith.constant 16 : index
    %get3A_1251 = arith.constant 4 : index
    %get3A_1252 = memref.load %arg1[%get3A_1250, %get3A_1251] : memref<32x16xf32, #tpu.memory_space<smem>>
    %add3A_1253 = arith.addf %add3A_1245, %get3A_1252 : f32
    %get3A_1254 = arith.constant 17 : index
    %get3A_1255 = arith.constant 4 : index
    %get3A_1256 = memref.load %arg0[%get3A_1254, %get3A_1255] : memref<32x16xf32, #tpu.memory_space<smem>>
    %add3A_1257 = arith.addf %add3A_1249, %get3A_1256 : f32
    %get3A_1258 = arith.constant 17 : index
    %get3A_1259 = arith.constant 4 : index
    %get3A_1260 = memref.load %arg1[%get3A_1258, %get3A_1259] : memref<32x16xf32, #tpu.memory_space<smem>>
    %add3A_1261 = arith.addf %add3A_1253, %get3A_1260 : f32
    %get3A_1262 = arith.constant 18 : index
    %get3A_1263 = arith.constant 4 : index
    %get3A_1264 = memref.load %arg0[%get3A_1262, %get3A_1263] : memref<32x16xf32, #tpu.memory_space<smem>>
    %add3A_1265 = arith.addf %add3A_1257, %get3A_1264 : f32
    %get3A_1266 = arith.constant 18 : index
    %get3A_1267 = arith.constant 4 : index
    %get3A_1268 = memref.load %arg1[%get3A_1266, %get3A_1267] : memref<32x16xf32, #tpu.memory_space<smem>>
    %add3A_1269 = arith.addf %add3A_1261, %get3A_1268 : f32
    %get3A_1270 = arith.constant 19 : index
    %get3A_1271 = arith.constant 4 : index
    %get3A_1272 = memref.load %arg0[%get3A_1270, %get3A_1271] : memref<32x16xf32, #tpu.memory_space<smem>>
    %add3A_1273 = arith.addf %add3A_1265, %get3A_1272 : f32
    %get3A_1274 = arith.constant 19 : index
    %get3A_1275 = arith.constant 4 : index
    %get3A_1276 = memref.load %arg1[%get3A_1274, %get3A_1275] : memref<32x16xf32, #tpu.memory_space<smem>>
    %add3A_1277 = arith.addf %add3A_1269, %get3A_1276 : f32
    %get3A_1278 = arith.constant 20 : index
    %get3A_1279 = arith.constant 4 : index
    %get3A_1280 = memref.load %arg0[%get3A_1278, %get3A_1279] : memref<32x16xf32, #tpu.memory_space<smem>>
    %add3A_1281 = arith.addf %add3A_1273, %get3A_1280 : f32
    %get3A_1282 = arith.constant 20 : index
    %get3A_1283 = arith.constant 4 : index
    %get3A_1284 = memref.load %arg1[%get3A_1282, %get3A_1283] : memref<32x16xf32, #tpu.memory_space<smem>>
    %add3A_1285 = arith.addf %add3A_1277, %get3A_1284 : f32
    %get3A_1286 = arith.constant 21 : index
    %get3A_1287 = arith.constant 4 : index
    %get3A_1288 = memref.load %arg0[%get3A_1286, %get3A_1287] : memref<32x16xf32, #tpu.memory_space<smem>>
    %add3A_1289 = arith.addf %add3A_1281, %get3A_1288 : f32
    %get3A_1290 = arith.constant 21 : index
    %get3A_1291 = arith.constant 4 : index
    %get3A_1292 = memref.load %arg1[%get3A_1290, %get3A_1291] : memref<32x16xf32, #tpu.memory_space<smem>>
    %add3A_1293 = arith.addf %add3A_1285, %get3A_1292 : f32
    %get3A_1294 = arith.constant 22 : index
    %get3A_1295 = arith.constant 4 : index
    %get3A_1296 = memref.load %arg0[%get3A_1294, %get3A_1295] : memref<32x16xf32, #tpu.memory_space<smem>>
    %add3A_1297 = arith.addf %add3A_1289, %get3A_1296 : f32
    %get3A_1298 = arith.constant 22 : index
    %get3A_1299 = arith.constant 4 : index
    %get3A_1300 = memref.load %arg1[%get3A_1298, %get3A_1299] : memref<32x16xf32, #tpu.memory_space<smem>>
    %add3A_1301 = arith.addf %add3A_1293, %get3A_1300 : f32
    %get3A_1302 = arith.constant 23 : index
    %get3A_1303 = arith.constant 4 : index
    %get3A_1304 = memref.load %arg0[%get3A_1302, %get3A_1303] : memref<32x16xf32, #tpu.memory_space<smem>>
    %add3A_1305 = arith.addf %add3A_1297, %get3A_1304 : f32
    %get3A_1306 = arith.constant 23 : index
    %get3A_1307 = arith.constant 4 : index
    %get3A_1308 = memref.load %arg1[%get3A_1306, %get3A_1307] : memref<32x16xf32, #tpu.memory_space<smem>>
    %add3A_1309 = arith.addf %add3A_1301, %get3A_1308 : f32
    %get3A_1310 = arith.constant 24 : index
    %get3A_1311 = arith.constant 4 : index
    %get3A_1312 = memref.load %arg0[%get3A_1310, %get3A_1311] : memref<32x16xf32, #tpu.memory_space<smem>>
    %add3A_1313 = arith.addf %add3A_1305, %get3A_1312 : f32
    %get3A_1314 = arith.constant 24 : index
    %get3A_1315 = arith.constant 4 : index
    %get3A_1316 = memref.load %arg1[%get3A_1314, %get3A_1315] : memref<32x16xf32, #tpu.memory_space<smem>>
    %add3A_1317 = arith.addf %add3A_1309, %get3A_1316 : f32
    %get3A_1318 = arith.constant 25 : index
    %get3A_1319 = arith.constant 4 : index
    %get3A_1320 = memref.load %arg0[%get3A_1318, %get3A_1319] : memref<32x16xf32, #tpu.memory_space<smem>>
    %add3A_1321 = arith.addf %add3A_1313, %get3A_1320 : f32
    %get3A_1322 = arith.constant 25 : index
    %get3A_1323 = arith.constant 4 : index
    %get3A_1324 = memref.load %arg1[%get3A_1322, %get3A_1323] : memref<32x16xf32, #tpu.memory_space<smem>>
    %add3A_1325 = arith.addf %add3A_1317, %get3A_1324 : f32
    %get3A_1326 = arith.constant 26 : index
    %get3A_1327 = arith.constant 4 : index
    %get3A_1328 = memref.load %arg0[%get3A_1326, %get3A_1327] : memref<32x16xf32, #tpu.memory_space<smem>>
    %add3A_1329 = arith.addf %add3A_1321, %get3A_1328 : f32
    %get3A_1330 = arith.constant 26 : index
    %get3A_1331 = arith.constant 4 : index
    %get3A_1332 = memref.load %arg1[%get3A_1330, %get3A_1331] : memref<32x16xf32, #tpu.memory_space<smem>>
    %add3A_1333 = arith.addf %add3A_1325, %get3A_1332 : f32
    %get3A_1334 = arith.constant 27 : index
    %get3A_1335 = arith.constant 4 : index
    %get3A_1336 = memref.load %arg0[%get3A_1334, %get3A_1335] : memref<32x16xf32, #tpu.memory_space<smem>>
    %add3A_1337 = arith.addf %add3A_1329, %get3A_1336 : f32
    %get3A_1338 = arith.constant 27 : index
    %get3A_1339 = arith.constant 4 : index
    %get3A_1340 = memref.load %arg1[%get3A_1338, %get3A_1339] : memref<32x16xf32, #tpu.memory_space<smem>>
    %add3A_1341 = arith.addf %add3A_1333, %get3A_1340 : f32
    %get3A_1342 = arith.constant 28 : index
    %get3A_1343 = arith.constant 4 : index
    %get3A_1344 = memref.load %arg0[%get3A_1342, %get3A_1343] : memref<32x16xf32, #tpu.memory_space<smem>>
    %add3A_1345 = arith.addf %add3A_1337, %get3A_1344 : f32
    %get3A_1346 = arith.constant 28 : index
    %get3A_1347 = arith.constant 4 : index
    %get3A_1348 = memref.load %arg1[%get3A_1346, %get3A_1347] : memref<32x16xf32, #tpu.memory_space<smem>>
    %add3A_1349 = arith.addf %add3A_1341, %get3A_1348 : f32
    %get3A_1350 = arith.constant 29 : index
    %get3A_1351 = arith.constant 4 : index
    %get3A_1352 = memref.load %arg0[%get3A_1350, %get3A_1351] : memref<32x16xf32, #tpu.memory_space<smem>>
    %add3A_1353 = arith.addf %add3A_1345, %get3A_1352 : f32
    %get3A_1354 = arith.constant 29 : index
    %get3A_1355 = arith.constant 4 : index
    %get3A_1356 = memref.load %arg1[%get3A_1354, %get3A_1355] : memref<32x16xf32, #tpu.memory_space<smem>>
    %add3A_1357 = arith.addf %add3A_1349, %get3A_1356 : f32
    %get3A_1358 = arith.constant 30 : index
    %get3A_1359 = arith.constant 4 : index
    %get3A_1360 = memref.load %arg0[%get3A_1358, %get3A_1359] : memref<32x16xf32, #tpu.memory_space<smem>>
    %add3A_1361 = arith.addf %add3A_1353, %get3A_1360 : f32
    %get3A_1362 = arith.constant 30 : index
    %get3A_1363 = arith.constant 4 : index
    %get3A_1364 = memref.load %arg1[%get3A_1362, %get3A_1363] : memref<32x16xf32, #tpu.memory_space<smem>>
    %add3A_1365 = arith.addf %add3A_1357, %get3A_1364 : f32
    %get3A_1366 = arith.constant 31 : index
    %get3A_1367 = arith.constant 4 : index
    %get3A_1368 = memref.load %arg0[%get3A_1366, %get3A_1367] : memref<32x16xf32, #tpu.memory_space<smem>>
    %add3A_1369 = arith.addf %add3A_1361, %get3A_1368 : f32
    %get3A_1370 = arith.constant 31 : index
    %get3A_1371 = arith.constant 4 : index
    %get3A_1372 = memref.load %arg1[%get3A_1370, %get3A_1371] : memref<32x16xf32, #tpu.memory_space<smem>>
    %add3A_1373 = arith.addf %add3A_1365, %get3A_1372 : f32
    %get3A_1374 = arith.constant 0 : index
    %get3A_1375 = arith.constant 4 : index
    %get3A_1376 = memref.load %arg2[%get3A_1374, %get3A_1375] : memref<2x10xf32, #tpu.memory_space<smem>>
    %get3A_1377 = arith.constant 1 : index
    %get3A_1378 = arith.constant 4 : index
    %get3A_1379 = memref.load %arg2[%get3A_1377, %get3A_1378] : memref<2x10xf32, #tpu.memory_space<smem>>
    %sub3A_1380 = arith.subf %get3A_1376, %get3A_1096 : f32
    %add3A_1381 = arith.addf %add3A_1369, %sub3A_1380 : f32
    %sub3A_1382 = arith.subf %get3A_1379, %get3A_1099 : f32
    %add3A_1383 = arith.addf %add3A_1373, %sub3A_1382 : f32
    %gt3A_1384 = arith.constant 0.000000e+00 : f32
    %gt3A_1385 = arith.cmpf ogt, %add3A_1381, %gt3A_1384 : f32
    %max3A_1386 = arith.constant 1.000000e+00 : f32
    %max3A_1387 = arith.maximumf %add3A_1381, %max3A_1386 : f32
    %div3A_1388 = arith.divf %add3A_1383, %max3A_1387 : f32
    %jit3A_1389 = arith.constant 0.000000e+00 : f32
    %select_n3A_1390 = arith.select %gt3A_1385, %div3A_1388, %jit3A_1389 : f32
    %add3A_1391 = arith.addf %add3A_1111, %select_n3A_1390 : f32
    %jit3A_1392 = arith.constant 1.000000e+00 : f32
    %jit3A_1393 = arith.constant 0.000000e+00 : f32
    %select_n3A_1394 = arith.select %gt3A_1385, %jit3A_1392, %jit3A_1393 : f32
    %add3A_1395 = arith.addf %add3A_1115, %select_n3A_1394 : f32
    %get3A_1396 = arith.constant 0 : index
    %get3A_1397 = arith.constant 5 : index
    %get3A_1398 = memref.load %arg0[%get3A_1396, %get3A_1397] : memref<32x16xf32, #tpu.memory_space<smem>>
    %add3A_1399 = arith.constant 0.000000e+00 : f32
    %add3A_1400 = arith.addf %add3A_1399, %get3A_1398 : f32
    %get3A_1401 = arith.constant 0 : index
    %get3A_1402 = arith.constant 5 : index
    %get3A_1403 = memref.load %arg1[%get3A_1401, %get3A_1402] : memref<32x16xf32, #tpu.memory_space<smem>>
    %add3A_1404 = arith.constant 0.000000e+00 : f32
    %add3A_1405 = arith.addf %add3A_1404, %get3A_1403 : f32
    %get3A_1406 = arith.constant 1 : index
    %get3A_1407 = arith.constant 5 : index
    %get3A_1408 = memref.load %arg0[%get3A_1406, %get3A_1407] : memref<32x16xf32, #tpu.memory_space<smem>>
    %add3A_1409 = arith.addf %add3A_1400, %get3A_1408 : f32
    %get3A_1410 = arith.constant 1 : index
    %get3A_1411 = arith.constant 5 : index
    %get3A_1412 = memref.load %arg1[%get3A_1410, %get3A_1411] : memref<32x16xf32, #tpu.memory_space<smem>>
    %add3A_1413 = arith.addf %add3A_1405, %get3A_1412 : f32
    %get3A_1414 = arith.constant 2 : index
    %get3A_1415 = arith.constant 5 : index
    %get3A_1416 = memref.load %arg0[%get3A_1414, %get3A_1415] : memref<32x16xf32, #tpu.memory_space<smem>>
    %add3A_1417 = arith.addf %add3A_1409, %get3A_1416 : f32
    %get3A_1418 = arith.constant 2 : index
    %get3A_1419 = arith.constant 5 : index
    %get3A_1420 = memref.load %arg1[%get3A_1418, %get3A_1419] : memref<32x16xf32, #tpu.memory_space<smem>>
    %add3A_1421 = arith.addf %add3A_1413, %get3A_1420 : f32
    %get3A_1422 = arith.constant 3 : index
    %get3A_1423 = arith.constant 5 : index
    %get3A_1424 = memref.load %arg0[%get3A_1422, %get3A_1423] : memref<32x16xf32, #tpu.memory_space<smem>>
    %add3A_1425 = arith.addf %add3A_1417, %get3A_1424 : f32
    %get3A_1426 = arith.constant 3 : index
    %get3A_1427 = arith.constant 5 : index
    %get3A_1428 = memref.load %arg1[%get3A_1426, %get3A_1427] : memref<32x16xf32, #tpu.memory_space<smem>>
    %add3A_1429 = arith.addf %add3A_1421, %get3A_1428 : f32
    %get3A_1430 = arith.constant 4 : index
    %get3A_1431 = arith.constant 5 : index
    %get3A_1432 = memref.load %arg0[%get3A_1430, %get3A_1431] : memref<32x16xf32, #tpu.memory_space<smem>>
    %add3A_1433 = arith.addf %add3A_1425, %get3A_1432 : f32
    %get3A_1434 = arith.constant 4 : index
    %get3A_1435 = arith.constant 5 : index
    %get3A_1436 = memref.load %arg1[%get3A_1434, %get3A_1435] : memref<32x16xf32, #tpu.memory_space<smem>>
    %add3A_1437 = arith.addf %add3A_1429, %get3A_1436 : f32
    %get3A_1438 = arith.constant 5 : index
    %get3A_1439 = arith.constant 5 : index
    %get3A_1440 = memref.load %arg0[%get3A_1438, %get3A_1439] : memref<32x16xf32, #tpu.memory_space<smem>>
    %add3A_1441 = arith.addf %add3A_1433, %get3A_1440 : f32
    %get3A_1442 = arith.constant 5 : index
    %get3A_1443 = arith.constant 5 : index
    %get3A_1444 = memref.load %arg1[%get3A_1442, %get3A_1443] : memref<32x16xf32, #tpu.memory_space<smem>>
    %add3A_1445 = arith.addf %add3A_1437, %get3A_1444 : f32
    %get3A_1446 = arith.constant 6 : index
    %get3A_1447 = arith.constant 5 : index
    %get3A_1448 = memref.load %arg0[%get3A_1446, %get3A_1447] : memref<32x16xf32, #tpu.memory_space<smem>>
    %add3A_1449 = arith.addf %add3A_1441, %get3A_1448 : f32
    %get3A_1450 = arith.constant 6 : index
    %get3A_1451 = arith.constant 5 : index
    %get3A_1452 = memref.load %arg1[%get3A_1450, %get3A_1451] : memref<32x16xf32, #tpu.memory_space<smem>>
    %add3A_1453 = arith.addf %add3A_1445, %get3A_1452 : f32
    %get3A_1454 = arith.constant 7 : index
    %get3A_1455 = arith.constant 5 : index
    %get3A_1456 = memref.load %arg0[%get3A_1454, %get3A_1455] : memref<32x16xf32, #tpu.memory_space<smem>>
    %add3A_1457 = arith.addf %add3A_1449, %get3A_1456 : f32
    %get3A_1458 = arith.constant 7 : index
    %get3A_1459 = arith.constant 5 : index
    %get3A_1460 = memref.load %arg1[%get3A_1458, %get3A_1459] : memref<32x16xf32, #tpu.memory_space<smem>>
    %add3A_1461 = arith.addf %add3A_1453, %get3A_1460 : f32
    %get3A_1462 = arith.constant 8 : index
    %get3A_1463 = arith.constant 5 : index
    %get3A_1464 = memref.load %arg0[%get3A_1462, %get3A_1463] : memref<32x16xf32, #tpu.memory_space<smem>>
    %add3A_1465 = arith.addf %add3A_1457, %get3A_1464 : f32
    %get3A_1466 = arith.constant 8 : index
    %get3A_1467 = arith.constant 5 : index
    %get3A_1468 = memref.load %arg1[%get3A_1466, %get3A_1467] : memref<32x16xf32, #tpu.memory_space<smem>>
    %add3A_1469 = arith.addf %add3A_1461, %get3A_1468 : f32
    %get3A_1470 = arith.constant 9 : index
    %get3A_1471 = arith.constant 5 : index
    %get3A_1472 = memref.load %arg0[%get3A_1470, %get3A_1471] : memref<32x16xf32, #tpu.memory_space<smem>>
    %add3A_1473 = arith.addf %add3A_1465, %get3A_1472 : f32
    %get3A_1474 = arith.constant 9 : index
    %get3A_1475 = arith.constant 5 : index
    %get3A_1476 = memref.load %arg1[%get3A_1474, %get3A_1475] : memref<32x16xf32, #tpu.memory_space<smem>>
    %add3A_1477 = arith.addf %add3A_1469, %get3A_1476 : f32
    %get3A_1478 = arith.constant 10 : index
    %get3A_1479 = arith.constant 5 : index
    %get3A_1480 = memref.load %arg0[%get3A_1478, %get3A_1479] : memref<32x16xf32, #tpu.memory_space<smem>>
    %add3A_1481 = arith.addf %add3A_1473, %get3A_1480 : f32
    %get3A_1482 = arith.constant 10 : index
    %get3A_1483 = arith.constant 5 : index
    %get3A_1484 = memref.load %arg1[%get3A_1482, %get3A_1483] : memref<32x16xf32, #tpu.memory_space<smem>>
    %add3A_1485 = arith.addf %add3A_1477, %get3A_1484 : f32
    %get3A_1486 = arith.constant 11 : index
    %get3A_1487 = arith.constant 5 : index
    %get3A_1488 = memref.load %arg0[%get3A_1486, %get3A_1487] : memref<32x16xf32, #tpu.memory_space<smem>>
    %add3A_1489 = arith.addf %add3A_1481, %get3A_1488 : f32
    %get3A_1490 = arith.constant 11 : index
    %get3A_1491 = arith.constant 5 : index
    %get3A_1492 = memref.load %arg1[%get3A_1490, %get3A_1491] : memref<32x16xf32, #tpu.memory_space<smem>>
    %add3A_1493 = arith.addf %add3A_1485, %get3A_1492 : f32
    %get3A_1494 = arith.constant 12 : index
    %get3A_1495 = arith.constant 5 : index
    %get3A_1496 = memref.load %arg0[%get3A_1494, %get3A_1495] : memref<32x16xf32, #tpu.memory_space<smem>>
    %add3A_1497 = arith.addf %add3A_1489, %get3A_1496 : f32
    %get3A_1498 = arith.constant 12 : index
    %get3A_1499 = arith.constant 5 : index
    %get3A_1500 = memref.load %arg1[%get3A_1498, %get3A_1499] : memref<32x16xf32, #tpu.memory_space<smem>>
    %add3A_1501 = arith.addf %add3A_1493, %get3A_1500 : f32
    %get3A_1502 = arith.constant 13 : index
    %get3A_1503 = arith.constant 5 : index
    %get3A_1504 = memref.load %arg0[%get3A_1502, %get3A_1503] : memref<32x16xf32, #tpu.memory_space<smem>>
    %add3A_1505 = arith.addf %add3A_1497, %get3A_1504 : f32
    %get3A_1506 = arith.constant 13 : index
    %get3A_1507 = arith.constant 5 : index
    %get3A_1508 = memref.load %arg1[%get3A_1506, %get3A_1507] : memref<32x16xf32, #tpu.memory_space<smem>>
    %add3A_1509 = arith.addf %add3A_1501, %get3A_1508 : f32
    %get3A_1510 = arith.constant 14 : index
    %get3A_1511 = arith.constant 5 : index
    %get3A_1512 = memref.load %arg0[%get3A_1510, %get3A_1511] : memref<32x16xf32, #tpu.memory_space<smem>>
    %add3A_1513 = arith.addf %add3A_1505, %get3A_1512 : f32
    %get3A_1514 = arith.constant 14 : index
    %get3A_1515 = arith.constant 5 : index
    %get3A_1516 = memref.load %arg1[%get3A_1514, %get3A_1515] : memref<32x16xf32, #tpu.memory_space<smem>>
    %add3A_1517 = arith.addf %add3A_1509, %get3A_1516 : f32
    %get3A_1518 = arith.constant 15 : index
    %get3A_1519 = arith.constant 5 : index
    %get3A_1520 = memref.load %arg0[%get3A_1518, %get3A_1519] : memref<32x16xf32, #tpu.memory_space<smem>>
    %add3A_1521 = arith.addf %add3A_1513, %get3A_1520 : f32
    %get3A_1522 = arith.constant 15 : index
    %get3A_1523 = arith.constant 5 : index
    %get3A_1524 = memref.load %arg1[%get3A_1522, %get3A_1523] : memref<32x16xf32, #tpu.memory_space<smem>>
    %add3A_1525 = arith.addf %add3A_1517, %get3A_1524 : f32
    %get3A_1526 = arith.constant 16 : index
    %get3A_1527 = arith.constant 5 : index
    %get3A_1528 = memref.load %arg0[%get3A_1526, %get3A_1527] : memref<32x16xf32, #tpu.memory_space<smem>>
    %add3A_1529 = arith.addf %add3A_1521, %get3A_1528 : f32
    %get3A_1530 = arith.constant 16 : index
    %get3A_1531 = arith.constant 5 : index
    %get3A_1532 = memref.load %arg1[%get3A_1530, %get3A_1531] : memref<32x16xf32, #tpu.memory_space<smem>>
    %add3A_1533 = arith.addf %add3A_1525, %get3A_1532 : f32
    %get3A_1534 = arith.constant 17 : index
    %get3A_1535 = arith.constant 5 : index
    %get3A_1536 = memref.load %arg0[%get3A_1534, %get3A_1535] : memref<32x16xf32, #tpu.memory_space<smem>>
    %add3A_1537 = arith.addf %add3A_1529, %get3A_1536 : f32
    %get3A_1538 = arith.constant 17 : index
    %get3A_1539 = arith.constant 5 : index
    %get3A_1540 = memref.load %arg1[%get3A_1538, %get3A_1539] : memref<32x16xf32, #tpu.memory_space<smem>>
    %add3A_1541 = arith.addf %add3A_1533, %get3A_1540 : f32
    %get3A_1542 = arith.constant 18 : index
    %get3A_1543 = arith.constant 5 : index
    %get3A_1544 = memref.load %arg0[%get3A_1542, %get3A_1543] : memref<32x16xf32, #tpu.memory_space<smem>>
    %add3A_1545 = arith.addf %add3A_1537, %get3A_1544 : f32
    %get3A_1546 = arith.constant 18 : index
    %get3A_1547 = arith.constant 5 : index
    %get3A_1548 = memref.load %arg1[%get3A_1546, %get3A_1547] : memref<32x16xf32, #tpu.memory_space<smem>>
    %add3A_1549 = arith.addf %add3A_1541, %get3A_1548 : f32
    %get3A_1550 = arith.constant 19 : index
    %get3A_1551 = arith.constant 5 : index
    %get3A_1552 = memref.load %arg0[%get3A_1550, %get3A_1551] : memref<32x16xf32, #tpu.memory_space<smem>>
    %add3A_1553 = arith.addf %add3A_1545, %get3A_1552 : f32
    %get3A_1554 = arith.constant 19 : index
    %get3A_1555 = arith.constant 5 : index
    %get3A_1556 = memref.load %arg1[%get3A_1554, %get3A_1555] : memref<32x16xf32, #tpu.memory_space<smem>>
    %add3A_1557 = arith.addf %add3A_1549, %get3A_1556 : f32
    %get3A_1558 = arith.constant 20 : index
    %get3A_1559 = arith.constant 5 : index
    %get3A_1560 = memref.load %arg0[%get3A_1558, %get3A_1559] : memref<32x16xf32, #tpu.memory_space<smem>>
    %add3A_1561 = arith.addf %add3A_1553, %get3A_1560 : f32
    %get3A_1562 = arith.constant 20 : index
    %get3A_1563 = arith.constant 5 : index
    %get3A_1564 = memref.load %arg1[%get3A_1562, %get3A_1563] : memref<32x16xf32, #tpu.memory_space<smem>>
    %add3A_1565 = arith.addf %add3A_1557, %get3A_1564 : f32
    %get3A_1566 = arith.constant 21 : index
    %get3A_1567 = arith.constant 5 : index
    %get3A_1568 = memref.load %arg0[%get3A_1566, %get3A_1567] : memref<32x16xf32, #tpu.memory_space<smem>>
    %add3A_1569 = arith.addf %add3A_1561, %get3A_1568 : f32
    %get3A_1570 = arith.constant 21 : index
    %get3A_1571 = arith.constant 5 : index
    %get3A_1572 = memref.load %arg1[%get3A_1570, %get3A_1571] : memref<32x16xf32, #tpu.memory_space<smem>>
    %add3A_1573 = arith.addf %add3A_1565, %get3A_1572 : f32
    %get3A_1574 = arith.constant 22 : index
    %get3A_1575 = arith.constant 5 : index
    %get3A_1576 = memref.load %arg0[%get3A_1574, %get3A_1575] : memref<32x16xf32, #tpu.memory_space<smem>>
    %add3A_1577 = arith.addf %add3A_1569, %get3A_1576 : f32
    %get3A_1578 = arith.constant 22 : index
    %get3A_1579 = arith.constant 5 : index
    %get3A_1580 = memref.load %arg1[%get3A_1578, %get3A_1579] : memref<32x16xf32, #tpu.memory_space<smem>>
    %add3A_1581 = arith.addf %add3A_1573, %get3A_1580 : f32
    %get3A_1582 = arith.constant 23 : index
    %get3A_1583 = arith.constant 5 : index
    %get3A_1584 = memref.load %arg0[%get3A_1582, %get3A_1583] : memref<32x16xf32, #tpu.memory_space<smem>>
    %add3A_1585 = arith.addf %add3A_1577, %get3A_1584 : f32
    %get3A_1586 = arith.constant 23 : index
    %get3A_1587 = arith.constant 5 : index
    %get3A_1588 = memref.load %arg1[%get3A_1586, %get3A_1587] : memref<32x16xf32, #tpu.memory_space<smem>>
    %add3A_1589 = arith.addf %add3A_1581, %get3A_1588 : f32
    %get3A_1590 = arith.constant 24 : index
    %get3A_1591 = arith.constant 5 : index
    %get3A_1592 = memref.load %arg0[%get3A_1590, %get3A_1591] : memref<32x16xf32, #tpu.memory_space<smem>>
    %add3A_1593 = arith.addf %add3A_1585, %get3A_1592 : f32
    %get3A_1594 = arith.constant 24 : index
    %get3A_1595 = arith.constant 5 : index
    %get3A_1596 = memref.load %arg1[%get3A_1594, %get3A_1595] : memref<32x16xf32, #tpu.memory_space<smem>>
    %add3A_1597 = arith.addf %add3A_1589, %get3A_1596 : f32
    %get3A_1598 = arith.constant 25 : index
    %get3A_1599 = arith.constant 5 : index
    %get3A_1600 = memref.load %arg0[%get3A_1598, %get3A_1599] : memref<32x16xf32, #tpu.memory_space<smem>>
    %add3A_1601 = arith.addf %add3A_1593, %get3A_1600 : f32
    %get3A_1602 = arith.constant 25 : index
    %get3A_1603 = arith.constant 5 : index
    %get3A_1604 = memref.load %arg1[%get3A_1602, %get3A_1603] : memref<32x16xf32, #tpu.memory_space<smem>>
    %add3A_1605 = arith.addf %add3A_1597, %get3A_1604 : f32
    %get3A_1606 = arith.constant 26 : index
    %get3A_1607 = arith.constant 5 : index
    %get3A_1608 = memref.load %arg0[%get3A_1606, %get3A_1607] : memref<32x16xf32, #tpu.memory_space<smem>>
    %add3A_1609 = arith.addf %add3A_1601, %get3A_1608 : f32
    %get3A_1610 = arith.constant 26 : index
    %get3A_1611 = arith.constant 5 : index
    %get3A_1612 = memref.load %arg1[%get3A_1610, %get3A_1611] : memref<32x16xf32, #tpu.memory_space<smem>>
    %add3A_1613 = arith.addf %add3A_1605, %get3A_1612 : f32
    %get3A_1614 = arith.constant 27 : index
    %get3A_1615 = arith.constant 5 : index
    %get3A_1616 = memref.load %arg0[%get3A_1614, %get3A_1615] : memref<32x16xf32, #tpu.memory_space<smem>>
    %add3A_1617 = arith.addf %add3A_1609, %get3A_1616 : f32
    %get3A_1618 = arith.constant 27 : index
    %get3A_1619 = arith.constant 5 : index
    %get3A_1620 = memref.load %arg1[%get3A_1618, %get3A_1619] : memref<32x16xf32, #tpu.memory_space<smem>>
    %add3A_1621 = arith.addf %add3A_1613, %get3A_1620 : f32
    %get3A_1622 = arith.constant 28 : index
    %get3A_1623 = arith.constant 5 : index
    %get3A_1624 = memref.load %arg0[%get3A_1622, %get3A_1623] : memref<32x16xf32, #tpu.memory_space<smem>>
    %add3A_1625 = arith.addf %add3A_1617, %get3A_1624 : f32
    %get3A_1626 = arith.constant 28 : index
    %get3A_1627 = arith.constant 5 : index
    %get3A_1628 = memref.load %arg1[%get3A_1626, %get3A_1627] : memref<32x16xf32, #tpu.memory_space<smem>>
    %add3A_1629 = arith.addf %add3A_1621, %get3A_1628 : f32
    %get3A_1630 = arith.constant 29 : index
    %get3A_1631 = arith.constant 5 : index
    %get3A_1632 = memref.load %arg0[%get3A_1630, %get3A_1631] : memref<32x16xf32, #tpu.memory_space<smem>>
    %add3A_1633 = arith.addf %add3A_1625, %get3A_1632 : f32
    %get3A_1634 = arith.constant 29 : index
    %get3A_1635 = arith.constant 5 : index
    %get3A_1636 = memref.load %arg1[%get3A_1634, %get3A_1635] : memref<32x16xf32, #tpu.memory_space<smem>>
    %add3A_1637 = arith.addf %add3A_1629, %get3A_1636 : f32
    %get3A_1638 = arith.constant 30 : index
    %get3A_1639 = arith.constant 5 : index
    %get3A_1640 = memref.load %arg0[%get3A_1638, %get3A_1639] : memref<32x16xf32, #tpu.memory_space<smem>>
    %add3A_1641 = arith.addf %add3A_1633, %get3A_1640 : f32
    %get3A_1642 = arith.constant 30 : index
    %get3A_1643 = arith.constant 5 : index
    %get3A_1644 = memref.load %arg1[%get3A_1642, %get3A_1643] : memref<32x16xf32, #tpu.memory_space<smem>>
    %add3A_1645 = arith.addf %add3A_1637, %get3A_1644 : f32
    %get3A_1646 = arith.constant 31 : index
    %get3A_1647 = arith.constant 5 : index
    %get3A_1648 = memref.load %arg0[%get3A_1646, %get3A_1647] : memref<32x16xf32, #tpu.memory_space<smem>>
    %add3A_1649 = arith.addf %add3A_1641, %get3A_1648 : f32
    %get3A_1650 = arith.constant 31 : index
    %get3A_1651 = arith.constant 5 : index
    %get3A_1652 = memref.load %arg1[%get3A_1650, %get3A_1651] : memref<32x16xf32, #tpu.memory_space<smem>>
    %add3A_1653 = arith.addf %add3A_1645, %get3A_1652 : f32
    %get3A_1654 = arith.constant 0 : index
    %get3A_1655 = arith.constant 5 : index
    %get3A_1656 = memref.load %arg2[%get3A_1654, %get3A_1655] : memref<2x10xf32, #tpu.memory_space<smem>>
    %get3A_1657 = arith.constant 1 : index
    %get3A_1658 = arith.constant 5 : index
    %get3A_1659 = memref.load %arg2[%get3A_1657, %get3A_1658] : memref<2x10xf32, #tpu.memory_space<smem>>
    %sub3A_1660 = arith.subf %get3A_1656, %get3A_1376 : f32
    %add3A_1661 = arith.addf %add3A_1649, %sub3A_1660 : f32
    %sub3A_1662 = arith.subf %get3A_1659, %get3A_1379 : f32
    %add3A_1663 = arith.addf %add3A_1653, %sub3A_1662 : f32
    %gt3A_1664 = arith.constant 0.000000e+00 : f32
    %gt3A_1665 = arith.cmpf ogt, %add3A_1661, %gt3A_1664 : f32
    %max3A_1666 = arith.constant 1.000000e+00 : f32
    %max3A_1667 = arith.maximumf %add3A_1661, %max3A_1666 : f32
    %div3A_1668 = arith.divf %add3A_1663, %max3A_1667 : f32
    %jit3A_1669 = arith.constant 0.000000e+00 : f32
    %select_n3A_1670 = arith.select %gt3A_1665, %div3A_1668, %jit3A_1669 : f32
    %add3A_1671 = arith.addf %add3A_1391, %select_n3A_1670 : f32
    %jit3A_1672 = arith.constant 1.000000e+00 : f32
    %jit3A_1673 = arith.constant 0.000000e+00 : f32
    %select_n3A_1674 = arith.select %gt3A_1665, %jit3A_1672, %jit3A_1673 : f32
    %add3A_1675 = arith.addf %add3A_1395, %select_n3A_1674 : f32
    %get3A_1676 = arith.constant 0 : index
    %get3A_1677 = arith.constant 6 : index
    %get3A_1678 = memref.load %arg0[%get3A_1676, %get3A_1677] : memref<32x16xf32, #tpu.memory_space<smem>>
    %add3A_1679 = arith.constant 0.000000e+00 : f32
    %add3A_1680 = arith.addf %add3A_1679, %get3A_1678 : f32
    %get3A_1681 = arith.constant 0 : index
    %get3A_1682 = arith.constant 6 : index
    %get3A_1683 = memref.load %arg1[%get3A_1681, %get3A_1682] : memref<32x16xf32, #tpu.memory_space<smem>>
    %add3A_1684 = arith.constant 0.000000e+00 : f32
    %add3A_1685 = arith.addf %add3A_1684, %get3A_1683 : f32
    %get3A_1686 = arith.constant 1 : index
    %get3A_1687 = arith.constant 6 : index
    %get3A_1688 = memref.load %arg0[%get3A_1686, %get3A_1687] : memref<32x16xf32, #tpu.memory_space<smem>>
    %add3A_1689 = arith.addf %add3A_1680, %get3A_1688 : f32
    %get3A_1690 = arith.constant 1 : index
    %get3A_1691 = arith.constant 6 : index
    %get3A_1692 = memref.load %arg1[%get3A_1690, %get3A_1691] : memref<32x16xf32, #tpu.memory_space<smem>>
    %add3A_1693 = arith.addf %add3A_1685, %get3A_1692 : f32
    %get3A_1694 = arith.constant 2 : index
    %get3A_1695 = arith.constant 6 : index
    %get3A_1696 = memref.load %arg0[%get3A_1694, %get3A_1695] : memref<32x16xf32, #tpu.memory_space<smem>>
    %add3A_1697 = arith.addf %add3A_1689, %get3A_1696 : f32
    %get3A_1698 = arith.constant 2 : index
    %get3A_1699 = arith.constant 6 : index
    %get3A_1700 = memref.load %arg1[%get3A_1698, %get3A_1699] : memref<32x16xf32, #tpu.memory_space<smem>>
    %add3A_1701 = arith.addf %add3A_1693, %get3A_1700 : f32
    %get3A_1702 = arith.constant 3 : index
    %get3A_1703 = arith.constant 6 : index
    %get3A_1704 = memref.load %arg0[%get3A_1702, %get3A_1703] : memref<32x16xf32, #tpu.memory_space<smem>>
    %add3A_1705 = arith.addf %add3A_1697, %get3A_1704 : f32
    %get3A_1706 = arith.constant 3 : index
    %get3A_1707 = arith.constant 6 : index
    %get3A_1708 = memref.load %arg1[%get3A_1706, %get3A_1707] : memref<32x16xf32, #tpu.memory_space<smem>>
    %add3A_1709 = arith.addf %add3A_1701, %get3A_1708 : f32
    %get3A_1710 = arith.constant 4 : index
    %get3A_1711 = arith.constant 6 : index
    %get3A_1712 = memref.load %arg0[%get3A_1710, %get3A_1711] : memref<32x16xf32, #tpu.memory_space<smem>>
    %add3A_1713 = arith.addf %add3A_1705, %get3A_1712 : f32
    %get3A_1714 = arith.constant 4 : index
    %get3A_1715 = arith.constant 6 : index
    %get3A_1716 = memref.load %arg1[%get3A_1714, %get3A_1715] : memref<32x16xf32, #tpu.memory_space<smem>>
    %add3A_1717 = arith.addf %add3A_1709, %get3A_1716 : f32
    %get3A_1718 = arith.constant 5 : index
    %get3A_1719 = arith.constant 6 : index
    %get3A_1720 = memref.load %arg0[%get3A_1718, %get3A_1719] : memref<32x16xf32, #tpu.memory_space<smem>>
    %add3A_1721 = arith.addf %add3A_1713, %get3A_1720 : f32
    %get3A_1722 = arith.constant 5 : index
    %get3A_1723 = arith.constant 6 : index
    %get3A_1724 = memref.load %arg1[%get3A_1722, %get3A_1723] : memref<32x16xf32, #tpu.memory_space<smem>>
    %add3A_1725 = arith.addf %add3A_1717, %get3A_1724 : f32
    %get3A_1726 = arith.constant 6 : index
    %get3A_1727 = arith.constant 6 : index
    %get3A_1728 = memref.load %arg0[%get3A_1726, %get3A_1727] : memref<32x16xf32, #tpu.memory_space<smem>>
    %add3A_1729 = arith.addf %add3A_1721, %get3A_1728 : f32
    %get3A_1730 = arith.constant 6 : index
    %get3A_1731 = arith.constant 6 : index
    %get3A_1732 = memref.load %arg1[%get3A_1730, %get3A_1731] : memref<32x16xf32, #tpu.memory_space<smem>>
    %add3A_1733 = arith.addf %add3A_1725, %get3A_1732 : f32
    %get3A_1734 = arith.constant 7 : index
    %get3A_1735 = arith.constant 6 : index
    %get3A_1736 = memref.load %arg0[%get3A_1734, %get3A_1735] : memref<32x16xf32, #tpu.memory_space<smem>>
    %add3A_1737 = arith.addf %add3A_1729, %get3A_1736 : f32
    %get3A_1738 = arith.constant 7 : index
    %get3A_1739 = arith.constant 6 : index
    %get3A_1740 = memref.load %arg1[%get3A_1738, %get3A_1739] : memref<32x16xf32, #tpu.memory_space<smem>>
    %add3A_1741 = arith.addf %add3A_1733, %get3A_1740 : f32
    %get3A_1742 = arith.constant 8 : index
    %get3A_1743 = arith.constant 6 : index
    %get3A_1744 = memref.load %arg0[%get3A_1742, %get3A_1743] : memref<32x16xf32, #tpu.memory_space<smem>>
    %add3A_1745 = arith.addf %add3A_1737, %get3A_1744 : f32
    %get3A_1746 = arith.constant 8 : index
    %get3A_1747 = arith.constant 6 : index
    %get3A_1748 = memref.load %arg1[%get3A_1746, %get3A_1747] : memref<32x16xf32, #tpu.memory_space<smem>>
    %add3A_1749 = arith.addf %add3A_1741, %get3A_1748 : f32
    %get3A_1750 = arith.constant 9 : index
    %get3A_1751 = arith.constant 6 : index
    %get3A_1752 = memref.load %arg0[%get3A_1750, %get3A_1751] : memref<32x16xf32, #tpu.memory_space<smem>>
    %add3A_1753 = arith.addf %add3A_1745, %get3A_1752 : f32
    %get3A_1754 = arith.constant 9 : index
    %get3A_1755 = arith.constant 6 : index
    %get3A_1756 = memref.load %arg1[%get3A_1754, %get3A_1755] : memref<32x16xf32, #tpu.memory_space<smem>>
    %add3A_1757 = arith.addf %add3A_1749, %get3A_1756 : f32
    %get3A_1758 = arith.constant 10 : index
    %get3A_1759 = arith.constant 6 : index
    %get3A_1760 = memref.load %arg0[%get3A_1758, %get3A_1759] : memref<32x16xf32, #tpu.memory_space<smem>>
    %add3A_1761 = arith.addf %add3A_1753, %get3A_1760 : f32
    %get3A_1762 = arith.constant 10 : index
    %get3A_1763 = arith.constant 6 : index
    %get3A_1764 = memref.load %arg1[%get3A_1762, %get3A_1763] : memref<32x16xf32, #tpu.memory_space<smem>>
    %add3A_1765 = arith.addf %add3A_1757, %get3A_1764 : f32
    %get3A_1766 = arith.constant 11 : index
    %get3A_1767 = arith.constant 6 : index
    %get3A_1768 = memref.load %arg0[%get3A_1766, %get3A_1767] : memref<32x16xf32, #tpu.memory_space<smem>>
    %add3A_1769 = arith.addf %add3A_1761, %get3A_1768 : f32
    %get3A_1770 = arith.constant 11 : index
    %get3A_1771 = arith.constant 6 : index
    %get3A_1772 = memref.load %arg1[%get3A_1770, %get3A_1771] : memref<32x16xf32, #tpu.memory_space<smem>>
    %add3A_1773 = arith.addf %add3A_1765, %get3A_1772 : f32
    %get3A_1774 = arith.constant 12 : index
    %get3A_1775 = arith.constant 6 : index
    %get3A_1776 = memref.load %arg0[%get3A_1774, %get3A_1775] : memref<32x16xf32, #tpu.memory_space<smem>>
    %add3A_1777 = arith.addf %add3A_1769, %get3A_1776 : f32
    %get3A_1778 = arith.constant 12 : index
    %get3A_1779 = arith.constant 6 : index
    %get3A_1780 = memref.load %arg1[%get3A_1778, %get3A_1779] : memref<32x16xf32, #tpu.memory_space<smem>>
    %add3A_1781 = arith.addf %add3A_1773, %get3A_1780 : f32
    %get3A_1782 = arith.constant 13 : index
    %get3A_1783 = arith.constant 6 : index
    %get3A_1784 = memref.load %arg0[%get3A_1782, %get3A_1783] : memref<32x16xf32, #tpu.memory_space<smem>>
    %add3A_1785 = arith.addf %add3A_1777, %get3A_1784 : f32
    %get3A_1786 = arith.constant 13 : index
    %get3A_1787 = arith.constant 6 : index
    %get3A_1788 = memref.load %arg1[%get3A_1786, %get3A_1787] : memref<32x16xf32, #tpu.memory_space<smem>>
    %add3A_1789 = arith.addf %add3A_1781, %get3A_1788 : f32
    %get3A_1790 = arith.constant 14 : index
    %get3A_1791 = arith.constant 6 : index
    %get3A_1792 = memref.load %arg0[%get3A_1790, %get3A_1791] : memref<32x16xf32, #tpu.memory_space<smem>>
    %add3A_1793 = arith.addf %add3A_1785, %get3A_1792 : f32
    %get3A_1794 = arith.constant 14 : index
    %get3A_1795 = arith.constant 6 : index
    %get3A_1796 = memref.load %arg1[%get3A_1794, %get3A_1795] : memref<32x16xf32, #tpu.memory_space<smem>>
    %add3A_1797 = arith.addf %add3A_1789, %get3A_1796 : f32
    %get3A_1798 = arith.constant 15 : index
    %get3A_1799 = arith.constant 6 : index
    %get3A_1800 = memref.load %arg0[%get3A_1798, %get3A_1799] : memref<32x16xf32, #tpu.memory_space<smem>>
    %add3A_1801 = arith.addf %add3A_1793, %get3A_1800 : f32
    %get3A_1802 = arith.constant 15 : index
    %get3A_1803 = arith.constant 6 : index
    %get3A_1804 = memref.load %arg1[%get3A_1802, %get3A_1803] : memref<32x16xf32, #tpu.memory_space<smem>>
    %add3A_1805 = arith.addf %add3A_1797, %get3A_1804 : f32
    %get3A_1806 = arith.constant 16 : index
    %get3A_1807 = arith.constant 6 : index
    %get3A_1808 = memref.load %arg0[%get3A_1806, %get3A_1807] : memref<32x16xf32, #tpu.memory_space<smem>>
    %add3A_1809 = arith.addf %add3A_1801, %get3A_1808 : f32
    %get3A_1810 = arith.constant 16 : index
    %get3A_1811 = arith.constant 6 : index
    %get3A_1812 = memref.load %arg1[%get3A_1810, %get3A_1811] : memref<32x16xf32, #tpu.memory_space<smem>>
    %add3A_1813 = arith.addf %add3A_1805, %get3A_1812 : f32
    %get3A_1814 = arith.constant 17 : index
    %get3A_1815 = arith.constant 6 : index
    %get3A_1816 = memref.load %arg0[%get3A_1814, %get3A_1815] : memref<32x16xf32, #tpu.memory_space<smem>>
    %add3A_1817 = arith.addf %add3A_1809, %get3A_1816 : f32
    %get3A_1818 = arith.constant 17 : index
    %get3A_1819 = arith.constant 6 : index
    %get3A_1820 = memref.load %arg1[%get3A_1818, %get3A_1819] : memref<32x16xf32, #tpu.memory_space<smem>>
    %add3A_1821 = arith.addf %add3A_1813, %get3A_1820 : f32
    %get3A_1822 = arith.constant 18 : index
    %get3A_1823 = arith.constant 6 : index
    %get3A_1824 = memref.load %arg0[%get3A_1822, %get3A_1823] : memref<32x16xf32, #tpu.memory_space<smem>>
    %add3A_1825 = arith.addf %add3A_1817, %get3A_1824 : f32
    %get3A_1826 = arith.constant 18 : index
    %get3A_1827 = arith.constant 6 : index
    %get3A_1828 = memref.load %arg1[%get3A_1826, %get3A_1827] : memref<32x16xf32, #tpu.memory_space<smem>>
    %add3A_1829 = arith.addf %add3A_1821, %get3A_1828 : f32
    %get3A_1830 = arith.constant 19 : index
    %get3A_1831 = arith.constant 6 : index
    %get3A_1832 = memref.load %arg0[%get3A_1830, %get3A_1831] : memref<32x16xf32, #tpu.memory_space<smem>>
    %add3A_1833 = arith.addf %add3A_1825, %get3A_1832 : f32
    %get3A_1834 = arith.constant 19 : index
    %get3A_1835 = arith.constant 6 : index
    %get3A_1836 = memref.load %arg1[%get3A_1834, %get3A_1835] : memref<32x16xf32, #tpu.memory_space<smem>>
    %add3A_1837 = arith.addf %add3A_1829, %get3A_1836 : f32
    %get3A_1838 = arith.constant 20 : index
    %get3A_1839 = arith.constant 6 : index
    %get3A_1840 = memref.load %arg0[%get3A_1838, %get3A_1839] : memref<32x16xf32, #tpu.memory_space<smem>>
    %add3A_1841 = arith.addf %add3A_1833, %get3A_1840 : f32
    %get3A_1842 = arith.constant 20 : index
    %get3A_1843 = arith.constant 6 : index
    %get3A_1844 = memref.load %arg1[%get3A_1842, %get3A_1843] : memref<32x16xf32, #tpu.memory_space<smem>>
    %add3A_1845 = arith.addf %add3A_1837, %get3A_1844 : f32
    %get3A_1846 = arith.constant 21 : index
    %get3A_1847 = arith.constant 6 : index
    %get3A_1848 = memref.load %arg0[%get3A_1846, %get3A_1847] : memref<32x16xf32, #tpu.memory_space<smem>>
    %add3A_1849 = arith.addf %add3A_1841, %get3A_1848 : f32
    %get3A_1850 = arith.constant 21 : index
    %get3A_1851 = arith.constant 6 : index
    %get3A_1852 = memref.load %arg1[%get3A_1850, %get3A_1851] : memref<32x16xf32, #tpu.memory_space<smem>>
    %add3A_1853 = arith.addf %add3A_1845, %get3A_1852 : f32
    %get3A_1854 = arith.constant 22 : index
    %get3A_1855 = arith.constant 6 : index
    %get3A_1856 = memref.load %arg0[%get3A_1854, %get3A_1855] : memref<32x16xf32, #tpu.memory_space<smem>>
    %add3A_1857 = arith.addf %add3A_1849, %get3A_1856 : f32
    %get3A_1858 = arith.constant 22 : index
    %get3A_1859 = arith.constant 6 : index
    %get3A_1860 = memref.load %arg1[%get3A_1858, %get3A_1859] : memref<32x16xf32, #tpu.memory_space<smem>>
    %add3A_1861 = arith.addf %add3A_1853, %get3A_1860 : f32
    %get3A_1862 = arith.constant 23 : index
    %get3A_1863 = arith.constant 6 : index
    %get3A_1864 = memref.load %arg0[%get3A_1862, %get3A_1863] : memref<32x16xf32, #tpu.memory_space<smem>>
    %add3A_1865 = arith.addf %add3A_1857, %get3A_1864 : f32
    %get3A_1866 = arith.constant 23 : index
    %get3A_1867 = arith.constant 6 : index
    %get3A_1868 = memref.load %arg1[%get3A_1866, %get3A_1867] : memref<32x16xf32, #tpu.memory_space<smem>>
    %add3A_1869 = arith.addf %add3A_1861, %get3A_1868 : f32
    %get3A_1870 = arith.constant 24 : index
    %get3A_1871 = arith.constant 6 : index
    %get3A_1872 = memref.load %arg0[%get3A_1870, %get3A_1871] : memref<32x16xf32, #tpu.memory_space<smem>>
    %add3A_1873 = arith.addf %add3A_1865, %get3A_1872 : f32
    %get3A_1874 = arith.constant 24 : index
    %get3A_1875 = arith.constant 6 : index
    %get3A_1876 = memref.load %arg1[%get3A_1874, %get3A_1875] : memref<32x16xf32, #tpu.memory_space<smem>>
    %add3A_1877 = arith.addf %add3A_1869, %get3A_1876 : f32
    %get3A_1878 = arith.constant 25 : index
    %get3A_1879 = arith.constant 6 : index
    %get3A_1880 = memref.load %arg0[%get3A_1878, %get3A_1879] : memref<32x16xf32, #tpu.memory_space<smem>>
    %add3A_1881 = arith.addf %add3A_1873, %get3A_1880 : f32
    %get3A_1882 = arith.constant 25 : index
    %get3A_1883 = arith.constant 6 : index
    %get3A_1884 = memref.load %arg1[%get3A_1882, %get3A_1883] : memref<32x16xf32, #tpu.memory_space<smem>>
    %add3A_1885 = arith.addf %add3A_1877, %get3A_1884 : f32
    %get3A_1886 = arith.constant 26 : index
    %get3A_1887 = arith.constant 6 : index
    %get3A_1888 = memref.load %arg0[%get3A_1886, %get3A_1887] : memref<32x16xf32, #tpu.memory_space<smem>>
    %add3A_1889 = arith.addf %add3A_1881, %get3A_1888 : f32
    %get3A_1890 = arith.constant 26 : index
    %get3A_1891 = arith.constant 6 : index
    %get3A_1892 = memref.load %arg1[%get3A_1890, %get3A_1891] : memref<32x16xf32, #tpu.memory_space<smem>>
    %add3A_1893 = arith.addf %add3A_1885, %get3A_1892 : f32
    %get3A_1894 = arith.constant 27 : index
    %get3A_1895 = arith.constant 6 : index
    %get3A_1896 = memref.load %arg0[%get3A_1894, %get3A_1895] : memref<32x16xf32, #tpu.memory_space<smem>>
    %add3A_1897 = arith.addf %add3A_1889, %get3A_1896 : f32
    %get3A_1898 = arith.constant 27 : index
    %get3A_1899 = arith.constant 6 : index
    %get3A_1900 = memref.load %arg1[%get3A_1898, %get3A_1899] : memref<32x16xf32, #tpu.memory_space<smem>>
    %add3A_1901 = arith.addf %add3A_1893, %get3A_1900 : f32
    %get3A_1902 = arith.constant 28 : index
    %get3A_1903 = arith.constant 6 : index
    %get3A_1904 = memref.load %arg0[%get3A_1902, %get3A_1903] : memref<32x16xf32, #tpu.memory_space<smem>>
    %add3A_1905 = arith.addf %add3A_1897, %get3A_1904 : f32
    %get3A_1906 = arith.constant 28 : index
    %get3A_1907 = arith.constant 6 : index
    %get3A_1908 = memref.load %arg1[%get3A_1906, %get3A_1907] : memref<32x16xf32, #tpu.memory_space<smem>>
    %add3A_1909 = arith.addf %add3A_1901, %get3A_1908 : f32
    %get3A_1910 = arith.constant 29 : index
    %get3A_1911 = arith.constant 6 : index
    %get3A_1912 = memref.load %arg0[%get3A_1910, %get3A_1911] : memref<32x16xf32, #tpu.memory_space<smem>>
    %add3A_1913 = arith.addf %add3A_1905, %get3A_1912 : f32
    %get3A_1914 = arith.constant 29 : index
    %get3A_1915 = arith.constant 6 : index
    %get3A_1916 = memref.load %arg1[%get3A_1914, %get3A_1915] : memref<32x16xf32, #tpu.memory_space<smem>>
    %add3A_1917 = arith.addf %add3A_1909, %get3A_1916 : f32
    %get3A_1918 = arith.constant 30 : index
    %get3A_1919 = arith.constant 6 : index
    %get3A_1920 = memref.load %arg0[%get3A_1918, %get3A_1919] : memref<32x16xf32, #tpu.memory_space<smem>>
    %add3A_1921 = arith.addf %add3A_1913, %get3A_1920 : f32
    %get3A_1922 = arith.constant 30 : index
    %get3A_1923 = arith.constant 6 : index
    %get3A_1924 = memref.load %arg1[%get3A_1922, %get3A_1923] : memref<32x16xf32, #tpu.memory_space<smem>>
    %add3A_1925 = arith.addf %add3A_1917, %get3A_1924 : f32
    %get3A_1926 = arith.constant 31 : index
    %get3A_1927 = arith.constant 6 : index
    %get3A_1928 = memref.load %arg0[%get3A_1926, %get3A_1927] : memref<32x16xf32, #tpu.memory_space<smem>>
    %add3A_1929 = arith.addf %add3A_1921, %get3A_1928 : f32
    %get3A_1930 = arith.constant 31 : index
    %get3A_1931 = arith.constant 6 : index
    %get3A_1932 = memref.load %arg1[%get3A_1930, %get3A_1931] : memref<32x16xf32, #tpu.memory_space<smem>>
    %add3A_1933 = arith.addf %add3A_1925, %get3A_1932 : f32
    %get3A_1934 = arith.constant 0 : index
    %get3A_1935 = arith.constant 6 : index
    %get3A_1936 = memref.load %arg2[%get3A_1934, %get3A_1935] : memref<2x10xf32, #tpu.memory_space<smem>>
    %get3A_1937 = arith.constant 1 : index
    %get3A_1938 = arith.constant 6 : index
    %get3A_1939 = memref.load %arg2[%get3A_1937, %get3A_1938] : memref<2x10xf32, #tpu.memory_space<smem>>
    %sub3A_1940 = arith.subf %get3A_1936, %get3A_1656 : f32
    %add3A_1941 = arith.addf %add3A_1929, %sub3A_1940 : f32
    %sub3A_1942 = arith.subf %get3A_1939, %get3A_1659 : f32
    %add3A_1943 = arith.addf %add3A_1933, %sub3A_1942 : f32
    %gt3A_1944 = arith.constant 0.000000e+00 : f32
    %gt3A_1945 = arith.cmpf ogt, %add3A_1941, %gt3A_1944 : f32
    %max3A_1946 = arith.constant 1.000000e+00 : f32
    %max3A_1947 = arith.maximumf %add3A_1941, %max3A_1946 : f32
    %div3A_1948 = arith.divf %add3A_1943, %max3A_1947 : f32
    %jit3A_1949 = arith.constant 0.000000e+00 : f32
    %select_n3A_1950 = arith.select %gt3A_1945, %div3A_1948, %jit3A_1949 : f32
    %add3A_1951 = arith.addf %add3A_1671, %select_n3A_1950 : f32
    %jit3A_1952 = arith.constant 1.000000e+00 : f32
    %jit3A_1953 = arith.constant 0.000000e+00 : f32
    %select_n3A_1954 = arith.select %gt3A_1945, %jit3A_1952, %jit3A_1953 : f32
    %add3A_1955 = arith.addf %add3A_1675, %select_n3A_1954 : f32
    %get3A_1956 = arith.constant 0 : index
    %get3A_1957 = arith.constant 7 : index
    %get3A_1958 = memref.load %arg0[%get3A_1956, %get3A_1957] : memref<32x16xf32, #tpu.memory_space<smem>>
    %add3A_1959 = arith.constant 0.000000e+00 : f32
    %add3A_1960 = arith.addf %add3A_1959, %get3A_1958 : f32
    %get3A_1961 = arith.constant 0 : index
    %get3A_1962 = arith.constant 7 : index
    %get3A_1963 = memref.load %arg1[%get3A_1961, %get3A_1962] : memref<32x16xf32, #tpu.memory_space<smem>>
    %add3A_1964 = arith.constant 0.000000e+00 : f32
    %add3A_1965 = arith.addf %add3A_1964, %get3A_1963 : f32
    %get3A_1966 = arith.constant 1 : index
    %get3A_1967 = arith.constant 7 : index
    %get3A_1968 = memref.load %arg0[%get3A_1966, %get3A_1967] : memref<32x16xf32, #tpu.memory_space<smem>>
    %add3A_1969 = arith.addf %add3A_1960, %get3A_1968 : f32
    %get3A_1970 = arith.constant 1 : index
    %get3A_1971 = arith.constant 7 : index
    %get3A_1972 = memref.load %arg1[%get3A_1970, %get3A_1971] : memref<32x16xf32, #tpu.memory_space<smem>>
    %add3A_1973 = arith.addf %add3A_1965, %get3A_1972 : f32
    %get3A_1974 = arith.constant 2 : index
    %get3A_1975 = arith.constant 7 : index
    %get3A_1976 = memref.load %arg0[%get3A_1974, %get3A_1975] : memref<32x16xf32, #tpu.memory_space<smem>>
    %add3A_1977 = arith.addf %add3A_1969, %get3A_1976 : f32
    %get3A_1978 = arith.constant 2 : index
    %get3A_1979 = arith.constant 7 : index
    %get3A_1980 = memref.load %arg1[%get3A_1978, %get3A_1979] : memref<32x16xf32, #tpu.memory_space<smem>>
    %add3A_1981 = arith.addf %add3A_1973, %get3A_1980 : f32
    %get3A_1982 = arith.constant 3 : index
    %get3A_1983 = arith.constant 7 : index
    %get3A_1984 = memref.load %arg0[%get3A_1982, %get3A_1983] : memref<32x16xf32, #tpu.memory_space<smem>>
    %add3A_1985 = arith.addf %add3A_1977, %get3A_1984 : f32
    %get3A_1986 = arith.constant 3 : index
    %get3A_1987 = arith.constant 7 : index
    %get3A_1988 = memref.load %arg1[%get3A_1986, %get3A_1987] : memref<32x16xf32, #tpu.memory_space<smem>>
    %add3A_1989 = arith.addf %add3A_1981, %get3A_1988 : f32
    %get3A_1990 = arith.constant 4 : index
    %get3A_1991 = arith.constant 7 : index
    %get3A_1992 = memref.load %arg0[%get3A_1990, %get3A_1991] : memref<32x16xf32, #tpu.memory_space<smem>>
    %add3A_1993 = arith.addf %add3A_1985, %get3A_1992 : f32
    %get3A_1994 = arith.constant 4 : index
    %get3A_1995 = arith.constant 7 : index
    %get3A_1996 = memref.load %arg1[%get3A_1994, %get3A_1995] : memref<32x16xf32, #tpu.memory_space<smem>>
    %add3A_1997 = arith.addf %add3A_1989, %get3A_1996 : f32
    %get3A_1998 = arith.constant 5 : index
    %get3A_1999 = arith.constant 7 : index
    %get3A_2000 = memref.load %arg0[%get3A_1998, %get3A_1999] : memref<32x16xf32, #tpu.memory_space<smem>>
    %add3A_2001 = arith.addf %add3A_1993, %get3A_2000 : f32
    %get3A_2002 = arith.constant 5 : index
    %get3A_2003 = arith.constant 7 : index
    %get3A_2004 = memref.load %arg1[%get3A_2002, %get3A_2003] : memref<32x16xf32, #tpu.memory_space<smem>>
    %add3A_2005 = arith.addf %add3A_1997, %get3A_2004 : f32
    %get3A_2006 = arith.constant 6 : index
    %get3A_2007 = arith.constant 7 : index
    %get3A_2008 = memref.load %arg0[%get3A_2006, %get3A_2007] : memref<32x16xf32, #tpu.memory_space<smem>>
    %add3A_2009 = arith.addf %add3A_2001, %get3A_2008 : f32
    %get3A_2010 = arith.constant 6 : index
    %get3A_2011 = arith.constant 7 : index
    %get3A_2012 = memref.load %arg1[%get3A_2010, %get3A_2011] : memref<32x16xf32, #tpu.memory_space<smem>>
    %add3A_2013 = arith.addf %add3A_2005, %get3A_2012 : f32
    %get3A_2014 = arith.constant 7 : index
    %get3A_2015 = arith.constant 7 : index
    %get3A_2016 = memref.load %arg0[%get3A_2014, %get3A_2015] : memref<32x16xf32, #tpu.memory_space<smem>>
    %add3A_2017 = arith.addf %add3A_2009, %get3A_2016 : f32
    %get3A_2018 = arith.constant 7 : index
    %get3A_2019 = arith.constant 7 : index
    %get3A_2020 = memref.load %arg1[%get3A_2018, %get3A_2019] : memref<32x16xf32, #tpu.memory_space<smem>>
    %add3A_2021 = arith.addf %add3A_2013, %get3A_2020 : f32
    %get3A_2022 = arith.constant 8 : index
    %get3A_2023 = arith.constant 7 : index
    %get3A_2024 = memref.load %arg0[%get3A_2022, %get3A_2023] : memref<32x16xf32, #tpu.memory_space<smem>>
    %add3A_2025 = arith.addf %add3A_2017, %get3A_2024 : f32
    %get3A_2026 = arith.constant 8 : index
    %get3A_2027 = arith.constant 7 : index
    %get3A_2028 = memref.load %arg1[%get3A_2026, %get3A_2027] : memref<32x16xf32, #tpu.memory_space<smem>>
    %add3A_2029 = arith.addf %add3A_2021, %get3A_2028 : f32
    %get3A_2030 = arith.constant 9 : index
    %get3A_2031 = arith.constant 7 : index
    %get3A_2032 = memref.load %arg0[%get3A_2030, %get3A_2031] : memref<32x16xf32, #tpu.memory_space<smem>>
    %add3A_2033 = arith.addf %add3A_2025, %get3A_2032 : f32
    %get3A_2034 = arith.constant 9 : index
    %get3A_2035 = arith.constant 7 : index
    %get3A_2036 = memref.load %arg1[%get3A_2034, %get3A_2035] : memref<32x16xf32, #tpu.memory_space<smem>>
    %add3A_2037 = arith.addf %add3A_2029, %get3A_2036 : f32
    %get3A_2038 = arith.constant 10 : index
    %get3A_2039 = arith.constant 7 : index
    %get3A_2040 = memref.load %arg0[%get3A_2038, %get3A_2039] : memref<32x16xf32, #tpu.memory_space<smem>>
    %add3A_2041 = arith.addf %add3A_2033, %get3A_2040 : f32
    %get3A_2042 = arith.constant 10 : index
    %get3A_2043 = arith.constant 7 : index
    %get3A_2044 = memref.load %arg1[%get3A_2042, %get3A_2043] : memref<32x16xf32, #tpu.memory_space<smem>>
    %add3A_2045 = arith.addf %add3A_2037, %get3A_2044 : f32
    %get3A_2046 = arith.constant 11 : index
    %get3A_2047 = arith.constant 7 : index
    %get3A_2048 = memref.load %arg0[%get3A_2046, %get3A_2047] : memref<32x16xf32, #tpu.memory_space<smem>>
    %add3A_2049 = arith.addf %add3A_2041, %get3A_2048 : f32
    %get3A_2050 = arith.constant 11 : index
    %get3A_2051 = arith.constant 7 : index
    %get3A_2052 = memref.load %arg1[%get3A_2050, %get3A_2051] : memref<32x16xf32, #tpu.memory_space<smem>>
    %add3A_2053 = arith.addf %add3A_2045, %get3A_2052 : f32
    %get3A_2054 = arith.constant 12 : index
    %get3A_2055 = arith.constant 7 : index
    %get3A_2056 = memref.load %arg0[%get3A_2054, %get3A_2055] : memref<32x16xf32, #tpu.memory_space<smem>>
    %add3A_2057 = arith.addf %add3A_2049, %get3A_2056 : f32
    %get3A_2058 = arith.constant 12 : index
    %get3A_2059 = arith.constant 7 : index
    %get3A_2060 = memref.load %arg1[%get3A_2058, %get3A_2059] : memref<32x16xf32, #tpu.memory_space<smem>>
    %add3A_2061 = arith.addf %add3A_2053, %get3A_2060 : f32
    %get3A_2062 = arith.constant 13 : index
    %get3A_2063 = arith.constant 7 : index
    %get3A_2064 = memref.load %arg0[%get3A_2062, %get3A_2063] : memref<32x16xf32, #tpu.memory_space<smem>>
    %add3A_2065 = arith.addf %add3A_2057, %get3A_2064 : f32
    %get3A_2066 = arith.constant 13 : index
    %get3A_2067 = arith.constant 7 : index
    %get3A_2068 = memref.load %arg1[%get3A_2066, %get3A_2067] : memref<32x16xf32, #tpu.memory_space<smem>>
    %add3A_2069 = arith.addf %add3A_2061, %get3A_2068 : f32
    %get3A_2070 = arith.constant 14 : index
    %get3A_2071 = arith.constant 7 : index
    %get3A_2072 = memref.load %arg0[%get3A_2070, %get3A_2071] : memref<32x16xf32, #tpu.memory_space<smem>>
    %add3A_2073 = arith.addf %add3A_2065, %get3A_2072 : f32
    %get3A_2074 = arith.constant 14 : index
    %get3A_2075 = arith.constant 7 : index
    %get3A_2076 = memref.load %arg1[%get3A_2074, %get3A_2075] : memref<32x16xf32, #tpu.memory_space<smem>>
    %add3A_2077 = arith.addf %add3A_2069, %get3A_2076 : f32
    %get3A_2078 = arith.constant 15 : index
    %get3A_2079 = arith.constant 7 : index
    %get3A_2080 = memref.load %arg0[%get3A_2078, %get3A_2079] : memref<32x16xf32, #tpu.memory_space<smem>>
    %add3A_2081 = arith.addf %add3A_2073, %get3A_2080 : f32
    %get3A_2082 = arith.constant 15 : index
    %get3A_2083 = arith.constant 7 : index
    %get3A_2084 = memref.load %arg1[%get3A_2082, %get3A_2083] : memref<32x16xf32, #tpu.memory_space<smem>>
    %add3A_2085 = arith.addf %add3A_2077, %get3A_2084 : f32
    %get3A_2086 = arith.constant 16 : index
    %get3A_2087 = arith.constant 7 : index
    %get3A_2088 = memref.load %arg0[%get3A_2086, %get3A_2087] : memref<32x16xf32, #tpu.memory_space<smem>>
    %add3A_2089 = arith.addf %add3A_2081, %get3A_2088 : f32
    %get3A_2090 = arith.constant 16 : index
    %get3A_2091 = arith.constant 7 : index
    %get3A_2092 = memref.load %arg1[%get3A_2090, %get3A_2091] : memref<32x16xf32, #tpu.memory_space<smem>>
    %add3A_2093 = arith.addf %add3A_2085, %get3A_2092 : f32
    %get3A_2094 = arith.constant 17 : index
    %get3A_2095 = arith.constant 7 : index
    %get3A_2096 = memref.load %arg0[%get3A_2094, %get3A_2095] : memref<32x16xf32, #tpu.memory_space<smem>>
    %add3A_2097 = arith.addf %add3A_2089, %get3A_2096 : f32
    %get3A_2098 = arith.constant 17 : index
    %get3A_2099 = arith.constant 7 : index
    %get3A_2100 = memref.load %arg1[%get3A_2098, %get3A_2099] : memref<32x16xf32, #tpu.memory_space<smem>>
    %add3A_2101 = arith.addf %add3A_2093, %get3A_2100 : f32
    %get3A_2102 = arith.constant 18 : index
    %get3A_2103 = arith.constant 7 : index
    %get3A_2104 = memref.load %arg0[%get3A_2102, %get3A_2103] : memref<32x16xf32, #tpu.memory_space<smem>>
    %add3A_2105 = arith.addf %add3A_2097, %get3A_2104 : f32
    %get3A_2106 = arith.constant 18 : index
    %get3A_2107 = arith.constant 7 : index
    %get3A_2108 = memref.load %arg1[%get3A_2106, %get3A_2107] : memref<32x16xf32, #tpu.memory_space<smem>>
    %add3A_2109 = arith.addf %add3A_2101, %get3A_2108 : f32
    %get3A_2110 = arith.constant 19 : index
    %get3A_2111 = arith.constant 7 : index
    %get3A_2112 = memref.load %arg0[%get3A_2110, %get3A_2111] : memref<32x16xf32, #tpu.memory_space<smem>>
    %add3A_2113 = arith.addf %add3A_2105, %get3A_2112 : f32
    %get3A_2114 = arith.constant 19 : index
    %get3A_2115 = arith.constant 7 : index
    %get3A_2116 = memref.load %arg1[%get3A_2114, %get3A_2115] : memref<32x16xf32, #tpu.memory_space<smem>>
    %add3A_2117 = arith.addf %add3A_2109, %get3A_2116 : f32
    %get3A_2118 = arith.constant 20 : index
    %get3A_2119 = arith.constant 7 : index
    %get3A_2120 = memref.load %arg0[%get3A_2118, %get3A_2119] : memref<32x16xf32, #tpu.memory_space<smem>>
    %add3A_2121 = arith.addf %add3A_2113, %get3A_2120 : f32
    %get3A_2122 = arith.constant 20 : index
    %get3A_2123 = arith.constant 7 : index
    %get3A_2124 = memref.load %arg1[%get3A_2122, %get3A_2123] : memref<32x16xf32, #tpu.memory_space<smem>>
    %add3A_2125 = arith.addf %add3A_2117, %get3A_2124 : f32
    %get3A_2126 = arith.constant 21 : index
    %get3A_2127 = arith.constant 7 : index
    %get3A_2128 = memref.load %arg0[%get3A_2126, %get3A_2127] : memref<32x16xf32, #tpu.memory_space<smem>>
    %add3A_2129 = arith.addf %add3A_2121, %get3A_2128 : f32
    %get3A_2130 = arith.constant 21 : index
    %get3A_2131 = arith.constant 7 : index
    %get3A_2132 = memref.load %arg1[%get3A_2130, %get3A_2131] : memref<32x16xf32, #tpu.memory_space<smem>>
    %add3A_2133 = arith.addf %add3A_2125, %get3A_2132 : f32
    %get3A_2134 = arith.constant 22 : index
    %get3A_2135 = arith.constant 7 : index
    %get3A_2136 = memref.load %arg0[%get3A_2134, %get3A_2135] : memref<32x16xf32, #tpu.memory_space<smem>>
    %add3A_2137 = arith.addf %add3A_2129, %get3A_2136 : f32
    %get3A_2138 = arith.constant 22 : index
    %get3A_2139 = arith.constant 7 : index
    %get3A_2140 = memref.load %arg1[%get3A_2138, %get3A_2139] : memref<32x16xf32, #tpu.memory_space<smem>>
    %add3A_2141 = arith.addf %add3A_2133, %get3A_2140 : f32
    %get3A_2142 = arith.constant 23 : index
    %get3A_2143 = arith.constant 7 : index
    %get3A_2144 = memref.load %arg0[%get3A_2142, %get3A_2143] : memref<32x16xf32, #tpu.memory_space<smem>>
    %add3A_2145 = arith.addf %add3A_2137, %get3A_2144 : f32
    %get3A_2146 = arith.constant 23 : index
    %get3A_2147 = arith.constant 7 : index
    %get3A_2148 = memref.load %arg1[%get3A_2146, %get3A_2147] : memref<32x16xf32, #tpu.memory_space<smem>>
    %add3A_2149 = arith.addf %add3A_2141, %get3A_2148 : f32
    %get3A_2150 = arith.constant 24 : index
    %get3A_2151 = arith.constant 7 : index
    %get3A_2152 = memref.load %arg0[%get3A_2150, %get3A_2151] : memref<32x16xf32, #tpu.memory_space<smem>>
    %add3A_2153 = arith.addf %add3A_2145, %get3A_2152 : f32
    %get3A_2154 = arith.constant 24 : index
    %get3A_2155 = arith.constant 7 : index
    %get3A_2156 = memref.load %arg1[%get3A_2154, %get3A_2155] : memref<32x16xf32, #tpu.memory_space<smem>>
    %add3A_2157 = arith.addf %add3A_2149, %get3A_2156 : f32
    %get3A_2158 = arith.constant 25 : index
    %get3A_2159 = arith.constant 7 : index
    %get3A_2160 = memref.load %arg0[%get3A_2158, %get3A_2159] : memref<32x16xf32, #tpu.memory_space<smem>>
    %add3A_2161 = arith.addf %add3A_2153, %get3A_2160 : f32
    %get3A_2162 = arith.constant 25 : index
    %get3A_2163 = arith.constant 7 : index
    %get3A_2164 = memref.load %arg1[%get3A_2162, %get3A_2163] : memref<32x16xf32, #tpu.memory_space<smem>>
    %add3A_2165 = arith.addf %add3A_2157, %get3A_2164 : f32
    %get3A_2166 = arith.constant 26 : index
    %get3A_2167 = arith.constant 7 : index
    %get3A_2168 = memref.load %arg0[%get3A_2166, %get3A_2167] : memref<32x16xf32, #tpu.memory_space<smem>>
    %add3A_2169 = arith.addf %add3A_2161, %get3A_2168 : f32
    %get3A_2170 = arith.constant 26 : index
    %get3A_2171 = arith.constant 7 : index
    %get3A_2172 = memref.load %arg1[%get3A_2170, %get3A_2171] : memref<32x16xf32, #tpu.memory_space<smem>>
    %add3A_2173 = arith.addf %add3A_2165, %get3A_2172 : f32
    %get3A_2174 = arith.constant 27 : index
    %get3A_2175 = arith.constant 7 : index
    %get3A_2176 = memref.load %arg0[%get3A_2174, %get3A_2175] : memref<32x16xf32, #tpu.memory_space<smem>>
    %add3A_2177 = arith.addf %add3A_2169, %get3A_2176 : f32
    %get3A_2178 = arith.constant 27 : index
    %get3A_2179 = arith.constant 7 : index
    %get3A_2180 = memref.load %arg1[%get3A_2178, %get3A_2179] : memref<32x16xf32, #tpu.memory_space<smem>>
    %add3A_2181 = arith.addf %add3A_2173, %get3A_2180 : f32
    %get3A_2182 = arith.constant 28 : index
    %get3A_2183 = arith.constant 7 : index
    %get3A_2184 = memref.load %arg0[%get3A_2182, %get3A_2183] : memref<32x16xf32, #tpu.memory_space<smem>>
    %add3A_2185 = arith.addf %add3A_2177, %get3A_2184 : f32
    %get3A_2186 = arith.constant 28 : index
    %get3A_2187 = arith.constant 7 : index
    %get3A_2188 = memref.load %arg1[%get3A_2186, %get3A_2187] : memref<32x16xf32, #tpu.memory_space<smem>>
    %add3A_2189 = arith.addf %add3A_2181, %get3A_2188 : f32
    %get3A_2190 = arith.constant 29 : index
    %get3A_2191 = arith.constant 7 : index
    %get3A_2192 = memref.load %arg0[%get3A_2190, %get3A_2191] : memref<32x16xf32, #tpu.memory_space<smem>>
    %add3A_2193 = arith.addf %add3A_2185, %get3A_2192 : f32
    %get3A_2194 = arith.constant 29 : index
    %get3A_2195 = arith.constant 7 : index
    %get3A_2196 = memref.load %arg1[%get3A_2194, %get3A_2195] : memref<32x16xf32, #tpu.memory_space<smem>>
    %add3A_2197 = arith.addf %add3A_2189, %get3A_2196 : f32
    %get3A_2198 = arith.constant 30 : index
    %get3A_2199 = arith.constant 7 : index
    %get3A_2200 = memref.load %arg0[%get3A_2198, %get3A_2199] : memref<32x16xf32, #tpu.memory_space<smem>>
    %add3A_2201 = arith.addf %add3A_2193, %get3A_2200 : f32
    %get3A_2202 = arith.constant 30 : index
    %get3A_2203 = arith.constant 7 : index
    %get3A_2204 = memref.load %arg1[%get3A_2202, %get3A_2203] : memref<32x16xf32, #tpu.memory_space<smem>>
    %add3A_2205 = arith.addf %add3A_2197, %get3A_2204 : f32
    %get3A_2206 = arith.constant 31 : index
    %get3A_2207 = arith.constant 7 : index
    %get3A_2208 = memref.load %arg0[%get3A_2206, %get3A_2207] : memref<32x16xf32, #tpu.memory_space<smem>>
    %add3A_2209 = arith.addf %add3A_2201, %get3A_2208 : f32
    %get3A_2210 = arith.constant 31 : index
    %get3A_2211 = arith.constant 7 : index
    %get3A_2212 = memref.load %arg1[%get3A_2210, %get3A_2211] : memref<32x16xf32, #tpu.memory_space<smem>>
    %add3A_2213 = arith.addf %add3A_2205, %get3A_2212 : f32
    %get3A_2214 = arith.constant 0 : index
    %get3A_2215 = arith.constant 7 : index
    %get3A_2216 = memref.load %arg2[%get3A_2214, %get3A_2215] : memref<2x10xf32, #tpu.memory_space<smem>>
    %get3A_2217 = arith.constant 1 : index
    %get3A_2218 = arith.constant 7 : index
    %get3A_2219 = memref.load %arg2[%get3A_2217, %get3A_2218] : memref<2x10xf32, #tpu.memory_space<smem>>
    %sub3A_2220 = arith.subf %get3A_2216, %get3A_1936 : f32
    %add3A_2221 = arith.addf %add3A_2209, %sub3A_2220 : f32
    %sub3A_2222 = arith.subf %get3A_2219, %get3A_1939 : f32
    %add3A_2223 = arith.addf %add3A_2213, %sub3A_2222 : f32
    %gt3A_2224 = arith.constant 0.000000e+00 : f32
    %gt3A_2225 = arith.cmpf ogt, %add3A_2221, %gt3A_2224 : f32
    %max3A_2226 = arith.constant 1.000000e+00 : f32
    %max3A_2227 = arith.maximumf %add3A_2221, %max3A_2226 : f32
    %div3A_2228 = arith.divf %add3A_2223, %max3A_2227 : f32
    %jit3A_2229 = arith.constant 0.000000e+00 : f32
    %select_n3A_2230 = arith.select %gt3A_2225, %div3A_2228, %jit3A_2229 : f32
    %add3A_2231 = arith.addf %add3A_1951, %select_n3A_2230 : f32
    %jit3A_2232 = arith.constant 1.000000e+00 : f32
    %jit3A_2233 = arith.constant 0.000000e+00 : f32
    %select_n3A_2234 = arith.select %gt3A_2225, %jit3A_2232, %jit3A_2233 : f32
    %add3A_2235 = arith.addf %add3A_1955, %select_n3A_2234 : f32
    %get3A_2236 = arith.constant 0 : index
    %get3A_2237 = arith.constant 8 : index
    %get3A_2238 = memref.load %arg0[%get3A_2236, %get3A_2237] : memref<32x16xf32, #tpu.memory_space<smem>>
    %add3A_2239 = arith.constant 0.000000e+00 : f32
    %add3A_2240 = arith.addf %add3A_2239, %get3A_2238 : f32
    %get3A_2241 = arith.constant 0 : index
    %get3A_2242 = arith.constant 8 : index
    %get3A_2243 = memref.load %arg1[%get3A_2241, %get3A_2242] : memref<32x16xf32, #tpu.memory_space<smem>>
    %add3A_2244 = arith.constant 0.000000e+00 : f32
    %add3A_2245 = arith.addf %add3A_2244, %get3A_2243 : f32
    %get3A_2246 = arith.constant 1 : index
    %get3A_2247 = arith.constant 8 : index
    %get3A_2248 = memref.load %arg0[%get3A_2246, %get3A_2247] : memref<32x16xf32, #tpu.memory_space<smem>>
    %add3A_2249 = arith.addf %add3A_2240, %get3A_2248 : f32
    %get3A_2250 = arith.constant 1 : index
    %get3A_2251 = arith.constant 8 : index
    %get3A_2252 = memref.load %arg1[%get3A_2250, %get3A_2251] : memref<32x16xf32, #tpu.memory_space<smem>>
    %add3A_2253 = arith.addf %add3A_2245, %get3A_2252 : f32
    %get3A_2254 = arith.constant 2 : index
    %get3A_2255 = arith.constant 8 : index
    %get3A_2256 = memref.load %arg0[%get3A_2254, %get3A_2255] : memref<32x16xf32, #tpu.memory_space<smem>>
    %add3A_2257 = arith.addf %add3A_2249, %get3A_2256 : f32
    %get3A_2258 = arith.constant 2 : index
    %get3A_2259 = arith.constant 8 : index
    %get3A_2260 = memref.load %arg1[%get3A_2258, %get3A_2259] : memref<32x16xf32, #tpu.memory_space<smem>>
    %add3A_2261 = arith.addf %add3A_2253, %get3A_2260 : f32
    %get3A_2262 = arith.constant 3 : index
    %get3A_2263 = arith.constant 8 : index
    %get3A_2264 = memref.load %arg0[%get3A_2262, %get3A_2263] : memref<32x16xf32, #tpu.memory_space<smem>>
    %add3A_2265 = arith.addf %add3A_2257, %get3A_2264 : f32
    %get3A_2266 = arith.constant 3 : index
    %get3A_2267 = arith.constant 8 : index
    %get3A_2268 = memref.load %arg1[%get3A_2266, %get3A_2267] : memref<32x16xf32, #tpu.memory_space<smem>>
    %add3A_2269 = arith.addf %add3A_2261, %get3A_2268 : f32
    %get3A_2270 = arith.constant 4 : index
    %get3A_2271 = arith.constant 8 : index
    %get3A_2272 = memref.load %arg0[%get3A_2270, %get3A_2271] : memref<32x16xf32, #tpu.memory_space<smem>>
    %add3A_2273 = arith.addf %add3A_2265, %get3A_2272 : f32
    %get3A_2274 = arith.constant 4 : index
    %get3A_2275 = arith.constant 8 : index
    %get3A_2276 = memref.load %arg1[%get3A_2274, %get3A_2275] : memref<32x16xf32, #tpu.memory_space<smem>>
    %add3A_2277 = arith.addf %add3A_2269, %get3A_2276 : f32
    %get3A_2278 = arith.constant 5 : index
    %get3A_2279 = arith.constant 8 : index
    %get3A_2280 = memref.load %arg0[%get3A_2278, %get3A_2279] : memref<32x16xf32, #tpu.memory_space<smem>>
    %add3A_2281 = arith.addf %add3A_2273, %get3A_2280 : f32
    %get3A_2282 = arith.constant 5 : index
    %get3A_2283 = arith.constant 8 : index
    %get3A_2284 = memref.load %arg1[%get3A_2282, %get3A_2283] : memref<32x16xf32, #tpu.memory_space<smem>>
    %add3A_2285 = arith.addf %add3A_2277, %get3A_2284 : f32
    %get3A_2286 = arith.constant 6 : index
    %get3A_2287 = arith.constant 8 : index
    %get3A_2288 = memref.load %arg0[%get3A_2286, %get3A_2287] : memref<32x16xf32, #tpu.memory_space<smem>>
    %add3A_2289 = arith.addf %add3A_2281, %get3A_2288 : f32
    %get3A_2290 = arith.constant 6 : index
    %get3A_2291 = arith.constant 8 : index
    %get3A_2292 = memref.load %arg1[%get3A_2290, %get3A_2291] : memref<32x16xf32, #tpu.memory_space<smem>>
    %add3A_2293 = arith.addf %add3A_2285, %get3A_2292 : f32
    %get3A_2294 = arith.constant 7 : index
    %get3A_2295 = arith.constant 8 : index
    %get3A_2296 = memref.load %arg0[%get3A_2294, %get3A_2295] : memref<32x16xf32, #tpu.memory_space<smem>>
    %add3A_2297 = arith.addf %add3A_2289, %get3A_2296 : f32
    %get3A_2298 = arith.constant 7 : index
    %get3A_2299 = arith.constant 8 : index
    %get3A_2300 = memref.load %arg1[%get3A_2298, %get3A_2299] : memref<32x16xf32, #tpu.memory_space<smem>>
    %add3A_2301 = arith.addf %add3A_2293, %get3A_2300 : f32
    %get3A_2302 = arith.constant 8 : index
    %get3A_2303 = arith.constant 8 : index
    %get3A_2304 = memref.load %arg0[%get3A_2302, %get3A_2303] : memref<32x16xf32, #tpu.memory_space<smem>>
    %add3A_2305 = arith.addf %add3A_2297, %get3A_2304 : f32
    %get3A_2306 = arith.constant 8 : index
    %get3A_2307 = arith.constant 8 : index
    %get3A_2308 = memref.load %arg1[%get3A_2306, %get3A_2307] : memref<32x16xf32, #tpu.memory_space<smem>>
    %add3A_2309 = arith.addf %add3A_2301, %get3A_2308 : f32
    %get3A_2310 = arith.constant 9 : index
    %get3A_2311 = arith.constant 8 : index
    %get3A_2312 = memref.load %arg0[%get3A_2310, %get3A_2311] : memref<32x16xf32, #tpu.memory_space<smem>>
    %add3A_2313 = arith.addf %add3A_2305, %get3A_2312 : f32
    %get3A_2314 = arith.constant 9 : index
    %get3A_2315 = arith.constant 8 : index
    %get3A_2316 = memref.load %arg1[%get3A_2314, %get3A_2315] : memref<32x16xf32, #tpu.memory_space<smem>>
    %add3A_2317 = arith.addf %add3A_2309, %get3A_2316 : f32
    %get3A_2318 = arith.constant 10 : index
    %get3A_2319 = arith.constant 8 : index
    %get3A_2320 = memref.load %arg0[%get3A_2318, %get3A_2319] : memref<32x16xf32, #tpu.memory_space<smem>>
    %add3A_2321 = arith.addf %add3A_2313, %get3A_2320 : f32
    %get3A_2322 = arith.constant 10 : index
    %get3A_2323 = arith.constant 8 : index
    %get3A_2324 = memref.load %arg1[%get3A_2322, %get3A_2323] : memref<32x16xf32, #tpu.memory_space<smem>>
    %add3A_2325 = arith.addf %add3A_2317, %get3A_2324 : f32
    %get3A_2326 = arith.constant 11 : index
    %get3A_2327 = arith.constant 8 : index
    %get3A_2328 = memref.load %arg0[%get3A_2326, %get3A_2327] : memref<32x16xf32, #tpu.memory_space<smem>>
    %add3A_2329 = arith.addf %add3A_2321, %get3A_2328 : f32
    %get3A_2330 = arith.constant 11 : index
    %get3A_2331 = arith.constant 8 : index
    %get3A_2332 = memref.load %arg1[%get3A_2330, %get3A_2331] : memref<32x16xf32, #tpu.memory_space<smem>>
    %add3A_2333 = arith.addf %add3A_2325, %get3A_2332 : f32
    %get3A_2334 = arith.constant 12 : index
    %get3A_2335 = arith.constant 8 : index
    %get3A_2336 = memref.load %arg0[%get3A_2334, %get3A_2335] : memref<32x16xf32, #tpu.memory_space<smem>>
    %add3A_2337 = arith.addf %add3A_2329, %get3A_2336 : f32
    %get3A_2338 = arith.constant 12 : index
    %get3A_2339 = arith.constant 8 : index
    %get3A_2340 = memref.load %arg1[%get3A_2338, %get3A_2339] : memref<32x16xf32, #tpu.memory_space<smem>>
    %add3A_2341 = arith.addf %add3A_2333, %get3A_2340 : f32
    %get3A_2342 = arith.constant 13 : index
    %get3A_2343 = arith.constant 8 : index
    %get3A_2344 = memref.load %arg0[%get3A_2342, %get3A_2343] : memref<32x16xf32, #tpu.memory_space<smem>>
    %add3A_2345 = arith.addf %add3A_2337, %get3A_2344 : f32
    %get3A_2346 = arith.constant 13 : index
    %get3A_2347 = arith.constant 8 : index
    %get3A_2348 = memref.load %arg1[%get3A_2346, %get3A_2347] : memref<32x16xf32, #tpu.memory_space<smem>>
    %add3A_2349 = arith.addf %add3A_2341, %get3A_2348 : f32
    %get3A_2350 = arith.constant 14 : index
    %get3A_2351 = arith.constant 8 : index
    %get3A_2352 = memref.load %arg0[%get3A_2350, %get3A_2351] : memref<32x16xf32, #tpu.memory_space<smem>>
    %add3A_2353 = arith.addf %add3A_2345, %get3A_2352 : f32
    %get3A_2354 = arith.constant 14 : index
    %get3A_2355 = arith.constant 8 : index
    %get3A_2356 = memref.load %arg1[%get3A_2354, %get3A_2355] : memref<32x16xf32, #tpu.memory_space<smem>>
    %add3A_2357 = arith.addf %add3A_2349, %get3A_2356 : f32
    %get3A_2358 = arith.constant 15 : index
    %get3A_2359 = arith.constant 8 : index
    %get3A_2360 = memref.load %arg0[%get3A_2358, %get3A_2359] : memref<32x16xf32, #tpu.memory_space<smem>>
    %add3A_2361 = arith.addf %add3A_2353, %get3A_2360 : f32
    %get3A_2362 = arith.constant 15 : index
    %get3A_2363 = arith.constant 8 : index
    %get3A_2364 = memref.load %arg1[%get3A_2362, %get3A_2363] : memref<32x16xf32, #tpu.memory_space<smem>>
    %add3A_2365 = arith.addf %add3A_2357, %get3A_2364 : f32
    %get3A_2366 = arith.constant 16 : index
    %get3A_2367 = arith.constant 8 : index
    %get3A_2368 = memref.load %arg0[%get3A_2366, %get3A_2367] : memref<32x16xf32, #tpu.memory_space<smem>>
    %add3A_2369 = arith.addf %add3A_2361, %get3A_2368 : f32
    %get3A_2370 = arith.constant 16 : index
    %get3A_2371 = arith.constant 8 : index
    %get3A_2372 = memref.load %arg1[%get3A_2370, %get3A_2371] : memref<32x16xf32, #tpu.memory_space<smem>>
    %add3A_2373 = arith.addf %add3A_2365, %get3A_2372 : f32
    %get3A_2374 = arith.constant 17 : index
    %get3A_2375 = arith.constant 8 : index
    %get3A_2376 = memref.load %arg0[%get3A_2374, %get3A_2375] : memref<32x16xf32, #tpu.memory_space<smem>>
    %add3A_2377 = arith.addf %add3A_2369, %get3A_2376 : f32
    %get3A_2378 = arith.constant 17 : index
    %get3A_2379 = arith.constant 8 : index
    %get3A_2380 = memref.load %arg1[%get3A_2378, %get3A_2379] : memref<32x16xf32, #tpu.memory_space<smem>>
    %add3A_2381 = arith.addf %add3A_2373, %get3A_2380 : f32
    %get3A_2382 = arith.constant 18 : index
    %get3A_2383 = arith.constant 8 : index
    %get3A_2384 = memref.load %arg0[%get3A_2382, %get3A_2383] : memref<32x16xf32, #tpu.memory_space<smem>>
    %add3A_2385 = arith.addf %add3A_2377, %get3A_2384 : f32
    %get3A_2386 = arith.constant 18 : index
    %get3A_2387 = arith.constant 8 : index
    %get3A_2388 = memref.load %arg1[%get3A_2386, %get3A_2387] : memref<32x16xf32, #tpu.memory_space<smem>>
    %add3A_2389 = arith.addf %add3A_2381, %get3A_2388 : f32
    %get3A_2390 = arith.constant 19 : index
    %get3A_2391 = arith.constant 8 : index
    %get3A_2392 = memref.load %arg0[%get3A_2390, %get3A_2391] : memref<32x16xf32, #tpu.memory_space<smem>>
    %add3A_2393 = arith.addf %add3A_2385, %get3A_2392 : f32
    %get3A_2394 = arith.constant 19 : index
    %get3A_2395 = arith.constant 8 : index
    %get3A_2396 = memref.load %arg1[%get3A_2394, %get3A_2395] : memref<32x16xf32, #tpu.memory_space<smem>>
    %add3A_2397 = arith.addf %add3A_2389, %get3A_2396 : f32
    %get3A_2398 = arith.constant 20 : index
    %get3A_2399 = arith.constant 8 : index
    %get3A_2400 = memref.load %arg0[%get3A_2398, %get3A_2399] : memref<32x16xf32, #tpu.memory_space<smem>>
    %add3A_2401 = arith.addf %add3A_2393, %get3A_2400 : f32
    %get3A_2402 = arith.constant 20 : index
    %get3A_2403 = arith.constant 8 : index
    %get3A_2404 = memref.load %arg1[%get3A_2402, %get3A_2403] : memref<32x16xf32, #tpu.memory_space<smem>>
    %add3A_2405 = arith.addf %add3A_2397, %get3A_2404 : f32
    %get3A_2406 = arith.constant 21 : index
    %get3A_2407 = arith.constant 8 : index
    %get3A_2408 = memref.load %arg0[%get3A_2406, %get3A_2407] : memref<32x16xf32, #tpu.memory_space<smem>>
    %add3A_2409 = arith.addf %add3A_2401, %get3A_2408 : f32
    %get3A_2410 = arith.constant 21 : index
    %get3A_2411 = arith.constant 8 : index
    %get3A_2412 = memref.load %arg1[%get3A_2410, %get3A_2411] : memref<32x16xf32, #tpu.memory_space<smem>>
    %add3A_2413 = arith.addf %add3A_2405, %get3A_2412 : f32
    %get3A_2414 = arith.constant 22 : index
    %get3A_2415 = arith.constant 8 : index
    %get3A_2416 = memref.load %arg0[%get3A_2414, %get3A_2415] : memref<32x16xf32, #tpu.memory_space<smem>>
    %add3A_2417 = arith.addf %add3A_2409, %get3A_2416 : f32
    %get3A_2418 = arith.constant 22 : index
    %get3A_2419 = arith.constant 8 : index
    %get3A_2420 = memref.load %arg1[%get3A_2418, %get3A_2419] : memref<32x16xf32, #tpu.memory_space<smem>>
    %add3A_2421 = arith.addf %add3A_2413, %get3A_2420 : f32
    %get3A_2422 = arith.constant 23 : index
    %get3A_2423 = arith.constant 8 : index
    %get3A_2424 = memref.load %arg0[%get3A_2422, %get3A_2423] : memref<32x16xf32, #tpu.memory_space<smem>>
    %add3A_2425 = arith.addf %add3A_2417, %get3A_2424 : f32
    %get3A_2426 = arith.constant 23 : index
    %get3A_2427 = arith.constant 8 : index
    %get3A_2428 = memref.load %arg1[%get3A_2426, %get3A_2427] : memref<32x16xf32, #tpu.memory_space<smem>>
    %add3A_2429 = arith.addf %add3A_2421, %get3A_2428 : f32
    %get3A_2430 = arith.constant 24 : index
    %get3A_2431 = arith.constant 8 : index
    %get3A_2432 = memref.load %arg0[%get3A_2430, %get3A_2431] : memref<32x16xf32, #tpu.memory_space<smem>>
    %add3A_2433 = arith.addf %add3A_2425, %get3A_2432 : f32
    %get3A_2434 = arith.constant 24 : index
    %get3A_2435 = arith.constant 8 : index
    %get3A_2436 = memref.load %arg1[%get3A_2434, %get3A_2435] : memref<32x16xf32, #tpu.memory_space<smem>>
    %add3A_2437 = arith.addf %add3A_2429, %get3A_2436 : f32
    %get3A_2438 = arith.constant 25 : index
    %get3A_2439 = arith.constant 8 : index
    %get3A_2440 = memref.load %arg0[%get3A_2438, %get3A_2439] : memref<32x16xf32, #tpu.memory_space<smem>>
    %add3A_2441 = arith.addf %add3A_2433, %get3A_2440 : f32
    %get3A_2442 = arith.constant 25 : index
    %get3A_2443 = arith.constant 8 : index
    %get3A_2444 = memref.load %arg1[%get3A_2442, %get3A_2443] : memref<32x16xf32, #tpu.memory_space<smem>>
    %add3A_2445 = arith.addf %add3A_2437, %get3A_2444 : f32
    %get3A_2446 = arith.constant 26 : index
    %get3A_2447 = arith.constant 8 : index
    %get3A_2448 = memref.load %arg0[%get3A_2446, %get3A_2447] : memref<32x16xf32, #tpu.memory_space<smem>>
    %add3A_2449 = arith.addf %add3A_2441, %get3A_2448 : f32
    %get3A_2450 = arith.constant 26 : index
    %get3A_2451 = arith.constant 8 : index
    %get3A_2452 = memref.load %arg1[%get3A_2450, %get3A_2451] : memref<32x16xf32, #tpu.memory_space<smem>>
    %add3A_2453 = arith.addf %add3A_2445, %get3A_2452 : f32
    %get3A_2454 = arith.constant 27 : index
    %get3A_2455 = arith.constant 8 : index
    %get3A_2456 = memref.load %arg0[%get3A_2454, %get3A_2455] : memref<32x16xf32, #tpu.memory_space<smem>>
    %add3A_2457 = arith.addf %add3A_2449, %get3A_2456 : f32
    %get3A_2458 = arith.constant 27 : index
    %get3A_2459 = arith.constant 8 : index
    %get3A_2460 = memref.load %arg1[%get3A_2458, %get3A_2459] : memref<32x16xf32, #tpu.memory_space<smem>>
    %add3A_2461 = arith.addf %add3A_2453, %get3A_2460 : f32
    %get3A_2462 = arith.constant 28 : index
    %get3A_2463 = arith.constant 8 : index
    %get3A_2464 = memref.load %arg0[%get3A_2462, %get3A_2463] : memref<32x16xf32, #tpu.memory_space<smem>>
    %add3A_2465 = arith.addf %add3A_2457, %get3A_2464 : f32
    %get3A_2466 = arith.constant 28 : index
    %get3A_2467 = arith.constant 8 : index
    %get3A_2468 = memref.load %arg1[%get3A_2466, %get3A_2467] : memref<32x16xf32, #tpu.memory_space<smem>>
    %add3A_2469 = arith.addf %add3A_2461, %get3A_2468 : f32
    %get3A_2470 = arith.constant 29 : index
    %get3A_2471 = arith.constant 8 : index
    %get3A_2472 = memref.load %arg0[%get3A_2470, %get3A_2471] : memref<32x16xf32, #tpu.memory_space<smem>>
    %add3A_2473 = arith.addf %add3A_2465, %get3A_2472 : f32
    %get3A_2474 = arith.constant 29 : index
    %get3A_2475 = arith.constant 8 : index
    %get3A_2476 = memref.load %arg1[%get3A_2474, %get3A_2475] : memref<32x16xf32, #tpu.memory_space<smem>>
    %add3A_2477 = arith.addf %add3A_2469, %get3A_2476 : f32
    %get3A_2478 = arith.constant 30 : index
    %get3A_2479 = arith.constant 8 : index
    %get3A_2480 = memref.load %arg0[%get3A_2478, %get3A_2479] : memref<32x16xf32, #tpu.memory_space<smem>>
    %add3A_2481 = arith.addf %add3A_2473, %get3A_2480 : f32
    %get3A_2482 = arith.constant 30 : index
    %get3A_2483 = arith.constant 8 : index
    %get3A_2484 = memref.load %arg1[%get3A_2482, %get3A_2483] : memref<32x16xf32, #tpu.memory_space<smem>>
    %add3A_2485 = arith.addf %add3A_2477, %get3A_2484 : f32
    %get3A_2486 = arith.constant 31 : index
    %get3A_2487 = arith.constant 8 : index
    %get3A_2488 = memref.load %arg0[%get3A_2486, %get3A_2487] : memref<32x16xf32, #tpu.memory_space<smem>>
    %add3A_2489 = arith.addf %add3A_2481, %get3A_2488 : f32
    %get3A_2490 = arith.constant 31 : index
    %get3A_2491 = arith.constant 8 : index
    %get3A_2492 = memref.load %arg1[%get3A_2490, %get3A_2491] : memref<32x16xf32, #tpu.memory_space<smem>>
    %add3A_2493 = arith.addf %add3A_2485, %get3A_2492 : f32
    %get3A_2494 = arith.constant 0 : index
    %get3A_2495 = arith.constant 8 : index
    %get3A_2496 = memref.load %arg2[%get3A_2494, %get3A_2495] : memref<2x10xf32, #tpu.memory_space<smem>>
    %get3A_2497 = arith.constant 1 : index
    %get3A_2498 = arith.constant 8 : index
    %get3A_2499 = memref.load %arg2[%get3A_2497, %get3A_2498] : memref<2x10xf32, #tpu.memory_space<smem>>
    %sub3A_2500 = arith.subf %get3A_2496, %get3A_2216 : f32
    %add3A_2501 = arith.addf %add3A_2489, %sub3A_2500 : f32
    %sub3A_2502 = arith.subf %get3A_2499, %get3A_2219 : f32
    %add3A_2503 = arith.addf %add3A_2493, %sub3A_2502 : f32
    %gt3A_2504 = arith.constant 0.000000e+00 : f32
    %gt3A_2505 = arith.cmpf ogt, %add3A_2501, %gt3A_2504 : f32
    %max3A_2506 = arith.constant 1.000000e+00 : f32
    %max3A_2507 = arith.maximumf %add3A_2501, %max3A_2506 : f32
    %div3A_2508 = arith.divf %add3A_2503, %max3A_2507 : f32
    %jit3A_2509 = arith.constant 0.000000e+00 : f32
    %select_n3A_2510 = arith.select %gt3A_2505, %div3A_2508, %jit3A_2509 : f32
    %add3A_2511 = arith.addf %add3A_2231, %select_n3A_2510 : f32
    %jit3A_2512 = arith.constant 1.000000e+00 : f32
    %jit3A_2513 = arith.constant 0.000000e+00 : f32
    %select_n3A_2514 = arith.select %gt3A_2505, %jit3A_2512, %jit3A_2513 : f32
    %add3A_2515 = arith.addf %add3A_2235, %select_n3A_2514 : f32
    %get3A_2516 = arith.constant 0 : index
    %get3A_2517 = arith.constant 9 : index
    %get3A_2518 = memref.load %arg0[%get3A_2516, %get3A_2517] : memref<32x16xf32, #tpu.memory_space<smem>>
    %add3A_2519 = arith.constant 0.000000e+00 : f32
    %add3A_2520 = arith.addf %add3A_2519, %get3A_2518 : f32
    %get3A_2521 = arith.constant 0 : index
    %get3A_2522 = arith.constant 9 : index
    %get3A_2523 = memref.load %arg1[%get3A_2521, %get3A_2522] : memref<32x16xf32, #tpu.memory_space<smem>>
    %add3A_2524 = arith.constant 0.000000e+00 : f32
    %add3A_2525 = arith.addf %add3A_2524, %get3A_2523 : f32
    %get3A_2526 = arith.constant 1 : index
    %get3A_2527 = arith.constant 9 : index
    %get3A_2528 = memref.load %arg0[%get3A_2526, %get3A_2527] : memref<32x16xf32, #tpu.memory_space<smem>>
    %add3A_2529 = arith.addf %add3A_2520, %get3A_2528 : f32
    %get3A_2530 = arith.constant 1 : index
    %get3A_2531 = arith.constant 9 : index
    %get3A_2532 = memref.load %arg1[%get3A_2530, %get3A_2531] : memref<32x16xf32, #tpu.memory_space<smem>>
    %add3A_2533 = arith.addf %add3A_2525, %get3A_2532 : f32
    %get3A_2534 = arith.constant 2 : index
    %get3A_2535 = arith.constant 9 : index
    %get3A_2536 = memref.load %arg0[%get3A_2534, %get3A_2535] : memref<32x16xf32, #tpu.memory_space<smem>>
    %add3A_2537 = arith.addf %add3A_2529, %get3A_2536 : f32
    %get3A_2538 = arith.constant 2 : index
    %get3A_2539 = arith.constant 9 : index
    %get3A_2540 = memref.load %arg1[%get3A_2538, %get3A_2539] : memref<32x16xf32, #tpu.memory_space<smem>>
    %add3A_2541 = arith.addf %add3A_2533, %get3A_2540 : f32
    %get3A_2542 = arith.constant 3 : index
    %get3A_2543 = arith.constant 9 : index
    %get3A_2544 = memref.load %arg0[%get3A_2542, %get3A_2543] : memref<32x16xf32, #tpu.memory_space<smem>>
    %add3A_2545 = arith.addf %add3A_2537, %get3A_2544 : f32
    %get3A_2546 = arith.constant 3 : index
    %get3A_2547 = arith.constant 9 : index
    %get3A_2548 = memref.load %arg1[%get3A_2546, %get3A_2547] : memref<32x16xf32, #tpu.memory_space<smem>>
    %add3A_2549 = arith.addf %add3A_2541, %get3A_2548 : f32
    %get3A_2550 = arith.constant 4 : index
    %get3A_2551 = arith.constant 9 : index
    %get3A_2552 = memref.load %arg0[%get3A_2550, %get3A_2551] : memref<32x16xf32, #tpu.memory_space<smem>>
    %add3A_2553 = arith.addf %add3A_2545, %get3A_2552 : f32
    %get3A_2554 = arith.constant 4 : index
    %get3A_2555 = arith.constant 9 : index
    %get3A_2556 = memref.load %arg1[%get3A_2554, %get3A_2555] : memref<32x16xf32, #tpu.memory_space<smem>>
    %add3A_2557 = arith.addf %add3A_2549, %get3A_2556 : f32
    %get3A_2558 = arith.constant 5 : index
    %get3A_2559 = arith.constant 9 : index
    %get3A_2560 = memref.load %arg0[%get3A_2558, %get3A_2559] : memref<32x16xf32, #tpu.memory_space<smem>>
    %add3A_2561 = arith.addf %add3A_2553, %get3A_2560 : f32
    %get3A_2562 = arith.constant 5 : index
    %get3A_2563 = arith.constant 9 : index
    %get3A_2564 = memref.load %arg1[%get3A_2562, %get3A_2563] : memref<32x16xf32, #tpu.memory_space<smem>>
    %add3A_2565 = arith.addf %add3A_2557, %get3A_2564 : f32
    %get3A_2566 = arith.constant 6 : index
    %get3A_2567 = arith.constant 9 : index
    %get3A_2568 = memref.load %arg0[%get3A_2566, %get3A_2567] : memref<32x16xf32, #tpu.memory_space<smem>>
    %add3A_2569 = arith.addf %add3A_2561, %get3A_2568 : f32
    %get3A_2570 = arith.constant 6 : index
    %get3A_2571 = arith.constant 9 : index
    %get3A_2572 = memref.load %arg1[%get3A_2570, %get3A_2571] : memref<32x16xf32, #tpu.memory_space<smem>>
    %add3A_2573 = arith.addf %add3A_2565, %get3A_2572 : f32
    %get3A_2574 = arith.constant 7 : index
    %get3A_2575 = arith.constant 9 : index
    %get3A_2576 = memref.load %arg0[%get3A_2574, %get3A_2575] : memref<32x16xf32, #tpu.memory_space<smem>>
    %add3A_2577 = arith.addf %add3A_2569, %get3A_2576 : f32
    %get3A_2578 = arith.constant 7 : index
    %get3A_2579 = arith.constant 9 : index
    %get3A_2580 = memref.load %arg1[%get3A_2578, %get3A_2579] : memref<32x16xf32, #tpu.memory_space<smem>>
    %add3A_2581 = arith.addf %add3A_2573, %get3A_2580 : f32
    %get3A_2582 = arith.constant 8 : index
    %get3A_2583 = arith.constant 9 : index
    %get3A_2584 = memref.load %arg0[%get3A_2582, %get3A_2583] : memref<32x16xf32, #tpu.memory_space<smem>>
    %add3A_2585 = arith.addf %add3A_2577, %get3A_2584 : f32
    %get3A_2586 = arith.constant 8 : index
    %get3A_2587 = arith.constant 9 : index
    %get3A_2588 = memref.load %arg1[%get3A_2586, %get3A_2587] : memref<32x16xf32, #tpu.memory_space<smem>>
    %add3A_2589 = arith.addf %add3A_2581, %get3A_2588 : f32
    %get3A_2590 = arith.constant 9 : index
    %get3A_2591 = arith.constant 9 : index
    %get3A_2592 = memref.load %arg0[%get3A_2590, %get3A_2591] : memref<32x16xf32, #tpu.memory_space<smem>>
    %add3A_2593 = arith.addf %add3A_2585, %get3A_2592 : f32
    %get3A_2594 = arith.constant 9 : index
    %get3A_2595 = arith.constant 9 : index
    %get3A_2596 = memref.load %arg1[%get3A_2594, %get3A_2595] : memref<32x16xf32, #tpu.memory_space<smem>>
    %add3A_2597 = arith.addf %add3A_2589, %get3A_2596 : f32
    %get3A_2598 = arith.constant 10 : index
    %get3A_2599 = arith.constant 9 : index
    %get3A_2600 = memref.load %arg0[%get3A_2598, %get3A_2599] : memref<32x16xf32, #tpu.memory_space<smem>>
    %add3A_2601 = arith.addf %add3A_2593, %get3A_2600 : f32
    %get3A_2602 = arith.constant 10 : index
    %get3A_2603 = arith.constant 9 : index
    %get3A_2604 = memref.load %arg1[%get3A_2602, %get3A_2603] : memref<32x16xf32, #tpu.memory_space<smem>>
    %add3A_2605 = arith.addf %add3A_2597, %get3A_2604 : f32
    %get3A_2606 = arith.constant 11 : index
    %get3A_2607 = arith.constant 9 : index
    %get3A_2608 = memref.load %arg0[%get3A_2606, %get3A_2607] : memref<32x16xf32, #tpu.memory_space<smem>>
    %add3A_2609 = arith.addf %add3A_2601, %get3A_2608 : f32
    %get3A_2610 = arith.constant 11 : index
    %get3A_2611 = arith.constant 9 : index
    %get3A_2612 = memref.load %arg1[%get3A_2610, %get3A_2611] : memref<32x16xf32, #tpu.memory_space<smem>>
    %add3A_2613 = arith.addf %add3A_2605, %get3A_2612 : f32
    %get3A_2614 = arith.constant 12 : index
    %get3A_2615 = arith.constant 9 : index
    %get3A_2616 = memref.load %arg0[%get3A_2614, %get3A_2615] : memref<32x16xf32, #tpu.memory_space<smem>>
    %add3A_2617 = arith.addf %add3A_2609, %get3A_2616 : f32
    %get3A_2618 = arith.constant 12 : index
    %get3A_2619 = arith.constant 9 : index
    %get3A_2620 = memref.load %arg1[%get3A_2618, %get3A_2619] : memref<32x16xf32, #tpu.memory_space<smem>>
    %add3A_2621 = arith.addf %add3A_2613, %get3A_2620 : f32
    %get3A_2622 = arith.constant 13 : index
    %get3A_2623 = arith.constant 9 : index
    %get3A_2624 = memref.load %arg0[%get3A_2622, %get3A_2623] : memref<32x16xf32, #tpu.memory_space<smem>>
    %add3A_2625 = arith.addf %add3A_2617, %get3A_2624 : f32
    %get3A_2626 = arith.constant 13 : index
    %get3A_2627 = arith.constant 9 : index
    %get3A_2628 = memref.load %arg1[%get3A_2626, %get3A_2627] : memref<32x16xf32, #tpu.memory_space<smem>>
    %add3A_2629 = arith.addf %add3A_2621, %get3A_2628 : f32
    %get3A_2630 = arith.constant 14 : index
    %get3A_2631 = arith.constant 9 : index
    %get3A_2632 = memref.load %arg0[%get3A_2630, %get3A_2631] : memref<32x16xf32, #tpu.memory_space<smem>>
    %add3A_2633 = arith.addf %add3A_2625, %get3A_2632 : f32
    %get3A_2634 = arith.constant 14 : index
    %get3A_2635 = arith.constant 9 : index
    %get3A_2636 = memref.load %arg1[%get3A_2634, %get3A_2635] : memref<32x16xf32, #tpu.memory_space<smem>>
    %add3A_2637 = arith.addf %add3A_2629, %get3A_2636 : f32
    %get3A_2638 = arith.constant 15 : index
    %get3A_2639 = arith.constant 9 : index
    %get3A_2640 = memref.load %arg0[%get3A_2638, %get3A_2639] : memref<32x16xf32, #tpu.memory_space<smem>>
    %add3A_2641 = arith.addf %add3A_2633, %get3A_2640 : f32
    %get3A_2642 = arith.constant 15 : index
    %get3A_2643 = arith.constant 9 : index
    %get3A_2644 = memref.load %arg1[%get3A_2642, %get3A_2643] : memref<32x16xf32, #tpu.memory_space<smem>>
    %add3A_2645 = arith.addf %add3A_2637, %get3A_2644 : f32
    %get3A_2646 = arith.constant 16 : index
    %get3A_2647 = arith.constant 9 : index
    %get3A_2648 = memref.load %arg0[%get3A_2646, %get3A_2647] : memref<32x16xf32, #tpu.memory_space<smem>>
    %add3A_2649 = arith.addf %add3A_2641, %get3A_2648 : f32
    %get3A_2650 = arith.constant 16 : index
    %get3A_2651 = arith.constant 9 : index
    %get3A_2652 = memref.load %arg1[%get3A_2650, %get3A_2651] : memref<32x16xf32, #tpu.memory_space<smem>>
    %add3A_2653 = arith.addf %add3A_2645, %get3A_2652 : f32
    %get3A_2654 = arith.constant 17 : index
    %get3A_2655 = arith.constant 9 : index
    %get3A_2656 = memref.load %arg0[%get3A_2654, %get3A_2655] : memref<32x16xf32, #tpu.memory_space<smem>>
    %add3A_2657 = arith.addf %add3A_2649, %get3A_2656 : f32
    %get3A_2658 = arith.constant 17 : index
    %get3A_2659 = arith.constant 9 : index
    %get3A_2660 = memref.load %arg1[%get3A_2658, %get3A_2659] : memref<32x16xf32, #tpu.memory_space<smem>>
    %add3A_2661 = arith.addf %add3A_2653, %get3A_2660 : f32
    %get3A_2662 = arith.constant 18 : index
    %get3A_2663 = arith.constant 9 : index
    %get3A_2664 = memref.load %arg0[%get3A_2662, %get3A_2663] : memref<32x16xf32, #tpu.memory_space<smem>>
    %add3A_2665 = arith.addf %add3A_2657, %get3A_2664 : f32
    %get3A_2666 = arith.constant 18 : index
    %get3A_2667 = arith.constant 9 : index
    %get3A_2668 = memref.load %arg1[%get3A_2666, %get3A_2667] : memref<32x16xf32, #tpu.memory_space<smem>>
    %add3A_2669 = arith.addf %add3A_2661, %get3A_2668 : f32
    %get3A_2670 = arith.constant 19 : index
    %get3A_2671 = arith.constant 9 : index
    %get3A_2672 = memref.load %arg0[%get3A_2670, %get3A_2671] : memref<32x16xf32, #tpu.memory_space<smem>>
    %add3A_2673 = arith.addf %add3A_2665, %get3A_2672 : f32
    %get3A_2674 = arith.constant 19 : index
    %get3A_2675 = arith.constant 9 : index
    %get3A_2676 = memref.load %arg1[%get3A_2674, %get3A_2675] : memref<32x16xf32, #tpu.memory_space<smem>>
    %add3A_2677 = arith.addf %add3A_2669, %get3A_2676 : f32
    %get3A_2678 = arith.constant 20 : index
    %get3A_2679 = arith.constant 9 : index
    %get3A_2680 = memref.load %arg0[%get3A_2678, %get3A_2679] : memref<32x16xf32, #tpu.memory_space<smem>>
    %add3A_2681 = arith.addf %add3A_2673, %get3A_2680 : f32
    %get3A_2682 = arith.constant 20 : index
    %get3A_2683 = arith.constant 9 : index
    %get3A_2684 = memref.load %arg1[%get3A_2682, %get3A_2683] : memref<32x16xf32, #tpu.memory_space<smem>>
    %add3A_2685 = arith.addf %add3A_2677, %get3A_2684 : f32
    %get3A_2686 = arith.constant 21 : index
    %get3A_2687 = arith.constant 9 : index
    %get3A_2688 = memref.load %arg0[%get3A_2686, %get3A_2687] : memref<32x16xf32, #tpu.memory_space<smem>>
    %add3A_2689 = arith.addf %add3A_2681, %get3A_2688 : f32
    %get3A_2690 = arith.constant 21 : index
    %get3A_2691 = arith.constant 9 : index
    %get3A_2692 = memref.load %arg1[%get3A_2690, %get3A_2691] : memref<32x16xf32, #tpu.memory_space<smem>>
    %add3A_2693 = arith.addf %add3A_2685, %get3A_2692 : f32
    %get3A_2694 = arith.constant 22 : index
    %get3A_2695 = arith.constant 9 : index
    %get3A_2696 = memref.load %arg0[%get3A_2694, %get3A_2695] : memref<32x16xf32, #tpu.memory_space<smem>>
    %add3A_2697 = arith.addf %add3A_2689, %get3A_2696 : f32
    %get3A_2698 = arith.constant 22 : index
    %get3A_2699 = arith.constant 9 : index
    %get3A_2700 = memref.load %arg1[%get3A_2698, %get3A_2699] : memref<32x16xf32, #tpu.memory_space<smem>>
    %add3A_2701 = arith.addf %add3A_2693, %get3A_2700 : f32
    %get3A_2702 = arith.constant 23 : index
    %get3A_2703 = arith.constant 9 : index
    %get3A_2704 = memref.load %arg0[%get3A_2702, %get3A_2703] : memref<32x16xf32, #tpu.memory_space<smem>>
    %add3A_2705 = arith.addf %add3A_2697, %get3A_2704 : f32
    %get3A_2706 = arith.constant 23 : index
    %get3A_2707 = arith.constant 9 : index
    %get3A_2708 = memref.load %arg1[%get3A_2706, %get3A_2707] : memref<32x16xf32, #tpu.memory_space<smem>>
    %add3A_2709 = arith.addf %add3A_2701, %get3A_2708 : f32
    %get3A_2710 = arith.constant 24 : index
    %get3A_2711 = arith.constant 9 : index
    %get3A_2712 = memref.load %arg0[%get3A_2710, %get3A_2711] : memref<32x16xf32, #tpu.memory_space<smem>>
    %add3A_2713 = arith.addf %add3A_2705, %get3A_2712 : f32
    %get3A_2714 = arith.constant 24 : index
    %get3A_2715 = arith.constant 9 : index
    %get3A_2716 = memref.load %arg1[%get3A_2714, %get3A_2715] : memref<32x16xf32, #tpu.memory_space<smem>>
    %add3A_2717 = arith.addf %add3A_2709, %get3A_2716 : f32
    %get3A_2718 = arith.constant 25 : index
    %get3A_2719 = arith.constant 9 : index
    %get3A_2720 = memref.load %arg0[%get3A_2718, %get3A_2719] : memref<32x16xf32, #tpu.memory_space<smem>>
    %add3A_2721 = arith.addf %add3A_2713, %get3A_2720 : f32
    %get3A_2722 = arith.constant 25 : index
    %get3A_2723 = arith.constant 9 : index
    %get3A_2724 = memref.load %arg1[%get3A_2722, %get3A_2723] : memref<32x16xf32, #tpu.memory_space<smem>>
    %add3A_2725 = arith.addf %add3A_2717, %get3A_2724 : f32
    %get3A_2726 = arith.constant 26 : index
    %get3A_2727 = arith.constant 9 : index
    %get3A_2728 = memref.load %arg0[%get3A_2726, %get3A_2727] : memref<32x16xf32, #tpu.memory_space<smem>>
    %add3A_2729 = arith.addf %add3A_2721, %get3A_2728 : f32
    %get3A_2730 = arith.constant 26 : index
    %get3A_2731 = arith.constant 9 : index
    %get3A_2732 = memref.load %arg1[%get3A_2730, %get3A_2731] : memref<32x16xf32, #tpu.memory_space<smem>>
    %add3A_2733 = arith.addf %add3A_2725, %get3A_2732 : f32
    %get3A_2734 = arith.constant 27 : index
    %get3A_2735 = arith.constant 9 : index
    %get3A_2736 = memref.load %arg0[%get3A_2734, %get3A_2735] : memref<32x16xf32, #tpu.memory_space<smem>>
    %add3A_2737 = arith.addf %add3A_2729, %get3A_2736 : f32
    %get3A_2738 = arith.constant 27 : index
    %get3A_2739 = arith.constant 9 : index
    %get3A_2740 = memref.load %arg1[%get3A_2738, %get3A_2739] : memref<32x16xf32, #tpu.memory_space<smem>>
    %add3A_2741 = arith.addf %add3A_2733, %get3A_2740 : f32
    %get3A_2742 = arith.constant 28 : index
    %get3A_2743 = arith.constant 9 : index
    %get3A_2744 = memref.load %arg0[%get3A_2742, %get3A_2743] : memref<32x16xf32, #tpu.memory_space<smem>>
    %add3A_2745 = arith.addf %add3A_2737, %get3A_2744 : f32
    %get3A_2746 = arith.constant 28 : index
    %get3A_2747 = arith.constant 9 : index
    %get3A_2748 = memref.load %arg1[%get3A_2746, %get3A_2747] : memref<32x16xf32, #tpu.memory_space<smem>>
    %add3A_2749 = arith.addf %add3A_2741, %get3A_2748 : f32
    %get3A_2750 = arith.constant 29 : index
    %get3A_2751 = arith.constant 9 : index
    %get3A_2752 = memref.load %arg0[%get3A_2750, %get3A_2751] : memref<32x16xf32, #tpu.memory_space<smem>>
    %add3A_2753 = arith.addf %add3A_2745, %get3A_2752 : f32
    %get3A_2754 = arith.constant 29 : index
    %get3A_2755 = arith.constant 9 : index
    %get3A_2756 = memref.load %arg1[%get3A_2754, %get3A_2755] : memref<32x16xf32, #tpu.memory_space<smem>>
    %add3A_2757 = arith.addf %add3A_2749, %get3A_2756 : f32
    %get3A_2758 = arith.constant 30 : index
    %get3A_2759 = arith.constant 9 : index
    %get3A_2760 = memref.load %arg0[%get3A_2758, %get3A_2759] : memref<32x16xf32, #tpu.memory_space<smem>>
    %add3A_2761 = arith.addf %add3A_2753, %get3A_2760 : f32
    %get3A_2762 = arith.constant 30 : index
    %get3A_2763 = arith.constant 9 : index
    %get3A_2764 = memref.load %arg1[%get3A_2762, %get3A_2763] : memref<32x16xf32, #tpu.memory_space<smem>>
    %add3A_2765 = arith.addf %add3A_2757, %get3A_2764 : f32
    %get3A_2766 = arith.constant 31 : index
    %get3A_2767 = arith.constant 9 : index
    %get3A_2768 = memref.load %arg0[%get3A_2766, %get3A_2767] : memref<32x16xf32, #tpu.memory_space<smem>>
    %add3A_2769 = arith.addf %add3A_2761, %get3A_2768 : f32
    %get3A_2770 = arith.constant 31 : index
    %get3A_2771 = arith.constant 9 : index
    %get3A_2772 = memref.load %arg1[%get3A_2770, %get3A_2771] : memref<32x16xf32, #tpu.memory_space<smem>>
    %add3A_2773 = arith.addf %add3A_2765, %get3A_2772 : f32
    %get3A_2774 = arith.constant 0 : index
    %get3A_2775 = arith.constant 9 : index
    %get3A_2776 = memref.load %arg2[%get3A_2774, %get3A_2775] : memref<2x10xf32, #tpu.memory_space<smem>>
    %get3A_2777 = arith.constant 1 : index
    %get3A_2778 = arith.constant 9 : index
    %get3A_2779 = memref.load %arg2[%get3A_2777, %get3A_2778] : memref<2x10xf32, #tpu.memory_space<smem>>
    %sub3A_2780 = arith.subf %get3A_2776, %get3A_2496 : f32
    %add3A_2781 = arith.addf %add3A_2769, %sub3A_2780 : f32
    %sub3A_2782 = arith.subf %get3A_2779, %get3A_2499 : f32
    %add3A_2783 = arith.addf %add3A_2773, %sub3A_2782 : f32
    %gt3A_2784 = arith.constant 0.000000e+00 : f32
    %gt3A_2785 = arith.cmpf ogt, %add3A_2781, %gt3A_2784 : f32
    %max3A_2786 = arith.constant 1.000000e+00 : f32
    %max3A_2787 = arith.maximumf %add3A_2781, %max3A_2786 : f32
    %div3A_2788 = arith.divf %add3A_2783, %max3A_2787 : f32
    %jit3A_2789 = arith.constant 0.000000e+00 : f32
    %select_n3A_2790 = arith.select %gt3A_2785, %div3A_2788, %jit3A_2789 : f32
    %add3A_2791 = arith.addf %add3A_2511, %select_n3A_2790 : f32
    %jit3A_2792 = arith.constant 1.000000e+00 : f32
    %jit3A_2793 = arith.constant 0.000000e+00 : f32
    %select_n3A_2794 = arith.select %gt3A_2785, %jit3A_2792, %jit3A_2793 : f32
    %add3A_2795 = arith.addf %add3A_2515, %select_n3A_2794 : f32
    %gt3A_2796 = arith.constant 0.000000e+00 : f32
    %gt3A_2797 = arith.cmpf ogt, %add3A_2795, %gt3A_2796 : f32
    %max3A_2798 = arith.constant 1.000000e+00 : f32
    %max3A_2799 = arith.maximumf %add3A_2795, %max3A_2798 : f32
    %div3A_2800 = arith.divf %add3A_2791, %max3A_2799 : f32
    %jit3A_2801 = arith.constant 0.000000e+00 : f32
    %select_n3A_2802 = arith.select %gt3A_2797, %div3A_2800, %jit3A_2801 : f32
    %swap3A = arith.constant 0 : index
    %swap3A_2803 = arith.constant 0 : index
    %swap3A_2804 = memref.load %arg3[%swap3A, %swap3A_2803] : memref<1x1xf32, #tpu.memory_space<smem>>
    memref.store %select_n3A_2802, %arg3[%swap3A, %swap3A_2803] : memref<1x1xf32, #tpu.memory_space<smem>>
    return
  }
}

</mosaic_0001>

<sc_bundles>
// kernel: kernel.5.cloned.1.call-start
scs
__scs_entry_jumppad:
0x0: {  	(pc) =	sbr.rel $0x88, $3  }
0x1: {  	(tag) =	ssettag $0x0;
	lr =	simm.s32 $0x1  }
0x2: {  	[smem:$0x3F9F] =	sst lr;
	_ =	strace $0xD0000000  }
0x3: {  	_ = 	snop  }
0x4: {  	_ = 	snop  }
0x5: {  	_ = 	snop  }
0x6: {  	_ = 	snop  }
0x7: {  	_ = 	snop  }
__scs_overlays_trampoline_lowered:
0x8: {  	[smem:$0x3FAE] =	sst s0  }
0x9: {  	[smem:$0x3FAF] =	sst s1  }
0xa: {  	[smem:$0x3FB0] =	sst s2  }
0xb: {  	[smem:$0x3FB1] =	sst s3  }
0xc: {  	[smem:$0x3FB2] =	sst s4  }
0xd: {  	[smem:$0x3FB3] =	sst s5  }
0xe: {  	[smem:$0x3FB4] =	sst s6  }
0xf: {  	[smem:$0x3FB5] =	sst s7  }
0x10: {  	[smem:$0x3FB6] =	sst s8  }
0x11: {  	[smem:$0x3FB7] =	sst s9;
	s0 =	simm.s32 @!p0 $0x0  }
0x12: {  	s1 =	sld [smem:$0x3F9D];
	s0 =	simm.s32 @p0 $0x1  }
0x13: {  	[smem:$0x3FB8] =	sst s0;
	s0 =	simm.s32 @!p1 $0x0  }
0x14: {  	s2 =	sld [smem:$0x3F9C];
	s0 =	simm.s32 @p1 $0x1  }
0x15: {  	[smem:$0x3FB9] =	sst s0;
	s0 =	simm.s32 @!p2 $0x0  }
0x16: {  	s3 =	sld [smem:$0x3FDB];
	s0 =	simm.s32 @p2 $0x1  }
0x17: {  	s4 =	simm.s32 $0x1BF5;
	[smem:$0x3FBB] =	sst s0  }
0x18: {  	s0 =	sld [smem:$0x3F9E];
	_ =	swait.ge [sflag:s4], $0x0  }
0x19: {  	s7 =	sld [smem:$0x3F9F]  }
0x1a: {  	s8 =	sadd.s32 $0xFFFFE003, lr  }
0x1b: {  	s9 =	sadd.s32 $0xFFFFFEF7, lr;
	s5 =	simm.s32 $0xFFFFFFFF;
	p2 =	slt.u32 s8, $0xFFFFF086  }
0x1c: {  	p1 =	slt.u32 s9, $0xF7A;
	s5 =	simm.s32 @!p2 $0x0  }
0x1d: {  	s5 =	simm.s32 @p1 $0x1;
	p0 =	seq.s32 s7, s2  }
0x1e: {  	s7 =	smul.u32 @!p0 $0xF7A, s2;
	p2 =	seq.s32 @!p0 s5, $0x0  }
0x1f: {  	s9 =	smul.u32 $0xF7A, s1;
	s8 =	simm.s32 @!p0 $0x1BF5;
	p2 =	por !p2, p0  }
0x20: {  	[sflag:s8] =	ssyncset.s32 @!p0 $0xFFFFF086;
	s6 =	sadd.s32 @!p0 s3, s7;
	s7 =	simm.s32 @!p0 $0x108  }
0x21: {  	s3 =	sadd.s32 s3, s9;
	s6 =	sadd.s32 @!p0 $0x88, s6;
	s7 =	simm.s32 @p2 $0x1082  }
0x22: {  	[simem:s7], [sflag:s8] =	dma.local @!p0 [hbm:s6], $0xF7A  }
0x23: {  	s9 =	sor.u32 $0xD0000000, s2;
	s6 =	simm.s32 $0x108;
	_ =	swait.ge @!p0 [sflag:s8], $0x0  }
0x24: {  	s3 =	sadd.s32 $0x88, s3;
	s6 =	simm.s32 @!p1 $0x1082;
	[sflag:s4] =	ssyncset.s32 $0xFFFFF086  }
0x25: {  	[simem:s6], [sflag:s4] =	dma.local [hbm:s3], $0xF7A  }
0x26: {  	[smem:$0x3F9F] =	sst s1;
	(tag) =	ssettag s2;
	_ =	strace s9  }
0x27: {  	s1 =	sld [smem:$0x3FAF]  }
0x28: {  	s2 =	sld [smem:$0x3FB0]  }
0x29: {  	s4 =	sld [smem:$0x3FB2]  }
0x2a: {  	p0 =	seq.s32 s5, $0x0;
	s5 =	sld [smem:$0x3FB3]  }
0x2b: {  	s6 =	sld [smem:$0x3FB4]  }
0x2c: {  	s7 =	sld [smem:$0x3FB5]  }
0x2d: {  	s3 =	simm.s32 $0x108;
	s8 =	sld [smem:$0x3FB6]  }
0x2e: {  	s3 =	simm.s32 @!p0 $0x1082;
	s9 =	sld [smem:$0x3FB7]  }
0x2f: {  	lr =	sadd.s32 s0, s3;
	s0 =	sld [smem:$0x3FAE]  }
0x30: {  	s3 =	sld [smem:$0x3FB1]  }
0x31: {  	[smem:$0x3FBA] =	sst s10  }
0x32: {  	s10 =	sld [smem:$0x3FB8];
	_ =	sdelay $0x3  }
0x33: {  	p0 =	seq.s32 s10, $0x1;
	s10 =	sld [smem:$0x3FBA];
	_ =	sdelay $0x3  }
0x34: {  	[smem:$0x3FBA] =	sst s10  }
0x35: {  	s10 =	sld [smem:$0x3FB9];
	_ =	sdelay $0x3  }
0x36: {  	p1 =	seq.s32 s10, $0x1;
	s10 =	sld [smem:$0x3FBA];
	_ =	sdelay $0x3  }
0x37: {  	[smem:$0x3FBA] =	sst s10  }
0x38: {  	s10 =	sld [smem:$0x3FBB]  }
0x39: {  	_ = 	snop;
	(pc) =	sbr.ind lr, $3  }
0x3a: {  	_ = 	snop  }
0x3b: {  	_ = 	snop  }
0x3c: {  	p2 =	seq.s32 s10, $0x1;
	s10 =	sld [smem:$0x3FBA]  }
0x3d: {  	_ =	shalt  }
0x3e: {  	_ =	shalt  }
0x3f: {  	_ =	shalt  }
0x40: {  	_ =	shalt  }
0x41: {  	_ =	shalt  }
0x42: {  	_ =	shalt  }
0x43: {  	_ =	shalt  }
0x44: {  	_ =	shalt  }
0x45: {  	_ =	shalt  }
0x46: {  	_ =	shalt  }
0x47: {  	_ =	shalt  }
0x48: {  	_ =	shalt  }
0x49: {  	_ =	shalt  }
0x4a: {  	_ =	shalt  }
0x4b: {  	_ =	shalt  }
0x4c: {  	_ =	shalt  }
0x4d: {  	_ =	shalt  }
0x4e: {  	_ =	shalt  }
0x4f: {  	_ =	shalt  }
0x50: {  	_ =	shalt  }
0x51: {  	_ =	shalt  }
0x52: {  	_ =	shalt  }
0x53: {  	_ =	shalt  }
0x54: {  	_ =	shalt  }
0x55: {  	_ =	shalt  }
0x56: {  	_ =	shalt  }
0x57: {  	_ =	shalt  }
0x58: {  	_ =	shalt  }
0x59: {  	_ =	shalt  }
0x5a: {  	_ =	shalt  }
0x5b: {  	_ =	shalt  }
0x5c: {  	_ =	shalt  }
0x5d: {  	_ =	shalt  }
0x5e: {  	_ =	shalt  }
0x5f: {  	_ =	shalt  }
0x60: {  	_ =	shalt  }
0x61: {  	_ =	shalt  }
0x62: {  	_ =	shalt  }
0x63: {  	_ =	shalt  }
0x64: {  	_ =	shalt  }
0x65: {  	_ =	shalt  }
0x66: {  	_ =	shalt  }
0x67: {  	_ =	shalt  }
0x68: {  	_ =	shalt  }
0x69: {  	_ =	shalt  }
0x6a: {  	_ =	shalt  }
0x6b: {  	_ =	shalt  }
0x6c: {  	_ =	shalt  }
0x6d: {  	_ =	shalt  }
0x6e: {  	_ =	shalt  }
0x6f: {  	_ =	shalt  }
0x70: {  	_ =	shalt  }
0x71: {  	_ =	shalt  }
0x72: {  	_ =	shalt  }
0x73: {  	_ =	shalt  }
0x74: {  	_ =	shalt  }
0x75: {  	_ =	shalt  }
0x76: {  	_ =	shalt  }
0x77: {  	_ =	shalt  }
0x78: {  	_ =	shalt  }
0x79: {  	_ =	shalt  }
0x7a: {  	_ =	shalt  }
0x7b: {  	_ =	shalt  }
0x7c: {  	_ =	shalt  }
0x7d: {  	_ =	shalt  }
0x7e: {  	_ =	shalt  }
0x7f: {  	_ =	shalt  }
0x80: {  	_ =	shalt  }
0x81: {  	_ =	shalt  }
0x82: {  	_ =	shalt  }
0x83: {  	_ =	shalt  }
0x84: {  	_ =	shalt  }
0x85: {  	_ =	shalt  }
0x86: {  	_ =	shalt  }
0x87: {  	_ =	shalt  }
.Lfunc_end0:
.L_simem_size_0:
called_computation_lowered:
.L_overlay_start_0:
0x88: {  	s2 =	sld [smem:$0x3FD9]  }
0x89: {  	s3 =	sld [smem:$0x3FFE];
	_ =	sdelay $0x1  }
0x8a: {  	s1 =	srdreg.scid  }
0x8b: {  	s0 =	sand.u32 $0x1, s1  }
0x8c: {  	s16 =	sshll.u32 s0, $0xA;
	s2 =	sadd.s32 s3, s2  }
0x8d: {  	s2 =	sadd.s32 s2, s16  }
0x8e: {  	[smem:$0x3FC6] =	sst s2  }
0x8f: {  	_ = 	snop  }
0x90: {  	(tm) =	ssettm $0x1  }
0x91: {  	s17 =	sld [smem:$0x3FFB];
	_ =	sdelay $0x3  }
0x92: {  	_ =	strace s17  }
0x93: {  	s2 =	sld [smem:$0x3FFC];
	_ =	sdelay $0x3  }
0x94: {  	_ =	strace s2  }
0x95: {  	s2 =	sld [smem:$0x3FFD];
	_ =	sdelay $0x3  }
0x96: {  	_ =	strace s2  }
0x97: {  	_ =	strace $0x8FFFFFFF  }
0x98: {  	s18 =	sld [smem:$0x3FDB];
	_ =	sdelay $0x1  }
0x99: {  	s19 =	simm.s32 $_scs_section_size  }
0x9a: {  	s4 =	simm.s32 $_size__tile_overlayer_lowered;
	s5 =	simm.s32 $_tile_overlayer_lowered  }
0x9b: {  	s22 =	simm.s32 $0x1BFF;
	s21 =	sshll.u32 s5, $0x1;
	s2 =	sadd.s32 s19, s18  }
0x9c: {  	s6 =	simm.s32 $0x0;
	s20 =	sshll.u32 s4, $0x1;
	s4 =	sadd.s32 s21, s2  }
0x9d: {  	[timem:s6], [sflag:s22] =	dma.local [hbm:s4], s20  }
0x9e: {  	_ =	swait.ge [sflag:s22], s20  }
0x9f: {  	s3 =	ssub.s32 $0x0, s20;
	[sflag:s22] =	ssyncset.done $0x0  }
0xa0: {  	[sflag:s22] =	ssyncadd.s32 s3;
	_ =	sdelay $0x1  }
0xa1: {  	s23 =	simm.s32 $0x1B8B  }
0xa2: {  	_ =	swait.ge [sflag:s23], $0x1  }
0xa3: {  	[sflag:s23] =	ssyncset.done $0x0  }
0xa4: {  	s25 =	simm.s32 $0x1B8E;
	s24 =	sld [smem:$0x3FFE];
	[sflag:s23] =	ssyncadd.s32 $0xFFFFFFFF  }
0xa5: {  	s26 =	simm.s32 $execute0_lowered;
	[smem:$0x3FD2] =	sst s25  }
0xa6: {  	s4 =	sshll.u32 s26, $0x1;
	_ =	strace $0x80000046;
	[dreg:$0x1] =	wrdreg $0xFFFFFFFF  }
0xa7: {  	s28 =	simm.s32 $_size_execute0_lowered;
	s2 =	sadd.s32 s2, s4;
	[dreg:$0x0] =	wrdreg $0x0  }
0xa8: {  	s4 =	sshll.u32 s28, $0x1;
	[dreg:$0x2] =	wrdreg s2  }
0xa9: {  	[dreg:$0x3] =	wrdreg s4  }
0xaa: {  	[dreg:$0x4] =	wrdreg $0xC0  }
0xab: {  	_ =	task [dreg:s6], $0x5FFFF  }
0xac: {  	[dreg:$0x1] =	wrdreg $0xFFFFFFFF  }
0xad: {  	[dreg:$0x0] =	wrdreg $0x60  }
0xae: {  	[dreg:$0x2] =	wrdreg s24  }
0xaf: {  	[dreg:$0x3] =	wrdreg $0x9  }
0xb0: {  	_ =	task.clear_ibuf [dreg:s6], $0x4FFFF;
	_ =	strace $0x90000046  }
0xb1: {  	s29 =	simm.s32 $0x9;
	_ =	strace $0x80000048  }
0xb2: {  	_ =	swait.ge [sflag:s29], $0x1  }
0xb3: {  	[sflag:s29] =	ssyncadd.s32 $0xFFFFFFFF  }
0xb4: {  	_ =	strace $0x90000048  }
0xb5: {  	_ =	sfence  }
0xb6: {  	s30 =	sld [smem:$0x0];
	_ =	sdelay $0x2  }
0xb7: {  	s31 =	sshll.u32 s1, $0xD;
	s1 =	sshrl.u32 s1, $0x2  }
0xb8: {  	s3 =	sand.u32 $0x4000, s31;
	s1 =	sadd.s32 s1, s30  }
0xb9: {  	s0 =	sor.u32 s3, s0;
	s1 =	sshll.u32 s1, $0x11  }
0xba: {  	s0 =	sor.u32 s1, s0  }
0xbb: {  	s0 =	sadd.s32 $0x8F2B, s0  }
0xbc: {  	[sflag:s0] =	ssyncadd.remote.s32 $0x1  }
0xbd: {  	_ =	sfence.sel $0xFFFF  }
0xbe: {  	[dreg:$0x0] =	wrdreg $0xFFFFFFFF;
	(pc) =	sbr.abs _section_cstart, $3  }
0xbf: {  	[dreg:$0x1] =	wrdreg $0xFFFFFFFF  }
0xc0: {  	_ =	task.clear_ibuf [dreg:s6], $0x2FFFF;
	_ =	strace $0x9FFFFFFF  }
0xc1: {  	(tm) =	ssettm $0x7FFFFFFF  }
tec
execute0_lowered:
.L_overlay_start_1:
0x0: {  	(tag) =	ssettag $0x1  }
0x1: {  	s5 =	rddreg [dreg:$0x0]  }
0x2: {  	s0 =	rddreg [dreg:$0x1];
	s2 =	simm.s32 $0x0;
	s3 =	srdreg.scid  }
0x3: {  	s1 =	stileid.u32;
	s14 =	simm.s32 $0x7D00;
	s15 =	simm.s32 $0x3E80  }
0x4: {  	s16 =	simm.s32 $0xBB80;
	s17 =	simm.s32 $0x1;
	s18 =	simm.s32 $0xFA00  }
0x5: {  	s19 =	simm.s32 $0xFB00;
	s20 =	simm.s32 $0x2;
	s21 =	simm.s32 $0x3  }
0x6: {  	s22 =	simm.s32 $0x0;
	s6 =	sand.u32 $0x1, s3;
	s28 =	sshll.u32 s1, $0x1  }
0x7: {  	[smem:$0x7FF] =	sst s2;
	s3 =	sadd.s32 $0x200800, s5;
	s7 =	sor.u32 s6, s28  }
0x8: {  	s4 =	sadd.s32 $0x5F4800, s5;
	s6 =	ssub.s32 $0x2, s6;
	s10 =	smul.u32 $0x17700, s7  }
0x9: {  	_ =	strace $0x80000047;
	s7 =	sshll.u32 s7, $0x1;
	s29 =	sshrl.u32 s6, $0x1  }
.Ltmp0:
0xa: {  	s12 =	sadd.s32 s7, s5;
	s9 =	sadd.s32 $0xCB9D00, s10;
	(pc) =	sbr.rel .LBB2_1-.Ltmp0, $4  }
0xb: {  	v0 =	vimm.f32 $0.0e+00;
	v1 =	vlaneseq.u32;
	vm0 =	vcmask $0x328;
	s30 =	sshrl.u32 s10, $0x3;
	s10 =	sadd.s32 $0xCBDB80, s10;
	s11 =	sadd.s32 $0x7E8800, s12  }
0xc: {  	v2 =	vimm.f32 $1.000000000e+00;
	vm1 =	vcmask $0x728;
	vm2 =	vcmask $0xB28;
	s13 =	ssub.s32 s6, s29;
	s12 =	sadd.s32 $0x7E8A00, s12;
	s31 =	sadd.s32 $0x196400, s30  }
0xd: {  	vm3 =	vcmask $0xF28;
	vm4 =	vcmask $0x1328;
	vm5 =	vcmask $0x1728;
	s13 =	smax.u32 s13, $0x1;
	s8 =	sadd.s32 $0x196BD0, s30;
	s5 =	sadd.s32 s3, s31  }
0xe: {  	vm6 =	vcmask $0x1B28;
	vm7 =	vcmask $0x1F28;
	vm8 =	vcmask $0x2328;
	s6 =	sadd.s32 s4, s31;
	s7 =	sadd.s32 s3, s8;
	s8 =	sadd.s32 s4, s8  }
.LBB2_8:
0xf: {  	v3 =	vld [tilespmem:$0xFA00]  }
0x10: {  	v4 =	vld [tilespmem:$0xFB00]  }
0x11: {  	v5 =	vld [tilespmem:$0xFA10]  }
0x12: {  	v6 =	vld [tilespmem:$0xFB10]  }
0x13: {  	v7 =	vld [tilespmem:$0xFA20]  }
0x14: {  	(xrf2) =	vadd.scan.msk.f32 $0xffff, v3;
	v3 =	vld [tilespmem:$0xFB20]  }
0x15: {  	v26 =	vld [tilespmem:$0xFA30];
	(xrf2) =	vadd.scan.msk.f32 $0xffff, v4  }
0x16: {  	v27 =	vld [tilespmem:$0xFB30];
	(xrf2) =	vadd.scan.msk.f32 $0xffff, v5  }
0x17: {  	v28 =	vld [tilespmem:$0xFA40];
	(xrf2) =	vadd.scan.msk.f32 $0xffff, v6  }
0x18: {  	v29 =	vld [tilespmem:$0xFB40];
	(xrf2) =	vadd.scan.msk.f32 $0xffff, v7  }
0x19: {  	(xrf2) =	vadd.scan.msk.f32 $0xffff, v3;
	v3 =	vld [tilespmem:$0xFA50]  }
0x1a: {  	v30 =	vld [tilespmem:$0xFB50];
	(xrf2) =	vadd.scan.msk.f32 $0xffff, v26  }
0x1b: {  	v31 =	vld [tilespmem:$0xFA60];
	(xrf2) =	vadd.scan.msk.f32 $0xffff, v27  }
0x1c: {  	v32 =	vld [tilespmem:$0xFB60];
	(xrf2) =	vadd.scan.msk.f32 $0xffff, v28  }
0x1d: {  	v33 =	vld [tilespmem:$0xFA70];
	(xrf2) =	vadd.scan.msk.f32 $0xffff, v29  }
0x1e: {  	v8, _, _ =	vpop (xrf2);
	(xrf2) =	vadd.scan.msk.f32 $0xffff, v3;
	v3 =	vld [tilespmem:$0xFB70]  }
0x1f: {  	v34 =	vld [tilespmem:$0xFA80];
	v9, _, _ =	vpop (xrf2);
	(xrf2) =	vadd.scan.msk.f32 $0xffff, v30  }
0x20: {  	v35 =	vld [tilespmem:$0xFB80];
	v10, _, _ =	vpop (xrf2);
	(xrf2) =	vadd.scan.msk.f32 $0xffff, v31  }
0x21: {  	v36 =	vld [tilespmem:$0xFA90];
	v11, _, _ =	vpop (xrf2);
	(xrf2) =	vadd.scan.msk.f32 $0xffff, v32  }
0x22: {  	v37 =	vld [tilespmem:$0xFB90];
	v12, _, _ =	vpop (xrf2);
	(xrf2) =	vadd.scan.msk.f32 $0xffff, v33  }
0x23: {  	v13, _, _ =	vpop (xrf2);
	(xrf2) =	vadd.scan.msk.f32 $0xffff, v3  }
0x24: {  	v3, _, _ =	vpop (xrf2);
	(xrf2) =	vadd.scan.msk.f32 $0xffff, v34  }
0x25: {  	v38 =	vbroadcast v8, $0xF;
	v39, _, _ =	vpop (xrf2);
	(xrf2) =	vadd.scan.msk.f32 $0xffff, v35  }
0x26: {  	vm9 =	vmmov $0x1;
	v40 =	vbroadcast v9, $0xF;
	v41, _, _ =	vpop (xrf2);
	(xrf2) =	vadd.scan.msk.f32 $0xffff, v36  }
0x27: {  	v4 =	vnsel vm9, $0x0, v38;
	v42 =	vbroadcast v10, $0xF;
	v43, _, _ =	vpop (xrf2);
	(xrf2) =	vadd.scan.msk.f32 $0xffff, v37  }
0x28: {  	v5 =	vnsel vm9, $0x0, v40;
	v11 =	vbroadcast v11, $0xF;
	v12 =	vbroadcast v12, $0xF;
	v44, _, _ =	vpop (xrf2)  }
0x29: {  	v4 =	vsel vm0, v4, v42;
	v45 =	vbroadcast v13, $0xF;
	v3 =	vbroadcast v3, $0xF;
	v14, _, _ =	vpop (xrf2)  }
0x2a: {  	v5 =	vsel vm0, v5, v11;
	v4 =	vsel vm1, v4, v12;
	v8 =	vbroadcast v39, $0xF;
	v46, _, _ =	vpop (xrf2)  }
0x2b: {  	v5 =	vsel vm1, v5, v45;
	v3 =	vsel vm2, v4, v3;
	v48 =	vbroadcast v41, $0xF;
	v47, _, _ =	vpop (xrf2)  }
0x2c: {  	v5 =	vsel vm2, v5, v8;
	v50 =	vbroadcast v43, $0xF;
	v7 =	vbroadcast v44, $0xF;
	v49, _, _ =	vpop (xrf2)  }
0x2d: {  	v3 =	vsel vm3, v3, v48;
	v52 =	vbroadcast v14, $0xF;
	v53 =	vbroadcast v46, $0xF;
	v51, _, _ =	vpop (xrf2)  }
0x2e: {  	v5 =	vsel vm3, v5, v50;
	v3 =	vsel vm4, v3, v7;
	v55 =	vbroadcast v47, $0xF;
	v54, _, _ =	vpop (xrf2)  }
0x2f: {  	v4 =	vsel vm4, v5, v52;
	v3 =	vsel vm5, v3, v53;
	v57 =	vbroadcast v49, $0xF;
	v56, _, _ =	vpop (xrf2)  }
0x30: {  	v4 =	vsel vm5, v4, v55;
	v59 =	vbroadcast v51, $0xF;
	v60 =	vbroadcast v54, $0xF;
	v58, _, _ =	vpop (xrf2)  }
0x31: {  	v3 =	vsel vm6, v3, v57;
	v61 =	vbroadcast v56, $0xF;
	v62, _, _ =	vpop (xrf2);
	v6 =	vbroadcast v58, $0xF  }
0x32: {  	v4 =	vsel vm6, v4, v59;
	v3 =	vsel vm7, v3, v60;
	v63 =	vbroadcast v62, $0xF  }
0x33: {  	v4 =	vsel vm7, v4, v61;
	v3 =	vsel vm8, v3, v6  }
0x34: {  	v4 =	vsel vm8, v4, v63;
	[tilespmem:$0xFA00] =	vst v3  }
0x35: {  	[tilespmem:$0xFB00] =	vst v4  }
0x36: {  	[hbm4b:s11+s2] =	stream.linear.scatter [tilespmem:s18], [sflag:$0x3], $0x10, $0x38;
	[tilespmem:$0xFC00] =	vst v63  }
0x37: {  	s22 =	sadd.s32 $0x1, s22;
	_ =	swait.ge [sflag:s21], $0x10  }
0x38: {  	p0 =	sne.s32 s22, s13;
	[sflag:s21] =	ssyncset.done $0x0  }
.Ltmp1:
0x39: {  	[sflag:s21] =	ssyncadd.s32 $0xFFFFFFF0;
	(pc) =	sbr.rel @!p0 .LBB2_9-.Ltmp1, $4  }
0x3a: {  	[hbm4b:s12+s2] =	stream.linear.scatter [tilespmem:s19], [sflag:$0x3], $0x10, $0x38;
	[tilespmem:$0xFC00] =	vst v63  }
0x3b: {  	_ =	swait.ge [sflag:s21], $0x10  }
0x3c: {  	[sflag:s21] =	ssyncset.done $0x0  }
0x3d: {  	[sflag:s21] =	ssyncadd.s32 $0xFFFFFFF0  }
.LBB2_1:
0x3e: {  	[tilespmem:$0xFA00] =	vst v0  }
0x3f: {  	[tilespmem:$0xFB00] =	vst v0  }
0x40: {  	[tilespmem:$0xFA10] =	vst v0  }
0x41: {  	[tilespmem:$0xFB10] =	vst v0  }
0x42: {  	[tilespmem:$0xFA20] =	vst v0  }
0x43: {  	[tilespmem:$0xFB20] =	vst v0  }
0x44: {  	[tilespmem:$0xFA30] =	vst v0  }
0x45: {  	[tilespmem:$0xFB30] =	vst v0  }
0x46: {  	[tilespmem:$0xFA40] =	vst v0  }
0x47: {  	[tilespmem:$0xFB40] =	vst v0  }
0x48: {  	[tilespmem:$0xFA50] =	vst v0  }
0x49: {  	[tilespmem:$0xFB50] =	vst v0  }
0x4a: {  	[tilespmem:$0xFA60] =	vst v0  }
0x4b: {  	[tilespmem:$0xFB60] =	vst v0  }
0x4c: {  	[tilespmem:$0xFA70] =	vst v0  }
0x4d: {  	[tilespmem:$0xFB70] =	vst v0  }
0x4e: {  	[tilespmem:$0xFA80] =	vst v0  }
0x4f: {  	[tilespmem:$0xFB80] =	vst v0  }
0x50: {  	[tilespmem:$0xFA90] =	vst v0  }
0x51: {  	[tilespmem:$0xFB90] =	vst v0  }
0x52: {  	[tilespmem:s2], [sflag:$0x1] =	stream.linear.gather [hbm4b:s5+s2], $0x3E80, $0x38;
	[tilespmem:$0xFC00] =	vst v63  }
0x53: {  	_ = 	snop  }
0x54: {  	[tilespmem:s14], [sflag:$0x1] =	stream.linear.gather [hbm4b:s6+s2], $0x3E80, $0x38;
	[tilespmem:$0xFC00] =	vst v63  }
0x55: {  	_ = 	snop  }
0x56: {  	[tilespmem:s15], [sflag:$0x2] =	stream.linear.gather [hbm4b:s7+s2], $0x3E80, $0x38;
	[tilespmem:$0xFC00] =	vst v63  }
0x57: {  	s23 =	simm.s32 $0x0  }
0x58: {  	[tilespmem:s16], [sflag:$0x2] =	stream.linear.gather [hbm4b:s8+s2], $0x3E80, $0x38;
	[tilespmem:$0xFC00] =	vst v63  }
.LBB2_2:
0x59: {  	_ =	swait.ge [sflag:s17], $0x3E80  }
0x5a: {  	[sflag:s17] =	ssyncset.done $0x0  }
0x5b: {  	[sflag:s17] =	ssyncadd.s32 $0xFFFFC180  }
0x5c: {  	_ =	swait.ge [sflag:s17], $0x3E80  }
0x5d: {  	[sflag:s17] =	ssyncset.done $0x0  }
0x5e: {  	s24 =	simm.s32 $0x0;
	[sflag:s17] =	ssyncadd.s32 $0xFFFFC180  }
0x5f: {  	v5 =	vld [tilespmem:s24+$0x20]  }
0x60: {  	v6 =	vld [tilespmem:s24+$0x7D20]  }
0x61: {  	v7 =	vld [tilespmem:s24+$0x10]  }
0x62: {  	v8 =	vld [tilespmem:s24+$0x7D10]  }
0x63: {  	v3 =	vld [tilespmem:s24+$0x30]  }
0x64: {  	v9 =	vld [tilespmem:s24+$0x40]  }
0x65: {  	v13 =	vld [tilespmem:s24+$0x7D40]  }
0x66: {  	v15 =	vld [tilespmem:s24+$0x0]  }
0x67: {  	v18 =	vld [tilespmem:s24+$0x7D00];
	_ =	sdelay $0x1  }
0x68: {  	v10 =	vand.u32 $0x7FFFFFFF, v7;
	v11 =	vand.u32 $0x7FFFFFFF, v5;
	v12 =	vmul.f32 v6, v5  }
0x69: {  	v4 =	vld [tilespmem:s24+$0x7D30];
	v14 =	vmul.f32 v8, v7;
	v16 =	vsub.f32 v5, v6;
	v6 =	vsub.f32 v7, v8  }
0x6a: {  	v8 =	vand.u32 $0x7FFFFFFF, v3;
	v5 =	vmax.f32 v5, $0.0e+00;
	v20 =	vmul.f32 v13, v9  }
0x6b: {  	v21 =	vand.u32 $0x7FFFFFFF, v15;
	v13 =	vsub.f32 v9, v13;
	v22 =	vsub.f32 v15, v18  }
0x6c: {  	v10 =	vsub.f32 $0.0e+00, v10;
	v17 =	vsub.f32 $0.0e+00, v11;
	v11 =	vmax.f32 v7, $0.0e+00  }
0x6d: {  	v8 =	vsub.f32 $0.0e+00, v8;
	v5 =	vsub.f32 v5, v12;
	v6 =	vand.u32 $0x7FFFFFFF, v6  }
0x6e: {  	v12 =	vsub.f32 v3, v4;
	v11 =	vsub.f32 v11, v14;
	v29 =	vand.u32 $0x7FFFFFFF, v16  }
0x6f: {  	v7 =	vmul.f32 $1.442695020e+00, v10;
	v10 =	vand.u32 $0x7FFFFFFF, v9;
	v19 =	vmul.f32 $1.442695020e+00, v8  }
0x70: {  	v9 =	vmax.f32 v9, $0.0e+00;
	vm10 =	vlt.f32 v6, $1.000000950e+00;
	v6 =	vmin.f32 v6, $9.499999880e-01  }
0x71: {  	v17 =	vmul.f32 $1.442695020e+00, v17;
	v30 =	vmin.f32 v29, $9.499999880e-01;
	v10 =	vsub.f32 $0.0e+00, v10  }
0x72: {  	v12 =	vand.u32 $0x7FFFFFFF, v12;
	v24 =	vmul.f32 $1.000000000e+01, v6;
	v6 =	vsub.f32 v9, v20  }
0x73: {  	v8 =	vld [tilespmem:s24+$0x50];
	v9 =	vmax.f32 v15, $0.0e+00;
	v15 =	vmul.f32 v18, v15;
	(erf) = vpow2.f32 v7  }
0x74: {  	v30 =	vmul.f32 $1.000000000e+01, v30;
	vm9 =	vlt.f32 v12, $1.000000950e+00;
	v12 =	vmin.f32 v12, $9.499999880e-01  }
0x75: {  	(erf) = vpow2.f32 v19;
	v19 =	vsub.f32 $0.0e+00, v21;
	v10 =	vmul.f32 $1.442695020e+00, v10  }
0x76: {  	v21 =	vand.u32 $0x7FFFFFFF, v22;
	v14 =	vmul.f32 $1.000000000e+01, v12;
	v15 =	vsub.f32 v9, v15  }
0x77: {  	v9 =	vtrunc.f32 v24;
	v22 =	vmin.f32 v21, $9.499999880e-01;
	v19 =	vmul.f32 $1.442695020e+00, v19  }
0x78: {  	v7 =	vld [tilespmem:s24+$0x7D50];
	v9 =	vcvt.f32.s32 v9;
	(erf) = vpow2.f32 v10;
	v10 =	vand.u32 $0x7FFFFFFF, v8  }
0x79: {  	vm12 =	vlt.f32 v21, $1.000000950e+00;
	v10 =	vsub.f32 $0.0e+00, v10;
	(erf) = vpow2.f32 v19  }
0x7a: {  	v14 =	vtrunc.f32 v14;
	v19 =	vand.u32 $0x7FFFFFFF, v13;
	v13 =	vmul.f32 $1.000000000e+01, v22  }
0x7b: {  	v14 =	vcvt.f32.s32 v14;
	v21 =	vmin.f32 v19, $9.499999880e-01;
	v10 =	vmul.f32 $1.442695020e+00, v10  }
0x7c: {  	vm11 =	vlt.f32 v29, $1.000000950e+00;
	v18 =	vtrunc.f32 v13;
	v32 =	vmul.f32 $1.000000000e+01, v21;
	v22 =	vpop (erf)  }
0x7d: {  	v23 =	vsub.f32 v8, v7;
	v18 =	vcvt.f32.s32 v18;
	v27 =	vmul.f32 $9.962619540e-01, v22  }
0x7e: {  	v9 =	vshll.u32 v9, $0x4;
	v20 =	vpop (erf);
	(erf) = vpow2.f32 v17;
	v29 =	vmul.f32 v22, v22  }
0x7f: {  	v42 =	vand.u32 $0x7FFFFFFF, v23;
	v12 =	vmul.f32 v20, v20;
	v24 =	vmul.f32 $2.186654810e-01, v20  }
0x80: {  	v23 =	vmin.f32 v42, $9.499999880e-01;
	v20 =	vmul.f32 $9.962619540e-01, v20;
	(erf) = vpow2.f32 v10  }
0x81: {  	v10 =	vmul.f32 $1.000000000e+01, v23;
	v17 =	vpop (erf);
	v38 =	vadd.f32 $-4.664424360e-01, v24;
	v24 =	vmul.f32 $2.186654810e-01, v22  }
0x82: {  	v13 =	vmax.f32 v8, $0.0e+00;
	v25 =	vmul.f32 $9.962619540e-01, v17;
	v21 =	vmul.f32 $2.186654810e-01, v17;
	v31 =	vpop (erf)  }
0x83: {  	vm13 =	vlt.f32 v42, $1.000000950e+00;
	v23 =	vmul.f32 v17, v17;
	v26 =	vmul.f32 $9.962619540e-01, v31  }
0x84: {  	v16 =	vadd.f32 $6.944574120e-05, v25;
	v25 =	vshll.u32 v18, $0x4;
	v18 =	vadd.f32 $6.944574120e-05, v20  }
0x85: {  	v34 =	vmul.f32 $2.186654810e-01, v31;
	v35 =	vmul.f32 v31, v31;
	v36 =	vadd.f32 $-4.664424360e-01, v24  }
0x86: {  	v20 =	vld [tilespmem:s24+$0x7D60];
	v22 =	vadd.f32 $-4.664424360e-01, v21;
	v21 =	vor.u32 v1, v9;
	v9 =	vtrunc.f32 v10  }
0x87: {  	v24 =	vor.u32 v1, v25;
	v28 =	vadd.f32 $6.944574120e-05, v26;
	v26 =	vshll.u32 v14, $0x4;
	v14 =	vld [tilespmem:s24+$0x60]  }
0x88: {  	v44 =	vcvt.f32.s32 v9;
	v17 =	vadd.f32 $-4.664424360e-01, v34;
	v41 =	vmul.f32 $5.545931310e-02, v35  }
0x89: {  	v40 =	vmul.f32 $5.545931310e-02, v29;
	v43 =	vmul.f32 $5.545931310e-02, v12;
	v31 =	vadd.f32 $6.944574120e-05, v27;
	v10 =	vld [tilespmem:s24+$0x70];
	v33 =	vpop (erf)  }
0x8a: {  	v41 =	vsub.f32 v17, v41;
	v17 =	vshll.u32 v44, $0x4;
	v25 =	vmul.f32 v33, v33  }
0x8b: {  	v27 =	vsub.f32 v38, v43;
	v9 =	vld [tilespmem:s24+$0x7D70];
	v38 =	vmul.f32 $2.186654810e-01, v33;
	v17 =	vor.u32 v1, v17  }
0x8c: {  	s24 =	simm.s32 $0x200;
	[tilespmem:v24+s18+$0x0] =	vst.idx.add.f32.msk vm12, v2;
	v39 =	vand.u32 $0x7FFFFFFF, v14;
	v37 =	vsub.f32 v14, v20;
	v34 =	vmul.f32 $5.545931310e-02, v25  }
.LBB2_3:
0x8d: {  	p0 =	sne.s32 s24, $0xF800;
	v39 =	vsub.f32 $0.0e+00, v39;
	v35 =	vmul.f32 v41, v35;
	v32 =	vtrunc.f32 v32;
	s25 =	smov.u32 s24;
	s24 =	sadd.s32 $0x200, s24  }
0x8e: {  	v41 =	vand.u32 $0x7FFFFFFF, v10;
	v36 =	vsub.f32 v36, v40;
	v37 =	vand.u32 $0x7FFFFFFF, v37;
	v40 =	vpop (erf)  }
0x8f: {  	v30 =	vtrunc.f32 v30;
	vm14 =	vlt.f32 v19, $1.000000950e+00;
	v32 =	vcvt.f32.s32 v32  }
0x90: {  	v19 =	vsub.f32 $0.0e+00, v41;
	v28 =	vadd.f32 v35, v28;
	v35 =	vmul.f32 v40, v40  }
0x91: {  	v33 =	vmul.f32 $9.962619540e-01, v33;
	v38 =	vadd.f32 $-4.664424360e-01, v38;
	v41 =	vmul.f32 $9.962619540e-01, v40  }
0x92: {  	v30 =	vcvt.f32.s32 v30;
	v43 =	vmin.f32 v37, $9.499999880e-01;
	v42 =	vmul.f32 $5.545931310e-02, v35  }
0x93: {  	v33 =	vadd.f32 $6.944574120e-05, v33;
	v43 =	vmul.f32 $1.000000000e+01, v43;
	v32 =	vshll.u32 v32, $0x4  }
0x94: {  	v26 =	vor.u32 v1, v26;
	v29 =	vmul.f32 v36, v29;
	v32 =	vor.u32 v1, v32  }
0x95: {  	v34 =	vsub.f32 v38, v34;
	v30 =	vshll.u32 v30, $0x4;
	v36 =	vtrunc.f32 v43  }
0x96: {  	v38 =	vadd.f32 $6.944574120e-05, v41;
	v30 =	vor.u32 v1, v30;
	v36 =	vcvt.f32.s32 v36  }
0x97: {  	v20 =	vmul.f32 v20, v14;
	v29 =	vadd.f32 v29, v31;
	v15 =	vadd.f32 v15, v28  }
0x98: {  	v28 =	vmul.f32 $1.442695020e+00, v39;
	v31 =	vmul.f32 $2.186654810e-01, v40;
	v36 =	vshll.u32 v36, $0x4  }
0x99: {  	v7 =	vmul.f32 v7, v8;
	v19 =	vmul.f32 $1.442695020e+00, v19;
	v11 =	vadd.f32 v11, v29;
	[tilespmem:v24+s19+$0x0] =	vst.idx.add.f32.msk vm12, v15  }
0x9a: {  	v8 =	vmul.f32 $5.545931310e-02, v23;
	v15 =	vadd.f32 $-4.664424360e-01, v31;
	vm12 =	vlt.f32 v37, $1.000000950e+00;
	[tilespmem:v21+s18+$0x0] =	vst.idx.add.f32.msk vm10, v2  }
0x9b: {  	v24 =	vmul.f32 v34, v25;
	[tilespmem:v21+s19+$0x0] =	vst.idx.add.f32.msk vm10, v11;
	v11 =	vor.u32 v1, v36;
	(erf) = vpow2.f32 v19  }
0x9c: {  	v7 =	vsub.f32 v13, v7;
	v15 =	vsub.f32 v15, v42;
	[tilespmem:v30+s18+$0x0] =	vst.idx.add.f32.msk vm11, v2;
	(erf) = vpow2.f32 v28  }
0x9d: {  	v12 =	vmul.f32 v27, v12;
	v8 =	vsub.f32 v22, v8;
	v13 =	vadd.f32 v24, v33  }
0x9e: {  	v19 =	vmax.f32 v3, $0.0e+00;
	v3 =	vmul.f32 v4, v3  }
0x9f: {  	v8 =	vmul.f32 v8, v23;
	v4 =	vadd.f32 v12, v18;
	v12 =	vmul.f32 v15, v35  }
0xa0: {  	v5 =	vadd.f32 v5, v13;
	v3 =	vsub.f32 v19, v3  }
0xa1: {  	v8 =	vadd.f32 v8, v16;
	v13 =	vmax.f32 v14, $0.0e+00;
	v12 =	vadd.f32 v12, v38  }
0xa2: {  	v14 =	vadd.f32 v3, v4;
	v4 =	vsub.f32 v13, v20;
	[tilespmem:v30+s19+$0x0] =	vst.idx.add.f32.msk vm11, v5  }
0xa3: {  	v5 =	vadd.f32 v6, v8;
	v6 =	vadd.f32 v7, v12;
	[tilespmem:v26+s18+$0x0] =	vst.idx.add.f32.msk vm9, v2  }
0xa4: {  	v7 =	vsub.f32 v10, v9;
	[tilespmem:v26+s19+$0x0] =	vst.idx.add.f32.msk vm9, v14;
	v3 =	vpop (erf)  }
0xa5: {  	v8 =	vmul.f32 v3, v3;
	v12 =	vmul.f32 $2.186654810e-01, v3;
	[tilespmem:v32+s18+$0x0] =	vst.idx.add.f32.msk vm14, v2;
	v13 =	vpop (erf)  }
0xa6: {  	v7 =	vand.u32 $0x7FFFFFFF, v7;
	v14 =	vmul.f32 v13, v13;
	v15 =	vmul.f32 $2.186654810e-01, v13;
	[tilespmem:v32+s19+$0x0] =	vst.idx.add.f32.msk vm14, v5  }
0xa7: {  	v5 =	vmul.f32 $9.962619540e-01, v13;
	v13 =	vmin.f32 v7, $9.499999880e-01;
	v12 =	vadd.f32 $-4.664424360e-01, v12;
	[tilespmem:v17+s18+$0x0] =	vst.idx.add.f32.msk vm13, v2  }
0xa8: {  	v13 =	vmul.f32 $1.000000000e+01, v13;
	v15 =	vadd.f32 $-4.664424360e-01, v15;
	v16 =	vmul.f32 $5.545931310e-02, v14;
	[tilespmem:v17+s19+$0x0] =	vst.idx.add.f32.msk vm13, v6  }
0xa9: {  	v3 =	vmul.f32 $9.962619540e-01, v3;
	v6 =	vmul.f32 $5.545931310e-02, v8;
	[tilespmem:v11+s18+$0x0] =	vst.idx.add.f32.msk vm12, v2  }
0xaa: {  	v13 =	vtrunc.f32 v13;
	v15 =	vsub.f32 v15, v16  }
0xab: {  	v6 =	vsub.f32 v12, v6;
	v12 =	vcvt.f32.s32 v13  }
0xac: {  	v3 =	vadd.f32 $6.944574120e-05, v3;
	v5 =	vadd.f32 $6.944574120e-05, v5;
	v13 =	vmul.f32 v15, v14  }
0xad: {  	vm9 =	vlt.f32 v7, $1.000000950e+00;
	v6 =	vmul.f32 v6, v8;
	v8 =	vshll.u32 v12, $0x4  }
0xae: {  	v7 =	vmul.f32 v9, v10;
	v8 =	vor.u32 v1, v8;
	v5 =	vadd.f32 v13, v5  }
0xaf: {  	v3 =	vadd.f32 v6, v3;
	v6 =	vmax.f32 v10, $0.0e+00  }
0xb0: {  	v4 =	vadd.f32 v4, v5;
	v5 =	vsub.f32 v6, v7;
	_ =	sdelay $0x1  }
0xb1: {  	s25 =	sshra.s32 s25, $0x2;
	v3 =	vadd.f32 v5, v3;
	[tilespmem:v11+s19+$0x0] =	vst.idx.add.f32.msk vm12, v4  }
0xb2: {  	[tilespmem:v8+s18+$0x0] =	vst.idx.add.f32.msk vm9, v2  }
0xb3: {  	[tilespmem:v8+s19+$0x0] =	vst.idx.add.f32.msk vm9, v3  }
0xb4: {  	v5 =	vld [tilespmem:s25+$0x20]  }
0xb5: {  	v6 =	vld [tilespmem:s25+$0x7D20]  }
0xb6: {  	v7 =	vld [tilespmem:s25+$0x10]  }
0xb7: {  	v8 =	vld [tilespmem:s25+$0x7D10]  }
0xb8: {  	v9 =	vld [tilespmem:s25+$0x7D40]  }
0xb9: {  	v3 =	vld [tilespmem:s25+$0x30]  }
0xba: {  	v12 =	vand.u32 $0x7FFFFFFF, v5;
	v4 =	vld [tilespmem:s25+$0x7D30]  }
0xbb: {  	v13 =	vmul.f32 v6, v5;
	v16 =	vsub.f32 v5, v6;
	v10 =	vld [tilespmem:s25+$0x40];
	v11 =	vand.u32 $0x7FFFFFFF, v7  }
0xbc: {  	v12 =	vsub.f32 $0.0e+00, v12;
	v14 =	vld [tilespmem:s25+$0x0];
	v11 =	vsub.f32 $0.0e+00, v11;
	v15 =	vmul.f32 v8, v7  }
0xbd: {  	v5 =	vmax.f32 v5, $0.0e+00;
	v18 =	vmax.f32 v7, $0.0e+00;
	v6 =	vsub.f32 v7, v8;
	v17 =	vld [tilespmem:s25+$0x7D00]  }
0xbe: {  	v5 =	vsub.f32 v5, v13;
	v7 =	vmul.f32 $1.442695020e+00, v11;
	v8 =	vand.u32 $0x7FFFFFFF, v3  }
0xbf: {  	v29 =	vand.u32 $0x7FFFFFFF, v16;
	v6 =	vand.u32 $0x7FFFFFFF, v6;
	v8 =	vsub.f32 $0.0e+00, v8  }
0xc0: {  	v13 =	vsub.f32 v3, v4;
	v11 =	vand.u32 $0x7FFFFFFF, v10;
	(erf) = vpow2.f32 v7  }
0xc1: {  	v20 =	vmul.f32 v9, v10;
	v7 =	vld [tilespmem:s25+$0x7D50];
	v19 =	vmul.f32 $1.442695020e+00, v8;
	v11 =	vsub.f32 $0.0e+00, v11  }
0xc2: {  	v9 =	vsub.f32 v10, v9;
	v21 =	vand.u32 $0x7FFFFFFF, v14;
	v13 =	vand.u32 $0x7FFFFFFF, v13;
	v8 =	vld [tilespmem:s25+$0x50]  }
0xc3: {  	v22 =	vsub.f32 v14, v17;
	vm9 =	vlt.f32 v13, $1.000000950e+00;
	(erf) = vpow2.f32 v19  }
0xc4: {  	v13 =	vmin.f32 v13, $9.499999880e-01;
	v19 =	vsub.f32 $0.0e+00, v21;
	v11 =	vmul.f32 $1.442695020e+00, v11  }
0xc5: {  	vm10 =	vlt.f32 v6, $1.000000950e+00;
	v10 =	vmax.f32 v10, $0.0e+00;
	v21 =	vand.u32 $0x7FFFFFFF, v22  }
0xc6: {  	v6 =	vmin.f32 v6, $9.499999880e-01;
	v19 =	vmul.f32 $1.442695020e+00, v19;
	v22 =	vmin.f32 v21, $9.499999880e-01  }
0xc7: {  	v24 =	vmul.f32 $1.000000000e+01, v6;
	v23 =	vsub.f32 v8, v7;
	(erf) = vpow2.f32 v11  }
0xc8: {  	v6 =	vsub.f32 v10, v20;
	v25 =	vand.u32 $0x7FFFFFFF, v8;
	(erf) = vpow2.f32 v19  }
0xc9: {  	v10 =	vmax.f32 v14, $0.0e+00;
	v14 =	vmul.f32 v17, v14;
	v11 =	vsub.f32 v18, v15;
	v17 =	vpop (erf)  }
0xca: {  	v18 =	vmul.f32 $1.000000000e+01, v13;
	v19 =	vand.u32 $0x7FFFFFFF, v9;
	v9 =	vmul.f32 $1.000000000e+01, v22  }
0xcb: {  	v15 =	vsub.f32 v10, v14;
	v10 =	vtrunc.f32 v24;
	v22 =	vmul.f32 $1.442695020e+00, v12  }
0xcc: {  	v24 =	vsub.f32 $0.0e+00, v25;
	v10 =	vcvt.f32.s32 v10;
	v9 =	vtrunc.f32 v9;
	v25 =	vpop (erf)  }
0xcd: {  	v13 =	vmax.f32 v8, $0.0e+00;
	v14 =	vtrunc.f32 v18;
	v12 =	vmul.f32 v25, v25  }
0xce: {  	vm12 =	vlt.f32 v21, $1.000000950e+00;
	v10 =	vshll.u32 v10, $0x4;
	v18 =	vmul.f32 $2.186654810e-01, v25  }
0xcf: {  	v26 =	vmin.f32 v19, $9.499999880e-01;
	v27 =	vmul.f32 $9.962619540e-01, v17;
	v21 =	vcvt.f32.s32 v14;
	v20 =	vld [tilespmem:s25+$0x7D60]  }
0xd0: {  	v9 =	vcvt.f32.s32 v9;
	v38 =	vadd.f32 $-4.664424360e-01, v18;
	v14 =	vld [tilespmem:s25+$0x60];
	(erf) = vpow2.f32 v22;
	v31 =	vpop (erf)  }
0xd1: {  	v30 =	vmin.f32 v29, $9.499999880e-01;
	v22 =	vmul.f32 $2.186654810e-01, v17;
	v18 =	vmul.f32 $9.962619540e-01, v31;
	v33 =	vpop (erf)  }
0xd2: {  	vm11 =	vlt.f32 v29, $1.000000950e+00;
	v25 =	vmul.f32 $9.962619540e-01, v25;
	v28 =	vmul.f32 $9.962619540e-01, v33  }
0xd3: {  	v24 =	vmul.f32 $1.442695020e+00, v24;
	v9 =	vshll.u32 v9, $0x4;
	v16 =	vadd.f32 $6.944574120e-05, v18  }
0xd4: {  	v32 =	vmul.f32 $1.000000000e+01, v26;
	v18 =	vadd.f32 $6.944574120e-05, v25;
	v28 =	vadd.f32 $6.944574120e-05, v28  }
0xd5: {  	v30 =	vmul.f32 $1.000000000e+01, v30;
	v29 =	vmul.f32 v17, v17;
	v26 =	vshll.u32 v21, $0x4  }
0xd6: {  	v42 =	vand.u32 $0x7FFFFFFF, v23;
	v21 =	vmul.f32 $2.186654810e-01, v31;
	v34 =	vmul.f32 $2.186654810e-01, v33  }
0xd7: {  	v23 =	vmin.f32 v42, $9.499999880e-01;
	v43 =	vmul.f32 $5.545931310e-02, v12;
	v35 =	vmul.f32 v33, v33  }
0xd8: {  	v17 =	vmul.f32 $1.000000000e+01, v23;
	v36 =	vadd.f32 $-4.664424360e-01, v22;
	(erf) = vpow2.f32 v24  }
0xd9: {  	v23 =	vmul.f32 v31, v31;
	v22 =	vadd.f32 $-4.664424360e-01, v21;
	v24 =	vor.u32 v1, v9;
	v33 =	vpop (erf)  }
0xda: {  	v21 =	vor.u32 v1, v10;
	v41 =	vadd.f32 $-4.664424360e-01, v34;
	v9 =	vld [tilespmem:s25+$0x7D70];
	v25 =	vmul.f32 v33, v33  }
.Ltmp2:
0xdb: {  	v17 =	vtrunc.f32 v17;
	v39 =	vand.u32 $0x7FFFFFFF, v14;
	v10 =	vld [tilespmem:s25+$0x70];
	(pc) =	sbr.rel @p0 .LBB2_3-.Ltmp2, $4  }
0xdc: {  	v17 =	vcvt.f32.s32 v17;
	v44 =	vmul.f32 $5.545931310e-02, v35;
	v37 =	vsub.f32 v14, v20  }
0xdd: {  	v40 =	vmul.f32 $5.545931310e-02, v29;
	v31 =	vadd.f32 $6.944574120e-05, v27;
	v34 =	vmul.f32 $5.545931310e-02, v25  }
0xde: {  	v27 =	vsub.f32 v38, v43;
	v17 =	vshll.u32 v17, $0x4;
	v41 =	vsub.f32 v41, v44;
	[tilespmem:v24+s18+$0x0] =	vst.idx.add.f32.msk vm12, v2  }
0xdf: {  	vm13 =	vlt.f32 v42, $1.000000950e+00;
	v17 =	vor.u32 v1, v17;
	v38 =	vmul.f32 $2.186654810e-01, v33  }
0xe0: {  	v39 =	vsub.f32 $0.0e+00, v39;
	v35 =	vmul.f32 v41, v35  }
0xe1: {  	v32 =	vtrunc.f32 v32;
	v50 =	vand.u32 $0x7FFFFFFF, v10;
	v36 =	vsub.f32 v36, v40  }
0xe2: {  	v37 =	vand.u32 $0x7FFFFFFF, v37;
	v30 =	vtrunc.f32 v30;
	v33 =	vmul.f32 $9.962619540e-01, v33  }
0xe3: {  	vm14 =	vlt.f32 v19, $1.000000950e+00;
	v7 =	vmul.f32 v7, v8;
	v8 =	vmul.f32 $5.545931310e-02, v23  }
0xe4: {  	v26 =	vor.u32 v1, v26;
	v12 =	vmul.f32 v27, v12;
	v32 =	vcvt.f32.s32 v32  }
0xe5: {  	v51 =	vpop (erf);
	v19 =	vsub.f32 $0.0e+00, v50;
	v53 =	vadd.f32 $-4.664424360e-01, v38;
	v43 =	vmin.f32 v37, $9.499999880e-01  }
0xe6: {  	v30 =	vcvt.f32.s32 v30;
	vm15 =	vlt.f32 v37, $1.000000950e+00;
	v52 =	vmul.f32 v51, v51  }
0xe7: {  	v28 =	vadd.f32 v35, v28;
	v54 =	vmul.f32 $9.962619540e-01, v51;
	v43 =	vmul.f32 $1.000000000e+01, v43  }
0xe8: {  	v33 =	vadd.f32 $6.944574120e-05, v33;
	v29 =	vmul.f32 v36, v29;
	v57 =	vmul.f32 $1.442695020e+00, v39  }
0xe9: {  	v58 =	vmul.f32 $2.186654810e-01, v51;
	v7 =	vsub.f32 v13, v7;
	v19 =	vmul.f32 $1.442695020e+00, v19  }
0xea: {  	v8 =	vsub.f32 v22, v8;
	v22 =	vmax.f32 v3, $0.0e+00;
	v3 =	vmul.f32 v4, v3  }
0xeb: {  	v4 =	vadd.f32 v12, v18;
	v32 =	vshll.u32 v32, $0x4;
	(erf) = vpow2.f32 v19  }
0xec: {  	v34 =	vsub.f32 v53, v34;
	v30 =	vshll.u32 v30, $0x4;
	(erf) = vpow2.f32 v57  }
0xed: {  	v42 =	vmul.f32 $5.545931310e-02, v52;
	v32 =	vor.u32 v1, v32;
	v55 =	vtrunc.f32 v43  }
0xee: {  	v56 =	vadd.f32 $6.944574120e-05, v54;
	v8 =	vmul.f32 v8, v23;
	v3 =	vsub.f32 v22, v3  }
0xef: {  	v29 =	vadd.f32 v29, v31;
	v19 =	vmul.f32 v20, v14;
	v20 =	vadd.f32 $-4.664424360e-01, v58  }
0xf0: {  	v25 =	vmul.f32 v34, v25;
	v8 =	vadd.f32 v8, v16;
	v3 =	vadd.f32 v3, v4  }
0xf1: {  	v30 =	vor.u32 v1, v30;
	v4 =	vsub.f32 v10, v9;
	v20 =	vsub.f32 v20, v42  }
0xf2: {  	v15 =	vadd.f32 v15, v28;
	v35 =	vcvt.f32.s32 v55;
	v13 =	vadd.f32 v25, v33  }
0xf3: {  	v11 =	vadd.f32 v11, v29;
	v4 =	vand.u32 $0x7FFFFFFF, v4;
	v12 =	vmul.f32 v20, v52  }
0xf4: {  	v5 =	vadd.f32 v5, v13;
	v13 =	vmax.f32 v14, $0.0e+00;
	v20 =	vmin.f32 v4, $9.499999880e-01;
	v14 =	vpop (erf)  }
0xf5: {  	[tilespmem:v24+s19+$0x0] =	vst.idx.add.f32.msk vm12, v15;
	v18 =	vshll.u32 v35, $0x4;
	v6 =	vadd.f32 v6, v8;
	v20 =	vmul.f32 $1.000000000e+01, v20;
	v8 =	vpop (erf)  }
0xf6: {  	[tilespmem:v21+s18+$0x0] =	vst.idx.add.f32.msk vm10, v2;
	v15 =	vor.u32 v1, v18;
	v16 =	vmul.f32 v8, v8;
	v18 =	vmul.f32 $2.186654810e-01, v8  }
0xf7: {  	[tilespmem:v21+s19+$0x0] =	vst.idx.add.f32.msk vm10, v11;
	v13 =	vsub.f32 v13, v19;
	v11 =	vmul.f32 v14, v14;
	v19 =	vmul.f32 $2.186654810e-01, v14  }
0xf8: {  	[tilespmem:v30+s18+$0x0] =	vst.idx.add.f32.msk vm11, v2;
	v12 =	vadd.f32 v12, v56;
	v18 =	vadd.f32 $-4.664424360e-01, v18;
	v21 =	vmul.f32 $5.545931310e-02, v16  }
0xf9: {  	[tilespmem:v30+s19+$0x0] =	vst.idx.add.f32.msk vm11, v5;
	v5 =	vmul.f32 $9.962619540e-01, v8;
	v8 =	vadd.f32 $-4.664424360e-01, v19;
	v19 =	vmul.f32 $5.545931310e-02, v11  }
0xfa: {  	[tilespmem:v26+s18+$0x0] =	vst.idx.add.f32.msk vm9, v2;
	v20 =	vtrunc.f32 v20;
	v7 =	vadd.f32 v7, v12;
	v18 =	vsub.f32 v18, v21  }
0xfb: {  	[tilespmem:v26+s19+$0x0] =	vst.idx.add.f32.msk vm9, v3;
	v14 =	vmul.f32 $9.962619540e-01, v14;
	v3 =	vsub.f32 v8, v19;
	v8 =	vcvt.f32.s32 v20  }
0xfc: {  	vm9 =	vlt.f32 v4, $1.000000950e+00;
	[tilespmem:v32+s18+$0x0] =	vst.idx.add.f32.msk vm14, v2;
	v5 =	vadd.f32 $6.944574120e-05, v5;
	v12 =	vmul.f32 v18, v16  }
0xfd: {  	[tilespmem:v32+s19+$0x0] =	vst.idx.add.f32.msk vm14, v6;
	v14 =	vadd.f32 $6.944574120e-05, v14;
	v3 =	vmul.f32 v3, v11;
	v6 =	vshll.u32 v8, $0x4  }
0xfe: {  	v6 =	vor.u32 v1, v6;
	v4 =	vadd.f32 v12, v5;
	v5 =	vmul.f32 v9, v10  }
0xff: {  	p0 =	seq.s32 s23, $0x2;
	[tilespmem:v17+s18+$0x0] =	vst.idx.add.f32.msk vm13, v2;
	v8 =	vmax.f32 v10, $0.0e+00;
	v3 =	vadd.f32 v3, v14  }
0x100: {  	s24 =	smul.u32 @!p0 $0x7D00, s23;
	[tilespmem:v17+s19+$0x0] =	vst.idx.add.f32.msk vm13, v7;
	v4 =	vadd.f32 v13, v4;
	v5 =	vsub.f32 v8, v5  }
0x101: {  	[tilespmem:v15+s18+$0x0] =	vst.idx.add.f32.msk vm15, v2  }
0x102: {  	s24 =	sadd.s32 @!p0 s24, s9;
	v3 =	vadd.f32 v5, v3;
	[tilespmem:v15+s19+$0x0] =	vst.idx.add.f32.msk vm15, v4  }
0x103: {  	s24 =	sshrl.u32 @!p0 s24, $0x3;
	[tilespmem:v6+s18+$0x0] =	vst.idx.add.f32.msk vm9, v2  }
0x104: {  	s26 =	simm.s32 @!p0 $0x0;
	s25 =	sadd.s32 @!p0 s3, s24;
	[tilespmem:v6+s19+$0x0] =	vst.idx.add.f32.msk vm9, v3  }
0x105: {  	[tilespmem:s26], [sflag:$0x1] =	stream.linear.gather @!p0 [hbm4b:s25+s26], $0x3E80, $0x38;
	[tilespmem:$0xFC00] =	vst v63  }
0x106: {  	s24 =	sadd.s32 @!p0 s4, s24;
	s25 =	simm.s32 @!p0 $0x7D00  }
0x107: {  	[tilespmem:s25], [sflag:$0x1] =	stream.linear.gather @!p0 [hbm4b:s24+s26], $0x3E80, $0x38;
	[tilespmem:$0xFC00] =	vst v63  }
0x108: {  	_ =	swait.ge [sflag:s20], $0x3E80  }
0x109: {  	[sflag:s20] =	ssyncset.done $0x0  }
0x10a: {  	[sflag:s20] =	ssyncadd.s32 $0xFFFFC180  }
0x10b: {  	_ =	swait.ge [sflag:s20], $0x3E80  }
0x10c: {  	[sflag:s20] =	ssyncset.done $0x0  }
0x10d: {  	s31 =	simm.s32 $0x0;
	[sflag:s20] =	ssyncadd.s32 $0xFFFFC180  }
0x10e: {  	v5 =	vld [tilespmem:s31+$0x3EA0]  }
0x10f: {  	v6 =	vld [tilespmem:s31+$0xBBA0]  }
0x110: {  	v7 =	vld [tilespmem:s31+$0x3E90]  }
0x111: {  	v8 =	vld [tilespmem:s31+$0xBB90]  }
0x112: {  	v3 =	vld [tilespmem:s31+$0x3EB0]  }
0x113: {  	v9 =	vld [tilespmem:s31+$0x3EC0]  }
0x114: {  	v13 =	vld [tilespmem:s31+$0xBBC0]  }
0x115: {  	v15 =	vld [tilespmem:s31+$0x3E80]  }
0x116: {  	v18 =	vld [tilespmem:s31+$0xBB80];
	_ =	sdelay $0x1  }
0x117: {  	v10 =	vand.u32 $0x7FFFFFFF, v7;
	v11 =	vand.u32 $0x7FFFFFFF, v5;
	v12 =	vmul.f32 v6, v5  }
0x118: {  	v4 =	vld [tilespmem:s31+$0xBBB0];
	v14 =	vmul.f32 v8, v7;
	v16 =	vsub.f32 v5, v6;
	v6 =	vsub.f32 v7, v8  }
0x119: {  	v8 =	vand.u32 $0x7FFFFFFF, v3;
	v5 =	vmax.f32 v5, $0.0e+00;
	v20 =	vmul.f32 v13, v9  }
0x11a: {  	v21 =	vand.u32 $0x7FFFFFFF, v15;
	v13 =	vsub.f32 v9, v13;
	v22 =	vsub.f32 v15, v18  }
0x11b: {  	v10 =	vsub.f32 $0.0e+00, v10;
	v17 =	vsub.f32 $0.0e+00, v11;
	v11 =	vmax.f32 v7, $0.0e+00  }
0x11c: {  	v8 =	vsub.f32 $0.0e+00, v8;
	v5 =	vsub.f32 v5, v12;
	v6 =	vand.u32 $0x7FFFFFFF, v6  }
0x11d: {  	v12 =	vsub.f32 v3, v4;
	v11 =	vsub.f32 v11, v14;
	v29 =	vand.u32 $0x7FFFFFFF, v16  }
0x11e: {  	v7 =	vmul.f32 $1.442695020e+00, v10;
	v10 =	vand.u32 $0x7FFFFFFF, v9;
	v19 =	vmul.f32 $1.442695020e+00, v8  }
0x11f: {  	v9 =	vmax.f32 v9, $0.0e+00;
	vm10 =	vlt.f32 v6, $1.000000950e+00;
	v6 =	vmin.f32 v6, $9.499999880e-01  }
0x120: {  	v17 =	vmul.f32 $1.442695020e+00, v17;
	v30 =	vmin.f32 v29, $9.499999880e-01;
	v10 =	vsub.f32 $0.0e+00, v10  }
0x121: {  	v12 =	vand.u32 $0x7FFFFFFF, v12;
	v24 =	vmul.f32 $1.000000000e+01, v6;
	v6 =	vsub.f32 v9, v20  }
0x122: {  	v8 =	vld [tilespmem:s31+$0x3ED0];
	v9 =	vmax.f32 v15, $0.0e+00;
	v15 =	vmul.f32 v18, v15;
	(erf) = vpow2.f32 v7  }
0x123: {  	v30 =	vmul.f32 $1.000000000e+01, v30;
	vm9 =	vlt.f32 v12, $1.000000950e+00;
	v12 =	vmin.f32 v12, $9.499999880e-01  }
0x124: {  	(erf) = vpow2.f32 v19;
	v19 =	vsub.f32 $0.0e+00, v21;
	v10 =	vmul.f32 $1.442695020e+00, v10  }
0x125: {  	v21 =	vand.u32 $0x7FFFFFFF, v22;
	v14 =	vmul.f32 $1.000000000e+01, v12;
	v15 =	vsub.f32 v9, v15  }
0x126: {  	v9 =	vtrunc.f32 v24;
	v22 =	vmin.f32 v21, $9.499999880e-01;
	v19 =	vmul.f32 $1.442695020e+00, v19  }
0x127: {  	v7 =	vld [tilespmem:s31+$0xBBD0];
	v9 =	vcvt.f32.s32 v9;
	(erf) = vpow2.f32 v10;
	v10 =	vand.u32 $0x7FFFFFFF, v8  }
0x128: {  	vm12 =	vlt.f32 v21, $1.000000950e+00;
	v10 =	vsub.f32 $0.0e+00, v10;
	(erf) = vpow2.f32 v19  }
0x129: {  	v14 =	vtrunc.f32 v14;
	v19 =	vand.u32 $0x7FFFFFFF, v13;
	v13 =	vmul.f32 $1.000000000e+01, v22  }
0x12a: {  	v14 =	vcvt.f32.s32 v14;
	v21 =	vmin.f32 v19, $9.499999880e-01;
	v10 =	vmul.f32 $1.442695020e+00, v10  }
0x12b: {  	vm11 =	vlt.f32 v29, $1.000000950e+00;
	v18 =	vtrunc.f32 v13;
	v32 =	vmul.f32 $1.000000000e+01, v21;
	v22 =	vpop (erf)  }
0x12c: {  	v23 =	vsub.f32 v8, v7;
	v18 =	vcvt.f32.s32 v18;
	v27 =	vmul.f32 $9.962619540e-01, v22  }
0x12d: {  	v9 =	vshll.u32 v9, $0x4;
	v20 =	vpop (erf);
	(erf) = vpow2.f32 v17;
	v29 =	vmul.f32 v22, v22  }
0x12e: {  	v61 =	vand.u32 $0x7FFFFFFF, v23;
	v12 =	vmul.f32 v20, v20;
	v24 =	vmul.f32 $2.186654810e-01, v20  }
0x12f: {  	v23 =	vmin.f32 v61, $9.499999880e-01;
	v20 =	vmul.f32 $9.962619540e-01, v20;
	(erf) = vpow2.f32 v10  }
0x130: {  	v10 =	vmul.f32 $1.000000000e+01, v23;
	v17 =	vpop (erf);
	v59 =	vadd.f32 $-4.664424360e-01, v24;
	v24 =	vmul.f32 $2.186654810e-01, v22  }
0x131: {  	v13 =	vmax.f32 v8, $0.0e+00;
	v25 =	vmul.f32 $9.962619540e-01, v17;
	v21 =	vmul.f32 $2.186654810e-01, v17;
	v31 =	vpop (erf)  }
0x132: {  	vm13 =	vlt.f32 v61, $1.000000950e+00;
	v23 =	vmul.f32 v17, v17;
	v26 =	vmul.f32 $9.962619540e-01, v31  }
0x133: {  	v16 =	vadd.f32 $6.944574120e-05, v25;
	v25 =	vshll.u32 v18, $0x4;
	v18 =	vadd.f32 $6.944574120e-05, v20  }
0x134: {  	v60 =	vmul.f32 $2.186654810e-01, v31;
	v35 =	vmul.f32 v31, v31;
	v36 =	vadd.f32 $-4.664424360e-01, v24  }
0x135: {  	v20 =	vld [tilespmem:s31+$0xBBE0];
	v22 =	vadd.f32 $-4.664424360e-01, v21;
	v21 =	vor.u32 v1, v9;
	v9 =	vtrunc.f32 v10  }
0x136: {  	v24 =	vor.u32 v1, v25;
	v28 =	vadd.f32 $6.944574120e-05, v26;
	v26 =	vshll.u32 v14, $0x4;
	v14 =	vld [tilespmem:s31+$0x3EE0]  }
0x137: {  	v44 =	vcvt.f32.s32 v9;
	v17 =	vadd.f32 $-4.664424360e-01, v60;
	v63 =	vmul.f32 $5.545931310e-02, v35  }
0x138: {  	v40 =	vmul.f32 $5.545931310e-02, v29;
	v62 =	vmul.f32 $5.545931310e-02, v12;
	v31 =	vadd.f32 $6.944574120e-05, v27;
	v10 =	vld [tilespmem:s31+$0x3EF0];
	v33 =	vpop (erf)  }
0x139: {  	v41 =	vsub.f32 v17, v63;
	v17 =	vshll.u32 v44, $0x4;
	v25 =	vmul.f32 v33, v33  }
0x13a: {  	v27 =	vsub.f32 v59, v62;
	v9 =	vld [tilespmem:s31+$0xBBF0];
	v38 =	vmul.f32 $2.186654810e-01, v33;
	v17 =	vor.u32 v1, v17  }
0x13b: {  	s24 =	simm.s32 $0x200;
	[tilespmem:v24+s18+$0x0] =	vst.idx.add.f32.msk vm12, v2;
	v39 =	vand.u32 $0x7FFFFFFF, v14;
	v37 =	vsub.f32 v14, v20;
	v34 =	vmul.f32 $5.545931310e-02, v25  }
.LBB2_5:
0x13c: {  	p1 =	sne.s32 s24, $0xF800;
	v39 =	vsub.f32 $0.0e+00, v39;
	v35 =	vmul.f32 v41, v35;
	v32 =	vtrunc.f32 v32;
	s25 =	smov.u32 s24;
	s24 =	sadd.s32 $0x200, s24  }
0x13d: {  	v41 =	vand.u32 $0x7FFFFFFF, v10;
	v36 =	vsub.f32 v36, v40;
	v37 =	vand.u32 $0x7FFFFFFF, v37;
	v40 =	vpop (erf)  }
0x13e: {  	v30 =	vtrunc.f32 v30;
	vm14 =	vlt.f32 v19, $1.000000950e+00;
	v32 =	vcvt.f32.s32 v32  }
0x13f: {  	v19 =	vsub.f32 $0.0e+00, v41;
	v28 =	vadd.f32 v35, v28;
	v35 =	vmul.f32 v40, v40  }
0x140: {  	v33 =	vmul.f32 $9.962619540e-01, v33;
	v38 =	vadd.f32 $-4.664424360e-01, v38;
	v41 =	vmul.f32 $9.962619540e-01, v40  }
0x141: {  	v30 =	vcvt.f32.s32 v30;
	v43 =	vmin.f32 v37, $9.499999880e-01;
	v42 =	vmul.f32 $5.545931310e-02, v35  }
0x142: {  	v33 =	vadd.f32 $6.944574120e-05, v33;
	v43 =	vmul.f32 $1.000000000e+01, v43;
	v32 =	vshll.u32 v32, $0x4  }
0x143: {  	v26 =	vor.u32 v1, v26;
	v29 =	vmul.f32 v36, v29;
	v32 =	vor.u32 v1, v32  }
0x144: {  	v34 =	vsub.f32 v38, v34;
	v30 =	vshll.u32 v30, $0x4;
	v36 =	vtrunc.f32 v43  }
0x145: {  	v38 =	vadd.f32 $6.944574120e-05, v41;
	v30 =	vor.u32 v1, v30;
	v36 =	vcvt.f32.s32 v36  }
0x146: {  	v20 =	vmul.f32 v20, v14;
	v29 =	vadd.f32 v29, v31;
	v15 =	vadd.f32 v15, v28  }
0x147: {  	v28 =	vmul.f32 $1.442695020e+00, v39;
	v31 =	vmul.f32 $2.186654810e-01, v40;
	v36 =	vshll.u32 v36, $0x4  }
0x148: {  	v7 =	vmul.f32 v7, v8;
	v19 =	vmul.f32 $1.442695020e+00, v19;
	v11 =	vadd.f32 v11, v29;
	[tilespmem:v24+s19+$0x0] =	vst.idx.add.f32.msk vm12, v15  }
0x149: {  	v8 =	vmul.f32 $5.545931310e-02, v23;
	v15 =	vadd.f32 $-4.664424360e-01, v31;
	vm12 =	vlt.f32 v37, $1.000000950e+00;
	[tilespmem:v21+s18+$0x0] =	vst.idx.add.f32.msk vm10, v2  }
0x14a: {  	v24 =	vmul.f32 v34, v25;
	[tilespmem:v21+s19+$0x0] =	vst.idx.add.f32.msk vm10, v11;
	v11 =	vor.u32 v1, v36;
	(erf) = vpow2.f32 v19  }
0x14b: {  	v7 =	vsub.f32 v13, v7;
	v15 =	vsub.f32 v15, v42;
	[tilespmem:v30+s18+$0x0] =	vst.idx.add.f32.msk vm11, v2;
	(erf) = vpow2.f32 v28  }
0x14c: {  	v12 =	vmul.f32 v27, v12;
	v8 =	vsub.f32 v22, v8;
	v13 =	vadd.f32 v24, v33  }
0x14d: {  	v19 =	vmax.f32 v3, $0.0e+00;
	v3 =	vmul.f32 v4, v3  }
0x14e: {  	v8 =	vmul.f32 v8, v23;
	v4 =	vadd.f32 v12, v18;
	v12 =	vmul.f32 v15, v35  }
0x14f: {  	v5 =	vadd.f32 v5, v13;
	v3 =	vsub.f32 v19, v3  }
0x150: {  	v8 =	vadd.f32 v8, v16;
	v13 =	vmax.f32 v14, $0.0e+00;
	v12 =	vadd.f32 v12, v38  }
0x151: {  	v14 =	vadd.f32 v3, v4;
	v4 =	vsub.f32 v13, v20;
	[tilespmem:v30+s19+$0x0] =	vst.idx.add.f32.msk vm11, v5  }
0x152: {  	v5 =	vadd.f32 v6, v8;
	v6 =	vadd.f32 v7, v12;
	[tilespmem:v26+s18+$0x0] =	vst.idx.add.f32.msk vm9, v2  }
0x153: {  	v7 =	vsub.f32 v10, v9;
	[tilespmem:v26+s19+$0x0] =	vst.idx.add.f32.msk vm9, v14;
	v3 =	vpop (erf)  }
0x154: {  	v8 =	vmul.f32 v3, v3;
	v12 =	vmul.f32 $2.186654810e-01, v3;
	[tilespmem:v32+s18+$0x0] =	vst.idx.add.f32.msk vm14, v2;
	v13 =	vpop (erf)  }
0x155: {  	v7 =	vand.u32 $0x7FFFFFFF, v7;
	v14 =	vmul.f32 v13, v13;
	v15 =	vmul.f32 $2.186654810e-01, v13;
	[tilespmem:v32+s19+$0x0] =	vst.idx.add.f32.msk vm14, v5  }
0x156: {  	v5 =	vmul.f32 $9.962619540e-01, v13;
	v13 =	vmin.f32 v7, $9.499999880e-01;
	v12 =	vadd.f32 $-4.664424360e-01, v12;
	[tilespmem:v17+s18+$0x0] =	vst.idx.add.f32.msk vm13, v2  }
0x157: {  	v13 =	vmul.f32 $1.000000000e+01, v13;
	v15 =	vadd.f32 $-4.664424360e-01, v15;
	v16 =	vmul.f32 $5.545931310e-02, v14;
	[tilespmem:v17+s19+$0x0] =	vst.idx.add.f32.msk vm13, v6  }
0x158: {  	v3 =	vmul.f32 $9.962619540e-01, v3;
	v6 =	vmul.f32 $5.545931310e-02, v8;
	[tilespmem:v11+s18+$0x0] =	vst.idx.add.f32.msk vm12, v2  }
0x159: {  	v13 =	vtrunc.f32 v13;
	v15 =	vsub.f32 v15, v16  }
0x15a: {  	v6 =	vsub.f32 v12, v6;
	v12 =	vcvt.f32.s32 v13  }
0x15b: {  	v3 =	vadd.f32 $6.944574120e-05, v3;
	v5 =	vadd.f32 $6.944574120e-05, v5;
	v13 =	vmul.f32 v15, v14  }
0x15c: {  	vm9 =	vlt.f32 v7, $1.000000950e+00;
	v6 =	vmul.f32 v6, v8;
	v8 =	vshll.u32 v12, $0x4  }
0x15d: {  	v7 =	vmul.f32 v9, v10;
	v8 =	vor.u32 v1, v8;
	v5 =	vadd.f32 v13, v5  }
0x15e: {  	v3 =	vadd.f32 v6, v3;
	v6 =	vmax.f32 v10, $0.0e+00  }
0x15f: {  	v4 =	vadd.f32 v4, v5;
	v5 =	vsub.f32 v6, v7;
	_ =	sdelay $0x1  }
0x160: {  	s25 =	sshra.s32 s25, $0x2;
	v3 =	vadd.f32 v5, v3;
	[tilespmem:v11+s19+$0x0] =	vst.idx.add.f32.msk vm12, v4  }
0x161: {  	[tilespmem:v8+s18+$0x0] =	vst.idx.add.f32.msk vm9, v2  }
0x162: {  	[tilespmem:v8+s19+$0x0] =	vst.idx.add.f32.msk vm9, v3  }
0x163: {  	v5 =	vld [tilespmem:s25+$0x3EA0]  }
0x164: {  	v6 =	vld [tilespmem:s25+$0xBBA0]  }
0x165: {  	v7 =	vld [tilespmem:s25+$0x3E90]  }
0x166: {  	v8 =	vld [tilespmem:s25+$0xBB90]  }
0x167: {  	v9 =	vld [tilespmem:s25+$0xBBC0]  }
0x168: {  	v3 =	vld [tilespmem:s25+$0x3EB0]  }
0x169: {  	v12 =	vand.u32 $0x7FFFFFFF, v5;
	v4 =	vld [tilespmem:s25+$0xBBB0]  }
0x16a: {  	v13 =	vmul.f32 v6, v5;
	v16 =	vsub.f32 v5, v6;
	v10 =	vld [tilespmem:s25+$0x3EC0];
	v11 =	vand.u32 $0x7FFFFFFF, v7  }
0x16b: {  	v12 =	vsub.f32 $0.0e+00, v12;
	v14 =	vld [tilespmem:s25+$0x3E80];
	v11 =	vsub.f32 $0.0e+00, v11;
	v15 =	vmul.f32 v8, v7  }
0x16c: {  	v5 =	vmax.f32 v5, $0.0e+00;
	v18 =	vmax.f32 v7, $0.0e+00;
	v6 =	vsub.f32 v7, v8;
	v17 =	vld [tilespmem:s25+$0xBB80]  }
0x16d: {  	v5 =	vsub.f32 v5, v13;
	v7 =	vmul.f32 $1.442695020e+00, v11;
	v8 =	vand.u32 $0x7FFFFFFF, v3  }
0x16e: {  	v29 =	vand.u32 $0x7FFFFFFF, v16;
	v6 =	vand.u32 $0x7FFFFFFF, v6;
	v8 =	vsub.f32 $0.0e+00, v8  }
0x16f: {  	v13 =	vsub.f32 v3, v4;
	v11 =	vand.u32 $0x7FFFFFFF, v10;
	(erf) = vpow2.f32 v7  }
0x170: {  	v20 =	vmul.f32 v9, v10;
	v7 =	vld [tilespmem:s25+$0xBBD0];
	v19 =	vmul.f32 $1.442695020e+00, v8;
	v11 =	vsub.f32 $0.0e+00, v11  }
0x171: {  	v9 =	vsub.f32 v10, v9;
	v21 =	vand.u32 $0x7FFFFFFF, v14;
	v13 =	vand.u32 $0x7FFFFFFF, v13;
	v8 =	vld [tilespmem:s25+$0x3ED0]  }
0x172: {  	v22 =	vsub.f32 v14, v17;
	vm9 =	vlt.f32 v13, $1.000000950e+00;
	(erf) = vpow2.f32 v19  }
0x173: {  	v13 =	vmin.f32 v13, $9.499999880e-01;
	v19 =	vsub.f32 $0.0e+00, v21;
	v11 =	vmul.f32 $1.442695020e+00, v11  }
0x174: {  	vm10 =	vlt.f32 v6, $1.000000950e+00;
	v10 =	vmax.f32 v10, $0.0e+00;
	v21 =	vand.u32 $0x7FFFFFFF, v22  }
0x175: {  	v6 =	vmin.f32 v6, $9.499999880e-01;
	v19 =	vmul.f32 $1.442695020e+00, v19;
	v22 =	vmin.f32 v21, $9.499999880e-01  }
0x176: {  	v24 =	vmul.f32 $1.000000000e+01, v6;
	v23 =	vsub.f32 v8, v7;
	(erf) = vpow2.f32 v11  }
0x177: {  	v6 =	vsub.f32 v10, v20;
	v25 =	vand.u32 $0x7FFFFFFF, v8;
	(erf) = vpow2.f32 v19  }
0x178: {  	v10 =	vmax.f32 v14, $0.0e+00;
	v14 =	vmul.f32 v17, v14;
	v11 =	vsub.f32 v18, v15;
	v17 =	vpop (erf)  }
0x179: {  	v18 =	vmul.f32 $1.000000000e+01, v13;
	v19 =	vand.u32 $0x7FFFFFFF, v9;
	v9 =	vmul.f32 $1.000000000e+01, v22  }
0x17a: {  	v15 =	vsub.f32 v10, v14;
	v10 =	vtrunc.f32 v24;
	v22 =	vmul.f32 $1.442695020e+00, v12  }
0x17b: {  	v24 =	vsub.f32 $0.0e+00, v25;
	v10 =	vcvt.f32.s32 v10;
	v9 =	vtrunc.f32 v9;
	v25 =	vpop (erf)  }
0x17c: {  	v13 =	vmax.f32 v8, $0.0e+00;
	v14 =	vtrunc.f32 v18;
	v12 =	vmul.f32 v25, v25  }
0x17d: {  	vm12 =	vlt.f32 v21, $1.000000950e+00;
	v10 =	vshll.u32 v10, $0x4;
	v18 =	vmul.f32 $2.186654810e-01, v25  }
0x17e: {  	v26 =	vmin.f32 v19, $9.499999880e-01;
	v27 =	vmul.f32 $9.962619540e-01, v17;
	v21 =	vcvt.f32.s32 v14;
	v20 =	vld [tilespmem:s25+$0xBBE0]  }
0x17f: {  	v9 =	vcvt.f32.s32 v9;
	v38 =	vadd.f32 $-4.664424360e-01, v18;
	v14 =	vld [tilespmem:s25+$0x3EE0];
	(erf) = vpow2.f32 v22;
	v31 =	vpop (erf)  }
0x180: {  	v30 =	vmin.f32 v29, $9.499999880e-01;
	v22 =	vmul.f32 $2.186654810e-01, v17;
	v18 =	vmul.f32 $9.962619540e-01, v31;
	v33 =	vpop (erf)  }
0x181: {  	vm11 =	vlt.f32 v29, $1.000000950e+00;
	v25 =	vmul.f32 $9.962619540e-01, v25;
	v28 =	vmul.f32 $9.962619540e-01, v33  }
0x182: {  	v24 =	vmul.f32 $1.442695020e+00, v24;
	v9 =	vshll.u32 v9, $0x4;
	v16 =	vadd.f32 $6.944574120e-05, v18  }
0x183: {  	v32 =	vmul.f32 $1.000000000e+01, v26;
	v18 =	vadd.f32 $6.944574120e-05, v25;
	v28 =	vadd.f32 $6.944574120e-05, v28  }
0x184: {  	v30 =	vmul.f32 $1.000000000e+01, v30;
	v29 =	vmul.f32 v17, v17;
	v26 =	vshll.u32 v21, $0x4  }
0x185: {  	v42 =	vand.u32 $0x7FFFFFFF, v23;
	v21 =	vmul.f32 $2.186654810e-01, v31;
	v34 =	vmul.f32 $2.186654810e-01, v33  }
0x186: {  	v23 =	vmin.f32 v42, $9.499999880e-01;
	v43 =	vmul.f32 $5.545931310e-02, v12;
	v35 =	vmul.f32 v33, v33  }
0x187: {  	v17 =	vmul.f32 $1.000000000e+01, v23;
	v36 =	vadd.f32 $-4.664424360e-01, v22;
	(erf) = vpow2.f32 v24  }
0x188: {  	v23 =	vmul.f32 v31, v31;
	v22 =	vadd.f32 $-4.664424360e-01, v21;
	v24 =	vor.u32 v1, v9;
	v33 =	vpop (erf)  }
0x189: {  	v21 =	vor.u32 v1, v10;
	v41 =	vadd.f32 $-4.664424360e-01, v34;
	v9 =	vld [tilespmem:s25+$0xBBF0];
	v25 =	vmul.f32 v33, v33  }
.Ltmp3:
0x18a: {  	v17 =	vtrunc.f32 v17;
	v39 =	vand.u32 $0x7FFFFFFF, v14;
	v10 =	vld [tilespmem:s25+$0x3EF0];
	(pc) =	sbr.rel @p1 .LBB2_5-.Ltmp3, $4  }
0x18b: {  	v17 =	vcvt.f32.s32 v17;
	v44 =	vmul.f32 $5.545931310e-02, v35;
	v37 =	vsub.f32 v14, v20  }
0x18c: {  	v40 =	vmul.f32 $5.545931310e-02, v29;
	v31 =	vadd.f32 $6.944574120e-05, v27;
	v34 =	vmul.f32 $5.545931310e-02, v25  }
0x18d: {  	v27 =	vsub.f32 v38, v43;
	v17 =	vshll.u32 v17, $0x4;
	v41 =	vsub.f32 v41, v44;
	[tilespmem:v24+s18+$0x0] =	vst.idx.add.f32.msk vm12, v2  }
0x18e: {  	vm13 =	vlt.f32 v42, $1.000000950e+00;
	v17 =	vor.u32 v1, v17;
	v38 =	vmul.f32 $2.186654810e-01, v33  }
0x18f: {  	v39 =	vsub.f32 $0.0e+00, v39;
	v35 =	vmul.f32 v41, v35;
	v32 =	vtrunc.f32 v32  }
0x190: {  	v52 =	vand.u32 $0x7FFFFFFF, v10;
	v36 =	vsub.f32 v36, v40;
	v37 =	vand.u32 $0x7FFFFFFF, v37  }
0x191: {  	v30 =	vtrunc.f32 v30;
	vm14 =	vlt.f32 v19, $1.000000950e+00;
	v33 =	vmul.f32 $9.962619540e-01, v33  }
0x192: {  	v26 =	vor.u32 v1, v26;
	v62 =	vmul.f32 v20, v14;
	v7 =	vmul.f32 v7, v8  }
0x193: {  	v12 =	vmul.f32 v27, v12;
	v44 =	vmax.f32 v14, $0.0e+00;
	v45 =	vsub.f32 v10, v9  }
0x194: {  	v53 =	vpop (erf);
	v32 =	vcvt.f32.s32 v32;
	v54 =	vsub.f32 $0.0e+00, v52;
	v56 =	vadd.f32 $-4.664424360e-01, v38  }
0x195: {  	v43 =	vmin.f32 v37, $9.499999880e-01;
	v30 =	vcvt.f32.s32 v30;
	v55 =	vmul.f32 v53, v53  }
0x196: {  	vm15 =	vlt.f32 v37, $1.000000950e+00;
	v57 =	vmul.f32 $9.962619540e-01, v53;
	v43 =	vmul.f32 $1.000000000e+01, v43  }
0x197: {  	v28 =	vadd.f32 v35, v28;
	v29 =	vmul.f32 v36, v29;
	v60 =	vmul.f32 $1.442695020e+00, v39  }
0x198: {  	v33 =	vadd.f32 $6.944574120e-05, v33;
	v61 =	vmul.f32 $2.186654810e-01, v53;
	v19 =	vmul.f32 $1.442695020e+00, v54  }
0x199: {  	v7 =	vsub.f32 v13, v7;
	v39 =	vmax.f32 v3, $0.0e+00;
	v3 =	vmul.f32 v4, v3  }
0x19a: {  	v40 =	vadd.f32 v12, v18;
	v13 =	vsub.f32 v44, v62;
	(erf) = vpow2.f32 v19  }
0x19b: {  	v4 =	vand.u32 $0x7FFFFFFF, v45;
	v62 =	vmul.f32 v9, v10;
	(erf) = vpow2.f32 v60  }
0x19c: {  	v32 =	vshll.u32 v32, $0x4;
	v34 =	vsub.f32 v56, v34;
	v30 =	vshll.u32 v30, $0x4  }
0x19d: {  	v53 =	vmin.f32 v4, $9.499999880e-01;
	v42 =	vmul.f32 $5.545931310e-02, v55;
	v32 =	vor.u32 v1, v32  }
0x19e: {  	v58 =	vtrunc.f32 v43;
	v59 =	vadd.f32 $6.944574120e-05, v57;
	v29 =	vadd.f32 v29, v31  }
0x19f: {  	v63 =	vadd.f32 $-4.664424360e-01, v61;
	v15 =	vadd.f32 v15, v28;
	v31 =	vmul.f32 $5.545931310e-02, v23  }
0x1a0: {  	v3 =	vsub.f32 v39, v3;
	v25 =	vmul.f32 v34, v25;
	v11 =	vadd.f32 v11, v29  }
0x1a1: {  	v35 =	vcvt.f32.s32 v58;
	v20 =	vsub.f32 v63, v42;
	v8 =	vsub.f32 v22, v31  }
0x1a2: {  	v30 =	vor.u32 v1, v30;
	v3 =	vadd.f32 v3, v40;
	v38 =	vadd.f32 v25, v33  }
0x1a3: {  	v43 =	vshll.u32 v35, $0x4;
	v8 =	vmul.f32 v8, v23;
	v42 =	vmul.f32 v20, v55;
	v46 =	vpop (erf)  }
0x1a4: {  	[tilespmem:v24+s19+$0x0] =	vst.idx.add.f32.msk vm12, v15;
	v47 =	vor.u32 v1, v43;
	v20 =	vmul.f32 $1.000000000e+01, v53;
	v5 =	vadd.f32 v5, v38;
	v48 =	vpop (erf)  }
0x1a5: {  	[tilespmem:v21+s18+$0x0] =	vst.idx.add.f32.msk vm10, v2;
	v8 =	vadd.f32 v8, v16;
	v49 =	vmul.f32 v48, v48;
	v50 =	vmul.f32 $2.186654810e-01, v48  }
0x1a6: {  	[tilespmem:v21+s19+$0x0] =	vst.idx.add.f32.msk vm10, v11;
	v12 =	vadd.f32 v42, v59;
	v51 =	vmul.f32 v46, v46;
	v52 =	vmul.f32 $2.186654810e-01, v46  }
0x1a7: {  	[tilespmem:v30+s18+$0x0] =	vst.idx.add.f32.msk vm11, v2;
	v20 =	vtrunc.f32 v20;
	v18 =	vadd.f32 $-4.664424360e-01, v50;
	v54 =	vmul.f32 $5.545931310e-02, v49  }
0x1a8: {  	[tilespmem:v30+s19+$0x0] =	vst.idx.add.f32.msk vm11, v5;
	v58 =	vcvt.f32.s32 v20;
	v56 =	vadd.f32 $-4.664424360e-01, v52;
	v57 =	vmul.f32 $5.545931310e-02, v51  }
0x1a9: {  	v6 =	vadd.f32 v6, v8;
	[tilespmem:v26+s18+$0x0] =	vst.idx.add.f32.msk vm9, v2;
	v55 =	vmul.f32 $9.962619540e-01, v48;
	v18 =	vsub.f32 v18, v54  }
0x1aa: {  	v7 =	vadd.f32 v7, v12;
	[tilespmem:v26+s19+$0x0] =	vst.idx.add.f32.msk vm9, v3;
	v14 =	vmul.f32 $9.962619540e-01, v46;
	v3 =	vsub.f32 v56, v57  }
0x1ab: {  	v60 =	vshll.u32 v58, $0x4;
	v5 =	vadd.f32 $6.944574120e-05, v55;
	v59 =	vmul.f32 v18, v49  }
0x1ac: {  	vm9 =	vlt.f32 v4, $1.000000950e+00;
	[tilespmem:v32+s18+$0x0] =	vst.idx.add.f32.msk vm14, v2;
	v14 =	vadd.f32 $6.944574120e-05, v14;
	v3 =	vmul.f32 v3, v51  }
0x1ad: {  	[tilespmem:v32+s19+$0x0] =	vst.idx.add.f32.msk vm14, v6;
	v6 =	vor.u32 v1, v60;
	v61 =	vadd.f32 v59, v5  }
0x1ae: {  	v63 =	vmax.f32 v10, $0.0e+00;
	[tilespmem:v17+s18+$0x0] =	vst.idx.add.f32.msk vm13, v2;
	v3 =	vadd.f32 v3, v14  }
.Ltmp4:
0x1af: {  	[tilespmem:v17+s19+$0x0] =	vst.idx.add.f32.msk vm13, v7;
	v5 =	vsub.f32 v63, v62;
	v4 =	vadd.f32 v13, v61;
	(pc) =	sbr.rel @p0 .LBB2_8-.Ltmp4, $4  }
0x1b0: {  	[tilespmem:v47+s18+$0x0] =	vst.idx.add.f32.msk vm15, v2  }
0x1b1: {  	v3 =	vadd.f32 v5, v3;
	[tilespmem:v47+s19+$0x0] =	vst.idx.add.f32.msk vm15, v4  }
0x1b2: {  	[tilespmem:v6+s18+$0x0] =	vst.idx.add.f32.msk vm9, v2  }
0x1b3: {  	[tilespmem:v6+s19+$0x0] =	vst.idx.add.f32.msk vm9, v3  }
0x1b4: {  	s24 =	smul.u32 $0x7D00, s23;
	_ =	sdelay $0x1  }
0x1b5: {  	s24 =	sadd.s32 s24, s10  }
.Ltmp5:
0x1b6: {  	s24 =	sshrl.u32 s24, $0x3;
	(pc) =	sbr.rel .LBB2_2-.Ltmp5, $4  }
0x1b7: {  	s25 =	sadd.s32 s3, s24  }
0x1b8: {  	[tilespmem:s15], [sflag:$0x2] =	stream.linear.gather [hbm4b:s25+s2], $0x3E80, $0x38;
	[tilespmem:$0xFC00] =	vst v63  }
0x1b9: {  	s23 =	sadd.s32 $0x1, s23;
	s24 =	sadd.s32 s4, s24  }
0x1ba: {  	[tilespmem:s16], [sflag:$0x2] =	stream.linear.gather [hbm4b:s24+s2], $0x3E80, $0x38;
	[tilespmem:$0xFC00] =	vst v63  }
.LBB2_9:
0x1bb: {  	_ =	sfence.sel $0x180000  }
0x1bc: {  	[bflag:$0x0] =	sbarrier.arrive $0xFFFF  }
0x1bd: {  	p0 =	sne.s32 s1, $0x0;
	_ =	strace $0x90000047  }
0x1be: {  	s0 =	sadd.s32 @!p0 $0x100000, s0;
	[bflag:$0x2] =	sbarrier.arrive $0xFFFF  }
0x1bf: {  	[sflag:s0] =	ssyncadd.tile.s32 @!p0 $0x1;
	_ =	shalt  }
.Lfunc_end2:
_tile_overlayer_lowered:
.L_overlay_start_2:
0x1c0: {  	(tag) =	ssettag $0x2  }
0x1c1: {  	s0 =	rddreg [dreg:$0x0];
	s2 =	stileid.u32  }
0x1c2: {  	s1 =	rddreg [dreg:$0x1];
	p0 =	sne.s32 s2, $0x0  }
0x1c3: {  	s3 =	rddreg [dreg:$0x2];
	[bflag:$0x3] =	sbarrier.arrive $0xFFFF;
	s2 =	simm.s32 @!p0 $0x1C03  }
0x1c4: {  	[timem:s3], [sflag:s2] =	dma.local @!p0 [hbm:s0], s1  }
0x1c5: {  	s0 =	simm.s32 @!p0 $0x3  }
0x1c6: {  	_ =	swait.ge @!p0 [sflag:s0], s1  }
0x1c7: {  	s1 =	ssub.s32 @!p0 $0x0, s1;
	[sflag:s0] =	ssyncset.done @!p0 $0x0  }
0x1c8: {  	[sflag:s0] =	ssyncadd.s32 @!p0 s1  }
0x1c9: {  	[bflag:$0x3] =	sbarrier.arrive $0xFFFF  }
0x1ca: {  	_ =	shalt  }

</sc_bundles>
